<compile_context>
chip_gen: v7x
topology: tpu7x:2x2x1
jax: 0.10.2.dev20260603
libtpu: 0.0.44.dev20260713+nightly
codegen_flags: <defaults>
</compile_context>

<pallas_src>
import functools

import jax
import jax.numpy as jnp
from jax import lax
from jax.experimental import pallas as pl
from jax.experimental.pallas import tpu as pltpu
from jax.experimental.pallas import tpu_sc as plsc

T, D, E, K, DFF = 2048, 1024, 16, 2, 768
BLK = 256
NB = (T * K) // BLK + E
NS = NB * BLK
NC, NSUB = 2, 16
NW = NC * NSUB
CPW = T // NW
CHT = 32



def _router_body(x_ref, gate_ref, pos_ref, wts_ref, be_ref, meta_ref):
    x = x_ref[...]
    logits = lax.dot_general(x, gate_ref[...], (((1,), (1,)), ((), ())),
                             preferred_element_type=jnp.float32)
    m = jnp.max(logits, axis=1, keepdims=True)
    p = jnp.exp(logits - m)
    p = p / jnp.sum(p, axis=1, keepdims=True)
    lane = lax.broadcasted_iota(jnp.int32, (T, E), 1)
    m1 = jnp.max(p, axis=1, keepdims=True)
    i1 = jnp.min(jnp.where(p >= m1, lane, E), axis=1, keepdims=True)
    p_m = jnp.where(lane == i1, -jnp.inf, p)
    m2 = jnp.max(p_m, axis=1, keepdims=True)
    i2 = jnp.min(jnp.where(p_m >= m2, lane, E), axis=1, keepdims=True)
    s = m1 + m2
    oh1 = (lane == i1).astype(jnp.float32)
    oh2 = (lane == i2).astype(jnp.float32)
    cnt = oh1 + oh2

    CH = 256
    carry = jnp.zeros((1, E), jnp.float32)
    chunks = []
    r_i = lax.broadcasted_iota(jnp.int32, (CH, CH), 0)
    c_i = lax.broadcasted_iota(jnp.int32, (CH, CH), 1)
    tril = (c_i < r_i).astype(jnp.float32)
    for i in range(T // CH):
        cb = lax.slice(cnt, (i * CH, 0), ((i + 1) * CH, E))
        loc = lax.dot_general(tril, cb, (((1,), (0,)), ((), ())),
                              preferred_element_type=jnp.float32)
        chunks.append(loc + carry)
        carry = carry + jnp.sum(cb, axis=0, keepdims=True)
    csum = jnp.concatenate(chunks, axis=0)

    counts = carry
    pad = ((counts.astype(jnp.int32) + (BLK - 1)) // BLK) * BLK
    padf = pad.astype(jnp.float32)
    tri_e = (lax.broadcasted_iota(jnp.int32, (E, E), 0)
             < lax.broadcasted_iota(jnp.int32, (E, E), 1)).astype(jnp.float32)
    offs = lax.dot_general(padf, tri_e, (((1,), (0,)), ((), ())),
                           preferred_element_type=jnp.float32)
    offs_end = offs + padf

    base = csum + offs
    pos1 = jnp.sum(oh1 * base, axis=1, keepdims=True)
    pos2 = jnp.sum(oh2 * base, axis=1, keepdims=True)
    pos_ref[...] = jnp.concatenate([pos1, pos2], axis=1).astype(jnp.int32)
    wts_ref[...] = jnp.concatenate([m1 / s, m2 / s], axis=1)

    total = jnp.max(offs_end, axis=1, keepdims=True)
    meta_ref[...] = (total / BLK).astype(jnp.int32)
    rowstart = (lax.broadcasted_iota(jnp.int32, (NB, E), 0) * BLK).astype(jnp.float32)
    done = (rowstart >= offs_end).astype(jnp.float32)
    be = jnp.sum(done, axis=1, keepdims=True).astype(jnp.int32)
    last_done = ((total - BLK) >= offs_end).astype(jnp.float32)
    be_last = jnp.sum(last_done, axis=1, keepdims=True).astype(jnp.int32)
    be_ref[...] = jnp.minimum(be, be_last)


def _router(x, gate):
    return pl.pallas_call(
        _router_body,
        out_shape=[
            jax.ShapeDtypeStruct((T, K), jnp.int32),
            jax.ShapeDtypeStruct((T, K), jnp.float32),
            jax.ShapeDtypeStruct((NB, 1), jnp.int32),
            jax.ShapeDtypeStruct((1, 1), jnp.int32),
        ],
    )(x, gate)



@functools.lru_cache(maxsize=None)
def _make_sc_mesh():
    return plsc.VectorSubcoreMesh(core_axis_name="c", subcore_axis_name="s",
                                  num_cores=NC, num_subcores=NSUB)


@functools.lru_cache(maxsize=None)
def _make_dispatch():
    @functools.partial(
        pl.kernel,
        out_type=[
            jax.ShapeDtypeStruct((NS, D), jnp.float32),
            jax.ShapeDtypeStruct((NS, 128), jnp.float32),
        ],
        mesh=_make_sc_mesh(),
        scratch_types=[
            pltpu.VMEM((CPW,), jnp.int32),
            pltpu.VMEM((CPW,), jnp.int32),
            pltpu.VMEM((CPW, 128), jnp.float32),
            pltpu.VMEM((CPW, 128), jnp.float32),
            pltpu.VMEM((CPW, D), jnp.float32),
            pltpu.SemaphoreType.DMA,
        ],
    )
    def dispatch_kernel(x_hbm, p0_hbm, p1_hbm, w0_hbm, w1_hbm, xg_hbm, sw_hbm,
                        p0v, p1v, w0v, w1v, xr, sem):
        wid = lax.axis_index("s") * NC + lax.axis_index("c")
        base = wid * CPW
        pltpu.sync_copy(x_hbm.at[pl.ds(base, CPW)], xr)
        pltpu.sync_copy(p0_hbm.at[pl.ds(base, CPW)], p0v)
        pltpu.sync_copy(p1_hbm.at[pl.ds(base, CPW)], p1v)
        pltpu.sync_copy(w0_hbm.at[pl.ds(base, CPW)], w0v)
        pltpu.sync_copy(w1_hbm.at[pl.ds(base, CPW)], w1v)
        pltpu.async_copy(xr, xg_hbm.at[p0v], sem).wait()
        pltpu.async_copy(xr, xg_hbm.at[p1v], sem).wait()
        pltpu.async_copy(w0v, sw_hbm.at[p0v], sem).wait()
        pltpu.async_copy(w1v, sw_hbm.at[p1v], sem).wait()

    return dispatch_kernel


def _dispatch(x, p0, p1, w0c, w1c):
    return _make_dispatch()(x, p0, p1, w0c, w1c)



def _gmm_body(be_ref, meta_ref, xg_ref, sw_ref, w1_ref, w3_ref, w2_ref, ys_ref):
    del be_ref

    @pl.when(pl.program_id(0) < meta_ref[0])
    def _():
        xb = xg_ref[...].astype(jnp.bfloat16)
        w1 = w1_ref[0]
        w3 = w3_ref[0]
        w2 = w2_ref[0]
        h1 = lax.dot_general(xb, w1, (((1,), (1,)), ((), ())),
                             preferred_element_type=jnp.float32)
        h3 = lax.dot_general(xb, w3, (((1,), (1,)), ((), ())),
                             preferred_element_type=jnp.float32)
        h = ((h1 / (1.0 + jnp.exp(-h1))) * h3).astype(jnp.bfloat16)
        y = lax.dot_general(h, w2, (((1,), (1,)), ((), ())),
                            preferred_element_type=jnp.float32)
        ys_ref[...] = y * sw_ref[0][:, 0:1]


def _gmm(be, meta, xg, sw3, w1, w3, w2):
    grid_spec = pltpu.PrefetchScalarGridSpec(
        num_scalar_prefetch=2,
        grid=(NB,),
        in_specs=[
            pl.BlockSpec((BLK, D),
                         lambda i, be_r, m_r: (jnp.minimum(i, m_r[0] - 1), 0)),
            pl.BlockSpec((1, BLK, 128),
                         lambda i, be_r, m_r: (jnp.minimum(i, m_r[0] - 1), 0, 0)),
            pl.BlockSpec((1, DFF, D), lambda i, be_r, m_r: (be_r[i], 0, 0)),
            pl.BlockSpec((1, DFF, D), lambda i, be_r, m_r: (be_r[i], 0, 0)),
            pl.BlockSpec((1, D, DFF), lambda i, be_r, m_r: (be_r[i], 0, 0)),
        ],
        out_specs=pl.BlockSpec((BLK, D), lambda i, be_r, m_r: (i, 0)),
    )
    return pl.pallas_call(
        _gmm_body,
        grid_spec=grid_spec,
        out_shape=jax.ShapeDtypeStruct((NS, D), jnp.float32),
        compiler_params=pltpu.CompilerParams(
            dimension_semantics=("arbitrary",)),
    )(be, meta, xg, sw3, w1, w3, w2)



@functools.lru_cache(maxsize=None)
def _make_combine():
    @functools.partial(
        pl.kernel,
        out_type=jax.ShapeDtypeStruct((T, D), jnp.float32),
        mesh=_make_sc_mesh(),
        scratch_types=[
            pltpu.VMEM((CHT,), jnp.int32),
            pltpu.VMEM((CHT, D), jnp.float32),
            pltpu.VMEM((CHT, D), jnp.float32),
            pltpu.SemaphoreType.DMA,
        ],
    )
    def combine_kernel(ys_hbm, p0_hbm, p1_hbm, out_hbm, pv, r0, r1, sem):
        c = lax.axis_index("c")
        s = lax.axis_index("s")
        for it in range(CPW // CHT):
            tokbase = c * (T // NC) + s * CPW + it * CHT
            pltpu.sync_copy(p0_hbm.at[pl.ds(tokbase, CHT)], pv)
            pltpu.async_copy(ys_hbm.at[pv], r0, sem).wait()
            pltpu.sync_copy(p1_hbm.at[pl.ds(tokbase, CHT)], pv)
            pltpu.async_copy(ys_hbm.at[pv], r1, sem).wait()

            def row_add(i, _):
                for j in range(D // 16):
                    sl = pl.ds(j * 16, 16)
                    r0[i, sl] = r0[i, sl] + r1[i, sl]
                return _

            lax.fori_loop(0, CHT, row_add, None)
            pltpu.sync_copy(r0, out_hbm.at[pl.ds(tokbase, CHT)])

    return combine_kernel


def _combine(ys, p0, p1):
    return _make_combine()(ys, p0, p1)



def kernel(hidden_states, gate_weight, w1, w3, w2):
    pos, wts, be, meta = _router(hidden_states, gate_weight)
    p0 = pos[:, 0]
    p1 = pos[:, 1]
    ones = jnp.ones((1, 128), jnp.float32)
    w0c = wts[:, 0:1] * ones
    w1c = wts[:, 1:2] * ones
    xg, sw = _dispatch(hidden_states, p0, p1, w0c, w1c)
    ys = _gmm(be.reshape(NB), meta.reshape(1), xg, sw.reshape(NB, BLK, 128),
              w1.astype(jnp.bfloat16), w3.astype(jnp.bfloat16),
              w2.astype(jnp.bfloat16))
    out = _combine(ys, p0, p1)
    return out

# --- scband reference (transcript-rebuilt; emitter-appended) ---
"""Pipeline reference for scband-bailing-moe-v25-73667279061185 (READ-ONLY COPY).

The authoritative reference and input builder live on the scoring server;
editing this copy changes nothing except your own understanding.
"""

import jax, jax.numpy as jnp
import numpy as np

T = 2048      # num_tokens (batch 1 x seq 2048)
D = 1024      # hidden_size
E = 16        # num_experts
K = 2         # num_experts_per_tok
DFF = 768     # moe_intermediate_size
ROUTED_SCALING = 1.0


def setup_inputs(seed: int = 0) -> dict:
    key = jax.random.key(seed)
    ks = jax.random.split(key, 5)
    return {
        "hidden_states": jax.random.normal(ks[0], (T, D), dtype=jnp.float32),
        "gate_weight": jax.random.normal(ks[1], (E, D), dtype=jnp.float32) * 0.02,
        "w1": jax.random.normal(ks[2], (E, DFF, D), dtype=jnp.float32) * 0.02,  # gate proj per expert
        "w3": jax.random.normal(ks[3], (E, DFF, D), dtype=jnp.float32) * 0.02,  # up proj per expert
        "w2": jax.random.normal(ks[4], (E, D, DFF), dtype=jnp.float32) * 0.02,  # down proj per expert
    }


def reference(hidden_states, gate_weight, w1, w3, w2):
    x = hidden_states
    num_tokens = x.shape[0]
    # --- BailingMoEGate: router logits in fp32 ---
    router_logits = (x.astype(jnp.float32) @ gate_weight.T).astype(x.dtype)
    # --- select_experts: softmax scoring (no correction bias), top-k, renormalize ---
    probs = jax.nn.softmax(router_logits.astype(jnp.float32), axis=-1)
    topk_w, topk_ids = jax.lax.top_k(probs, K)
    topk_w = topk_w / jnp.sum(topk_w, axis=-1, keepdims=True)  # norm_topk_prob=True
    # combine weights [T, E] via scatter-add (top-k indices per token are distinct)
    combine = jnp.zeros((num_tokens, E), dtype=jnp.float32)
    combine = combine.at[jnp.arange(num_tokens)[:, None], topk_ids].add(topk_w)
    # --- fused experts: SwiGLU MLP per expert, weighted combine ---
    h1 = jnp.einsum('td,efd->tef', x, w1)
    h3 = jnp.einsum('td,efd->tef', x, w3)
    h = jax.nn.silu(h1) * h3
    y = jnp.einsum('tef,edf->ted', h, w2)
    out = jnp.einsum('ted,te->td', y.astype(jnp.float32), combine)
    out = out * ROUTED_SCALING
    return out.astype(hidden_states.dtype).reshape(num_tokens, D)

if __name__ == "__main__":
    import jax
    _d = setup_inputs()
    print(jax.jit(kernel)(*tuple(_d.values())))

</pallas_src>

<mosaic_0001>
#map = affine_map<(d0, d1) -> (0, 0)>
#map1 = affine_map<(d0, d1) -> (0)>
module attributes {stable_mosaic.version = 14 : i64} {
  func.func @combine_kernel(%arg0: i32, %arg1: i32, %arg2: memref<8192x1024xf32, #tpu.memory_space<hbm>>, %arg3: memref<2048xi32, #tpu.memory_space<hbm>>, %arg4: memref<2048xi32, #tpu.memory_space<hbm>>, %arg5: memref<2048x1024xf32, #tpu.memory_space<hbm>>, %arg6: memref<32xi32, #tpu.memory_space<vmem>>, %arg7: memref<32x1024xf32, #tpu.memory_space<vmem>>, %arg8: memref<32x1024xf32, #tpu.memory_space<vmem>>, %arg9: memref<!tpu.dma_semaphore, #tpu.memory_space<semaphore_mem>>) attributes {dimension_semantics = [#tpu.dimension_semantics<core_parallel>, #tpu.dimension_semantics<subcore_parallel>], iteration_bounds = array<i64: 2, 16>, scalar_prefetch = 0 : i64, scratch_operands = 4 : i64, tpu.core_type = #tpu.core_type<sc_vector_subcore>, window_params = [{transform_indices = #map}, {transform_indices = #map1}, {transform_indices = #map1}, {transform_indices = #map}]} {
    %mul3A = arith.constant 1024 : i32
    %mul3A_0 = arith.muli %arg0, %mul3A : i32
    %mul3A_1 = arith.constant 64 : i32
    %mul3A_2 = arith.muli %arg1, %mul3A_1 : i32
    %add3A = arith.addi %mul3A_0, %mul3A_2 : i32
    %add3A_3 = arith.constant 0 : i32
    %add3A_4 = arith.addi %add3A, %add3A_3 : i32
    "tpu.region"() ({
      %run_scoped3A = tpu.sem_alloc : memref<!tpu.dma_semaphore, #tpu.memory_space<semaphore_mem>>
      %dma_start3A_43 = tpu.memref_slice %arg3[%add3A_4] : memref<2048xi32, #tpu.memory_space<hbm>> -> memref<32xi32, #tpu.memory_space<hbm>>
      %dma_start3A_44 = tpu.memref_slice %arg3[%add3A_4] : memref<2048xi32, #tpu.memory_space<hbm>> -> memref<32xi32, #tpu.memory_space<hbm>>
      tpu.enqueue_dma source(%dma_start3A_44 : memref<32xi32, #tpu.memory_space<hbm>>) target(%arg6 : memref<32xi32, #tpu.memory_space<vmem>>) target_semaphore(%run_scoped3A : memref<!tpu.dma_semaphore, #tpu.memory_space<semaphore_mem>>)
      %dma_wait3A_45 = tpu.memref_slice %arg3[%add3A_4] : memref<2048xi32, #tpu.memory_space<hbm>> -> memref<32xi32, #tpu.memory_space<hbm>>
      %dma_wait3A_46 = tpu.memref_slice %arg3[%add3A_4] : memref<2048xi32, #tpu.memory_space<hbm>> -> memref<32xi32, #tpu.memory_space<hbm>>
      tpu.wait_dma2 semaphore(%run_scoped3A : memref<!tpu.dma_semaphore, #tpu.memory_space<semaphore_mem>>) src(%dma_wait3A_46 : memref<32xi32, #tpu.memory_space<hbm>>) dst(%arg6 : memref<32xi32, #tpu.memory_space<vmem>>)
      tpu.yield
    }) : () -> ()
    %dma_start3A = arith.constant 0 : i32
    %dma_start3A_5 = arith.constant 0 : i32
    %dma_start3A_6 = tpu.memref_slice %arg2[%dma_start3A, %dma_start3A_5] : memref<8192x1024xf32, #tpu.memory_space<hbm>> -> memref<8192x1024xf32, #tpu.memory_space<hbm>>
    tpu.enqueue_indirect_dma source(%dma_start3A_6 : memref<8192x1024xf32, #tpu.memory_space<hbm>>) target(%arg7 : memref<32x1024xf32, #tpu.memory_space<vmem>>) offsets(%arg6 : memref<32xi32, #tpu.memory_space<vmem>>) semaphore(%arg9 : memref<!tpu.dma_semaphore, #tpu.memory_space<semaphore_mem>>)
    %dma_wait3A = arith.constant 0 : i32
    %dma_wait3A_7 = arith.constant 0 : i32
    %dma_wait3A_8 = tpu.memref_slice %arg2[%dma_wait3A, %dma_wait3A_7] : memref<8192x1024xf32, #tpu.memory_space<hbm>> -> memref<8192x1024xf32, #tpu.memory_space<hbm>>
    tpu.wait_indirect_dma semaphore(%arg9 : memref<!tpu.dma_semaphore, #tpu.memory_space<semaphore_mem>>) src(%dma_wait3A_8 : memref<8192x1024xf32, #tpu.memory_space<hbm>>) dst(%arg7 : memref<32x1024xf32, #tpu.memory_space<vmem>>)
    "tpu.region"() ({
      %run_scoped3A = tpu.sem_alloc : memref<!tpu.dma_semaphore, #tpu.memory_space<semaphore_mem>>
      %dma_start3A_43 = tpu.memref_slice %arg4[%add3A_4] : memref<2048xi32, #tpu.memory_space<hbm>> -> memref<32xi32, #tpu.memory_space<hbm>>
      %dma_start3A_44 = tpu.memref_slice %arg4[%add3A_4] : memref<2048xi32, #tpu.memory_space<hbm>> -> memref<32xi32, #tpu.memory_space<hbm>>
      tpu.enqueue_dma source(%dma_start3A_44 : memref<32xi32, #tpu.memory_space<hbm>>) target(%arg6 : memref<32xi32, #tpu.memory_space<vmem>>) target_semaphore(%run_scoped3A : memref<!tpu.dma_semaphore, #tpu.memory_space<semaphore_mem>>)
      %dma_wait3A_45 = tpu.memref_slice %arg4[%add3A_4] : memref<2048xi32, #tpu.memory_space<hbm>> -> memref<32xi32, #tpu.memory_space<hbm>>
      %dma_wait3A_46 = tpu.memref_slice %arg4[%add3A_4] : memref<2048xi32, #tpu.memory_space<hbm>> -> memref<32xi32, #tpu.memory_space<hbm>>
      tpu.wait_dma2 semaphore(%run_scoped3A : memref<!tpu.dma_semaphore, #tpu.memory_space<semaphore_mem>>) src(%dma_wait3A_46 : memref<32xi32, #tpu.memory_space<hbm>>) dst(%arg6 : memref<32xi32, #tpu.memory_space<vmem>>)
      tpu.yield
    }) : () -> ()
    %dma_start3A_9 = arith.constant 0 : i32
    %dma_start3A_10 = arith.constant 0 : i32
    %dma_start3A_11 = tpu.memref_slice %arg2[%dma_start3A_9, %dma_start3A_10] : memref<8192x1024xf32, #tpu.memory_space<hbm>> -> memref<8192x1024xf32, #tpu.memory_space<hbm>>
    tpu.enqueue_indirect_dma source(%dma_start3A_11 : memref<8192x1024xf32, #tpu.memory_space<hbm>>) target(%arg8 : memref<32x1024xf32, #tpu.memory_space<vmem>>) offsets(%arg6 : memref<32xi32, #tpu.memory_space<vmem>>) semaphore(%arg9 : memref<!tpu.dma_semaphore, #tpu.memory_space<semaphore_mem>>)
    %dma_wait3A_12 = arith.constant 0 : i32
    %dma_wait3A_13 = arith.constant 0 : i32
    %dma_wait3A_14 = tpu.memref_slice %arg2[%dma_wait3A_12, %dma_wait3A_13] : memref<8192x1024xf32, #tpu.memory_space<hbm>> -> memref<8192x1024xf32, #tpu.memory_space<hbm>>
    tpu.wait_indirect_dma semaphore(%arg9 : memref<!tpu.dma_semaphore, #tpu.memory_space<semaphore_mem>>) src(%dma_wait3A_14 : memref<8192x1024xf32, #tpu.memory_space<hbm>>) dst(%arg8 : memref<32x1024xf32, #tpu.memory_space<vmem>>)
    %scan3A = arith.constant 0 : i32
    %scan3A_15 = arith.constant 32 : i32
    %scan3A_16 = arith.addi %scan3A, %scan3A_15 : i32
    %scan3A_17 = arith.constant 1 : i32
    scf.for %scan3A_43 = %scan3A to %scan3A_16 step %scan3A_17  : i32 {
      %get3A = arith.index_cast %scan3A_43 : i32 to index
      %get3A_44 = arith.constant 0 : index
      %get3A_45 = tpu.vector_load %arg7[%get3A, %get3A_44] {strides = array<i32>} : memref<32x1024xf32, #tpu.memory_space<vmem>>, vector<1x16xf32>,
      %get3A_46 = vector.shape_cast %get3A_45 : vector<1x16xf32> to vector<16xf32>
      %get3A_47 = arith.index_cast %scan3A_43 : i32 to index
      %get3A_48 = arith.constant 0 : index
      %get3A_49 = tpu.vector_load %arg8[%get3A_47, %get3A_48] {strides = array<i32>} : memref<32x1024xf32, #tpu.memory_space<vmem>>, vector<1x16xf32>,
      %get3A_50 = vector.shape_cast %get3A_49 : vector<1x16xf32> to vector<16xf32>
      %add3A_51 = arith.addf %get3A_46, %get3A_50 : vector<16xf32>
      %swap3A = arith.index_cast %scan3A_43 : i32 to index
      %swap3A_52 = arith.constant 0 : index
      %swap3A_53 = tpu.vector_load %arg7[%swap3A, %swap3A_52] {strides = array<i32>} : memref<32x1024xf32, #tpu.memory_space<vmem>>, vector<1x16xf32>,
      %swap3A_54 = vector.shape_cast %swap3A_53 : vector<1x16xf32> to vector<16xf32>
      %swap3A_55 = vector.shape_cast %add3A_51 : vector<16xf32> to vector<1x16xf32>
      tpu.vector_store %arg7[%swap3A, %swap3A_52], %swap3A_55 {strides = array<i32>} : memref<32x1024xf32, #tpu.memory_space<vmem>>, vector<1x16xf32>,
      %get3A_56 = arith.index_cast %scan3A_43 : i32 to index
      %get3A_57 = arith.constant 16 : index
      %get3A_58 = tpu.vector_load %arg7[%get3A_56, %get3A_57] {strides = array<i32>} : memref<32x1024xf32, #tpu.memory_space<vmem>>, vector<1x16xf32>,
      %get3A_59 = vector.shape_cast %get3A_58 : vector<1x16xf32> to vector<16xf32>
      %get3A_60 = arith.index_cast %scan3A_43 : i32 to index
      %get3A_61 = arith.constant 16 : index
      %get3A_62 = tpu.vector_load %arg8[%get3A_60, %get3A_61] {strides = array<i32>} : memref<32x1024xf32, #tpu.memory_space<vmem>>, vector<1x16xf32>,
      %get3A_63 = vector.shape_cast %get3A_62 : vector<1x16xf32> to vector<16xf32>
      %add3A_64 = arith.addf %get3A_59, %get3A_63 : vector<16xf32>
      %swap3A_65 = arith.index_cast %scan3A_43 : i32 to index
      %swap3A_66 = arith.constant 16 : index
      %swap3A_67 = tpu.vector_load %arg7[%swap3A_65, %swap3A_66] {strides = array<i32>} : memref<32x1024xf32, #tpu.memory_space<vmem>>, vector<1x16xf32>,
      %swap3A_68 = vector.shape_cast %swap3A_67 : vector<1x16xf32> to vector<16xf32>
      %swap3A_69 = vector.shape_cast %add3A_64 : vector<16xf32> to vector<1x16xf32>
      tpu.vector_store %arg7[%swap3A_65, %swap3A_66], %swap3A_69 {strides = array<i32>} : memref<32x1024xf32, #tpu.memory_space<vmem>>, vector<1x16xf32>,
      %get3A_70 = arith.index_cast %scan3A_43 : i32 to index
      %get3A_71 = arith.constant 32 : index
      %get3A_72 = tpu.vector_load %arg7[%get3A_70, %get3A_71] {strides = array<i32>} : memref<32x1024xf32, #tpu.memory_space<vmem>>, vector<1x16xf32>,
      %get3A_73 = vector.shape_cast %get3A_72 : vector<1x16xf32> to vector<16xf32>
      %get3A_74 = arith.index_cast %scan3A_43 : i32 to index
      %get3A_75 = arith.constant 32 : index
      %get3A_76 = tpu.vector_load %arg8[%get3A_74, %get3A_75] {strides = array<i32>} : memref<32x1024xf32, #tpu.memory_space<vmem>>, vector<1x16xf32>,
      %get3A_77 = vector.shape_cast %get3A_76 : vector<1x16xf32> to vector<16xf32>
      %add3A_78 = arith.addf %get3A_73, %get3A_77 : vector<16xf32>
      %swap3A_79 = arith.index_cast %scan3A_43 : i32 to index
      %swap3A_80 = arith.constant 32 : index
      %swap3A_81 = tpu.vector_load %arg7[%swap3A_79, %swap3A_80] {strides = array<i32>} : memref<32x1024xf32, #tpu.memory_space<vmem>>, vector<1x16xf32>,
      %swap3A_82 = vector.shape_cast %swap3A_81 : vector<1x16xf32> to vector<16xf32>
      %swap3A_83 = vector.shape_cast %add3A_78 : vector<16xf32> to vector<1x16xf32>
      tpu.vector_store %arg7[%swap3A_79, %swap3A_80], %swap3A_83 {strides = array<i32>} : memref<32x1024xf32, #tpu.memory_space<vmem>>, vector<1x16xf32>,
      %get3A_84 = arith.index_cast %scan3A_43 : i32 to index
      %get3A_85 = arith.constant 48 : index
      %get3A_86 = tpu.vector_load %arg7[%get3A_84, %get3A_85] {strides = array<i32>} : memref<32x1024xf32, #tpu.memory_space<vmem>>, vector<1x16xf32>,
      %get3A_87 = vector.shape_cast %get3A_86 : vector<1x16xf32> to vector<16xf32>
      %get3A_88 = arith.index_cast %scan3A_43 : i32 to index
      %get3A_89 = arith.constant 48 : index
      %get3A_90 = tpu.vector_load %arg8[%get3A_88, %get3A_89] {strides = array<i32>} : memref<32x1024xf32, #tpu.memory_space<vmem>>, vector<1x16xf32>,
      %get3A_91 = vector.shape_cast %get3A_90 : vector<1x16xf32> to vector<16xf32>
      %add3A_92 = arith.addf %get3A_87, %get3A_91 : vector<16xf32>
      %swap3A_93 = arith.index_cast %scan3A_43 : i32 to index
      %swap3A_94 = arith.constant 48 : index
      %swap3A_95 = tpu.vector_load %arg7[%swap3A_93, %swap3A_94] {strides = array<i32>} : memref<32x1024xf32, #tpu.memory_space<vmem>>, vector<1x16xf32>,
      %swap3A_96 = vector.shape_cast %swap3A_95 : vector<1x16xf32> to vector<16xf32>
      %swap3A_97 = vector.shape_cast %add3A_92 : vector<16xf32> to vector<1x16xf32>
      tpu.vector_store %arg7[%swap3A_93, %swap3A_94], %swap3A_97 {strides = array<i32>} : memref<32x1024xf32, #tpu.memory_space<vmem>>, vector<1x16xf32>,
      %get3A_98 = arith.index_cast %scan3A_43 : i32 to index
      %get3A_99 = arith.constant 64 : index
      %get3A_100 = tpu.vector_load %arg7[%get3A_98, %get3A_99] {strides = array<i32>} : memref<32x1024xf32, #tpu.memory_space<vmem>>, vector<1x16xf32>,
      %get3A_101 = vector.shape_cast %get3A_100 : vector<1x16xf32> to vector<16xf32>
      %get3A_102 = arith.index_cast %scan3A_43 : i32 to index
      %get3A_103 = arith.constant 64 : index
      %get3A_104 = tpu.vector_load %arg8[%get3A_102, %get3A_103] {strides = array<i32>} : memref<32x1024xf32, #tpu.memory_space<vmem>>, vector<1x16xf32>,
      %get3A_105 = vector.shape_cast %get3A_104 : vector<1x16xf32> to vector<16xf32>
      %add3A_106 = arith.addf %get3A_101, %get3A_105 : vector<16xf32>
      %swap3A_107 = arith.index_cast %scan3A_43 : i32 to index
      %swap3A_108 = arith.constant 64 : index
      %swap3A_109 = tpu.vector_load %arg7[%swap3A_107, %swap3A_108] {strides = array<i32>} : memref<32x1024xf32, #tpu.memory_space<vmem>>, vector<1x16xf32>,
      %swap3A_110 = vector.shape_cast %swap3A_109 : vector<1x16xf32> to vector<16xf32>
      %swap3A_111 = vector.shape_cast %add3A_106 : vector<16xf32> to vector<1x16xf32>
      tpu.vector_store %arg7[%swap3A_107, %swap3A_108], %swap3A_111 {strides = array<i32>} : memref<32x1024xf32, #tpu.memory_space<vmem>>, vector<1x16xf32>,
      %get3A_112 = arith.index_cast %scan3A_43 : i32 to index
      %get3A_113 = arith.constant 80 : index
      %get3A_114 = tpu.vector_load %arg7[%get3A_112, %get3A_113] {strides = array<i32>} : memref<32x1024xf32, #tpu.memory_space<vmem>>, vector<1x16xf32>,
      %get3A_115 = vector.shape_cast %get3A_114 : vector<1x16xf32> to vector<16xf32>
      %get3A_116 = arith.index_cast %scan3A_43 : i32 to index
      %get3A_117 = arith.constant 80 : index
      %get3A_118 = tpu.vector_load %arg8[%get3A_116, %get3A_117] {strides = array<i32>} : memref<32x1024xf32, #tpu.memory_space<vmem>>, vector<1x16xf32>,
      %get3A_119 = vector.shape_cast %get3A_118 : vector<1x16xf32> to vector<16xf32>
      %add3A_120 = arith.addf %get3A_115, %get3A_119 : vector<16xf32>
      %swap3A_121 = arith.index_cast %scan3A_43 : i32 to index
      %swap3A_122 = arith.constant 80 : index
      %swap3A_123 = tpu.vector_load %arg7[%swap3A_121, %swap3A_122] {strides = array<i32>} : memref<32x1024xf32, #tpu.memory_space<vmem>>, vector<1x16xf32>,
      %swap3A_124 = vector.shape_cast %swap3A_123 : vector<1x16xf32> to vector<16xf32>
      %swap3A_125 = vector.shape_cast %add3A_120 : vector<16xf32> to vector<1x16xf32>
      tpu.vector_store %arg7[%swap3A_121, %swap3A_122], %swap3A_125 {strides = array<i32>} : memref<32x1024xf32, #tpu.memory_space<vmem>>, vector<1x16xf32>,
      %get3A_126 = arith.index_cast %scan3A_43 : i32 to index
      %get3A_127 = arith.constant 96 : index
      %get3A_128 = tpu.vector_load %arg7[%get3A_126, %get3A_127] {strides = array<i32>} : memref<32x1024xf32, #tpu.memory_space<vmem>>, vector<1x16xf32>,
      %get3A_129 = vector.shape_cast %get3A_128 : vector<1x16xf32> to vector<16xf32>
      %get3A_130 = arith.index_cast %scan3A_43 : i32 to index
      %get3A_131 = arith.constant 96 : index
      %get3A_132 = tpu.vector_load %arg8[%get3A_130, %get3A_131] {strides = array<i32>} : memref<32x1024xf32, #tpu.memory_space<vmem>>, vector<1x16xf32>,
      %get3A_133 = vector.shape_cast %get3A_132 : vector<1x16xf32> to vector<16xf32>
      %add3A_134 = arith.addf %get3A_129, %get3A_133 : vector<16xf32>
      %swap3A_135 = arith.index_cast %scan3A_43 : i32 to index
      %swap3A_136 = arith.constant 96 : index
      %swap3A_137 = tpu.vector_load %arg7[%swap3A_135, %swap3A_136] {strides = array<i32>} : memref<32x1024xf32, #tpu.memory_space<vmem>>, vector<1x16xf32>,
      %swap3A_138 = vector.shape_cast %swap3A_137 : vector<1x16xf32> to vector<16xf32>
      %swap3A_139 = vector.shape_cast %add3A_134 : vector<16xf32> to vector<1x16xf32>
      tpu.vector_store %arg7[%swap3A_135, %swap3A_136], %swap3A_139 {strides = array<i32>} : memref<32x1024xf32, #tpu.memory_space<vmem>>, vector<1x16xf32>,
      %get3A_140 = arith.index_cast %scan3A_43 : i32 to index
      %get3A_141 = arith.constant 112 : index
      %get3A_142 = tpu.vector_load %arg7[%get3A_140, %get3A_141] {strides = array<i32>} : memref<32x1024xf32, #tpu.memory_space<vmem>>, vector<1x16xf32>,
      %get3A_143 = vector.shape_cast %get3A_142 : vector<1x16xf32> to vector<16xf32>
      %get3A_144 = arith.index_cast %scan3A_43 : i32 to index
      %get3A_145 = arith.constant 112 : index
      %get3A_146 = tpu.vector_load %arg8[%get3A_144, %get3A_145] {strides = array<i32>} : memref<32x1024xf32, #tpu.memory_space<vmem>>, vector<1x16xf32>,
      %get3A_147 = vector.shape_cast %get3A_146 : vector<1x16xf32> to vector<16xf32>
      %add3A_148 = arith.addf %get3A_143, %get3A_147 : vector<16xf32>
      %swap3A_149 = arith.index_cast %scan3A_43 : i32 to index
      %swap3A_150 = arith.constant 112 : index
      %swap3A_151 = tpu.vector_load %arg7[%swap3A_149, %swap3A_150] {strides = array<i32>} : memref<32x1024xf32, #tpu.memory_space<vmem>>, vector<1x16xf32>,
      %swap3A_152 = vector.shape_cast %swap3A_151 : vector<1x16xf32> to vector<16xf32>
      %swap3A_153 = vector.shape_cast %add3A_148 : vector<16xf32> to vector<1x16xf32>
      tpu.vector_store %arg7[%swap3A_149, %swap3A_150], %swap3A_153 {strides = array<i32>} : memref<32x1024xf32, #tpu.memory_space<vmem>>, vector<1x16xf32>,
      %get3A_154 = arith.index_cast %scan3A_43 : i32 to index
      %get3A_155 = arith.constant 128 : index
      %get3A_156 = tpu.vector_load %arg7[%get3A_154, %get3A_155] {strides = array<i32>} : memref<32x1024xf32, #tpu.memory_space<vmem>>, vector<1x16xf32>,
      %get3A_157 = vector.shape_cast %get3A_156 : vector<1x16xf32> to vector<16xf32>
      %get3A_158 = arith.index_cast %scan3A_43 : i32 to index
      %get3A_159 = arith.constant 128 : index
      %get3A_160 = tpu.vector_load %arg8[%get3A_158, %get3A_159] {strides = array<i32>} : memref<32x1024xf32, #tpu.memory_space<vmem>>, vector<1x16xf32>,
      %get3A_161 = vector.shape_cast %get3A_160 : vector<1x16xf32> to vector<16xf32>
      %add3A_162 = arith.addf %get3A_157, %get3A_161 : vector<16xf32>
      %swap3A_163 = arith.index_cast %scan3A_43 : i32 to index
      %swap3A_164 = arith.constant 128 : index
      %swap3A_165 = tpu.vector_load %arg7[%swap3A_163, %swap3A_164] {strides = array<i32>} : memref<32x1024xf32, #tpu.memory_space<vmem>>, vector<1x16xf32>,
      %swap3A_166 = vector.shape_cast %swap3A_165 : vector<1x16xf32> to vector<16xf32>
      %swap3A_167 = vector.shape_cast %add3A_162 : vector<16xf32> to vector<1x16xf32>
      tpu.vector_store %arg7[%swap3A_163, %swap3A_164], %swap3A_167 {strides = array<i32>} : memref<32x1024xf32, #tpu.memory_space<vmem>>, vector<1x16xf32>,
      %get3A_168 = arith.index_cast %scan3A_43 : i32 to index
      %get3A_169 = arith.constant 144 : index
      %get3A_170 = tpu.vector_load %arg7[%get3A_168, %get3A_169] {strides = array<i32>} : memref<32x1024xf32, #tpu.memory_space<vmem>>, vector<1x16xf32>,
      %get3A_171 = vector.shape_cast %get3A_170 : vector<1x16xf32> to vector<16xf32>
      %get3A_172 = arith.index_cast %scan3A_43 : i32 to index
      %get3A_173 = arith.constant 144 : index
      %get3A_174 = tpu.vector_load %arg8[%get3A_172, %get3A_173] {strides = array<i32>} : memref<32x1024xf32, #tpu.memory_space<vmem>>, vector<1x16xf32>,
      %get3A_175 = vector.shape_cast %get3A_174 : vector<1x16xf32> to vector<16xf32>
      %add3A_176 = arith.addf %get3A_171, %get3A_175 : vector<16xf32>
      %swap3A_177 = arith.index_cast %scan3A_43 : i32 to index
      %swap3A_178 = arith.constant 144 : index
      %swap3A_179 = tpu.vector_load %arg7[%swap3A_177, %swap3A_178] {strides = array<i32>} : memref<32x1024xf32, #tpu.memory_space<vmem>>, vector<1x16xf32>,
      %swap3A_180 = vector.shape_cast %swap3A_179 : vector<1x16xf32> to vector<16xf32>
      %swap3A_181 = vector.shape_cast %add3A_176 : vector<16xf32> to vector<1x16xf32>
      tpu.vector_store %arg7[%swap3A_177, %swap3A_178], %swap3A_181 {strides = array<i32>} : memref<32x1024xf32, #tpu.memory_space<vmem>>, vector<1x16xf32>,
      %get3A_182 = arith.index_cast %scan3A_43 : i32 to index
      %get3A_183 = arith.constant 160 : index
      %get3A_184 = tpu.vector_load %arg7[%get3A_182, %get3A_183] {strides = array<i32>} : memref<32x1024xf32, #tpu.memory_space<vmem>>, vector<1x16xf32>,
      %get3A_185 = vector.shape_cast %get3A_184 : vector<1x16xf32> to vector<16xf32>
      %get3A_186 = arith.index_cast %scan3A_43 : i32 to index
      %get3A_187 = arith.constant 160 : index
      %get3A_188 = tpu.vector_load %arg8[%get3A_186, %get3A_187] {strides = array<i32>} : memref<32x1024xf32, #tpu.memory_space<vmem>>, vector<1x16xf32>,
      %get3A_189 = vector.shape_cast %get3A_188 : vector<1x16xf32> to vector<16xf32>
      %add3A_190 = arith.addf %get3A_185, %get3A_189 : vector<16xf32>
      %swap3A_191 = arith.index_cast %scan3A_43 : i32 to index
      %swap3A_192 = arith.constant 160 : index
      %swap3A_193 = tpu.vector_load %arg7[%swap3A_191, %swap3A_192] {strides = array<i32>} : memref<32x1024xf32, #tpu.memory_space<vmem>>, vector<1x16xf32>,
      %swap3A_194 = vector.shape_cast %swap3A_193 : vector<1x16xf32> to vector<16xf32>
      %swap3A_195 = vector.shape_cast %add3A_190 : vector<16xf32> to vector<1x16xf32>
      tpu.vector_store %arg7[%swap3A_191, %swap3A_192], %swap3A_195 {strides = array<i32>} : memref<32x1024xf32, #tpu.memory_space<vmem>>, vector<1x16xf32>,
      %get3A_196 = arith.index_cast %scan3A_43 : i32 to index
      %get3A_197 = arith.constant 176 : index
      %get3A_198 = tpu.vector_load %arg7[%get3A_196, %get3A_197] {strides = array<i32>} : memref<32x1024xf32, #tpu.memory_space<vmem>>, vector<1x16xf32>,
      %get3A_199 = vector.shape_cast %get3A_198 : vector<1x16xf32> to vector<16xf32>
      %get3A_200 = arith.index_cast %scan3A_43 : i32 to index
      %get3A_201 = arith.constant 176 : index
      %get3A_202 = tpu.vector_load %arg8[%get3A_200, %get3A_201] {strides = array<i32>} : memref<32x1024xf32, #tpu.memory_space<vmem>>, vector<1x16xf32>,
      %get3A_203 = vector.shape_cast %get3A_202 : vector<1x16xf32> to vector<16xf32>
      %add3A_204 = arith.addf %get3A_199, %get3A_203 : vector<16xf32>
      %swap3A_205 = arith.index_cast %scan3A_43 : i32 to index
      %swap3A_206 = arith.constant 176 : index
      %swap3A_207 = tpu.vector_load %arg7[%swap3A_205, %swap3A_206] {strides = array<i32>} : memref<32x1024xf32, #tpu.memory_space<vmem>>, vector<1x16xf32>,
      %swap3A_208 = vector.shape_cast %swap3A_207 : vector<1x16xf32> to vector<16xf32>
      %swap3A_209 = vector.shape_cast %add3A_204 : vector<16xf32> to vector<1x16xf32>
      tpu.vector_store %arg7[%swap3A_205, %swap3A_206], %swap3A_209 {strides = array<i32>} : memref<32x1024xf32, #tpu.memory_space<vmem>>, vector<1x16xf32>,
      %get3A_210 = arith.index_cast %scan3A_43 : i32 to index
      %get3A_211 = arith.constant 192 : index
      %get3A_212 = tpu.vector_load %arg7[%get3A_210, %get3A_211] {strides = array<i32>} : memref<32x1024xf32, #tpu.memory_space<vmem>>, vector<1x16xf32>,
      %get3A_213 = vector.shape_cast %get3A_212 : vector<1x16xf32> to vector<16xf32>
      %get3A_214 = arith.index_cast %scan3A_43 : i32 to index
      %get3A_215 = arith.constant 192 : index
      %get3A_216 = tpu.vector_load %arg8[%get3A_214, %get3A_215] {strides = array<i32>} : memref<32x1024xf32, #tpu.memory_space<vmem>>, vector<1x16xf32>,
      %get3A_217 = vector.shape_cast %get3A_216 : vector<1x16xf32> to vector<16xf32>
      %add3A_218 = arith.addf %get3A_213, %get3A_217 : vector<16xf32>
      %swap3A_219 = arith.index_cast %scan3A_43 : i32 to index
      %swap3A_220 = arith.constant 192 : index
      %swap3A_221 = tpu.vector_load %arg7[%swap3A_219, %swap3A_220] {strides = array<i32>} : memref<32x1024xf32, #tpu.memory_space<vmem>>, vector<1x16xf32>,
      %swap3A_222 = vector.shape_cast %swap3A_221 : vector<1x16xf32> to vector<16xf32>
      %swap3A_223 = vector.shape_cast %add3A_218 : vector<16xf32> to vector<1x16xf32>
      tpu.vector_store %arg7[%swap3A_219, %swap3A_220], %swap3A_223 {strides = array<i32>} : memref<32x1024xf32, #tpu.memory_space<vmem>>, vector<1x16xf32>,
      %get3A_224 = arith.index_cast %scan3A_43 : i32 to index
      %get3A_225 = arith.constant 208 : index
      %get3A_226 = tpu.vector_load %arg7[%get3A_224, %get3A_225] {strides = array<i32>} : memref<32x1024xf32, #tpu.memory_space<vmem>>, vector<1x16xf32>,
      %get3A_227 = vector.shape_cast %get3A_226 : vector<1x16xf32> to vector<16xf32>
      %get3A_228 = arith.index_cast %scan3A_43 : i32 to index
      %get3A_229 = arith.constant 208 : index
      %get3A_230 = tpu.vector_load %arg8[%get3A_228, %get3A_229] {strides = array<i32>} : memref<32x1024xf32, #tpu.memory_space<vmem>>, vector<1x16xf32>,
      %get3A_231 = vector.shape_cast %get3A_230 : vector<1x16xf32> to vector<16xf32>
      %add3A_232 = arith.addf %get3A_227, %get3A_231 : vector<16xf32>
      %swap3A_233 = arith.index_cast %scan3A_43 : i32 to index
      %swap3A_234 = arith.constant 208 : index
      %swap3A_235 = tpu.vector_load %arg7[%swap3A_233, %swap3A_234] {strides = array<i32>} : memref<32x1024xf32, #tpu.memory_space<vmem>>, vector<1x16xf32>,
      %swap3A_236 = vector.shape_cast %swap3A_235 : vector<1x16xf32> to vector<16xf32>
      %swap3A_237 = vector.shape_cast %add3A_232 : vector<16xf32> to vector<1x16xf32>
      tpu.vector_store %arg7[%swap3A_233, %swap3A_234], %swap3A_237 {strides = array<i32>} : memref<32x1024xf32, #tpu.memory_space<vmem>>, vector<1x16xf32>,
      %get3A_238 = arith.index_cast %scan3A_43 : i32 to index
      %get3A_239 = arith.constant 224 : index
      %get3A_240 = tpu.vector_load %arg7[%get3A_238, %get3A_239] {strides = array<i32>} : memref<32x1024xf32, #tpu.memory_space<vmem>>, vector<1x16xf32>,
      %get3A_241 = vector.shape_cast %get3A_240 : vector<1x16xf32> to vector<16xf32>
      %get3A_242 = arith.index_cast %scan3A_43 : i32 to index
      %get3A_243 = arith.constant 224 : index
      %get3A_244 = tpu.vector_load %arg8[%get3A_242, %get3A_243] {strides = array<i32>} : memref<32x1024xf32, #tpu.memory_space<vmem>>, vector<1x16xf32>,
      %get3A_245 = vector.shape_cast %get3A_244 : vector<1x16xf32> to vector<16xf32>
      %add3A_246 = arith.addf %get3A_241, %get3A_245 : vector<16xf32>
      %swap3A_247 = arith.index_cast %scan3A_43 : i32 to index
      %swap3A_248 = arith.constant 224 : index
      %swap3A_249 = tpu.vector_load %arg7[%swap3A_247, %swap3A_248] {strides = array<i32>} : memref<32x1024xf32, #tpu.memory_space<vmem>>, vector<1x16xf32>,
      %swap3A_250 = vector.shape_cast %swap3A_249 : vector<1x16xf32> to vector<16xf32>
      %swap3A_251 = vector.shape_cast %add3A_246 : vector<16xf32> to vector<1x16xf32>
      tpu.vector_store %arg7[%swap3A_247, %swap3A_248], %swap3A_251 {strides = array<i32>} : memref<32x1024xf32, #tpu.memory_space<vmem>>, vector<1x16xf32>,
      %get3A_252 = arith.index_cast %scan3A_43 : i32 to index
      %get3A_253 = arith.constant 240 : index
      %get3A_254 = tpu.vector_load %arg7[%get3A_252, %get3A_253] {strides = array<i32>} : memref<32x1024xf32, #tpu.memory_space<vmem>>, vector<1x16xf32>,
      %get3A_255 = vector.shape_cast %get3A_254 : vector<1x16xf32> to vector<16xf32>
      %get3A_256 = arith.index_cast %scan3A_43 : i32 to index
      %get3A_257 = arith.constant 240 : index
      %get3A_258 = tpu.vector_load %arg8[%get3A_256, %get3A_257] {strides = array<i32>} : memref<32x1024xf32, #tpu.memory_space<vmem>>, vector<1x16xf32>,
      %get3A_259 = vector.shape_cast %get3A_258 : vector<1x16xf32> to vector<16xf32>
      %add3A_260 = arith.addf %get3A_255, %get3A_259 : vector<16xf32>
      %swap3A_261 = arith.index_cast %scan3A_43 : i32 to index
      %swap3A_262 = arith.constant 240 : index
      %swap3A_263 = tpu.vector_load %arg7[%swap3A_261, %swap3A_262] {strides = array<i32>} : memref<32x1024xf32, #tpu.memory_space<vmem>>, vector<1x16xf32>,
      %swap3A_264 = vector.shape_cast %swap3A_263 : vector<1x16xf32> to vector<16xf32>
      %swap3A_265 = vector.shape_cast %add3A_260 : vector<16xf32> to vector<1x16xf32>
      tpu.vector_store %arg7[%swap3A_261, %swap3A_262], %swap3A_265 {strides = array<i32>} : memref<32x1024xf32, #tpu.memory_space<vmem>>, vector<1x16xf32>,
      %get3A_266 = arith.index_cast %scan3A_43 : i32 to index
      %get3A_267 = arith.constant 256 : index
      %get3A_268 = tpu.vector_load %arg7[%get3A_266, %get3A_267] {strides = array<i32>} : memref<32x1024xf32, #tpu.memory_space<vmem>>, vector<1x16xf32>,
      %get3A_269 = vector.shape_cast %get3A_268 : vector<1x16xf32> to vector<16xf32>
      %get3A_270 = arith.index_cast %scan3A_43 : i32 to index
      %get3A_271 = arith.constant 256 : index
      %get3A_272 = tpu.vector_load %arg8[%get3A_270, %get3A_271] {strides = array<i32>} : memref<32x1024xf32, #tpu.memory_space<vmem>>, vector<1x16xf32>,
      %get3A_273 = vector.shape_cast %get3A_272 : vector<1x16xf32> to vector<16xf32>
      %add3A_274 = arith.addf %get3A_269, %get3A_273 : vector<16xf32>
      %swap3A_275 = arith.index_cast %scan3A_43 : i32 to index
      %swap3A_276 = arith.constant 256 : index
      %swap3A_277 = tpu.vector_load %arg7[%swap3A_275, %swap3A_276] {strides = array<i32>} : memref<32x1024xf32, #tpu.memory_space<vmem>>, vector<1x16xf32>,
      %swap3A_278 = vector.shape_cast %swap3A_277 : vector<1x16xf32> to vector<16xf32>
      %swap3A_279 = vector.shape_cast %add3A_274 : vector<16xf32> to vector<1x16xf32>
      tpu.vector_store %arg7[%swap3A_275, %swap3A_276], %swap3A_279 {strides = array<i32>} : memref<32x1024xf32, #tpu.memory_space<vmem>>, vector<1x16xf32>,
      %get3A_280 = arith.index_cast %scan3A_43 : i32 to index
      %get3A_281 = arith.constant 272 : index
      %get3A_282 = tpu.vector_load %arg7[%get3A_280, %get3A_281] {strides = array<i32>} : memref<32x1024xf32, #tpu.memory_space<vmem>>, vector<1x16xf32>,
      %get3A_283 = vector.shape_cast %get3A_282 : vector<1x16xf32> to vector<16xf32>
      %get3A_284 = arith.index_cast %scan3A_43 : i32 to index
      %get3A_285 = arith.constant 272 : index
      %get3A_286 = tpu.vector_load %arg8[%get3A_284, %get3A_285] {strides = array<i32>} : memref<32x1024xf32, #tpu.memory_space<vmem>>, vector<1x16xf32>,
      %get3A_287 = vector.shape_cast %get3A_286 : vector<1x16xf32> to vector<16xf32>
      %add3A_288 = arith.addf %get3A_283, %get3A_287 : vector<16xf32>
      %swap3A_289 = arith.index_cast %scan3A_43 : i32 to index
      %swap3A_290 = arith.constant 272 : index
      %swap3A_291 = tpu.vector_load %arg7[%swap3A_289, %swap3A_290] {strides = array<i32>} : memref<32x1024xf32, #tpu.memory_space<vmem>>, vector<1x16xf32>,
      %swap3A_292 = vector.shape_cast %swap3A_291 : vector<1x16xf32> to vector<16xf32>
      %swap3A_293 = vector.shape_cast %add3A_288 : vector<16xf32> to vector<1x16xf32>
      tpu.vector_store %arg7[%swap3A_289, %swap3A_290], %swap3A_293 {strides = array<i32>} : memref<32x1024xf32, #tpu.memory_space<vmem>>, vector<1x16xf32>,
      %get3A_294 = arith.index_cast %scan3A_43 : i32 to index
      %get3A_295 = arith.constant 288 : index
      %get3A_296 = tpu.vector_load %arg7[%get3A_294, %get3A_295] {strides = array<i32>} : memref<32x1024xf32, #tpu.memory_space<vmem>>, vector<1x16xf32>,
      %get3A_297 = vector.shape_cast %get3A_296 : vector<1x16xf32> to vector<16xf32>
      %get3A_298 = arith.index_cast %scan3A_43 : i32 to index
      %get3A_299 = arith.constant 288 : index
      %get3A_300 = tpu.vector_load %arg8[%get3A_298, %get3A_299] {strides = array<i32>} : memref<32x1024xf32, #tpu.memory_space<vmem>>, vector<1x16xf32>,
      %get3A_301 = vector.shape_cast %get3A_300 : vector<1x16xf32> to vector<16xf32>
      %add3A_302 = arith.addf %get3A_297, %get3A_301 : vector<16xf32>
      %swap3A_303 = arith.index_cast %scan3A_43 : i32 to index
      %swap3A_304 = arith.constant 288 : index
      %swap3A_305 = tpu.vector_load %arg7[%swap3A_303, %swap3A_304] {strides = array<i32>} : memref<32x1024xf32, #tpu.memory_space<vmem>>, vector<1x16xf32>,
      %swap3A_306 = vector.shape_cast %swap3A_305 : vector<1x16xf32> to vector<16xf32>
      %swap3A_307 = vector.shape_cast %add3A_302 : vector<16xf32> to vector<1x16xf32>
      tpu.vector_store %arg7[%swap3A_303, %swap3A_304], %swap3A_307 {strides = array<i32>} : memref<32x1024xf32, #tpu.memory_space<vmem>>, vector<1x16xf32>,
      %get3A_308 = arith.index_cast %scan3A_43 : i32 to index
      %get3A_309 = arith.constant 304 : index
      %get3A_310 = tpu.vector_load %arg7[%get3A_308, %get3A_309] {strides = array<i32>} : memref<32x1024xf32, #tpu.memory_space<vmem>>, vector<1x16xf32>,
      %get3A_311 = vector.shape_cast %get3A_310 : vector<1x16xf32> to vector<16xf32>
      %get3A_312 = arith.index_cast %scan3A_43 : i32 to index
      %get3A_313 = arith.constant 304 : index
      %get3A_314 = tpu.vector_load %arg8[%get3A_312, %get3A_313] {strides = array<i32>} : memref<32x1024xf32, #tpu.memory_space<vmem>>, vector<1x16xf32>,
      %get3A_315 = vector.shape_cast %get3A_314 : vector<1x16xf32> to vector<16xf32>
      %add3A_316 = arith.addf %get3A_311, %get3A_315 : vector<16xf32>
      %swap3A_317 = arith.index_cast %scan3A_43 : i32 to index
      %swap3A_318 = arith.constant 304 : index
      %swap3A_319 = tpu.vector_load %arg7[%swap3A_317, %swap3A_318] {strides = array<i32>} : memref<32x1024xf32, #tpu.memory_space<vmem>>, vector<1x16xf32>,
      %swap3A_320 = vector.shape_cast %swap3A_319 : vector<1x16xf32> to vector<16xf32>
      %swap3A_321 = vector.shape_cast %add3A_316 : vector<16xf32> to vector<1x16xf32>
      tpu.vector_store %arg7[%swap3A_317, %swap3A_318], %swap3A_321 {strides = array<i32>} : memref<32x1024xf32, #tpu.memory_space<vmem>>, vector<1x16xf32>,
      %get3A_322 = arith.index_cast %scan3A_43 : i32 to index
      %get3A_323 = arith.constant 320 : index
      %get3A_324 = tpu.vector_load %arg7[%get3A_322, %get3A_323] {strides = array<i32>} : memref<32x1024xf32, #tpu.memory_space<vmem>>, vector<1x16xf32>,
      %get3A_325 = vector.shape_cast %get3A_324 : vector<1x16xf32> to vector<16xf32>
      %get3A_326 = arith.index_cast %scan3A_43 : i32 to index
      %get3A_327 = arith.constant 320 : index
      %get3A_328 = tpu.vector_load %arg8[%get3A_326, %get3A_327] {strides = array<i32>} : memref<32x1024xf32, #tpu.memory_space<vmem>>, vector<1x16xf32>,
      %get3A_329 = vector.shape_cast %get3A_328 : vector<1x16xf32> to vector<16xf32>
      %add3A_330 = arith.addf %get3A_325, %get3A_329 : vector<16xf32>
      %swap3A_331 = arith.index_cast %scan3A_43 : i32 to index
      %swap3A_332 = arith.constant 320 : index
      %swap3A_333 = tpu.vector_load %arg7[%swap3A_331, %swap3A_332] {strides = array<i32>} : memref<32x1024xf32, #tpu.memory_space<vmem>>, vector<1x16xf32>,
      %swap3A_334 = vector.shape_cast %swap3A_333 : vector<1x16xf32> to vector<16xf32>
      %swap3A_335 = vector.shape_cast %add3A_330 : vector<16xf32> to vector<1x16xf32>
      tpu.vector_store %arg7[%swap3A_331, %swap3A_332], %swap3A_335 {strides = array<i32>} : memref<32x1024xf32, #tpu.memory_space<vmem>>, vector<1x16xf32>,
      %get3A_336 = arith.index_cast %scan3A_43 : i32 to index
      %get3A_337 = arith.constant 336 : index
      %get3A_338 = tpu.vector_load %arg7[%get3A_336, %get3A_337] {strides = array<i32>} : memref<32x1024xf32, #tpu.memory_space<vmem>>, vector<1x16xf32>,
      %get3A_339 = vector.shape_cast %get3A_338 : vector<1x16xf32> to vector<16xf32>
      %get3A_340 = arith.index_cast %scan3A_43 : i32 to index
      %get3A_341 = arith.constant 336 : index
      %get3A_342 = tpu.vector_load %arg8[%get3A_340, %get3A_341] {strides = array<i32>} : memref<32x1024xf32, #tpu.memory_space<vmem>>, vector<1x16xf32>,
      %get3A_343 = vector.shape_cast %get3A_342 : vector<1x16xf32> to vector<16xf32>
      %add3A_344 = arith.addf %get3A_339, %get3A_343 : vector<16xf32>
      %swap3A_345 = arith.index_cast %scan3A_43 : i32 to index
      %swap3A_346 = arith.constant 336 : index
      %swap3A_347 = tpu.vector_load %arg7[%swap3A_345, %swap3A_346] {strides = array<i32>} : memref<32x1024xf32, #tpu.memory_space<vmem>>, vector<1x16xf32>,
      %swap3A_348 = vector.shape_cast %swap3A_347 : vector<1x16xf32> to vector<16xf32>
      %swap3A_349 = vector.shape_cast %add3A_344 : vector<16xf32> to vector<1x16xf32>
      tpu.vector_store %arg7[%swap3A_345, %swap3A_346], %swap3A_349 {strides = array<i32>} : memref<32x1024xf32, #tpu.memory_space<vmem>>, vector<1x16xf32>,
      %get3A_350 = arith.index_cast %scan3A_43 : i32 to index
      %get3A_351 = arith.constant 352 : index
      %get3A_352 = tpu.vector_load %arg7[%get3A_350, %get3A_351] {strides = array<i32>} : memref<32x1024xf32, #tpu.memory_space<vmem>>, vector<1x16xf32>,
      %get3A_353 = vector.shape_cast %get3A_352 : vector<1x16xf32> to vector<16xf32>
      %get3A_354 = arith.index_cast %scan3A_43 : i32 to index
      %get3A_355 = arith.constant 352 : index
      %get3A_356 = tpu.vector_load %arg8[%get3A_354, %get3A_355] {strides = array<i32>} : memref<32x1024xf32, #tpu.memory_space<vmem>>, vector<1x16xf32>,
      %get3A_357 = vector.shape_cast %get3A_356 : vector<1x16xf32> to vector<16xf32>
      %add3A_358 = arith.addf %get3A_353, %get3A_357 : vector<16xf32>
      %swap3A_359 = arith.index_cast %scan3A_43 : i32 to index
      %swap3A_360 = arith.constant 352 : index
      %swap3A_361 = tpu.vector_load %arg7[%swap3A_359, %swap3A_360] {strides = array<i32>} : memref<32x1024xf32, #tpu.memory_space<vmem>>, vector<1x16xf32>,
      %swap3A_362 = vector.shape_cast %swap3A_361 : vector<1x16xf32> to vector<16xf32>
      %swap3A_363 = vector.shape_cast %add3A_358 : vector<16xf32> to vector<1x16xf32>
      tpu.vector_store %arg7[%swap3A_359, %swap3A_360], %swap3A_363 {strides = array<i32>} : memref<32x1024xf32, #tpu.memory_space<vmem>>, vector<1x16xf32>,
      %get3A_364 = arith.index_cast %scan3A_43 : i32 to index
      %get3A_365 = arith.constant 368 : index
      %get3A_366 = tpu.vector_load %arg7[%get3A_364, %get3A_365] {strides = array<i32>} : memref<32x1024xf32, #tpu.memory_space<vmem>>, vector<1x16xf32>,
      %get3A_367 = vector.shape_cast %get3A_366 : vector<1x16xf32> to vector<16xf32>
      %get3A_368 = arith.index_cast %scan3A_43 : i32 to index
      %get3A_369 = arith.constant 368 : index
      %get3A_370 = tpu.vector_load %arg8[%get3A_368, %get3A_369] {strides = array<i32>} : memref<32x1024xf32, #tpu.memory_space<vmem>>, vector<1x16xf32>,
      %get3A_371 = vector.shape_cast %get3A_370 : vector<1x16xf32> to vector<16xf32>
      %add3A_372 = arith.addf %get3A_367, %get3A_371 : vector<16xf32>
      %swap3A_373 = arith.index_cast %scan3A_43 : i32 to index
      %swap3A_374 = arith.constant 368 : index
      %swap3A_375 = tpu.vector_load %arg7[%swap3A_373, %swap3A_374] {strides = array<i32>} : memref<32x1024xf32, #tpu.memory_space<vmem>>, vector<1x16xf32>,
      %swap3A_376 = vector.shape_cast %swap3A_375 : vector<1x16xf32> to vector<16xf32>
      %swap3A_377 = vector.shape_cast %add3A_372 : vector<16xf32> to vector<1x16xf32>
      tpu.vector_store %arg7[%swap3A_373, %swap3A_374], %swap3A_377 {strides = array<i32>} : memref<32x1024xf32, #tpu.memory_space<vmem>>, vector<1x16xf32>,
      %get3A_378 = arith.index_cast %scan3A_43 : i32 to index
      %get3A_379 = arith.constant 384 : index
      %get3A_380 = tpu.vector_load %arg7[%get3A_378, %get3A_379] {strides = array<i32>} : memref<32x1024xf32, #tpu.memory_space<vmem>>, vector<1x16xf32>,
      %get3A_381 = vector.shape_cast %get3A_380 : vector<1x16xf32> to vector<16xf32>
      %get3A_382 = arith.index_cast %scan3A_43 : i32 to index
      %get3A_383 = arith.constant 384 : index
      %get3A_384 = tpu.vector_load %arg8[%get3A_382, %get3A_383] {strides = array<i32>} : memref<32x1024xf32, #tpu.memory_space<vmem>>, vector<1x16xf32>,
      %get3A_385 = vector.shape_cast %get3A_384 : vector<1x16xf32> to vector<16xf32>
      %add3A_386 = arith.addf %get3A_381, %get3A_385 : vector<16xf32>
      %swap3A_387 = arith.index_cast %scan3A_43 : i32 to index
      %swap3A_388 = arith.constant 384 : index
      %swap3A_389 = tpu.vector_load %arg7[%swap3A_387, %swap3A_388] {strides = array<i32>} : memref<32x1024xf32, #tpu.memory_space<vmem>>, vector<1x16xf32>,
      %swap3A_390 = vector.shape_cast %swap3A_389 : vector<1x16xf32> to vector<16xf32>
      %swap3A_391 = vector.shape_cast %add3A_386 : vector<16xf32> to vector<1x16xf32>
      tpu.vector_store %arg7[%swap3A_387, %swap3A_388], %swap3A_391 {strides = array<i32>} : memref<32x1024xf32, #tpu.memory_space<vmem>>, vector<1x16xf32>,
      %get3A_392 = arith.index_cast %scan3A_43 : i32 to index
      %get3A_393 = arith.constant 400 : index
      %get3A_394 = tpu.vector_load %arg7[%get3A_392, %get3A_393] {strides = array<i32>} : memref<32x1024xf32, #tpu.memory_space<vmem>>, vector<1x16xf32>,
      %get3A_395 = vector.shape_cast %get3A_394 : vector<1x16xf32> to vector<16xf32>
      %get3A_396 = arith.index_cast %scan3A_43 : i32 to index
      %get3A_397 = arith.constant 400 : index
      %get3A_398 = tpu.vector_load %arg8[%get3A_396, %get3A_397] {strides = array<i32>} : memref<32x1024xf32, #tpu.memory_space<vmem>>, vector<1x16xf32>,
      %get3A_399 = vector.shape_cast %get3A_398 : vector<1x16xf32> to vector<16xf32>
      %add3A_400 = arith.addf %get3A_395, %get3A_399 : vector<16xf32>
      %swap3A_401 = arith.index_cast %scan3A_43 : i32 to index
      %swap3A_402 = arith.constant 400 : index
      %swap3A_403 = tpu.vector_load %arg7[%swap3A_401, %swap3A_402] {strides = array<i32>} : memref<32x1024xf32, #tpu.memory_space<vmem>>, vector<1x16xf32>,
      %swap3A_404 = vector.shape_cast %swap3A_403 : vector<1x16xf32> to vector<16xf32>
      %swap3A_405 = vector.shape_cast %add3A_400 : vector<16xf32> to vector<1x16xf32>
      tpu.vector_store %arg7[%swap3A_401, %swap3A_402], %swap3A_405 {strides = array<i32>} : memref<32x1024xf32, #tpu.memory_space<vmem>>, vector<1x16xf32>,
      %get3A_406 = arith.index_cast %scan3A_43 : i32 to index
      %get3A_407 = arith.constant 416 : index
      %get3A_408 = tpu.vector_load %arg7[%get3A_406, %get3A_407] {strides = array<i32>} : memref<32x1024xf32, #tpu.memory_space<vmem>>, vector<1x16xf32>,
      %get3A_409 = vector.shape_cast %get3A_408 : vector<1x16xf32> to vector<16xf32>
      %get3A_410 = arith.index_cast %scan3A_43 : i32 to index
      %get3A_411 = arith.constant 416 : index
      %get3A_412 = tpu.vector_load %arg8[%get3A_410, %get3A_411] {strides = array<i32>} : memref<32x1024xf32, #tpu.memory_space<vmem>>, vector<1x16xf32>,
      %get3A_413 = vector.shape_cast %get3A_412 : vector<1x16xf32> to vector<16xf32>
      %add3A_414 = arith.addf %get3A_409, %get3A_413 : vector<16xf32>
      %swap3A_415 = arith.index_cast %scan3A_43 : i32 to index
      %swap3A_416 = arith.constant 416 : index
      %swap3A_417 = tpu.vector_load %arg7[%swap3A_415, %swap3A_416] {strides = array<i32>} : memref<32x1024xf32, #tpu.memory_space<vmem>>, vector<1x16xf32>,
      %swap3A_418 = vector.shape_cast %swap3A_417 : vector<1x16xf32> to vector<16xf32>
      %swap3A_419 = vector.shape_cast %add3A_414 : vector<16xf32> to vector<1x16xf32>
      tpu.vector_store %arg7[%swap3A_415, %swap3A_416], %swap3A_419 {strides = array<i32>} : memref<32x1024xf32, #tpu.memory_space<vmem>>, vector<1x16xf32>,
      %get3A_420 = arith.index_cast %scan3A_43 : i32 to index
      %get3A_421 = arith.constant 432 : index
      %get3A_422 = tpu.vector_load %arg7[%get3A_420, %get3A_421] {strides = array<i32>} : memref<32x1024xf32, #tpu.memory_space<vmem>>, vector<1x16xf32>,
      %get3A_423 = vector.shape_cast %get3A_422 : vector<1x16xf32> to vector<16xf32>
      %get3A_424 = arith.index_cast %scan3A_43 : i32 to index
      %get3A_425 = arith.constant 432 : index
      %get3A_426 = tpu.vector_load %arg8[%get3A_424, %get3A_425] {strides = array<i32>} : memref<32x1024xf32, #tpu.memory_space<vmem>>, vector<1x16xf32>,
      %get3A_427 = vector.shape_cast %get3A_426 : vector<1x16xf32> to vector<16xf32>
      %add3A_428 = arith.addf %get3A_423, %get3A_427 : vector<16xf32>
      %swap3A_429 = arith.index_cast %scan3A_43 : i32 to index
      %swap3A_430 = arith.constant 432 : index
      %swap3A_431 = tpu.vector_load %arg7[%swap3A_429, %swap3A_430] {strides = array<i32>} : memref<32x1024xf32, #tpu.memory_space<vmem>>, vector<1x16xf32>,
      %swap3A_432 = vector.shape_cast %swap3A_431 : vector<1x16xf32> to vector<16xf32>
      %swap3A_433 = vector.shape_cast %add3A_428 : vector<16xf32> to vector<1x16xf32>
      tpu.vector_store %arg7[%swap3A_429, %swap3A_430], %swap3A_433 {strides = array<i32>} : memref<32x1024xf32, #tpu.memory_space<vmem>>, vector<1x16xf32>,
      %get3A_434 = arith.index_cast %scan3A_43 : i32 to index
      %get3A_435 = arith.constant 448 : index
      %get3A_436 = tpu.vector_load %arg7[%get3A_434, %get3A_435] {strides = array<i32>} : memref<32x1024xf32, #tpu.memory_space<vmem>>, vector<1x16xf32>,
      %get3A_437 = vector.shape_cast %get3A_436 : vector<1x16xf32> to vector<16xf32>
      %get3A_438 = arith.index_cast %scan3A_43 : i32 to index
      %get3A_439 = arith.constant 448 : index
      %get3A_440 = tpu.vector_load %arg8[%get3A_438, %get3A_439] {strides = array<i32>} : memref<32x1024xf32, #tpu.memory_space<vmem>>, vector<1x16xf32>,
      %get3A_441 = vector.shape_cast %get3A_440 : vector<1x16xf32> to vector<16xf32>
      %add3A_442 = arith.addf %get3A_437, %get3A_441 : vector<16xf32>
      %swap3A_443 = arith.index_cast %scan3A_43 : i32 to index
      %swap3A_444 = arith.constant 448 : index
      %swap3A_445 = tpu.vector_load %arg7[%swap3A_443, %swap3A_444] {strides = array<i32>} : memref<32x1024xf32, #tpu.memory_space<vmem>>, vector<1x16xf32>,
      %swap3A_446 = vector.shape_cast %swap3A_445 : vector<1x16xf32> to vector<16xf32>
      %swap3A_447 = vector.shape_cast %add3A_442 : vector<16xf32> to vector<1x16xf32>
      tpu.vector_store %arg7[%swap3A_443, %swap3A_444], %swap3A_447 {strides = array<i32>} : memref<32x1024xf32, #tpu.memory_space<vmem>>, vector<1x16xf32>,
      %get3A_448 = arith.index_cast %scan3A_43 : i32 to index
      %get3A_449 = arith.constant 464 : index
      %get3A_450 = tpu.vector_load %arg7[%get3A_448, %get3A_449] {strides = array<i32>} : memref<32x1024xf32, #tpu.memory_space<vmem>>, vector<1x16xf32>,
      %get3A_451 = vector.shape_cast %get3A_450 : vector<1x16xf32> to vector<16xf32>
      %get3A_452 = arith.index_cast %scan3A_43 : i32 to index
      %get3A_453 = arith.constant 464 : index
      %get3A_454 = tpu.vector_load %arg8[%get3A_452, %get3A_453] {strides = array<i32>} : memref<32x1024xf32, #tpu.memory_space<vmem>>, vector<1x16xf32>,
      %get3A_455 = vector.shape_cast %get3A_454 : vector<1x16xf32> to vector<16xf32>
      %add3A_456 = arith.addf %get3A_451, %get3A_455 : vector<16xf32>
      %swap3A_457 = arith.index_cast %scan3A_43 : i32 to index
      %swap3A_458 = arith.constant 464 : index
      %swap3A_459 = tpu.vector_load %arg7[%swap3A_457, %swap3A_458] {strides = array<i32>} : memref<32x1024xf32, #tpu.memory_space<vmem>>, vector<1x16xf32>,
      %swap3A_460 = vector.shape_cast %swap3A_459 : vector<1x16xf32> to vector<16xf32>
      %swap3A_461 = vector.shape_cast %add3A_456 : vector<16xf32> to vector<1x16xf32>
      tpu.vector_store %arg7[%swap3A_457, %swap3A_458], %swap3A_461 {strides = array<i32>} : memref<32x1024xf32, #tpu.memory_space<vmem>>, vector<1x16xf32>,
      %get3A_462 = arith.index_cast %scan3A_43 : i32 to index
      %get3A_463 = arith.constant 480 : index
      %get3A_464 = tpu.vector_load %arg7[%get3A_462, %get3A_463] {strides = array<i32>} : memref<32x1024xf32, #tpu.memory_space<vmem>>, vector<1x16xf32>,
      %get3A_465 = vector.shape_cast %get3A_464 : vector<1x16xf32> to vector<16xf32>
      %get3A_466 = arith.index_cast %scan3A_43 : i32 to index
      %get3A_467 = arith.constant 480 : index
      %get3A_468 = tpu.vector_load %arg8[%get3A_466, %get3A_467] {strides = array<i32>} : memref<32x1024xf32, #tpu.memory_space<vmem>>, vector<1x16xf32>,
      %get3A_469 = vector.shape_cast %get3A_468 : vector<1x16xf32> to vector<16xf32>
      %add3A_470 = arith.addf %get3A_465, %get3A_469 : vector<16xf32>
      %swap3A_471 = arith.index_cast %scan3A_43 : i32 to index
      %swap3A_472 = arith.constant 480 : index
      %swap3A_473 = tpu.vector_load %arg7[%swap3A_471, %swap3A_472] {strides = array<i32>} : memref<32x1024xf32, #tpu.memory_space<vmem>>, vector<1x16xf32>,
      %swap3A_474 = vector.shape_cast %swap3A_473 : vector<1x16xf32> to vector<16xf32>
      %swap3A_475 = vector.shape_cast %add3A_470 : vector<16xf32> to vector<1x16xf32>
      tpu.vector_store %arg7[%swap3A_471, %swap3A_472], %swap3A_475 {strides = array<i32>} : memref<32x1024xf32, #tpu.memory_space<vmem>>, vector<1x16xf32>,
      %get3A_476 = arith.index_cast %scan3A_43 : i32 to index
      %get3A_477 = arith.constant 496 : index
      %get3A_478 = tpu.vector_load %arg7[%get3A_476, %get3A_477] {strides = array<i32>} : memref<32x1024xf32, #tpu.memory_space<vmem>>, vector<1x16xf32>,
      %get3A_479 = vector.shape_cast %get3A_478 : vector<1x16xf32> to vector<16xf32>
      %get3A_480 = arith.index_cast %scan3A_43 : i32 to index
      %get3A_481 = arith.constant 496 : index
      %get3A_482 = tpu.vector_load %arg8[%get3A_480, %get3A_481] {strides = array<i32>} : memref<32x1024xf32, #tpu.memory_space<vmem>>, vector<1x16xf32>,
      %get3A_483 = vector.shape_cast %get3A_482 : vector<1x16xf32> to vector<16xf32>
      %add3A_484 = arith.addf %get3A_479, %get3A_483 : vector<16xf32>
      %swap3A_485 = arith.index_cast %scan3A_43 : i32 to index
      %swap3A_486 = arith.constant 496 : index
      %swap3A_487 = tpu.vector_load %arg7[%swap3A_485, %swap3A_486] {strides = array<i32>} : memref<32x1024xf32, #tpu.memory_space<vmem>>, vector<1x16xf32>,
      %swap3A_488 = vector.shape_cast %swap3A_487 : vector<1x16xf32> to vector<16xf32>
      %swap3A_489 = vector.shape_cast %add3A_484 : vector<16xf32> to vector<1x16xf32>
      tpu.vector_store %arg7[%swap3A_485, %swap3A_486], %swap3A_489 {strides = array<i32>} : memref<32x1024xf32, #tpu.memory_space<vmem>>, vector<1x16xf32>,
      %get3A_490 = arith.index_cast %scan3A_43 : i32 to index
      %get3A_491 = arith.constant 512 : index
      %get3A_492 = tpu.vector_load %arg7[%get3A_490, %get3A_491] {strides = array<i32>} : memref<32x1024xf32, #tpu.memory_space<vmem>>, vector<1x16xf32>,
      %get3A_493 = vector.shape_cast %get3A_492 : vector<1x16xf32> to vector<16xf32>
      %get3A_494 = arith.index_cast %scan3A_43 : i32 to index
      %get3A_495 = arith.constant 512 : index
      %get3A_496 = tpu.vector_load %arg8[%get3A_494, %get3A_495] {strides = array<i32>} : memref<32x1024xf32, #tpu.memory_space<vmem>>, vector<1x16xf32>,
      %get3A_497 = vector.shape_cast %get3A_496 : vector<1x16xf32> to vector<16xf32>
      %add3A_498 = arith.addf %get3A_493, %get3A_497 : vector<16xf32>
      %swap3A_499 = arith.index_cast %scan3A_43 : i32 to index
      %swap3A_500 = arith.constant 512 : index
      %swap3A_501 = tpu.vector_load %arg7[%swap3A_499, %swap3A_500] {strides = array<i32>} : memref<32x1024xf32, #tpu.memory_space<vmem>>, vector<1x16xf32>,
      %swap3A_502 = vector.shape_cast %swap3A_501 : vector<1x16xf32> to vector<16xf32>
      %swap3A_503 = vector.shape_cast %add3A_498 : vector<16xf32> to vector<1x16xf32>
      tpu.vector_store %arg7[%swap3A_499, %swap3A_500], %swap3A_503 {strides = array<i32>} : memref<32x1024xf32, #tpu.memory_space<vmem>>, vector<1x16xf32>,
      %get3A_504 = arith.index_cast %scan3A_43 : i32 to index
      %get3A_505 = arith.constant 528 : index
      %get3A_506 = tpu.vector_load %arg7[%get3A_504, %get3A_505] {strides = array<i32>} : memref<32x1024xf32, #tpu.memory_space<vmem>>, vector<1x16xf32>,
      %get3A_507 = vector.shape_cast %get3A_506 : vector<1x16xf32> to vector<16xf32>
      %get3A_508 = arith.index_cast %scan3A_43 : i32 to index
      %get3A_509 = arith.constant 528 : index
      %get3A_510 = tpu.vector_load %arg8[%get3A_508, %get3A_509] {strides = array<i32>} : memref<32x1024xf32, #tpu.memory_space<vmem>>, vector<1x16xf32>,
      %get3A_511 = vector.shape_cast %get3A_510 : vector<1x16xf32> to vector<16xf32>
      %add3A_512 = arith.addf %get3A_507, %get3A_511 : vector<16xf32>
      %swap3A_513 = arith.index_cast %scan3A_43 : i32 to index
      %swap3A_514 = arith.constant 528 : index
      %swap3A_515 = tpu.vector_load %arg7[%swap3A_513, %swap3A_514] {strides = array<i32>} : memref<32x1024xf32, #tpu.memory_space<vmem>>, vector<1x16xf32>,
      %swap3A_516 = vector.shape_cast %swap3A_515 : vector<1x16xf32> to vector<16xf32>
      %swap3A_517 = vector.shape_cast %add3A_512 : vector<16xf32> to vector<1x16xf32>
      tpu.vector_store %arg7[%swap3A_513, %swap3A_514], %swap3A_517 {strides = array<i32>} : memref<32x1024xf32, #tpu.memory_space<vmem>>, vector<1x16xf32>,
      %get3A_518 = arith.index_cast %scan3A_43 : i32 to index
      %get3A_519 = arith.constant 544 : index
      %get3A_520 = tpu.vector_load %arg7[%get3A_518, %get3A_519] {strides = array<i32>} : memref<32x1024xf32, #tpu.memory_space<vmem>>, vector<1x16xf32>,
      %get3A_521 = vector.shape_cast %get3A_520 : vector<1x16xf32> to vector<16xf32>
      %get3A_522 = arith.index_cast %scan3A_43 : i32 to index
      %get3A_523 = arith.constant 544 : index
      %get3A_524 = tpu.vector_load %arg8[%get3A_522, %get3A_523] {strides = array<i32>} : memref<32x1024xf32, #tpu.memory_space<vmem>>, vector<1x16xf32>,
      %get3A_525 = vector.shape_cast %get3A_524 : vector<1x16xf32> to vector<16xf32>
      %add3A_526 = arith.addf %get3A_521, %get3A_525 : vector<16xf32>
      %swap3A_527 = arith.index_cast %scan3A_43 : i32 to index
      %swap3A_528 = arith.constant 544 : index
      %swap3A_529 = tpu.vector_load %arg7[%swap3A_527, %swap3A_528] {strides = array<i32>} : memref<32x1024xf32, #tpu.memory_space<vmem>>, vector<1x16xf32>,
      %swap3A_530 = vector.shape_cast %swap3A_529 : vector<1x16xf32> to vector<16xf32>
      %swap3A_531 = vector.shape_cast %add3A_526 : vector<16xf32> to vector<1x16xf32>
      tpu.vector_store %arg7[%swap3A_527, %swap3A_528], %swap3A_531 {strides = array<i32>} : memref<32x1024xf32, #tpu.memory_space<vmem>>, vector<1x16xf32>,
      %get3A_532 = arith.index_cast %scan3A_43 : i32 to index
      %get3A_533 = arith.constant 560 : index
      %get3A_534 = tpu.vector_load %arg7[%get3A_532, %get3A_533] {strides = array<i32>} : memref<32x1024xf32, #tpu.memory_space<vmem>>, vector<1x16xf32>,
      %get3A_535 = vector.shape_cast %get3A_534 : vector<1x16xf32> to vector<16xf32>
      %get3A_536 = arith.index_cast %scan3A_43 : i32 to index
      %get3A_537 = arith.constant 560 : index
      %get3A_538 = tpu.vector_load %arg8[%get3A_536, %get3A_537] {strides = array<i32>} : memref<32x1024xf32, #tpu.memory_space<vmem>>, vector<1x16xf32>,
      %get3A_539 = vector.shape_cast %get3A_538 : vector<1x16xf32> to vector<16xf32>
      %add3A_540 = arith.addf %get3A_535, %get3A_539 : vector<16xf32>
      %swap3A_541 = arith.index_cast %scan3A_43 : i32 to index
      %swap3A_542 = arith.constant 560 : index
      %swap3A_543 = tpu.vector_load %arg7[%swap3A_541, %swap3A_542] {strides = array<i32>} : memref<32x1024xf32, #tpu.memory_space<vmem>>, vector<1x16xf32>,
      %swap3A_544 = vector.shape_cast %swap3A_543 : vector<1x16xf32> to vector<16xf32>
      %swap3A_545 = vector.shape_cast %add3A_540 : vector<16xf32> to vector<1x16xf32>
      tpu.vector_store %arg7[%swap3A_541, %swap3A_542], %swap3A_545 {strides = array<i32>} : memref<32x1024xf32, #tpu.memory_space<vmem>>, vector<1x16xf32>,
      %get3A_546 = arith.index_cast %scan3A_43 : i32 to index
      %get3A_547 = arith.constant 576 : index
      %get3A_548 = tpu.vector_load %arg7[%get3A_546, %get3A_547] {strides = array<i32>} : memref<32x1024xf32, #tpu.memory_space<vmem>>, vector<1x16xf32>,
      %get3A_549 = vector.shape_cast %get3A_548 : vector<1x16xf32> to vector<16xf32>
      %get3A_550 = arith.index_cast %scan3A_43 : i32 to index
      %get3A_551 = arith.constant 576 : index
      %get3A_552 = tpu.vector_load %arg8[%get3A_550, %get3A_551] {strides = array<i32>} : memref<32x1024xf32, #tpu.memory_space<vmem>>, vector<1x16xf32>,
      %get3A_553 = vector.shape_cast %get3A_552 : vector<1x16xf32> to vector<16xf32>
      %add3A_554 = arith.addf %get3A_549, %get3A_553 : vector<16xf32>
      %swap3A_555 = arith.index_cast %scan3A_43 : i32 to index
      %swap3A_556 = arith.constant 576 : index
      %swap3A_557 = tpu.vector_load %arg7[%swap3A_555, %swap3A_556] {strides = array<i32>} : memref<32x1024xf32, #tpu.memory_space<vmem>>, vector<1x16xf32>,
      %swap3A_558 = vector.shape_cast %swap3A_557 : vector<1x16xf32> to vector<16xf32>
      %swap3A_559 = vector.shape_cast %add3A_554 : vector<16xf32> to vector<1x16xf32>
      tpu.vector_store %arg7[%swap3A_555, %swap3A_556], %swap3A_559 {strides = array<i32>} : memref<32x1024xf32, #tpu.memory_space<vmem>>, vector<1x16xf32>,
      %get3A_560 = arith.index_cast %scan3A_43 : i32 to index
      %get3A_561 = arith.constant 592 : index
      %get3A_562 = tpu.vector_load %arg7[%get3A_560, %get3A_561] {strides = array<i32>} : memref<32x1024xf32, #tpu.memory_space<vmem>>, vector<1x16xf32>,
      %get3A_563 = vector.shape_cast %get3A_562 : vector<1x16xf32> to vector<16xf32>
      %get3A_564 = arith.index_cast %scan3A_43 : i32 to index
      %get3A_565 = arith.constant 592 : index
      %get3A_566 = tpu.vector_load %arg8[%get3A_564, %get3A_565] {strides = array<i32>} : memref<32x1024xf32, #tpu.memory_space<vmem>>, vector<1x16xf32>,
      %get3A_567 = vector.shape_cast %get3A_566 : vector<1x16xf32> to vector<16xf32>
      %add3A_568 = arith.addf %get3A_563, %get3A_567 : vector<16xf32>
      %swap3A_569 = arith.index_cast %scan3A_43 : i32 to index
      %swap3A_570 = arith.constant 592 : index
      %swap3A_571 = tpu.vector_load %arg7[%swap3A_569, %swap3A_570] {strides = array<i32>} : memref<32x1024xf32, #tpu.memory_space<vmem>>, vector<1x16xf32>,
      %swap3A_572 = vector.shape_cast %swap3A_571 : vector<1x16xf32> to vector<16xf32>
      %swap3A_573 = vector.shape_cast %add3A_568 : vector<16xf32> to vector<1x16xf32>
      tpu.vector_store %arg7[%swap3A_569, %swap3A_570], %swap3A_573 {strides = array<i32>} : memref<32x1024xf32, #tpu.memory_space<vmem>>, vector<1x16xf32>,
      %get3A_574 = arith.index_cast %scan3A_43 : i32 to index
      %get3A_575 = arith.constant 608 : index
      %get3A_576 = tpu.vector_load %arg7[%get3A_574, %get3A_575] {strides = array<i32>} : memref<32x1024xf32, #tpu.memory_space<vmem>>, vector<1x16xf32>,
      %get3A_577 = vector.shape_cast %get3A_576 : vector<1x16xf32> to vector<16xf32>
      %get3A_578 = arith.index_cast %scan3A_43 : i32 to index
      %get3A_579 = arith.constant 608 : index
      %get3A_580 = tpu.vector_load %arg8[%get3A_578, %get3A_579] {strides = array<i32>} : memref<32x1024xf32, #tpu.memory_space<vmem>>, vector<1x16xf32>,
      %get3A_581 = vector.shape_cast %get3A_580 : vector<1x16xf32> to vector<16xf32>
      %add3A_582 = arith.addf %get3A_577, %get3A_581 : vector<16xf32>
      %swap3A_583 = arith.index_cast %scan3A_43 : i32 to index
      %swap3A_584 = arith.constant 608 : index
      %swap3A_585 = tpu.vector_load %arg7[%swap3A_583, %swap3A_584] {strides = array<i32>} : memref<32x1024xf32, #tpu.memory_space<vmem>>, vector<1x16xf32>,
      %swap3A_586 = vector.shape_cast %swap3A_585 : vector<1x16xf32> to vector<16xf32>
      %swap3A_587 = vector.shape_cast %add3A_582 : vector<16xf32> to vector<1x16xf32>
      tpu.vector_store %arg7[%swap3A_583, %swap3A_584], %swap3A_587 {strides = array<i32>} : memref<32x1024xf32, #tpu.memory_space<vmem>>, vector<1x16xf32>,
      %get3A_588 = arith.index_cast %scan3A_43 : i32 to index
      %get3A_589 = arith.constant 624 : index
      %get3A_590 = tpu.vector_load %arg7[%get3A_588, %get3A_589] {strides = array<i32>} : memref<32x1024xf32, #tpu.memory_space<vmem>>, vector<1x16xf32>,
      %get3A_591 = vector.shape_cast %get3A_590 : vector<1x16xf32> to vector<16xf32>
      %get3A_592 = arith.index_cast %scan3A_43 : i32 to index
      %get3A_593 = arith.constant 624 : index
      %get3A_594 = tpu.vector_load %arg8[%get3A_592, %get3A_593] {strides = array<i32>} : memref<32x1024xf32, #tpu.memory_space<vmem>>, vector<1x16xf32>,
      %get3A_595 = vector.shape_cast %get3A_594 : vector<1x16xf32> to vector<16xf32>
      %add3A_596 = arith.addf %get3A_591, %get3A_595 : vector<16xf32>
      %swap3A_597 = arith.index_cast %scan3A_43 : i32 to index
      %swap3A_598 = arith.constant 624 : index
      %swap3A_599 = tpu.vector_load %arg7[%swap3A_597, %swap3A_598] {strides = array<i32>} : memref<32x1024xf32, #tpu.memory_space<vmem>>, vector<1x16xf32>,
      %swap3A_600 = vector.shape_cast %swap3A_599 : vector<1x16xf32> to vector<16xf32>
      %swap3A_601 = vector.shape_cast %add3A_596 : vector<16xf32> to vector<1x16xf32>
      tpu.vector_store %arg7[%swap3A_597, %swap3A_598], %swap3A_601 {strides = array<i32>} : memref<32x1024xf32, #tpu.memory_space<vmem>>, vector<1x16xf32>,
      %get3A_602 = arith.index_cast %scan3A_43 : i32 to index
      %get3A_603 = arith.constant 640 : index
      %get3A_604 = tpu.vector_load %arg7[%get3A_602, %get3A_603] {strides = array<i32>} : memref<32x1024xf32, #tpu.memory_space<vmem>>, vector<1x16xf32>,
      %get3A_605 = vector.shape_cast %get3A_604 : vector<1x16xf32> to vector<16xf32>
      %get3A_606 = arith.index_cast %scan3A_43 : i32 to index
      %get3A_607 = arith.constant 640 : index
      %get3A_608 = tpu.vector_load %arg8[%get3A_606, %get3A_607] {strides = array<i32>} : memref<32x1024xf32, #tpu.memory_space<vmem>>, vector<1x16xf32>,
      %get3A_609 = vector.shape_cast %get3A_608 : vector<1x16xf32> to vector<16xf32>
      %add3A_610 = arith.addf %get3A_605, %get3A_609 : vector<16xf32>
      %swap3A_611 = arith.index_cast %scan3A_43 : i32 to index
      %swap3A_612 = arith.constant 640 : index
      %swap3A_613 = tpu.vector_load %arg7[%swap3A_611, %swap3A_612] {strides = array<i32>} : memref<32x1024xf32, #tpu.memory_space<vmem>>, vector<1x16xf32>,
      %swap3A_614 = vector.shape_cast %swap3A_613 : vector<1x16xf32> to vector<16xf32>
      %swap3A_615 = vector.shape_cast %add3A_610 : vector<16xf32> to vector<1x16xf32>
      tpu.vector_store %arg7[%swap3A_611, %swap3A_612], %swap3A_615 {strides = array<i32>} : memref<32x1024xf32, #tpu.memory_space<vmem>>, vector<1x16xf32>,
      %get3A_616 = arith.index_cast %scan3A_43 : i32 to index
      %get3A_617 = arith.constant 656 : index
      %get3A_618 = tpu.vector_load %arg7[%get3A_616, %get3A_617] {strides = array<i32>} : memref<32x1024xf32, #tpu.memory_space<vmem>>, vector<1x16xf32>,
      %get3A_619 = vector.shape_cast %get3A_618 : vector<1x16xf32> to vector<16xf32>
      %get3A_620 = arith.index_cast %scan3A_43 : i32 to index
      %get3A_621 = arith.constant 656 : index
      %get3A_622 = tpu.vector_load %arg8[%get3A_620, %get3A_621] {strides = array<i32>} : memref<32x1024xf32, #tpu.memory_space<vmem>>, vector<1x16xf32>,
      %get3A_623 = vector.shape_cast %get3A_622 : vector<1x16xf32> to vector<16xf32>
      %add3A_624 = arith.addf %get3A_619, %get3A_623 : vector<16xf32>
      %swap3A_625 = arith.index_cast %scan3A_43 : i32 to index
      %swap3A_626 = arith.constant 656 : index
      %swap3A_627 = tpu.vector_load %arg7[%swap3A_625, %swap3A_626] {strides = array<i32>} : memref<32x1024xf32, #tpu.memory_space<vmem>>, vector<1x16xf32>,
      %swap3A_628 = vector.shape_cast %swap3A_627 : vector<1x16xf32> to vector<16xf32>
      %swap3A_629 = vector.shape_cast %add3A_624 : vector<16xf32> to vector<1x16xf32>
      tpu.vector_store %arg7[%swap3A_625, %swap3A_626], %swap3A_629 {strides = array<i32>} : memref<32x1024xf32, #tpu.memory_space<vmem>>, vector<1x16xf32>,
      %get3A_630 = arith.index_cast %scan3A_43 : i32 to index
      %get3A_631 = arith.constant 672 : index
      %get3A_632 = tpu.vector_load %arg7[%get3A_630, %get3A_631] {strides = array<i32>} : memref<32x1024xf32, #tpu.memory_space<vmem>>, vector<1x16xf32>,
      %get3A_633 = vector.shape_cast %get3A_632 : vector<1x16xf32> to vector<16xf32>
      %get3A_634 = arith.index_cast %scan3A_43 : i32 to index
      %get3A_635 = arith.constant 672 : index
      %get3A_636 = tpu.vector_load %arg8[%get3A_634, %get3A_635] {strides = array<i32>} : memref<32x1024xf32, #tpu.memory_space<vmem>>, vector<1x16xf32>,
      %get3A_637 = vector.shape_cast %get3A_636 : vector<1x16xf32> to vector<16xf32>
      %add3A_638 = arith.addf %get3A_633, %get3A_637 : vector<16xf32>
      %swap3A_639 = arith.index_cast %scan3A_43 : i32 to index
      %swap3A_640 = arith.constant 672 : index
      %swap3A_641 = tpu.vector_load %arg7[%swap3A_639, %swap3A_640] {strides = array<i32>} : memref<32x1024xf32, #tpu.memory_space<vmem>>, vector<1x16xf32>,
      %swap3A_642 = vector.shape_cast %swap3A_641 : vector<1x16xf32> to vector<16xf32>
      %swap3A_643 = vector.shape_cast %add3A_638 : vector<16xf32> to vector<1x16xf32>
      tpu.vector_store %arg7[%swap3A_639, %swap3A_640], %swap3A_643 {strides = array<i32>} : memref<32x1024xf32, #tpu.memory_space<vmem>>, vector<1x16xf32>,
      %get3A_644 = arith.index_cast %scan3A_43 : i32 to index
      %get3A_645 = arith.constant 688 : index
      %get3A_646 = tpu.vector_load %arg7[%get3A_644, %get3A_645] {strides = array<i32>} : memref<32x1024xf32, #tpu.memory_space<vmem>>, vector<1x16xf32>,
      %get3A_647 = vector.shape_cast %get3A_646 : vector<1x16xf32> to vector<16xf32>
      %get3A_648 = arith.index_cast %scan3A_43 : i32 to index
      %get3A_649 = arith.constant 688 : index
      %get3A_650 = tpu.vector_load %arg8[%get3A_648, %get3A_649] {strides = array<i32>} : memref<32x1024xf32, #tpu.memory_space<vmem>>, vector<1x16xf32>,
      %get3A_651 = vector.shape_cast %get3A_650 : vector<1x16xf32> to vector<16xf32>
      %add3A_652 = arith.addf %get3A_647, %get3A_651 : vector<16xf32>
      %swap3A_653 = arith.index_cast %scan3A_43 : i32 to index
      %swap3A_654 = arith.constant 688 : index
      %swap3A_655 = tpu.vector_load %arg7[%swap3A_653, %swap3A_654] {strides = array<i32>} : memref<32x1024xf32, #tpu.memory_space<vmem>>, vector<1x16xf32>,
      %swap3A_656 = vector.shape_cast %swap3A_655 : vector<1x16xf32> to vector<16xf32>
      %swap3A_657 = vector.shape_cast %add3A_652 : vector<16xf32> to vector<1x16xf32>
      tpu.vector_store %arg7[%swap3A_653, %swap3A_654], %swap3A_657 {strides = array<i32>} : memref<32x1024xf32, #tpu.memory_space<vmem>>, vector<1x16xf32>,
      %get3A_658 = arith.index_cast %scan3A_43 : i32 to index
      %get3A_659 = arith.constant 704 : index
      %get3A_660 = tpu.vector_load %arg7[%get3A_658, %get3A_659] {strides = array<i32>} : memref<32x1024xf32, #tpu.memory_space<vmem>>, vector<1x16xf32>,
      %get3A_661 = vector.shape_cast %get3A_660 : vector<1x16xf32> to vector<16xf32>
      %get3A_662 = arith.index_cast %scan3A_43 : i32 to index
      %get3A_663 = arith.constant 704 : index
      %get3A_664 = tpu.vector_load %arg8[%get3A_662, %get3A_663] {strides = array<i32>} : memref<32x1024xf32, #tpu.memory_space<vmem>>, vector<1x16xf32>,
      %get3A_665 = vector.shape_cast %get3A_664 : vector<1x16xf32> to vector<16xf32>
      %add3A_666 = arith.addf %get3A_661, %get3A_665 : vector<16xf32>
      %swap3A_667 = arith.index_cast %scan3A_43 : i32 to index
      %swap3A_668 = arith.constant 704 : index
      %swap3A_669 = tpu.vector_load %arg7[%swap3A_667, %swap3A_668] {strides = array<i32>} : memref<32x1024xf32, #tpu.memory_space<vmem>>, vector<1x16xf32>,
      %swap3A_670 = vector.shape_cast %swap3A_669 : vector<1x16xf32> to vector<16xf32>
      %swap3A_671 = vector.shape_cast %add3A_666 : vector<16xf32> to vector<1x16xf32>
      tpu.vector_store %arg7[%swap3A_667, %swap3A_668], %swap3A_671 {strides = array<i32>} : memref<32x1024xf32, #tpu.memory_space<vmem>>, vector<1x16xf32>,
      %get3A_672 = arith.index_cast %scan3A_43 : i32 to index
      %get3A_673 = arith.constant 720 : index
      %get3A_674 = tpu.vector_load %arg7[%get3A_672, %get3A_673] {strides = array<i32>} : memref<32x1024xf32, #tpu.memory_space<vmem>>, vector<1x16xf32>,
      %get3A_675 = vector.shape_cast %get3A_674 : vector<1x16xf32> to vector<16xf32>
      %get3A_676 = arith.index_cast %scan3A_43 : i32 to index
      %get3A_677 = arith.constant 720 : index
      %get3A_678 = tpu.vector_load %arg8[%get3A_676, %get3A_677] {strides = array<i32>} : memref<32x1024xf32, #tpu.memory_space<vmem>>, vector<1x16xf32>,
      %get3A_679 = vector.shape_cast %get3A_678 : vector<1x16xf32> to vector<16xf32>
      %add3A_680 = arith.addf %get3A_675, %get3A_679 : vector<16xf32>
      %swap3A_681 = arith.index_cast %scan3A_43 : i32 to index
      %swap3A_682 = arith.constant 720 : index
      %swap3A_683 = tpu.vector_load %arg7[%swap3A_681, %swap3A_682] {strides = array<i32>} : memref<32x1024xf32, #tpu.memory_space<vmem>>, vector<1x16xf32>,
      %swap3A_684 = vector.shape_cast %swap3A_683 : vector<1x16xf32> to vector<16xf32>
      %swap3A_685 = vector.shape_cast %add3A_680 : vector<16xf32> to vector<1x16xf32>
      tpu.vector_store %arg7[%swap3A_681, %swap3A_682], %swap3A_685 {strides = array<i32>} : memref<32x1024xf32, #tpu.memory_space<vmem>>, vector<1x16xf32>,
      %get3A_686 = arith.index_cast %scan3A_43 : i32 to index
      %get3A_687 = arith.constant 736 : index
      %get3A_688 = tpu.vector_load %arg7[%get3A_686, %get3A_687] {strides = array<i32>} : memref<32x1024xf32, #tpu.memory_space<vmem>>, vector<1x16xf32>,
      %get3A_689 = vector.shape_cast %get3A_688 : vector<1x16xf32> to vector<16xf32>
      %get3A_690 = arith.index_cast %scan3A_43 : i32 to index
      %get3A_691 = arith.constant 736 : index
      %get3A_692 = tpu.vector_load %arg8[%get3A_690, %get3A_691] {strides = array<i32>} : memref<32x1024xf32, #tpu.memory_space<vmem>>, vector<1x16xf32>,
      %get3A_693 = vector.shape_cast %get3A_692 : vector<1x16xf32> to vector<16xf32>
      %add3A_694 = arith.addf %get3A_689, %get3A_693 : vector<16xf32>
      %swap3A_695 = arith.index_cast %scan3A_43 : i32 to index
      %swap3A_696 = arith.constant 736 : index
      %swap3A_697 = tpu.vector_load %arg7[%swap3A_695, %swap3A_696] {strides = array<i32>} : memref<32x1024xf32, #tpu.memory_space<vmem>>, vector<1x16xf32>,
      %swap3A_698 = vector.shape_cast %swap3A_697 : vector<1x16xf32> to vector<16xf32>
      %swap3A_699 = vector.shape_cast %add3A_694 : vector<16xf32> to vector<1x16xf32>
      tpu.vector_store %arg7[%swap3A_695, %swap3A_696], %swap3A_699 {strides = array<i32>} : memref<32x1024xf32, #tpu.memory_space<vmem>>, vector<1x16xf32>,
      %get3A_700 = arith.index_cast %scan3A_43 : i32 to index
      %get3A_701 = arith.constant 752 : index
      %get3A_702 = tpu.vector_load %arg7[%get3A_700, %get3A_701] {strides = array<i32>} : memref<32x1024xf32, #tpu.memory_space<vmem>>, vector<1x16xf32>,
      %get3A_703 = vector.shape_cast %get3A_702 : vector<1x16xf32> to vector<16xf32>
      %get3A_704 = arith.index_cast %scan3A_43 : i32 to index
      %get3A_705 = arith.constant 752 : index
      %get3A_706 = tpu.vector_load %arg8[%get3A_704, %get3A_705] {strides = array<i32>} : memref<32x1024xf32, #tpu.memory_space<vmem>>, vector<1x16xf32>,
      %get3A_707 = vector.shape_cast %get3A_706 : vector<1x16xf32> to vector<16xf32>
      %add3A_708 = arith.addf %get3A_703, %get3A_707 : vector<16xf32>
      %swap3A_709 = arith.index_cast %scan3A_43 : i32 to index
      %swap3A_710 = arith.constant 752 : index
      %swap3A_711 = tpu.vector_load %arg7[%swap3A_709, %swap3A_710] {strides = array<i32>} : memref<32x1024xf32, #tpu.memory_space<vmem>>, vector<1x16xf32>,
      %swap3A_712 = vector.shape_cast %swap3A_711 : vector<1x16xf32> to vector<16xf32>
      %swap3A_713 = vector.shape_cast %add3A_708 : vector<16xf32> to vector<1x16xf32>
      tpu.vector_store %arg7[%swap3A_709, %swap3A_710], %swap3A_713 {strides = array<i32>} : memref<32x1024xf32, #tpu.memory_space<vmem>>, vector<1x16xf32>,
      %get3A_714 = arith.index_cast %scan3A_43 : i32 to index
      %get3A_715 = arith.constant 768 : index
      %get3A_716 = tpu.vector_load %arg7[%get3A_714, %get3A_715] {strides = array<i32>} : memref<32x1024xf32, #tpu.memory_space<vmem>>, vector<1x16xf32>,
      %get3A_717 = vector.shape_cast %get3A_716 : vector<1x16xf32> to vector<16xf32>
      %get3A_718 = arith.index_cast %scan3A_43 : i32 to index
      %get3A_719 = arith.constant 768 : index
      %get3A_720 = tpu.vector_load %arg8[%get3A_718, %get3A_719] {strides = array<i32>} : memref<32x1024xf32, #tpu.memory_space<vmem>>, vector<1x16xf32>,
      %get3A_721 = vector.shape_cast %get3A_720 : vector<1x16xf32> to vector<16xf32>
      %add3A_722 = arith.addf %get3A_717, %get3A_721 : vector<16xf32>
      %swap3A_723 = arith.index_cast %scan3A_43 : i32 to index
      %swap3A_724 = arith.constant 768 : index
      %swap3A_725 = tpu.vector_load %arg7[%swap3A_723, %swap3A_724] {strides = array<i32>} : memref<32x1024xf32, #tpu.memory_space<vmem>>, vector<1x16xf32>,
      %swap3A_726 = vector.shape_cast %swap3A_725 : vector<1x16xf32> to vector<16xf32>
      %swap3A_727 = vector.shape_cast %add3A_722 : vector<16xf32> to vector<1x16xf32>
      tpu.vector_store %arg7[%swap3A_723, %swap3A_724], %swap3A_727 {strides = array<i32>} : memref<32x1024xf32, #tpu.memory_space<vmem>>, vector<1x16xf32>,
      %get3A_728 = arith.index_cast %scan3A_43 : i32 to index
      %get3A_729 = arith.constant 784 : index
      %get3A_730 = tpu.vector_load %arg7[%get3A_728, %get3A_729] {strides = array<i32>} : memref<32x1024xf32, #tpu.memory_space<vmem>>, vector<1x16xf32>,
      %get3A_731 = vector.shape_cast %get3A_730 : vector<1x16xf32> to vector<16xf32>
      %get3A_732 = arith.index_cast %scan3A_43 : i32 to index
      %get3A_733 = arith.constant 784 : index
      %get3A_734 = tpu.vector_load %arg8[%get3A_732, %get3A_733] {strides = array<i32>} : memref<32x1024xf32, #tpu.memory_space<vmem>>, vector<1x16xf32>,
      %get3A_735 = vector.shape_cast %get3A_734 : vector<1x16xf32> to vector<16xf32>
      %add3A_736 = arith.addf %get3A_731, %get3A_735 : vector<16xf32>
      %swap3A_737 = arith.index_cast %scan3A_43 : i32 to index
      %swap3A_738 = arith.constant 784 : index
      %swap3A_739 = tpu.vector_load %arg7[%swap3A_737, %swap3A_738] {strides = array<i32>} : memref<32x1024xf32, #tpu.memory_space<vmem>>, vector<1x16xf32>,
      %swap3A_740 = vector.shape_cast %swap3A_739 : vector<1x16xf32> to vector<16xf32>
      %swap3A_741 = vector.shape_cast %add3A_736 : vector<16xf32> to vector<1x16xf32>
      tpu.vector_store %arg7[%swap3A_737, %swap3A_738], %swap3A_741 {strides = array<i32>} : memref<32x1024xf32, #tpu.memory_space<vmem>>, vector<1x16xf32>,
      %get3A_742 = arith.index_cast %scan3A_43 : i32 to index
      %get3A_743 = arith.constant 800 : index
      %get3A_744 = tpu.vector_load %arg7[%get3A_742, %get3A_743] {strides = array<i32>} : memref<32x1024xf32, #tpu.memory_space<vmem>>, vector<1x16xf32>,
      %get3A_745 = vector.shape_cast %get3A_744 : vector<1x16xf32> to vector<16xf32>
      %get3A_746 = arith.index_cast %scan3A_43 : i32 to index
      %get3A_747 = arith.constant 800 : index
      %get3A_748 = tpu.vector_load %arg8[%get3A_746, %get3A_747] {strides = array<i32>} : memref<32x1024xf32, #tpu.memory_space<vmem>>, vector<1x16xf32>,
      %get3A_749 = vector.shape_cast %get3A_748 : vector<1x16xf32> to vector<16xf32>
      %add3A_750 = arith.addf %get3A_745, %get3A_749 : vector<16xf32>
      %swap3A_751 = arith.index_cast %scan3A_43 : i32 to index
      %swap3A_752 = arith.constant 800 : index
      %swap3A_753 = tpu.vector_load %arg7[%swap3A_751, %swap3A_752] {strides = array<i32>} : memref<32x1024xf32, #tpu.memory_space<vmem>>, vector<1x16xf32>,
      %swap3A_754 = vector.shape_cast %swap3A_753 : vector<1x16xf32> to vector<16xf32>
      %swap3A_755 = vector.shape_cast %add3A_750 : vector<16xf32> to vector<1x16xf32>
      tpu.vector_store %arg7[%swap3A_751, %swap3A_752], %swap3A_755 {strides = array<i32>} : memref<32x1024xf32, #tpu.memory_space<vmem>>, vector<1x16xf32>,
      %get3A_756 = arith.index_cast %scan3A_43 : i32 to index
      %get3A_757 = arith.constant 816 : index
      %get3A_758 = tpu.vector_load %arg7[%get3A_756, %get3A_757] {strides = array<i32>} : memref<32x1024xf32, #tpu.memory_space<vmem>>, vector<1x16xf32>,
      %get3A_759 = vector.shape_cast %get3A_758 : vector<1x16xf32> to vector<16xf32>
      %get3A_760 = arith.index_cast %scan3A_43 : i32 to index
      %get3A_761 = arith.constant 816 : index
      %get3A_762 = tpu.vector_load %arg8[%get3A_760, %get3A_761] {strides = array<i32>} : memref<32x1024xf32, #tpu.memory_space<vmem>>, vector<1x16xf32>,
      %get3A_763 = vector.shape_cast %get3A_762 : vector<1x16xf32> to vector<16xf32>
      %add3A_764 = arith.addf %get3A_759, %get3A_763 : vector<16xf32>
      %swap3A_765 = arith.index_cast %scan3A_43 : i32 to index
      %swap3A_766 = arith.constant 816 : index
      %swap3A_767 = tpu.vector_load %arg7[%swap3A_765, %swap3A_766] {strides = array<i32>} : memref<32x1024xf32, #tpu.memory_space<vmem>>, vector<1x16xf32>,
      %swap3A_768 = vector.shape_cast %swap3A_767 : vector<1x16xf32> to vector<16xf32>
      %swap3A_769 = vector.shape_cast %add3A_764 : vector<16xf32> to vector<1x16xf32>
      tpu.vector_store %arg7[%swap3A_765, %swap3A_766], %swap3A_769 {strides = array<i32>} : memref<32x1024xf32, #tpu.memory_space<vmem>>, vector<1x16xf32>,
      %get3A_770 = arith.index_cast %scan3A_43 : i32 to index
      %get3A_771 = arith.constant 832 : index
      %get3A_772 = tpu.vector_load %arg7[%get3A_770, %get3A_771] {strides = array<i32>} : memref<32x1024xf32, #tpu.memory_space<vmem>>, vector<1x16xf32>,
      %get3A_773 = vector.shape_cast %get3A_772 : vector<1x16xf32> to vector<16xf32>
      %get3A_774 = arith.index_cast %scan3A_43 : i32 to index
      %get3A_775 = arith.constant 832 : index
      %get3A_776 = tpu.vector_load %arg8[%get3A_774, %get3A_775] {strides = array<i32>} : memref<32x1024xf32, #tpu.memory_space<vmem>>, vector<1x16xf32>,
      %get3A_777 = vector.shape_cast %get3A_776 : vector<1x16xf32> to vector<16xf32>
      %add3A_778 = arith.addf %get3A_773, %get3A_777 : vector<16xf32>
      %swap3A_779 = arith.index_cast %scan3A_43 : i32 to index
      %swap3A_780 = arith.constant 832 : index
      %swap3A_781 = tpu.vector_load %arg7[%swap3A_779, %swap3A_780] {strides = array<i32>} : memref<32x1024xf32, #tpu.memory_space<vmem>>, vector<1x16xf32>,
      %swap3A_782 = vector.shape_cast %swap3A_781 : vector<1x16xf32> to vector<16xf32>
      %swap3A_783 = vector.shape_cast %add3A_778 : vector<16xf32> to vector<1x16xf32>
      tpu.vector_store %arg7[%swap3A_779, %swap3A_780], %swap3A_783 {strides = array<i32>} : memref<32x1024xf32, #tpu.memory_space<vmem>>, vector<1x16xf32>,
      %get3A_784 = arith.index_cast %scan3A_43 : i32 to index
      %get3A_785 = arith.constant 848 : index
      %get3A_786 = tpu.vector_load %arg7[%get3A_784, %get3A_785] {strides = array<i32>} : memref<32x1024xf32, #tpu.memory_space<vmem>>, vector<1x16xf32>,
      %get3A_787 = vector.shape_cast %get3A_786 : vector<1x16xf32> to vector<16xf32>
      %get3A_788 = arith.index_cast %scan3A_43 : i32 to index
      %get3A_789 = arith.constant 848 : index
      %get3A_790 = tpu.vector_load %arg8[%get3A_788, %get3A_789] {strides = array<i32>} : memref<32x1024xf32, #tpu.memory_space<vmem>>, vector<1x16xf32>,
      %get3A_791 = vector.shape_cast %get3A_790 : vector<1x16xf32> to vector<16xf32>
      %add3A_792 = arith.addf %get3A_787, %get3A_791 : vector<16xf32>
      %swap3A_793 = arith.index_cast %scan3A_43 : i32 to index
      %swap3A_794 = arith.constant 848 : index
      %swap3A_795 = tpu.vector_load %arg7[%swap3A_793, %swap3A_794] {strides = array<i32>} : memref<32x1024xf32, #tpu.memory_space<vmem>>, vector<1x16xf32>,
      %swap3A_796 = vector.shape_cast %swap3A_795 : vector<1x16xf32> to vector<16xf32>
      %swap3A_797 = vector.shape_cast %add3A_792 : vector<16xf32> to vector<1x16xf32>
      tpu.vector_store %arg7[%swap3A_793, %swap3A_794], %swap3A_797 {strides = array<i32>} : memref<32x1024xf32, #tpu.memory_space<vmem>>, vector<1x16xf32>,
      %get3A_798 = arith.index_cast %scan3A_43 : i32 to index
      %get3A_799 = arith.constant 864 : index
      %get3A_800 = tpu.vector_load %arg7[%get3A_798, %get3A_799] {strides = array<i32>} : memref<32x1024xf32, #tpu.memory_space<vmem>>, vector<1x16xf32>,
      %get3A_801 = vector.shape_cast %get3A_800 : vector<1x16xf32> to vector<16xf32>
      %get3A_802 = arith.index_cast %scan3A_43 : i32 to index
      %get3A_803 = arith.constant 864 : index
      %get3A_804 = tpu.vector_load %arg8[%get3A_802, %get3A_803] {strides = array<i32>} : memref<32x1024xf32, #tpu.memory_space<vmem>>, vector<1x16xf32>,
      %get3A_805 = vector.shape_cast %get3A_804 : vector<1x16xf32> to vector<16xf32>
      %add3A_806 = arith.addf %get3A_801, %get3A_805 : vector<16xf32>
      %swap3A_807 = arith.index_cast %scan3A_43 : i32 to index
      %swap3A_808 = arith.constant 864 : index
      %swap3A_809 = tpu.vector_load %arg7[%swap3A_807, %swap3A_808] {strides = array<i32>} : memref<32x1024xf32, #tpu.memory_space<vmem>>, vector<1x16xf32>,
      %swap3A_810 = vector.shape_cast %swap3A_809 : vector<1x16xf32> to vector<16xf32>
      %swap3A_811 = vector.shape_cast %add3A_806 : vector<16xf32> to vector<1x16xf32>
      tpu.vector_store %arg7[%swap3A_807, %swap3A_808], %swap3A_811 {strides = array<i32>} : memref<32x1024xf32, #tpu.memory_space<vmem>>, vector<1x16xf32>,
      %get3A_812 = arith.index_cast %scan3A_43 : i32 to index
      %get3A_813 = arith.constant 880 : index
      %get3A_814 = tpu.vector_load %arg7[%get3A_812, %get3A_813] {strides = array<i32>} : memref<32x1024xf32, #tpu.memory_space<vmem>>, vector<1x16xf32>,
      %get3A_815 = vector.shape_cast %get3A_814 : vector<1x16xf32> to vector<16xf32>
      %get3A_816 = arith.index_cast %scan3A_43 : i32 to index
      %get3A_817 = arith.constant 880 : index
      %get3A_818 = tpu.vector_load %arg8[%get3A_816, %get3A_817] {strides = array<i32>} : memref<32x1024xf32, #tpu.memory_space<vmem>>, vector<1x16xf32>,
      %get3A_819 = vector.shape_cast %get3A_818 : vector<1x16xf32> to vector<16xf32>
      %add3A_820 = arith.addf %get3A_815, %get3A_819 : vector<16xf32>
      %swap3A_821 = arith.index_cast %scan3A_43 : i32 to index
      %swap3A_822 = arith.constant 880 : index
      %swap3A_823 = tpu.vector_load %arg7[%swap3A_821, %swap3A_822] {strides = array<i32>} : memref<32x1024xf32, #tpu.memory_space<vmem>>, vector<1x16xf32>,
      %swap3A_824 = vector.shape_cast %swap3A_823 : vector<1x16xf32> to vector<16xf32>
      %swap3A_825 = vector.shape_cast %add3A_820 : vector<16xf32> to vector<1x16xf32>
      tpu.vector_store %arg7[%swap3A_821, %swap3A_822], %swap3A_825 {strides = array<i32>} : memref<32x1024xf32, #tpu.memory_space<vmem>>, vector<1x16xf32>,
      %get3A_826 = arith.index_cast %scan3A_43 : i32 to index
      %get3A_827 = arith.constant 896 : index
      %get3A_828 = tpu.vector_load %arg7[%get3A_826, %get3A_827] {strides = array<i32>} : memref<32x1024xf32, #tpu.memory_space<vmem>>, vector<1x16xf32>,
      %get3A_829 = vector.shape_cast %get3A_828 : vector<1x16xf32> to vector<16xf32>
      %get3A_830 = arith.index_cast %scan3A_43 : i32 to index
      %get3A_831 = arith.constant 896 : index
      %get3A_832 = tpu.vector_load %arg8[%get3A_830, %get3A_831] {strides = array<i32>} : memref<32x1024xf32, #tpu.memory_space<vmem>>, vector<1x16xf32>,
      %get3A_833 = vector.shape_cast %get3A_832 : vector<1x16xf32> to vector<16xf32>
      %add3A_834 = arith.addf %get3A_829, %get3A_833 : vector<16xf32>
      %swap3A_835 = arith.index_cast %scan3A_43 : i32 to index
      %swap3A_836 = arith.constant 896 : index
      %swap3A_837 = tpu.vector_load %arg7[%swap3A_835, %swap3A_836] {strides = array<i32>} : memref<32x1024xf32, #tpu.memory_space<vmem>>, vector<1x16xf32>,
      %swap3A_838 = vector.shape_cast %swap3A_837 : vector<1x16xf32> to vector<16xf32>
      %swap3A_839 = vector.shape_cast %add3A_834 : vector<16xf32> to vector<1x16xf32>
      tpu.vector_store %arg7[%swap3A_835, %swap3A_836], %swap3A_839 {strides = array<i32>} : memref<32x1024xf32, #tpu.memory_space<vmem>>, vector<1x16xf32>,
      %get3A_840 = arith.index_cast %scan3A_43 : i32 to index
      %get3A_841 = arith.constant 912 : index
      %get3A_842 = tpu.vector_load %arg7[%get3A_840, %get3A_841] {strides = array<i32>} : memref<32x1024xf32, #tpu.memory_space<vmem>>, vector<1x16xf32>,
      %get3A_843 = vector.shape_cast %get3A_842 : vector<1x16xf32> to vector<16xf32>
      %get3A_844 = arith.index_cast %scan3A_43 : i32 to index
      %get3A_845 = arith.constant 912 : index
      %get3A_846 = tpu.vector_load %arg8[%get3A_844, %get3A_845] {strides = array<i32>} : memref<32x1024xf32, #tpu.memory_space<vmem>>, vector<1x16xf32>,
      %get3A_847 = vector.shape_cast %get3A_846 : vector<1x16xf32> to vector<16xf32>
      %add3A_848 = arith.addf %get3A_843, %get3A_847 : vector<16xf32>
      %swap3A_849 = arith.index_cast %scan3A_43 : i32 to index
      %swap3A_850 = arith.constant 912 : index
      %swap3A_851 = tpu.vector_load %arg7[%swap3A_849, %swap3A_850] {strides = array<i32>} : memref<32x1024xf32, #tpu.memory_space<vmem>>, vector<1x16xf32>,
      %swap3A_852 = vector.shape_cast %swap3A_851 : vector<1x16xf32> to vector<16xf32>
      %swap3A_853 = vector.shape_cast %add3A_848 : vector<16xf32> to vector<1x16xf32>
      tpu.vector_store %arg7[%swap3A_849, %swap3A_850], %swap3A_853 {strides = array<i32>} : memref<32x1024xf32, #tpu.memory_space<vmem>>, vector<1x16xf32>,
      %get3A_854 = arith.index_cast %scan3A_43 : i32 to index
      %get3A_855 = arith.constant 928 : index
      %get3A_856 = tpu.vector_load %arg7[%get3A_854, %get3A_855] {strides = array<i32>} : memref<32x1024xf32, #tpu.memory_space<vmem>>, vector<1x16xf32>,
      %get3A_857 = vector.shape_cast %get3A_856 : vector<1x16xf32> to vector<16xf32>
      %get3A_858 = arith.index_cast %scan3A_43 : i32 to index
      %get3A_859 = arith.constant 928 : index
      %get3A_860 = tpu.vector_load %arg8[%get3A_858, %get3A_859] {strides = array<i32>} : memref<32x1024xf32, #tpu.memory_space<vmem>>, vector<1x16xf32>,
      %get3A_861 = vector.shape_cast %get3A_860 : vector<1x16xf32> to vector<16xf32>
      %add3A_862 = arith.addf %get3A_857, %get3A_861 : vector<16xf32>
      %swap3A_863 = arith.index_cast %scan3A_43 : i32 to index
      %swap3A_864 = arith.constant 928 : index
      %swap3A_865 = tpu.vector_load %arg7[%swap3A_863, %swap3A_864] {strides = array<i32>} : memref<32x1024xf32, #tpu.memory_space<vmem>>, vector<1x16xf32>,
      %swap3A_866 = vector.shape_cast %swap3A_865 : vector<1x16xf32> to vector<16xf32>
      %swap3A_867 = vector.shape_cast %add3A_862 : vector<16xf32> to vector<1x16xf32>
      tpu.vector_store %arg7[%swap3A_863, %swap3A_864], %swap3A_867 {strides = array<i32>} : memref<32x1024xf32, #tpu.memory_space<vmem>>, vector<1x16xf32>,
      %get3A_868 = arith.index_cast %scan3A_43 : i32 to index
      %get3A_869 = arith.constant 944 : index
      %get3A_870 = tpu.vector_load %arg7[%get3A_868, %get3A_869] {strides = array<i32>} : memref<32x1024xf32, #tpu.memory_space<vmem>>, vector<1x16xf32>,
      %get3A_871 = vector.shape_cast %get3A_870 : vector<1x16xf32> to vector<16xf32>
      %get3A_872 = arith.index_cast %scan3A_43 : i32 to index
      %get3A_873 = arith.constant 944 : index
      %get3A_874 = tpu.vector_load %arg8[%get3A_872, %get3A_873] {strides = array<i32>} : memref<32x1024xf32, #tpu.memory_space<vmem>>, vector<1x16xf32>,
      %get3A_875 = vector.shape_cast %get3A_874 : vector<1x16xf32> to vector<16xf32>
      %add3A_876 = arith.addf %get3A_871, %get3A_875 : vector<16xf32>
      %swap3A_877 = arith.index_cast %scan3A_43 : i32 to index
      %swap3A_878 = arith.constant 944 : index
      %swap3A_879 = tpu.vector_load %arg7[%swap3A_877, %swap3A_878] {strides = array<i32>} : memref<32x1024xf32, #tpu.memory_space<vmem>>, vector<1x16xf32>,
      %swap3A_880 = vector.shape_cast %swap3A_879 : vector<1x16xf32> to vector<16xf32>
      %swap3A_881 = vector.shape_cast %add3A_876 : vector<16xf32> to vector<1x16xf32>
      tpu.vector_store %arg7[%swap3A_877, %swap3A_878], %swap3A_881 {strides = array<i32>} : memref<32x1024xf32, #tpu.memory_space<vmem>>, vector<1x16xf32>,
      %get3A_882 = arith.index_cast %scan3A_43 : i32 to index
      %get3A_883 = arith.constant 960 : index
      %get3A_884 = tpu.vector_load %arg7[%get3A_882, %get3A_883] {strides = array<i32>} : memref<32x1024xf32, #tpu.memory_space<vmem>>, vector<1x16xf32>,
      %get3A_885 = vector.shape_cast %get3A_884 : vector<1x16xf32> to vector<16xf32>
      %get3A_886 = arith.index_cast %scan3A_43 : i32 to index
      %get3A_887 = arith.constant 960 : index
      %get3A_888 = tpu.vector_load %arg8[%get3A_886, %get3A_887] {strides = array<i32>} : memref<32x1024xf32, #tpu.memory_space<vmem>>, vector<1x16xf32>,
      %get3A_889 = vector.shape_cast %get3A_888 : vector<1x16xf32> to vector<16xf32>
      %add3A_890 = arith.addf %get3A_885, %get3A_889 : vector<16xf32>
      %swap3A_891 = arith.index_cast %scan3A_43 : i32 to index
      %swap3A_892 = arith.constant 960 : index
      %swap3A_893 = tpu.vector_load %arg7[%swap3A_891, %swap3A_892] {strides = array<i32>} : memref<32x1024xf32, #tpu.memory_space<vmem>>, vector<1x16xf32>,
      %swap3A_894 = vector.shape_cast %swap3A_893 : vector<1x16xf32> to vector<16xf32>
      %swap3A_895 = vector.shape_cast %add3A_890 : vector<16xf32> to vector<1x16xf32>
      tpu.vector_store %arg7[%swap3A_891, %swap3A_892], %swap3A_895 {strides = array<i32>} : memref<32x1024xf32, #tpu.memory_space<vmem>>, vector<1x16xf32>,
      %get3A_896 = arith.index_cast %scan3A_43 : i32 to index
      %get3A_897 = arith.constant 976 : index
      %get3A_898 = tpu.vector_load %arg7[%get3A_896, %get3A_897] {strides = array<i32>} : memref<32x1024xf32, #tpu.memory_space<vmem>>, vector<1x16xf32>,
      %get3A_899 = vector.shape_cast %get3A_898 : vector<1x16xf32> to vector<16xf32>
      %get3A_900 = arith.index_cast %scan3A_43 : i32 to index
      %get3A_901 = arith.constant 976 : index
      %get3A_902 = tpu.vector_load %arg8[%get3A_900, %get3A_901] {strides = array<i32>} : memref<32x1024xf32, #tpu.memory_space<vmem>>, vector<1x16xf32>,
      %get3A_903 = vector.shape_cast %get3A_902 : vector<1x16xf32> to vector<16xf32>
      %add3A_904 = arith.addf %get3A_899, %get3A_903 : vector<16xf32>
      %swap3A_905 = arith.index_cast %scan3A_43 : i32 to index
      %swap3A_906 = arith.constant 976 : index
      %swap3A_907 = tpu.vector_load %arg7[%swap3A_905, %swap3A_906] {strides = array<i32>} : memref<32x1024xf32, #tpu.memory_space<vmem>>, vector<1x16xf32>,
      %swap3A_908 = vector.shape_cast %swap3A_907 : vector<1x16xf32> to vector<16xf32>
      %swap3A_909 = vector.shape_cast %add3A_904 : vector<16xf32> to vector<1x16xf32>
      tpu.vector_store %arg7[%swap3A_905, %swap3A_906], %swap3A_909 {strides = array<i32>} : memref<32x1024xf32, #tpu.memory_space<vmem>>, vector<1x16xf32>,
      %get3A_910 = arith.index_cast %scan3A_43 : i32 to index
      %get3A_911 = arith.constant 992 : index
      %get3A_912 = tpu.vector_load %arg7[%get3A_910, %get3A_911] {strides = array<i32>} : memref<32x1024xf32, #tpu.memory_space<vmem>>, vector<1x16xf32>,
      %get3A_913 = vector.shape_cast %get3A_912 : vector<1x16xf32> to vector<16xf32>
      %get3A_914 = arith.index_cast %scan3A_43 : i32 to index
      %get3A_915 = arith.constant 992 : index
      %get3A_916 = tpu.vector_load %arg8[%get3A_914, %get3A_915] {strides = array<i32>} : memref<32x1024xf32, #tpu.memory_space<vmem>>, vector<1x16xf32>,
      %get3A_917 = vector.shape_cast %get3A_916 : vector<1x16xf32> to vector<16xf32>
      %add3A_918 = arith.addf %get3A_913, %get3A_917 : vector<16xf32>
      %swap3A_919 = arith.index_cast %scan3A_43 : i32 to index
      %swap3A_920 = arith.constant 992 : index
      %swap3A_921 = tpu.vector_load %arg7[%swap3A_919, %swap3A_920] {strides = array<i32>} : memref<32x1024xf32, #tpu.memory_space<vmem>>, vector<1x16xf32>,
      %swap3A_922 = vector.shape_cast %swap3A_921 : vector<1x16xf32> to vector<16xf32>
      %swap3A_923 = vector.shape_cast %add3A_918 : vector<16xf32> to vector<1x16xf32>
      tpu.vector_store %arg7[%swap3A_919, %swap3A_920], %swap3A_923 {strides = array<i32>} : memref<32x1024xf32, #tpu.memory_space<vmem>>, vector<1x16xf32>,
      %get3A_924 = arith.index_cast %scan3A_43 : i32 to index
      %get3A_925 = arith.constant 1008 : index
      %get3A_926 = tpu.vector_load %arg7[%get3A_924, %get3A_925] {strides = array<i32>} : memref<32x1024xf32, #tpu.memory_space<vmem>>, vector<1x16xf32>,
      %get3A_927 = vector.shape_cast %get3A_926 : vector<1x16xf32> to vector<16xf32>
      %get3A_928 = arith.index_cast %scan3A_43 : i32 to index
      %get3A_929 = arith.constant 1008 : index
      %get3A_930 = tpu.vector_load %arg8[%get3A_928, %get3A_929] {strides = array<i32>} : memref<32x1024xf32, #tpu.memory_space<vmem>>, vector<1x16xf32>,
      %get3A_931 = vector.shape_cast %get3A_930 : vector<1x16xf32> to vector<16xf32>
      %add3A_932 = arith.addf %get3A_927, %get3A_931 : vector<16xf32>
      %swap3A_933 = arith.index_cast %scan3A_43 : i32 to index
      %swap3A_934 = arith.constant 1008 : index
      %swap3A_935 = tpu.vector_load %arg7[%swap3A_933, %swap3A_934] {strides = array<i32>} : memref<32x1024xf32, #tpu.memory_space<vmem>>, vector<1x16xf32>,
      %swap3A_936 = vector.shape_cast %swap3A_935 : vector<1x16xf32> to vector<16xf32>
      %swap3A_937 = vector.shape_cast %add3A_932 : vector<16xf32> to vector<1x16xf32>
      tpu.vector_store %arg7[%swap3A_933, %swap3A_934], %swap3A_937 {strides = array<i32>} : memref<32x1024xf32, #tpu.memory_space<vmem>>, vector<1x16xf32>,
    }
    %scan3A_18 = arith.constant 32 : i32
    "tpu.region"() ({
      %run_scoped3A = tpu.sem_alloc : memref<!tpu.dma_semaphore, #tpu.memory_space<semaphore_mem>>
      %dma_start3A_43 = arith.constant 0 : i32
      %dma_start3A_44 = tpu.memref_slice %arg5[%add3A_4, %dma_start3A_43] : memref<2048x1024xf32, #tpu.memory_space<hbm>> -> memref<32x1024xf32, #tpu.memory_space<hbm>>
      %dma_start3A_45 = arith.constant 0 : i32
      %dma_start3A_46 = tpu.memref_slice %arg5[%add3A_4, %dma_start3A_45] : memref<2048x1024xf32, #tpu.memory_space<hbm>> -> memref<32x1024xf32, #tpu.memory_space<hbm>>
      tpu.enqueue_dma source(%arg7 : memref<32x1024xf32, #tpu.memory_space<vmem>>) target(%dma_start3A_46 : memref<32x1024xf32, #tpu.memory_space<hbm>>) target_semaphore(%run_scoped3A : memref<!tpu.dma_semaphore, #tpu.memory_space<semaphore_mem>>)
      %dma_wait3A_47 = arith.constant 0 : i32
      %dma_wait3A_48 = tpu.memref_slice %arg5[%add3A_4, %dma_wait3A_47] : memref<2048x1024xf32, #tpu.memory_space<hbm>> -> memref<32x1024xf32, #tpu.memory_space<hbm>>
      %dma_wait3A_49 = arith.constant 0 : i32
      %dma_wait3A_50 = tpu.memref_slice %arg5[%add3A_4, %dma_wait3A_49] : memref<2048x1024xf32, #tpu.memory_space<hbm>> -> memref<32x1024xf32, #tpu.memory_space<hbm>>
      tpu.wait_dma2 semaphore(%run_scoped3A : memref<!tpu.dma_semaphore, #tpu.memory_space<semaphore_mem>>) src(%arg7 : memref<32x1024xf32, #tpu.memory_space<vmem>>) dst(%dma_wait3A_50 : memref<32x1024xf32, #tpu.memory_space<hbm>>)
      tpu.yield
    }) : () -> ()
    %mul3A_19 = arith.constant 1024 : i32
    %mul3A_20 = arith.muli %arg0, %mul3A_19 : i32
    %mul3A_21 = arith.constant 64 : i32
    %mul3A_22 = arith.muli %arg1, %mul3A_21 : i32
    %add3A_23 = arith.addi %mul3A_20, %mul3A_22 : i32
    %add3A_24 = arith.constant 32 : i32
    %add3A_25 = arith.addi %add3A_23, %add3A_24 : i32
    "tpu.region"() ({
      %run_scoped3A = tpu.sem_alloc : memref<!tpu.dma_semaphore, #tpu.memory_space<semaphore_mem>>
      %dma_start3A_43 = tpu.memref_slice %arg3[%add3A_25] : memref<2048xi32, #tpu.memory_space<hbm>> -> memref<32xi32, #tpu.memory_space<hbm>>
      %dma_start3A_44 = tpu.memref_slice %arg3[%add3A_25] : memref<2048xi32, #tpu.memory_space<hbm>> -> memref<32xi32, #tpu.memory_space<hbm>>
      tpu.enqueue_dma source(%dma_start3A_44 : memref<32xi32, #tpu.memory_space<hbm>>) target(%arg6 : memref<32xi32, #tpu.memory_space<vmem>>) target_semaphore(%run_scoped3A : memref<!tpu.dma_semaphore, #tpu.memory_space<semaphore_mem>>)
      %dma_wait3A_45 = tpu.memref_slice %arg3[%add3A_25] : memref<2048xi32, #tpu.memory_space<hbm>> -> memref<32xi32, #tpu.memory_space<hbm>>
      %dma_wait3A_46 = tpu.memref_slice %arg3[%add3A_25] : memref<2048xi32, #tpu.memory_space<hbm>> -> memref<32xi32, #tpu.memory_space<hbm>>
      tpu.wait_dma2 semaphore(%run_scoped3A : memref<!tpu.dma_semaphore, #tpu.memory_space<semaphore_mem>>) src(%dma_wait3A_46 : memref<32xi32, #tpu.memory_space<hbm>>) dst(%arg6 : memref<32xi32, #tpu.memory_space<vmem>>)
      tpu.yield
    }) : () -> ()
    %dma_start3A_26 = arith.constant 0 : i32
    %dma_start3A_27 = arith.constant 0 : i32
    %dma_start3A_28 = tpu.memref_slice %arg2[%dma_start3A_26, %dma_start3A_27] : memref<8192x1024xf32, #tpu.memory_space<hbm>> -> memref<8192x1024xf32, #tpu.memory_space<hbm>>
    tpu.enqueue_indirect_dma source(%dma_start3A_28 : memref<8192x1024xf32, #tpu.memory_space<hbm>>) target(%arg7 : memref<32x1024xf32, #tpu.memory_space<vmem>>) offsets(%arg6 : memref<32xi32, #tpu.memory_space<vmem>>) semaphore(%arg9 : memref<!tpu.dma_semaphore, #tpu.memory_space<semaphore_mem>>)
    %dma_wait3A_29 = arith.constant 0 : i32
    %dma_wait3A_30 = arith.constant 0 : i32
    %dma_wait3A_31 = tpu.memref_slice %arg2[%dma_wait3A_29, %dma_wait3A_30] : memref<8192x1024xf32, #tpu.memory_space<hbm>> -> memref<8192x1024xf32, #tpu.memory_space<hbm>>
    tpu.wait_indirect_dma semaphore(%arg9 : memref<!tpu.dma_semaphore, #tpu.memory_space<semaphore_mem>>) src(%dma_wait3A_31 : memref<8192x1024xf32, #tpu.memory_space<hbm>>) dst(%arg7 : memref<32x1024xf32, #tpu.memory_space<vmem>>)
    "tpu.region"() ({
      %run_scoped3A = tpu.sem_alloc : memref<!tpu.dma_semaphore, #tpu.memory_space<semaphore_mem>>
      %dma_start3A_43 = tpu.memref_slice %arg4[%add3A_25] : memref<2048xi32, #tpu.memory_space<hbm>> -> memref<32xi32, #tpu.memory_space<hbm>>
      %dma_start3A_44 = tpu.memref_slice %arg4[%add3A_25] : memref<2048xi32, #tpu.memory_space<hbm>> -> memref<32xi32, #tpu.memory_space<hbm>>
      tpu.enqueue_dma source(%dma_start3A_44 : memref<32xi32, #tpu.memory_space<hbm>>) target(%arg6 : memref<32xi32, #tpu.memory_space<vmem>>) target_semaphore(%run_scoped3A : memref<!tpu.dma_semaphore, #tpu.memory_space<semaphore_mem>>)
      %dma_wait3A_45 = tpu.memref_slice %arg4[%add3A_25] : memref<2048xi32, #tpu.memory_space<hbm>> -> memref<32xi32, #tpu.memory_space<hbm>>
      %dma_wait3A_46 = tpu.memref_slice %arg4[%add3A_25] : memref<2048xi32, #tpu.memory_space<hbm>> -> memref<32xi32, #tpu.memory_space<hbm>>
      tpu.wait_dma2 semaphore(%run_scoped3A : memref<!tpu.dma_semaphore, #tpu.memory_space<semaphore_mem>>) src(%dma_wait3A_46 : memref<32xi32, #tpu.memory_space<hbm>>) dst(%arg6 : memref<32xi32, #tpu.memory_space<vmem>>)
      tpu.yield
    }) : () -> ()
    %dma_start3A_32 = arith.constant 0 : i32
    %dma_start3A_33 = arith.constant 0 : i32
    %dma_start3A_34 = tpu.memref_slice %arg2[%dma_start3A_32, %dma_start3A_33] : memref<8192x1024xf32, #tpu.memory_space<hbm>> -> memref<8192x1024xf32, #tpu.memory_space<hbm>>
    tpu.enqueue_indirect_dma source(%dma_start3A_34 : memref<8192x1024xf32, #tpu.memory_space<hbm>>) target(%arg8 : memref<32x1024xf32, #tpu.memory_space<vmem>>) offsets(%arg6 : memref<32xi32, #tpu.memory_space<vmem>>) semaphore(%arg9 : memref<!tpu.dma_semaphore, #tpu.memory_space<semaphore_mem>>)
    %dma_wait3A_35 = arith.constant 0 : i32
    %dma_wait3A_36 = arith.constant 0 : i32
    %dma_wait3A_37 = tpu.memref_slice %arg2[%dma_wait3A_35, %dma_wait3A_36] : memref<8192x1024xf32, #tpu.memory_space<hbm>> -> memref<8192x1024xf32, #tpu.memory_space<hbm>>
    tpu.wait_indirect_dma semaphore(%arg9 : memref<!tpu.dma_semaphore, #tpu.memory_space<semaphore_mem>>) src(%dma_wait3A_37 : memref<8192x1024xf32, #tpu.memory_space<hbm>>) dst(%arg8 : memref<32x1024xf32, #tpu.memory_space<vmem>>)
    %scan3A_38 = arith.constant 0 : i32
    %scan3A_39 = arith.constant 32 : i32
    %scan3A_40 = arith.addi %scan3A_38, %scan3A_39 : i32
    %scan3A_41 = arith.constant 1 : i32
    scf.for %scan3A_43 = %scan3A_38 to %scan3A_40 step %scan3A_41  : i32 {
      %get3A = arith.index_cast %scan3A_43 : i32 to index
      %get3A_44 = arith.constant 0 : index
      %get3A_45 = tpu.vector_load %arg7[%get3A, %get3A_44] {strides = array<i32>} : memref<32x1024xf32, #tpu.memory_space<vmem>>, vector<1x16xf32>,
      %get3A_46 = vector.shape_cast %get3A_45 : vector<1x16xf32> to vector<16xf32>
      %get3A_47 = arith.index_cast %scan3A_43 : i32 to index
      %get3A_48 = arith.constant 0 : index
      %get3A_49 = tpu.vector_load %arg8[%get3A_47, %get3A_48] {strides = array<i32>} : memref<32x1024xf32, #tpu.memory_space<vmem>>, vector<1x16xf32>,
      %get3A_50 = vector.shape_cast %get3A_49 : vector<1x16xf32> to vector<16xf32>
      %add3A_51 = arith.addf %get3A_46, %get3A_50 : vector<16xf32>
      %swap3A = arith.index_cast %scan3A_43 : i32 to index
      %swap3A_52 = arith.constant 0 : index
      %swap3A_53 = tpu.vector_load %arg7[%swap3A, %swap3A_52] {strides = array<i32>} : memref<32x1024xf32, #tpu.memory_space<vmem>>, vector<1x16xf32>,
      %swap3A_54 = vector.shape_cast %swap3A_53 : vector<1x16xf32> to vector<16xf32>
      %swap3A_55 = vector.shape_cast %add3A_51 : vector<16xf32> to vector<1x16xf32>
      tpu.vector_store %arg7[%swap3A, %swap3A_52], %swap3A_55 {strides = array<i32>} : memref<32x1024xf32, #tpu.memory_space<vmem>>, vector<1x16xf32>,
      %get3A_56 = arith.index_cast %scan3A_43 : i32 to index
      %get3A_57 = arith.constant 16 : index
      %get3A_58 = tpu.vector_load %arg7[%get3A_56, %get3A_57] {strides = array<i32>} : memref<32x1024xf32, #tpu.memory_space<vmem>>, vector<1x16xf32>,
      %get3A_59 = vector.shape_cast %get3A_58 : vector<1x16xf32> to vector<16xf32>
      %get3A_60 = arith.index_cast %scan3A_43 : i32 to index
      %get3A_61 = arith.constant 16 : index
      %get3A_62 = tpu.vector_load %arg8[%get3A_60, %get3A_61] {strides = array<i32>} : memref<32x1024xf32, #tpu.memory_space<vmem>>, vector<1x16xf32>,
      %get3A_63 = vector.shape_cast %get3A_62 : vector<1x16xf32> to vector<16xf32>
      %add3A_64 = arith.addf %get3A_59, %get3A_63 : vector<16xf32>
      %swap3A_65 = arith.index_cast %scan3A_43 : i32 to index
      %swap3A_66 = arith.constant 16 : index
      %swap3A_67 = tpu.vector_load %arg7[%swap3A_65, %swap3A_66] {strides = array<i32>} : memref<32x1024xf32, #tpu.memory_space<vmem>>, vector<1x16xf32>,
      %swap3A_68 = vector.shape_cast %swap3A_67 : vector<1x16xf32> to vector<16xf32>
      %swap3A_69 = vector.shape_cast %add3A_64 : vector<16xf32> to vector<1x16xf32>
      tpu.vector_store %arg7[%swap3A_65, %swap3A_66], %swap3A_69 {strides = array<i32>} : memref<32x1024xf32, #tpu.memory_space<vmem>>, vector<1x16xf32>,
      %get3A_70 = arith.index_cast %scan3A_43 : i32 to index
      %get3A_71 = arith.constant 32 : index
      %get3A_72 = tpu.vector_load %arg7[%get3A_70, %get3A_71] {strides = array<i32>} : memref<32x1024xf32, #tpu.memory_space<vmem>>, vector<1x16xf32>,
      %get3A_73 = vector.shape_cast %get3A_72 : vector<1x16xf32> to vector<16xf32>
      %get3A_74 = arith.index_cast %scan3A_43 : i32 to index
      %get3A_75 = arith.constant 32 : index
      %get3A_76 = tpu.vector_load %arg8[%get3A_74, %get3A_75] {strides = array<i32>} : memref<32x1024xf32, #tpu.memory_space<vmem>>, vector<1x16xf32>,
      %get3A_77 = vector.shape_cast %get3A_76 : vector<1x16xf32> to vector<16xf32>
      %add3A_78 = arith.addf %get3A_73, %get3A_77 : vector<16xf32>
      %swap3A_79 = arith.index_cast %scan3A_43 : i32 to index
      %swap3A_80 = arith.constant 32 : index
      %swap3A_81 = tpu.vector_load %arg7[%swap3A_79, %swap3A_80] {strides = array<i32>} : memref<32x1024xf32, #tpu.memory_space<vmem>>, vector<1x16xf32>,
      %swap3A_82 = vector.shape_cast %swap3A_81 : vector<1x16xf32> to vector<16xf32>
      %swap3A_83 = vector.shape_cast %add3A_78 : vector<16xf32> to vector<1x16xf32>
      tpu.vector_store %arg7[%swap3A_79, %swap3A_80], %swap3A_83 {strides = array<i32>} : memref<32x1024xf32, #tpu.memory_space<vmem>>, vector<1x16xf32>,
      %get3A_84 = arith.index_cast %scan3A_43 : i32 to index
      %get3A_85 = arith.constant 48 : index
      %get3A_86 = tpu.vector_load %arg7[%get3A_84, %get3A_85] {strides = array<i32>} : memref<32x1024xf32, #tpu.memory_space<vmem>>, vector<1x16xf32>,
      %get3A_87 = vector.shape_cast %get3A_86 : vector<1x16xf32> to vector<16xf32>
      %get3A_88 = arith.index_cast %scan3A_43 : i32 to index
      %get3A_89 = arith.constant 48 : index
      %get3A_90 = tpu.vector_load %arg8[%get3A_88, %get3A_89] {strides = array<i32>} : memref<32x1024xf32, #tpu.memory_space<vmem>>, vector<1x16xf32>,
      %get3A_91 = vector.shape_cast %get3A_90 : vector<1x16xf32> to vector<16xf32>
      %add3A_92 = arith.addf %get3A_87, %get3A_91 : vector<16xf32>
      %swap3A_93 = arith.index_cast %scan3A_43 : i32 to index
      %swap3A_94 = arith.constant 48 : index
      %swap3A_95 = tpu.vector_load %arg7[%swap3A_93, %swap3A_94] {strides = array<i32>} : memref<32x1024xf32, #tpu.memory_space<vmem>>, vector<1x16xf32>,
      %swap3A_96 = vector.shape_cast %swap3A_95 : vector<1x16xf32> to vector<16xf32>
      %swap3A_97 = vector.shape_cast %add3A_92 : vector<16xf32> to vector<1x16xf32>
      tpu.vector_store %arg7[%swap3A_93, %swap3A_94], %swap3A_97 {strides = array<i32>} : memref<32x1024xf32, #tpu.memory_space<vmem>>, vector<1x16xf32>,
      %get3A_98 = arith.index_cast %scan3A_43 : i32 to index
      %get3A_99 = arith.constant 64 : index
      %get3A_100 = tpu.vector_load %arg7[%get3A_98, %get3A_99] {strides = array<i32>} : memref<32x1024xf32, #tpu.memory_space<vmem>>, vector<1x16xf32>,
      %get3A_101 = vector.shape_cast %get3A_100 : vector<1x16xf32> to vector<16xf32>
      %get3A_102 = arith.index_cast %scan3A_43 : i32 to index
      %get3A_103 = arith.constant 64 : index
      %get3A_104 = tpu.vector_load %arg8[%get3A_102, %get3A_103] {strides = array<i32>} : memref<32x1024xf32, #tpu.memory_space<vmem>>, vector<1x16xf32>,
      %get3A_105 = vector.shape_cast %get3A_104 : vector<1x16xf32> to vector<16xf32>
      %add3A_106 = arith.addf %get3A_101, %get3A_105 : vector<16xf32>
      %swap3A_107 = arith.index_cast %scan3A_43 : i32 to index
      %swap3A_108 = arith.constant 64 : index
      %swap3A_109 = tpu.vector_load %arg7[%swap3A_107, %swap3A_108] {strides = array<i32>} : memref<32x1024xf32, #tpu.memory_space<vmem>>, vector<1x16xf32>,
      %swap3A_110 = vector.shape_cast %swap3A_109 : vector<1x16xf32> to vector<16xf32>
      %swap3A_111 = vector.shape_cast %add3A_106 : vector<16xf32> to vector<1x16xf32>
      tpu.vector_store %arg7[%swap3A_107, %swap3A_108], %swap3A_111 {strides = array<i32>} : memref<32x1024xf32, #tpu.memory_space<vmem>>, vector<1x16xf32>,
      %get3A_112 = arith.index_cast %scan3A_43 : i32 to index
      %get3A_113 = arith.constant 80 : index
      %get3A_114 = tpu.vector_load %arg7[%get3A_112, %get3A_113] {strides = array<i32>} : memref<32x1024xf32, #tpu.memory_space<vmem>>, vector<1x16xf32>,
      %get3A_115 = vector.shape_cast %get3A_114 : vector<1x16xf32> to vector<16xf32>
      %get3A_116 = arith.index_cast %scan3A_43 : i32 to index
      %get3A_117 = arith.constant 80 : index
      %get3A_118 = tpu.vector_load %arg8[%get3A_116, %get3A_117] {strides = array<i32>} : memref<32x1024xf32, #tpu.memory_space<vmem>>, vector<1x16xf32>,
      %get3A_119 = vector.shape_cast %get3A_118 : vector<1x16xf32> to vector<16xf32>
      %add3A_120 = arith.addf %get3A_115, %get3A_119 : vector<16xf32>
      %swap3A_121 = arith.index_cast %scan3A_43 : i32 to index
      %swap3A_122 = arith.constant 80 : index
      %swap3A_123 = tpu.vector_load %arg7[%swap3A_121, %swap3A_122] {strides = array<i32>} : memref<32x1024xf32, #tpu.memory_space<vmem>>, vector<1x16xf32>,
      %swap3A_124 = vector.shape_cast %swap3A_123 : vector<1x16xf32> to vector<16xf32>
      %swap3A_125 = vector.shape_cast %add3A_120 : vector<16xf32> to vector<1x16xf32>
      tpu.vector_store %arg7[%swap3A_121, %swap3A_122], %swap3A_125 {strides = array<i32>} : memref<32x1024xf32, #tpu.memory_space<vmem>>, vector<1x16xf32>,
      %get3A_126 = arith.index_cast %scan3A_43 : i32 to index
      %get3A_127 = arith.constant 96 : index
      %get3A_128 = tpu.vector_load %arg7[%get3A_126, %get3A_127] {strides = array<i32>} : memref<32x1024xf32, #tpu.memory_space<vmem>>, vector<1x16xf32>,
      %get3A_129 = vector.shape_cast %get3A_128 : vector<1x16xf32> to vector<16xf32>
      %get3A_130 = arith.index_cast %scan3A_43 : i32 to index
      %get3A_131 = arith.constant 96 : index
      %get3A_132 = tpu.vector_load %arg8[%get3A_130, %get3A_131] {strides = array<i32>} : memref<32x1024xf32, #tpu.memory_space<vmem>>, vector<1x16xf32>,
      %get3A_133 = vector.shape_cast %get3A_132 : vector<1x16xf32> to vector<16xf32>
      %add3A_134 = arith.addf %get3A_129, %get3A_133 : vector<16xf32>
      %swap3A_135 = arith.index_cast %scan3A_43 : i32 to index
      %swap3A_136 = arith.constant 96 : index
      %swap3A_137 = tpu.vector_load %arg7[%swap3A_135, %swap3A_136] {strides = array<i32>} : memref<32x1024xf32, #tpu.memory_space<vmem>>, vector<1x16xf32>,
      %swap3A_138 = vector.shape_cast %swap3A_137 : vector<1x16xf32> to vector<16xf32>
      %swap3A_139 = vector.shape_cast %add3A_134 : vector<16xf32> to vector<1x16xf32>
      tpu.vector_store %arg7[%swap3A_135, %swap3A_136], %swap3A_139 {strides = array<i32>} : memref<32x1024xf32, #tpu.memory_space<vmem>>, vector<1x16xf32>,
      %get3A_140 = arith.index_cast %scan3A_43 : i32 to index
      %get3A_141 = arith.constant 112 : index
      %get3A_142 = tpu.vector_load %arg7[%get3A_140, %get3A_141] {strides = array<i32>} : memref<32x1024xf32, #tpu.memory_space<vmem>>, vector<1x16xf32>,
      %get3A_143 = vector.shape_cast %get3A_142 : vector<1x16xf32> to vector<16xf32>
      %get3A_144 = arith.index_cast %scan3A_43 : i32 to index
      %get3A_145 = arith.constant 112 : index
      %get3A_146 = tpu.vector_load %arg8[%get3A_144, %get3A_145] {strides = array<i32>} : memref<32x1024xf32, #tpu.memory_space<vmem>>, vector<1x16xf32>,
      %get3A_147 = vector.shape_cast %get3A_146 : vector<1x16xf32> to vector<16xf32>
      %add3A_148 = arith.addf %get3A_143, %get3A_147 : vector<16xf32>
      %swap3A_149 = arith.index_cast %scan3A_43 : i32 to index
      %swap3A_150 = arith.constant 112 : index
      %swap3A_151 = tpu.vector_load %arg7[%swap3A_149, %swap3A_150] {strides = array<i32>} : memref<32x1024xf32, #tpu.memory_space<vmem>>, vector<1x16xf32>,
      %swap3A_152 = vector.shape_cast %swap3A_151 : vector<1x16xf32> to vector<16xf32>
      %swap3A_153 = vector.shape_cast %add3A_148 : vector<16xf32> to vector<1x16xf32>
      tpu.vector_store %arg7[%swap3A_149, %swap3A_150], %swap3A_153 {strides = array<i32>} : memref<32x1024xf32, #tpu.memory_space<vmem>>, vector<1x16xf32>,
      %get3A_154 = arith.index_cast %scan3A_43 : i32 to index
      %get3A_155 = arith.constant 128 : index
      %get3A_156 = tpu.vector_load %arg7[%get3A_154, %get3A_155] {strides = array<i32>} : memref<32x1024xf32, #tpu.memory_space<vmem>>, vector<1x16xf32>,
      %get3A_157 = vector.shape_cast %get3A_156 : vector<1x16xf32> to vector<16xf32>
      %get3A_158 = arith.index_cast %scan3A_43 : i32 to index
      %get3A_159 = arith.constant 128 : index
      %get3A_160 = tpu.vector_load %arg8[%get3A_158, %get3A_159] {strides = array<i32>} : memref<32x1024xf32, #tpu.memory_space<vmem>>, vector<1x16xf32>,
      %get3A_161 = vector.shape_cast %get3A_160 : vector<1x16xf32> to vector<16xf32>
      %add3A_162 = arith.addf %get3A_157, %get3A_161 : vector<16xf32>
      %swap3A_163 = arith.index_cast %scan3A_43 : i32 to index
      %swap3A_164 = arith.constant 128 : index
      %swap3A_165 = tpu.vector_load %arg7[%swap3A_163, %swap3A_164] {strides = array<i32>} : memref<32x1024xf32, #tpu.memory_space<vmem>>, vector<1x16xf32>,
      %swap3A_166 = vector.shape_cast %swap3A_165 : vector<1x16xf32> to vector<16xf32>
      %swap3A_167 = vector.shape_cast %add3A_162 : vector<16xf32> to vector<1x16xf32>
      tpu.vector_store %arg7[%swap3A_163, %swap3A_164], %swap3A_167 {strides = array<i32>} : memref<32x1024xf32, #tpu.memory_space<vmem>>, vector<1x16xf32>,
      %get3A_168 = arith.index_cast %scan3A_43 : i32 to index
      %get3A_169 = arith.constant 144 : index
      %get3A_170 = tpu.vector_load %arg7[%get3A_168, %get3A_169] {strides = array<i32>} : memref<32x1024xf32, #tpu.memory_space<vmem>>, vector<1x16xf32>,
      %get3A_171 = vector.shape_cast %get3A_170 : vector<1x16xf32> to vector<16xf32>
      %get3A_172 = arith.index_cast %scan3A_43 : i32 to index
      %get3A_173 = arith.constant 144 : index
      %get3A_174 = tpu.vector_load %arg8[%get3A_172, %get3A_173] {strides = array<i32>} : memref<32x1024xf32, #tpu.memory_space<vmem>>, vector<1x16xf32>,
      %get3A_175 = vector.shape_cast %get3A_174 : vector<1x16xf32> to vector<16xf32>
      %add3A_176 = arith.addf %get3A_171, %get3A_175 : vector<16xf32>
      %swap3A_177 = arith.index_cast %scan3A_43 : i32 to index
      %swap3A_178 = arith.constant 144 : index
      %swap3A_179 = tpu.vector_load %arg7[%swap3A_177, %swap3A_178] {strides = array<i32>} : memref<32x1024xf32, #tpu.memory_space<vmem>>, vector<1x16xf32>,
      %swap3A_180 = vector.shape_cast %swap3A_179 : vector<1x16xf32> to vector<16xf32>
      %swap3A_181 = vector.shape_cast %add3A_176 : vector<16xf32> to vector<1x16xf32>
      tpu.vector_store %arg7[%swap3A_177, %swap3A_178], %swap3A_181 {strides = array<i32>} : memref<32x1024xf32, #tpu.memory_space<vmem>>, vector<1x16xf32>,
      %get3A_182 = arith.index_cast %scan3A_43 : i32 to index
      %get3A_183 = arith.constant 160 : index
      %get3A_184 = tpu.vector_load %arg7[%get3A_182, %get3A_183] {strides = array<i32>} : memref<32x1024xf32, #tpu.memory_space<vmem>>, vector<1x16xf32>,
      %get3A_185 = vector.shape_cast %get3A_184 : vector<1x16xf32> to vector<16xf32>
      %get3A_186 = arith.index_cast %scan3A_43 : i32 to index
      %get3A_187 = arith.constant 160 : index
      %get3A_188 = tpu.vector_load %arg8[%get3A_186, %get3A_187] {strides = array<i32>} : memref<32x1024xf32, #tpu.memory_space<vmem>>, vector<1x16xf32>,
      %get3A_189 = vector.shape_cast %get3A_188 : vector<1x16xf32> to vector<16xf32>
      %add3A_190 = arith.addf %get3A_185, %get3A_189 : vector<16xf32>
      %swap3A_191 = arith.index_cast %scan3A_43 : i32 to index
      %swap3A_192 = arith.constant 160 : index
      %swap3A_193 = tpu.vector_load %arg7[%swap3A_191, %swap3A_192] {strides = array<i32>} : memref<32x1024xf32, #tpu.memory_space<vmem>>, vector<1x16xf32>,
      %swap3A_194 = vector.shape_cast %swap3A_193 : vector<1x16xf32> to vector<16xf32>
      %swap3A_195 = vector.shape_cast %add3A_190 : vector<16xf32> to vector<1x16xf32>
      tpu.vector_store %arg7[%swap3A_191, %swap3A_192], %swap3A_195 {strides = array<i32>} : memref<32x1024xf32, #tpu.memory_space<vmem>>, vector<1x16xf32>,
      %get3A_196 = arith.index_cast %scan3A_43 : i32 to index
      %get3A_197 = arith.constant 176 : index
      %get3A_198 = tpu.vector_load %arg7[%get3A_196, %get3A_197] {strides = array<i32>} : memref<32x1024xf32, #tpu.memory_space<vmem>>, vector<1x16xf32>,
      %get3A_199 = vector.shape_cast %get3A_198 : vector<1x16xf32> to vector<16xf32>
      %get3A_200 = arith.index_cast %scan3A_43 : i32 to index
      %get3A_201 = arith.constant 176 : index
      %get3A_202 = tpu.vector_load %arg8[%get3A_200, %get3A_201] {strides = array<i32>} : memref<32x1024xf32, #tpu.memory_space<vmem>>, vector<1x16xf32>,
      %get3A_203 = vector.shape_cast %get3A_202 : vector<1x16xf32> to vector<16xf32>
      %add3A_204 = arith.addf %get3A_199, %get3A_203 : vector<16xf32>
      %swap3A_205 = arith.index_cast %scan3A_43 : i32 to index
      %swap3A_206 = arith.constant 176 : index
      %swap3A_207 = tpu.vector_load %arg7[%swap3A_205, %swap3A_206] {strides = array<i32>} : memref<32x1024xf32, #tpu.memory_space<vmem>>, vector<1x16xf32>,
      %swap3A_208 = vector.shape_cast %swap3A_207 : vector<1x16xf32> to vector<16xf32>
      %swap3A_209 = vector.shape_cast %add3A_204 : vector<16xf32> to vector<1x16xf32>
      tpu.vector_store %arg7[%swap3A_205, %swap3A_206], %swap3A_209 {strides = array<i32>} : memref<32x1024xf32, #tpu.memory_space<vmem>>, vector<1x16xf32>,
      %get3A_210 = arith.index_cast %scan3A_43 : i32 to index
      %get3A_211 = arith.constant 192 : index
      %get3A_212 = tpu.vector_load %arg7[%get3A_210, %get3A_211] {strides = array<i32>} : memref<32x1024xf32, #tpu.memory_space<vmem>>, vector<1x16xf32>,
      %get3A_213 = vector.shape_cast %get3A_212 : vector<1x16xf32> to vector<16xf32>
      %get3A_214 = arith.index_cast %scan3A_43 : i32 to index
      %get3A_215 = arith.constant 192 : index
      %get3A_216 = tpu.vector_load %arg8[%get3A_214, %get3A_215] {strides = array<i32>} : memref<32x1024xf32, #tpu.memory_space<vmem>>, vector<1x16xf32>,
      %get3A_217 = vector.shape_cast %get3A_216 : vector<1x16xf32> to vector<16xf32>
      %add3A_218 = arith.addf %get3A_213, %get3A_217 : vector<16xf32>
      %swap3A_219 = arith.index_cast %scan3A_43 : i32 to index
      %swap3A_220 = arith.constant 192 : index
      %swap3A_221 = tpu.vector_load %arg7[%swap3A_219, %swap3A_220] {strides = array<i32>} : memref<32x1024xf32, #tpu.memory_space<vmem>>, vector<1x16xf32>,
      %swap3A_222 = vector.shape_cast %swap3A_221 : vector<1x16xf32> to vector<16xf32>
      %swap3A_223 = vector.shape_cast %add3A_218 : vector<16xf32> to vector<1x16xf32>
      tpu.vector_store %arg7[%swap3A_219, %swap3A_220], %swap3A_223 {strides = array<i32>} : memref<32x1024xf32, #tpu.memory_space<vmem>>, vector<1x16xf32>,
      %get3A_224 = arith.index_cast %scan3A_43 : i32 to index
      %get3A_225 = arith.constant 208 : index
      %get3A_226 = tpu.vector_load %arg7[%get3A_224, %get3A_225] {strides = array<i32>} : memref<32x1024xf32, #tpu.memory_space<vmem>>, vector<1x16xf32>,
      %get3A_227 = vector.shape_cast %get3A_226 : vector<1x16xf32> to vector<16xf32>
      %get3A_228 = arith.index_cast %scan3A_43 : i32 to index
      %get3A_229 = arith.constant 208 : index
      %get3A_230 = tpu.vector_load %arg8[%get3A_228, %get3A_229] {strides = array<i32>} : memref<32x1024xf32, #tpu.memory_space<vmem>>, vector<1x16xf32>,
      %get3A_231 = vector.shape_cast %get3A_230 : vector<1x16xf32> to vector<16xf32>
      %add3A_232 = arith.addf %get3A_227, %get3A_231 : vector<16xf32>
      %swap3A_233 = arith.index_cast %scan3A_43 : i32 to index
      %swap3A_234 = arith.constant 208 : index
      %swap3A_235 = tpu.vector_load %arg7[%swap3A_233, %swap3A_234] {strides = array<i32>} : memref<32x1024xf32, #tpu.memory_space<vmem>>, vector<1x16xf32>,
      %swap3A_236 = vector.shape_cast %swap3A_235 : vector<1x16xf32> to vector<16xf32>
      %swap3A_237 = vector.shape_cast %add3A_232 : vector<16xf32> to vector<1x16xf32>
      tpu.vector_store %arg7[%swap3A_233, %swap3A_234], %swap3A_237 {strides = array<i32>} : memref<32x1024xf32, #tpu.memory_space<vmem>>, vector<1x16xf32>,
      %get3A_238 = arith.index_cast %scan3A_43 : i32 to index
      %get3A_239 = arith.constant 224 : index
      %get3A_240 = tpu.vector_load %arg7[%get3A_238, %get3A_239] {strides = array<i32>} : memref<32x1024xf32, #tpu.memory_space<vmem>>, vector<1x16xf32>,
      %get3A_241 = vector.shape_cast %get3A_240 : vector<1x16xf32> to vector<16xf32>
      %get3A_242 = arith.index_cast %scan3A_43 : i32 to index
      %get3A_243 = arith.constant 224 : index
      %get3A_244 = tpu.vector_load %arg8[%get3A_242, %get3A_243] {strides = array<i32>} : memref<32x1024xf32, #tpu.memory_space<vmem>>, vector<1x16xf32>,
      %get3A_245 = vector.shape_cast %get3A_244 : vector<1x16xf32> to vector<16xf32>
      %add3A_246 = arith.addf %get3A_241, %get3A_245 : vector<16xf32>
      %swap3A_247 = arith.index_cast %scan3A_43 : i32 to index
      %swap3A_248 = arith.constant 224 : index
      %swap3A_249 = tpu.vector_load %arg7[%swap3A_247, %swap3A_248] {strides = array<i32>} : memref<32x1024xf32, #tpu.memory_space<vmem>>, vector<1x16xf32>,
      %swap3A_250 = vector.shape_cast %swap3A_249 : vector<1x16xf32> to vector<16xf32>
      %swap3A_251 = vector.shape_cast %add3A_246 : vector<16xf32> to vector<1x16xf32>
      tpu.vector_store %arg7[%swap3A_247, %swap3A_248], %swap3A_251 {strides = array<i32>} : memref<32x1024xf32, #tpu.memory_space<vmem>>, vector<1x16xf32>,
      %get3A_252 = arith.index_cast %scan3A_43 : i32 to index
      %get3A_253 = arith.constant 240 : index
      %get3A_254 = tpu.vector_load %arg7[%get3A_252, %get3A_253] {strides = array<i32>} : memref<32x1024xf32, #tpu.memory_space<vmem>>, vector<1x16xf32>,
      %get3A_255 = vector.shape_cast %get3A_254 : vector<1x16xf32> to vector<16xf32>
      %get3A_256 = arith.index_cast %scan3A_43 : i32 to index
      %get3A_257 = arith.constant 240 : index
      %get3A_258 = tpu.vector_load %arg8[%get3A_256, %get3A_257] {strides = array<i32>} : memref<32x1024xf32, #tpu.memory_space<vmem>>, vector<1x16xf32>,
      %get3A_259 = vector.shape_cast %get3A_258 : vector<1x16xf32> to vector<16xf32>
      %add3A_260 = arith.addf %get3A_255, %get3A_259 : vector<16xf32>
      %swap3A_261 = arith.index_cast %scan3A_43 : i32 to index
      %swap3A_262 = arith.constant 240 : index
      %swap3A_263 = tpu.vector_load %arg7[%swap3A_261, %swap3A_262] {strides = array<i32>} : memref<32x1024xf32, #tpu.memory_space<vmem>>, vector<1x16xf32>,
      %swap3A_264 = vector.shape_cast %swap3A_263 : vector<1x16xf32> to vector<16xf32>
      %swap3A_265 = vector.shape_cast %add3A_260 : vector<16xf32> to vector<1x16xf32>
      tpu.vector_store %arg7[%swap3A_261, %swap3A_262], %swap3A_265 {strides = array<i32>} : memref<32x1024xf32, #tpu.memory_space<vmem>>, vector<1x16xf32>,
      %get3A_266 = arith.index_cast %scan3A_43 : i32 to index
      %get3A_267 = arith.constant 256 : index
      %get3A_268 = tpu.vector_load %arg7[%get3A_266, %get3A_267] {strides = array<i32>} : memref<32x1024xf32, #tpu.memory_space<vmem>>, vector<1x16xf32>,
      %get3A_269 = vector.shape_cast %get3A_268 : vector<1x16xf32> to vector<16xf32>
      %get3A_270 = arith.index_cast %scan3A_43 : i32 to index
      %get3A_271 = arith.constant 256 : index
      %get3A_272 = tpu.vector_load %arg8[%get3A_270, %get3A_271] {strides = array<i32>} : memref<32x1024xf32, #tpu.memory_space<vmem>>, vector<1x16xf32>,
      %get3A_273 = vector.shape_cast %get3A_272 : vector<1x16xf32> to vector<16xf32>
      %add3A_274 = arith.addf %get3A_269, %get3A_273 : vector<16xf32>
      %swap3A_275 = arith.index_cast %scan3A_43 : i32 to index
      %swap3A_276 = arith.constant 256 : index
      %swap3A_277 = tpu.vector_load %arg7[%swap3A_275, %swap3A_276] {strides = array<i32>} : memref<32x1024xf32, #tpu.memory_space<vmem>>, vector<1x16xf32>,
      %swap3A_278 = vector.shape_cast %swap3A_277 : vector<1x16xf32> to vector<16xf32>
      %swap3A_279 = vector.shape_cast %add3A_274 : vector<16xf32> to vector<1x16xf32>
      tpu.vector_store %arg7[%swap3A_275, %swap3A_276], %swap3A_279 {strides = array<i32>} : memref<32x1024xf32, #tpu.memory_space<vmem>>, vector<1x16xf32>,
      %get3A_280 = arith.index_cast %scan3A_43 : i32 to index
      %get3A_281 = arith.constant 272 : index
      %get3A_282 = tpu.vector_load %arg7[%get3A_280, %get3A_281] {strides = array<i32>} : memref<32x1024xf32, #tpu.memory_space<vmem>>, vector<1x16xf32>,
      %get3A_283 = vector.shape_cast %get3A_282 : vector<1x16xf32> to vector<16xf32>
      %get3A_284 = arith.index_cast %scan3A_43 : i32 to index
      %get3A_285 = arith.constant 272 : index
      %get3A_286 = tpu.vector_load %arg8[%get3A_284, %get3A_285] {strides = array<i32>} : memref<32x1024xf32, #tpu.memory_space<vmem>>, vector<1x16xf32>,
      %get3A_287 = vector.shape_cast %get3A_286 : vector<1x16xf32> to vector<16xf32>
      %add3A_288 = arith.addf %get3A_283, %get3A_287 : vector<16xf32>
      %swap3A_289 = arith.index_cast %scan3A_43 : i32 to index
      %swap3A_290 = arith.constant 272 : index
      %swap3A_291 = tpu.vector_load %arg7[%swap3A_289, %swap3A_290] {strides = array<i32>} : memref<32x1024xf32, #tpu.memory_space<vmem>>, vector<1x16xf32>,
      %swap3A_292 = vector.shape_cast %swap3A_291 : vector<1x16xf32> to vector<16xf32>
      %swap3A_293 = vector.shape_cast %add3A_288 : vector<16xf32> to vector<1x16xf32>
      tpu.vector_store %arg7[%swap3A_289, %swap3A_290], %swap3A_293 {strides = array<i32>} : memref<32x1024xf32, #tpu.memory_space<vmem>>, vector<1x16xf32>,
      %get3A_294 = arith.index_cast %scan3A_43 : i32 to index
      %get3A_295 = arith.constant 288 : index
      %get3A_296 = tpu.vector_load %arg7[%get3A_294, %get3A_295] {strides = array<i32>} : memref<32x1024xf32, #tpu.memory_space<vmem>>, vector<1x16xf32>,
      %get3A_297 = vector.shape_cast %get3A_296 : vector<1x16xf32> to vector<16xf32>
      %get3A_298 = arith.index_cast %scan3A_43 : i32 to index
      %get3A_299 = arith.constant 288 : index
      %get3A_300 = tpu.vector_load %arg8[%get3A_298, %get3A_299] {strides = array<i32>} : memref<32x1024xf32, #tpu.memory_space<vmem>>, vector<1x16xf32>,
      %get3A_301 = vector.shape_cast %get3A_300 : vector<1x16xf32> to vector<16xf32>
      %add3A_302 = arith.addf %get3A_297, %get3A_301 : vector<16xf32>
      %swap3A_303 = arith.index_cast %scan3A_43 : i32 to index
      %swap3A_304 = arith.constant 288 : index
      %swap3A_305 = tpu.vector_load %arg7[%swap3A_303, %swap3A_304] {strides = array<i32>} : memref<32x1024xf32, #tpu.memory_space<vmem>>, vector<1x16xf32>,
      %swap3A_306 = vector.shape_cast %swap3A_305 : vector<1x16xf32> to vector<16xf32>
      %swap3A_307 = vector.shape_cast %add3A_302 : vector<16xf32> to vector<1x16xf32>
      tpu.vector_store %arg7[%swap3A_303, %swap3A_304], %swap3A_307 {strides = array<i32>} : memref<32x1024xf32, #tpu.memory_space<vmem>>, vector<1x16xf32>,
      %get3A_308 = arith.index_cast %scan3A_43 : i32 to index
      %get3A_309 = arith.constant 304 : index
      %get3A_310 = tpu.vector_load %arg7[%get3A_308, %get3A_309] {strides = array<i32>} : memref<32x1024xf32, #tpu.memory_space<vmem>>, vector<1x16xf32>,
      %get3A_311 = vector.shape_cast %get3A_310 : vector<1x16xf32> to vector<16xf32>
      %get3A_312 = arith.index_cast %scan3A_43 : i32 to index
      %get3A_313 = arith.constant 304 : index
      %get3A_314 = tpu.vector_load %arg8[%get3A_312, %get3A_313] {strides = array<i32>} : memref<32x1024xf32, #tpu.memory_space<vmem>>, vector<1x16xf32>,
      %get3A_315 = vector.shape_cast %get3A_314 : vector<1x16xf32> to vector<16xf32>
      %add3A_316 = arith.addf %get3A_311, %get3A_315 : vector<16xf32>
      %swap3A_317 = arith.index_cast %scan3A_43 : i32 to index
      %swap3A_318 = arith.constant 304 : index
      %swap3A_319 = tpu.vector_load %arg7[%swap3A_317, %swap3A_318] {strides = array<i32>} : memref<32x1024xf32, #tpu.memory_space<vmem>>, vector<1x16xf32>,
      %swap3A_320 = vector.shape_cast %swap3A_319 : vector<1x16xf32> to vector<16xf32>
      %swap3A_321 = vector.shape_cast %add3A_316 : vector<16xf32> to vector<1x16xf32>
      tpu.vector_store %arg7[%swap3A_317, %swap3A_318], %swap3A_321 {strides = array<i32>} : memref<32x1024xf32, #tpu.memory_space<vmem>>, vector<1x16xf32>,
      %get3A_322 = arith.index_cast %scan3A_43 : i32 to index
      %get3A_323 = arith.constant 320 : index
      %get3A_324 = tpu.vector_load %arg7[%get3A_322, %get3A_323] {strides = array<i32>} : memref<32x1024xf32, #tpu.memory_space<vmem>>, vector<1x16xf32>,
      %get3A_325 = vector.shape_cast %get3A_324 : vector<1x16xf32> to vector<16xf32>
      %get3A_326 = arith.index_cast %scan3A_43 : i32 to index
      %get3A_327 = arith.constant 320 : index
      %get3A_328 = tpu.vector_load %arg8[%get3A_326, %get3A_327] {strides = array<i32>} : memref<32x1024xf32, #tpu.memory_space<vmem>>, vector<1x16xf32>,
      %get3A_329 = vector.shape_cast %get3A_328 : vector<1x16xf32> to vector<16xf32>
      %add3A_330 = arith.addf %get3A_325, %get3A_329 : vector<16xf32>
      %swap3A_331 = arith.index_cast %scan3A_43 : i32 to index
      %swap3A_332 = arith.constant 320 : index
      %swap3A_333 = tpu.vector_load %arg7[%swap3A_331, %swap3A_332] {strides = array<i32>} : memref<32x1024xf32, #tpu.memory_space<vmem>>, vector<1x16xf32>,
      %swap3A_334 = vector.shape_cast %swap3A_333 : vector<1x16xf32> to vector<16xf32>
      %swap3A_335 = vector.shape_cast %add3A_330 : vector<16xf32> to vector<1x16xf32>
      tpu.vector_store %arg7[%swap3A_331, %swap3A_332], %swap3A_335 {strides = array<i32>} : memref<32x1024xf32, #tpu.memory_space<vmem>>, vector<1x16xf32>,
      %get3A_336 = arith.index_cast %scan3A_43 : i32 to index
      %get3A_337 = arith.constant 336 : index
      %get3A_338 = tpu.vector_load %arg7[%get3A_336, %get3A_337] {strides = array<i32>} : memref<32x1024xf32, #tpu.memory_space<vmem>>, vector<1x16xf32>,
      %get3A_339 = vector.shape_cast %get3A_338 : vector<1x16xf32> to vector<16xf32>
      %get3A_340 = arith.index_cast %scan3A_43 : i32 to index
      %get3A_341 = arith.constant 336 : index
      %get3A_342 = tpu.vector_load %arg8[%get3A_340, %get3A_341] {strides = array<i32>} : memref<32x1024xf32, #tpu.memory_space<vmem>>, vector<1x16xf32>,
      %get3A_343 = vector.shape_cast %get3A_342 : vector<1x16xf32> to vector<16xf32>
      %add3A_344 = arith.addf %get3A_339, %get3A_343 : vector<16xf32>
      %swap3A_345 = arith.index_cast %scan3A_43 : i32 to index
      %swap3A_346 = arith.constant 336 : index
      %swap3A_347 = tpu.vector_load %arg7[%swap3A_345, %swap3A_346] {strides = array<i32>} : memref<32x1024xf32, #tpu.memory_space<vmem>>, vector<1x16xf32>,
      %swap3A_348 = vector.shape_cast %swap3A_347 : vector<1x16xf32> to vector<16xf32>
      %swap3A_349 = vector.shape_cast %add3A_344 : vector<16xf32> to vector<1x16xf32>
      tpu.vector_store %arg7[%swap3A_345, %swap3A_346], %swap3A_349 {strides = array<i32>} : memref<32x1024xf32, #tpu.memory_space<vmem>>, vector<1x16xf32>,
      %get3A_350 = arith.index_cast %scan3A_43 : i32 to index
      %get3A_351 = arith.constant 352 : index
      %get3A_352 = tpu.vector_load %arg7[%get3A_350, %get3A_351] {strides = array<i32>} : memref<32x1024xf32, #tpu.memory_space<vmem>>, vector<1x16xf32>,
      %get3A_353 = vector.shape_cast %get3A_352 : vector<1x16xf32> to vector<16xf32>
      %get3A_354 = arith.index_cast %scan3A_43 : i32 to index
      %get3A_355 = arith.constant 352 : index
      %get3A_356 = tpu.vector_load %arg8[%get3A_354, %get3A_355] {strides = array<i32>} : memref<32x1024xf32, #tpu.memory_space<vmem>>, vector<1x16xf32>,
      %get3A_357 = vector.shape_cast %get3A_356 : vector<1x16xf32> to vector<16xf32>
      %add3A_358 = arith.addf %get3A_353, %get3A_357 : vector<16xf32>
      %swap3A_359 = arith.index_cast %scan3A_43 : i32 to index
      %swap3A_360 = arith.constant 352 : index
      %swap3A_361 = tpu.vector_load %arg7[%swap3A_359, %swap3A_360] {strides = array<i32>} : memref<32x1024xf32, #tpu.memory_space<vmem>>, vector<1x16xf32>,
      %swap3A_362 = vector.shape_cast %swap3A_361 : vector<1x16xf32> to vector<16xf32>
      %swap3A_363 = vector.shape_cast %add3A_358 : vector<16xf32> to vector<1x16xf32>
      tpu.vector_store %arg7[%swap3A_359, %swap3A_360], %swap3A_363 {strides = array<i32>} : memref<32x1024xf32, #tpu.memory_space<vmem>>, vector<1x16xf32>,
      %get3A_364 = arith.index_cast %scan3A_43 : i32 to index
      %get3A_365 = arith.constant 368 : index
      %get3A_366 = tpu.vector_load %arg7[%get3A_364, %get3A_365] {strides = array<i32>} : memref<32x1024xf32, #tpu.memory_space<vmem>>, vector<1x16xf32>,
      %get3A_367 = vector.shape_cast %get3A_366 : vector<1x16xf32> to vector<16xf32>
      %get3A_368 = arith.index_cast %scan3A_43 : i32 to index
      %get3A_369 = arith.constant 368 : index
      %get3A_370 = tpu.vector_load %arg8[%get3A_368, %get3A_369] {strides = array<i32>} : memref<32x1024xf32, #tpu.memory_space<vmem>>, vector<1x16xf32>,
      %get3A_371 = vector.shape_cast %get3A_370 : vector<1x16xf32> to vector<16xf32>
      %add3A_372 = arith.addf %get3A_367, %get3A_371 : vector<16xf32>
      %swap3A_373 = arith.index_cast %scan3A_43 : i32 to index
      %swap3A_374 = arith.constant 368 : index
      %swap3A_375 = tpu.vector_load %arg7[%swap3A_373, %swap3A_374] {strides = array<i32>} : memref<32x1024xf32, #tpu.memory_space<vmem>>, vector<1x16xf32>,
      %swap3A_376 = vector.shape_cast %swap3A_375 : vector<1x16xf32> to vector<16xf32>
      %swap3A_377 = vector.shape_cast %add3A_372 : vector<16xf32> to vector<1x16xf32>
      tpu.vector_store %arg7[%swap3A_373, %swap3A_374], %swap3A_377 {strides = array<i32>} : memref<32x1024xf32, #tpu.memory_space<vmem>>, vector<1x16xf32>,
      %get3A_378 = arith.index_cast %scan3A_43 : i32 to index
      %get3A_379 = arith.constant 384 : index
      %get3A_380 = tpu.vector_load %arg7[%get3A_378, %get3A_379] {strides = array<i32>} : memref<32x1024xf32, #tpu.memory_space<vmem>>, vector<1x16xf32>,
      %get3A_381 = vector.shape_cast %get3A_380 : vector<1x16xf32> to vector<16xf32>
      %get3A_382 = arith.index_cast %scan3A_43 : i32 to index
      %get3A_383 = arith.constant 384 : index
      %get3A_384 = tpu.vector_load %arg8[%get3A_382, %get3A_383] {strides = array<i32>} : memref<32x1024xf32, #tpu.memory_space<vmem>>, vector<1x16xf32>,
      %get3A_385 = vector.shape_cast %get3A_384 : vector<1x16xf32> to vector<16xf32>
      %add3A_386 = arith.addf %get3A_381, %get3A_385 : vector<16xf32>
      %swap3A_387 = arith.index_cast %scan3A_43 : i32 to index
      %swap3A_388 = arith.constant 384 : index
      %swap3A_389 = tpu.vector_load %arg7[%swap3A_387, %swap3A_388] {strides = array<i32>} : memref<32x1024xf32, #tpu.memory_space<vmem>>, vector<1x16xf32>,
      %swap3A_390 = vector.shape_cast %swap3A_389 : vector<1x16xf32> to vector<16xf32>
      %swap3A_391 = vector.shape_cast %add3A_386 : vector<16xf32> to vector<1x16xf32>
      tpu.vector_store %arg7[%swap3A_387, %swap3A_388], %swap3A_391 {strides = array<i32>} : memref<32x1024xf32, #tpu.memory_space<vmem>>, vector<1x16xf32>,
      %get3A_392 = arith.index_cast %scan3A_43 : i32 to index
      %get3A_393 = arith.constant 400 : index
      %get3A_394 = tpu.vector_load %arg7[%get3A_392, %get3A_393] {strides = array<i32>} : memref<32x1024xf32, #tpu.memory_space<vmem>>, vector<1x16xf32>,
      %get3A_395 = vector.shape_cast %get3A_394 : vector<1x16xf32> to vector<16xf32>
      %get3A_396 = arith.index_cast %scan3A_43 : i32 to index
      %get3A_397 = arith.constant 400 : index
      %get3A_398 = tpu.vector_load %arg8[%get3A_396, %get3A_397] {strides = array<i32>} : memref<32x1024xf32, #tpu.memory_space<vmem>>, vector<1x16xf32>,
      %get3A_399 = vector.shape_cast %get3A_398 : vector<1x16xf32> to vector<16xf32>
      %add3A_400 = arith.addf %get3A_395, %get3A_399 : vector<16xf32>
      %swap3A_401 = arith.index_cast %scan3A_43 : i32 to index
      %swap3A_402 = arith.constant 400 : index
      %swap3A_403 = tpu.vector_load %arg7[%swap3A_401, %swap3A_402] {strides = array<i32>} : memref<32x1024xf32, #tpu.memory_space<vmem>>, vector<1x16xf32>,
      %swap3A_404 = vector.shape_cast %swap3A_403 : vector<1x16xf32> to vector<16xf32>
      %swap3A_405 = vector.shape_cast %add3A_400 : vector<16xf32> to vector<1x16xf32>
      tpu.vector_store %arg7[%swap3A_401, %swap3A_402], %swap3A_405 {strides = array<i32>} : memref<32x1024xf32, #tpu.memory_space<vmem>>, vector<1x16xf32>,
      %get3A_406 = arith.index_cast %scan3A_43 : i32 to index
      %get3A_407 = arith.constant 416 : index
      %get3A_408 = tpu.vector_load %arg7[%get3A_406, %get3A_407] {strides = array<i32>} : memref<32x1024xf32, #tpu.memory_space<vmem>>, vector<1x16xf32>,
      %get3A_409 = vector.shape_cast %get3A_408 : vector<1x16xf32> to vector<16xf32>
      %get3A_410 = arith.index_cast %scan3A_43 : i32 to index
      %get3A_411 = arith.constant 416 : index
      %get3A_412 = tpu.vector_load %arg8[%get3A_410, %get3A_411] {strides = array<i32>} : memref<32x1024xf32, #tpu.memory_space<vmem>>, vector<1x16xf32>,
      %get3A_413 = vector.shape_cast %get3A_412 : vector<1x16xf32> to vector<16xf32>
      %add3A_414 = arith.addf %get3A_409, %get3A_413 : vector<16xf32>
      %swap3A_415 = arith.index_cast %scan3A_43 : i32 to index
      %swap3A_416 = arith.constant 416 : index
      %swap3A_417 = tpu.vector_load %arg7[%swap3A_415, %swap3A_416] {strides = array<i32>} : memref<32x1024xf32, #tpu.memory_space<vmem>>, vector<1x16xf32>,
      %swap3A_418 = vector.shape_cast %swap3A_417 : vector<1x16xf32> to vector<16xf32>
      %swap3A_419 = vector.shape_cast %add3A_414 : vector<16xf32> to vector<1x16xf32>
      tpu.vector_store %arg7[%swap3A_415, %swap3A_416], %swap3A_419 {strides = array<i32>} : memref<32x1024xf32, #tpu.memory_space<vmem>>, vector<1x16xf32>,
      %get3A_420 = arith.index_cast %scan3A_43 : i32 to index
      %get3A_421 = arith.constant 432 : index
      %get3A_422 = tpu.vector_load %arg7[%get3A_420, %get3A_421] {strides = array<i32>} : memref<32x1024xf32, #tpu.memory_space<vmem>>, vector<1x16xf32>,
      %get3A_423 = vector.shape_cast %get3A_422 : vector<1x16xf32> to vector<16xf32>
      %get3A_424 = arith.index_cast %scan3A_43 : i32 to index
      %get3A_425 = arith.constant 432 : index
      %get3A_426 = tpu.vector_load %arg8[%get3A_424, %get3A_425] {strides = array<i32>} : memref<32x1024xf32, #tpu.memory_space<vmem>>, vector<1x16xf32>,
      %get3A_427 = vector.shape_cast %get3A_426 : vector<1x16xf32> to vector<16xf32>
      %add3A_428 = arith.addf %get3A_423, %get3A_427 : vector<16xf32>
      %swap3A_429 = arith.index_cast %scan3A_43 : i32 to index
      %swap3A_430 = arith.constant 432 : index
      %swap3A_431 = tpu.vector_load %arg7[%swap3A_429, %swap3A_430] {strides = array<i32>} : memref<32x1024xf32, #tpu.memory_space<vmem>>, vector<1x16xf32>,
      %swap3A_432 = vector.shape_cast %swap3A_431 : vector<1x16xf32> to vector<16xf32>
      %swap3A_433 = vector.shape_cast %add3A_428 : vector<16xf32> to vector<1x16xf32>
      tpu.vector_store %arg7[%swap3A_429, %swap3A_430], %swap3A_433 {strides = array<i32>} : memref<32x1024xf32, #tpu.memory_space<vmem>>, vector<1x16xf32>,
      %get3A_434 = arith.index_cast %scan3A_43 : i32 to index
      %get3A_435 = arith.constant 448 : index
      %get3A_436 = tpu.vector_load %arg7[%get3A_434, %get3A_435] {strides = array<i32>} : memref<32x1024xf32, #tpu.memory_space<vmem>>, vector<1x16xf32>,
      %get3A_437 = vector.shape_cast %get3A_436 : vector<1x16xf32> to vector<16xf32>
      %get3A_438 = arith.index_cast %scan3A_43 : i32 to index
      %get3A_439 = arith.constant 448 : index
      %get3A_440 = tpu.vector_load %arg8[%get3A_438, %get3A_439] {strides = array<i32>} : memref<32x1024xf32, #tpu.memory_space<vmem>>, vector<1x16xf32>,
      %get3A_441 = vector.shape_cast %get3A_440 : vector<1x16xf32> to vector<16xf32>
      %add3A_442 = arith.addf %get3A_437, %get3A_441 : vector<16xf32>
      %swap3A_443 = arith.index_cast %scan3A_43 : i32 to index
      %swap3A_444 = arith.constant 448 : index
      %swap3A_445 = tpu.vector_load %arg7[%swap3A_443, %swap3A_444] {strides = array<i32>} : memref<32x1024xf32, #tpu.memory_space<vmem>>, vector<1x16xf32>,
      %swap3A_446 = vector.shape_cast %swap3A_445 : vector<1x16xf32> to vector<16xf32>
      %swap3A_447 = vector.shape_cast %add3A_442 : vector<16xf32> to vector<1x16xf32>
      tpu.vector_store %arg7[%swap3A_443, %swap3A_444], %swap3A_447 {strides = array<i32>} : memref<32x1024xf32, #tpu.memory_space<vmem>>, vector<1x16xf32>,
      %get3A_448 = arith.index_cast %scan3A_43 : i32 to index
      %get3A_449 = arith.constant 464 : index
      %get3A_450 = tpu.vector_load %arg7[%get3A_448, %get3A_449] {strides = array<i32>} : memref<32x1024xf32, #tpu.memory_space<vmem>>, vector<1x16xf32>,
      %get3A_451 = vector.shape_cast %get3A_450 : vector<1x16xf32> to vector<16xf32>
      %get3A_452 = arith.index_cast %scan3A_43 : i32 to index
      %get3A_453 = arith.constant 464 : index
      %get3A_454 = tpu.vector_load %arg8[%get3A_452, %get3A_453] {strides = array<i32>} : memref<32x1024xf32, #tpu.memory_space<vmem>>, vector<1x16xf32>,
      %get3A_455 = vector.shape_cast %get3A_454 : vector<1x16xf32> to vector<16xf32>
      %add3A_456 = arith.addf %get3A_451, %get3A_455 : vector<16xf32>
      %swap3A_457 = arith.index_cast %scan3A_43 : i32 to index
      %swap3A_458 = arith.constant 464 : index
      %swap3A_459 = tpu.vector_load %arg7[%swap3A_457, %swap3A_458] {strides = array<i32>} : memref<32x1024xf32, #tpu.memory_space<vmem>>, vector<1x16xf32>,
      %swap3A_460 = vector.shape_cast %swap3A_459 : vector<1x16xf32> to vector<16xf32>
      %swap3A_461 = vector.shape_cast %add3A_456 : vector<16xf32> to vector<1x16xf32>
      tpu.vector_store %arg7[%swap3A_457, %swap3A_458], %swap3A_461 {strides = array<i32>} : memref<32x1024xf32, #tpu.memory_space<vmem>>, vector<1x16xf32>,
      %get3A_462 = arith.index_cast %scan3A_43 : i32 to index
      %get3A_463 = arith.constant 480 : index
      %get3A_464 = tpu.vector_load %arg7[%get3A_462, %get3A_463] {strides = array<i32>} : memref<32x1024xf32, #tpu.memory_space<vmem>>, vector<1x16xf32>,
      %get3A_465 = vector.shape_cast %get3A_464 : vector<1x16xf32> to vector<16xf32>
      %get3A_466 = arith.index_cast %scan3A_43 : i32 to index
      %get3A_467 = arith.constant 480 : index
      %get3A_468 = tpu.vector_load %arg8[%get3A_466, %get3A_467] {strides = array<i32>} : memref<32x1024xf32, #tpu.memory_space<vmem>>, vector<1x16xf32>,
      %get3A_469 = vector.shape_cast %get3A_468 : vector<1x16xf32> to vector<16xf32>
      %add3A_470 = arith.addf %get3A_465, %get3A_469 : vector<16xf32>
      %swap3A_471 = arith.index_cast %scan3A_43 : i32 to index
      %swap3A_472 = arith.constant 480 : index
      %swap3A_473 = tpu.vector_load %arg7[%swap3A_471, %swap3A_472] {strides = array<i32>} : memref<32x1024xf32, #tpu.memory_space<vmem>>, vector<1x16xf32>,
      %swap3A_474 = vector.shape_cast %swap3A_473 : vector<1x16xf32> to vector<16xf32>
      %swap3A_475 = vector.shape_cast %add3A_470 : vector<16xf32> to vector<1x16xf32>
      tpu.vector_store %arg7[%swap3A_471, %swap3A_472], %swap3A_475 {strides = array<i32>} : memref<32x1024xf32, #tpu.memory_space<vmem>>, vector<1x16xf32>,
      %get3A_476 = arith.index_cast %scan3A_43 : i32 to index
      %get3A_477 = arith.constant 496 : index
      %get3A_478 = tpu.vector_load %arg7[%get3A_476, %get3A_477] {strides = array<i32>} : memref<32x1024xf32, #tpu.memory_space<vmem>>, vector<1x16xf32>,
      %get3A_479 = vector.shape_cast %get3A_478 : vector<1x16xf32> to vector<16xf32>
      %get3A_480 = arith.index_cast %scan3A_43 : i32 to index
      %get3A_481 = arith.constant 496 : index
      %get3A_482 = tpu.vector_load %arg8[%get3A_480, %get3A_481] {strides = array<i32>} : memref<32x1024xf32, #tpu.memory_space<vmem>>, vector<1x16xf32>,
      %get3A_483 = vector.shape_cast %get3A_482 : vector<1x16xf32> to vector<16xf32>
      %add3A_484 = arith.addf %get3A_479, %get3A_483 : vector<16xf32>
      %swap3A_485 = arith.index_cast %scan3A_43 : i32 to index
      %swap3A_486 = arith.constant 496 : index
      %swap3A_487 = tpu.vector_load %arg7[%swap3A_485, %swap3A_486] {strides = array<i32>} : memref<32x1024xf32, #tpu.memory_space<vmem>>, vector<1x16xf32>,
      %swap3A_488 = vector.shape_cast %swap3A_487 : vector<1x16xf32> to vector<16xf32>
      %swap3A_489 = vector.shape_cast %add3A_484 : vector<16xf32> to vector<1x16xf32>
      tpu.vector_store %arg7[%swap3A_485, %swap3A_486], %swap3A_489 {strides = array<i32>} : memref<32x1024xf32, #tpu.memory_space<vmem>>, vector<1x16xf32>,
      %get3A_490 = arith.index_cast %scan3A_43 : i32 to index
      %get3A_491 = arith.constant 512 : index
      %get3A_492 = tpu.vector_load %arg7[%get3A_490, %get3A_491] {strides = array<i32>} : memref<32x1024xf32, #tpu.memory_space<vmem>>, vector<1x16xf32>,
      %get3A_493 = vector.shape_cast %get3A_492 : vector<1x16xf32> to vector<16xf32>
      %get3A_494 = arith.index_cast %scan3A_43 : i32 to index
      %get3A_495 = arith.constant 512 : index
      %get3A_496 = tpu.vector_load %arg8[%get3A_494, %get3A_495] {strides = array<i32>} : memref<32x1024xf32, #tpu.memory_space<vmem>>, vector<1x16xf32>,
      %get3A_497 = vector.shape_cast %get3A_496 : vector<1x16xf32> to vector<16xf32>
      %add3A_498 = arith.addf %get3A_493, %get3A_497 : vector<16xf32>
      %swap3A_499 = arith.index_cast %scan3A_43 : i32 to index
      %swap3A_500 = arith.constant 512 : index
      %swap3A_501 = tpu.vector_load %arg7[%swap3A_499, %swap3A_500] {strides = array<i32>} : memref<32x1024xf32, #tpu.memory_space<vmem>>, vector<1x16xf32>,
      %swap3A_502 = vector.shape_cast %swap3A_501 : vector<1x16xf32> to vector<16xf32>
      %swap3A_503 = vector.shape_cast %add3A_498 : vector<16xf32> to vector<1x16xf32>
      tpu.vector_store %arg7[%swap3A_499, %swap3A_500], %swap3A_503 {strides = array<i32>} : memref<32x1024xf32, #tpu.memory_space<vmem>>, vector<1x16xf32>,
      %get3A_504 = arith.index_cast %scan3A_43 : i32 to index
      %get3A_505 = arith.constant 528 : index
      %get3A_506 = tpu.vector_load %arg7[%get3A_504, %get3A_505] {strides = array<i32>} : memref<32x1024xf32, #tpu.memory_space<vmem>>, vector<1x16xf32>,
      %get3A_507 = vector.shape_cast %get3A_506 : vector<1x16xf32> to vector<16xf32>
      %get3A_508 = arith.index_cast %scan3A_43 : i32 to index
      %get3A_509 = arith.constant 528 : index
      %get3A_510 = tpu.vector_load %arg8[%get3A_508, %get3A_509] {strides = array<i32>} : memref<32x1024xf32, #tpu.memory_space<vmem>>, vector<1x16xf32>,
      %get3A_511 = vector.shape_cast %get3A_510 : vector<1x16xf32> to vector<16xf32>
      %add3A_512 = arith.addf %get3A_507, %get3A_511 : vector<16xf32>
      %swap3A_513 = arith.index_cast %scan3A_43 : i32 to index
      %swap3A_514 = arith.constant 528 : index
      %swap3A_515 = tpu.vector_load %arg7[%swap3A_513, %swap3A_514] {strides = array<i32>} : memref<32x1024xf32, #tpu.memory_space<vmem>>, vector<1x16xf32>,
      %swap3A_516 = vector.shape_cast %swap3A_515 : vector<1x16xf32> to vector<16xf32>
      %swap3A_517 = vector.shape_cast %add3A_512 : vector<16xf32> to vector<1x16xf32>
      tpu.vector_store %arg7[%swap3A_513, %swap3A_514], %swap3A_517 {strides = array<i32>} : memref<32x1024xf32, #tpu.memory_space<vmem>>, vector<1x16xf32>,
      %get3A_518 = arith.index_cast %scan3A_43 : i32 to index
      %get3A_519 = arith.constant 544 : index
      %get3A_520 = tpu.vector_load %arg7[%get3A_518, %get3A_519] {strides = array<i32>} : memref<32x1024xf32, #tpu.memory_space<vmem>>, vector<1x16xf32>,
      %get3A_521 = vector.shape_cast %get3A_520 : vector<1x16xf32> to vector<16xf32>
      %get3A_522 = arith.index_cast %scan3A_43 : i32 to index
      %get3A_523 = arith.constant 544 : index
      %get3A_524 = tpu.vector_load %arg8[%get3A_522, %get3A_523] {strides = array<i32>} : memref<32x1024xf32, #tpu.memory_space<vmem>>, vector<1x16xf32>,
      %get3A_525 = vector.shape_cast %get3A_524 : vector<1x16xf32> to vector<16xf32>
      %add3A_526 = arith.addf %get3A_521, %get3A_525 : vector<16xf32>
      %swap3A_527 = arith.index_cast %scan3A_43 : i32 to index
      %swap3A_528 = arith.constant 544 : index
      %swap3A_529 = tpu.vector_load %arg7[%swap3A_527, %swap3A_528] {strides = array<i32>} : memref<32x1024xf32, #tpu.memory_space<vmem>>, vector<1x16xf32>,
      %swap3A_530 = vector.shape_cast %swap3A_529 : vector<1x16xf32> to vector<16xf32>
      %swap3A_531 = vector.shape_cast %add3A_526 : vector<16xf32> to vector<1x16xf32>
      tpu.vector_store %arg7[%swap3A_527, %swap3A_528], %swap3A_531 {strides = array<i32>} : memref<32x1024xf32, #tpu.memory_space<vmem>>, vector<1x16xf32>,
      %get3A_532 = arith.index_cast %scan3A_43 : i32 to index
      %get3A_533 = arith.constant 560 : index
      %get3A_534 = tpu.vector_load %arg7[%get3A_532, %get3A_533] {strides = array<i32>} : memref<32x1024xf32, #tpu.memory_space<vmem>>, vector<1x16xf32>,
      %get3A_535 = vector.shape_cast %get3A_534 : vector<1x16xf32> to vector<16xf32>
      %get3A_536 = arith.index_cast %scan3A_43 : i32 to index
      %get3A_537 = arith.constant 560 : index
      %get3A_538 = tpu.vector_load %arg8[%get3A_536, %get3A_537] {strides = array<i32>} : memref<32x1024xf32, #tpu.memory_space<vmem>>, vector<1x16xf32>,
      %get3A_539 = vector.shape_cast %get3A_538 : vector<1x16xf32> to vector<16xf32>
      %add3A_540 = arith.addf %get3A_535, %get3A_539 : vector<16xf32>
      %swap3A_541 = arith.index_cast %scan3A_43 : i32 to index
      %swap3A_542 = arith.constant 560 : index
      %swap3A_543 = tpu.vector_load %arg7[%swap3A_541, %swap3A_542] {strides = array<i32>} : memref<32x1024xf32, #tpu.memory_space<vmem>>, vector<1x16xf32>,
      %swap3A_544 = vector.shape_cast %swap3A_543 : vector<1x16xf32> to vector<16xf32>
      %swap3A_545 = vector.shape_cast %add3A_540 : vector<16xf32> to vector<1x16xf32>
      tpu.vector_store %arg7[%swap3A_541, %swap3A_542], %swap3A_545 {strides = array<i32>} : memref<32x1024xf32, #tpu.memory_space<vmem>>, vector<1x16xf32>,
      %get3A_546 = arith.index_cast %scan3A_43 : i32 to index
      %get3A_547 = arith.constant 576 : index
      %get3A_548 = tpu.vector_load %arg7[%get3A_546, %get3A_547] {strides = array<i32>} : memref<32x1024xf32, #tpu.memory_space<vmem>>, vector<1x16xf32>,
      %get3A_549 = vector.shape_cast %get3A_548 : vector<1x16xf32> to vector<16xf32>
      %get3A_550 = arith.index_cast %scan3A_43 : i32 to index
      %get3A_551 = arith.constant 576 : index
      %get3A_552 = tpu.vector_load %arg8[%get3A_550, %get3A_551] {strides = array<i32>} : memref<32x1024xf32, #tpu.memory_space<vmem>>, vector<1x16xf32>,
      %get3A_553 = vector.shape_cast %get3A_552 : vector<1x16xf32> to vector<16xf32>
      %add3A_554 = arith.addf %get3A_549, %get3A_553 : vector<16xf32>
      %swap3A_555 = arith.index_cast %scan3A_43 : i32 to index
      %swap3A_556 = arith.constant 576 : index
      %swap3A_557 = tpu.vector_load %arg7[%swap3A_555, %swap3A_556] {strides = array<i32>} : memref<32x1024xf32, #tpu.memory_space<vmem>>, vector<1x16xf32>,
      %swap3A_558 = vector.shape_cast %swap3A_557 : vector<1x16xf32> to vector<16xf32>
      %swap3A_559 = vector.shape_cast %add3A_554 : vector<16xf32> to vector<1x16xf32>
      tpu.vector_store %arg7[%swap3A_555, %swap3A_556], %swap3A_559 {strides = array<i32>} : memref<32x1024xf32, #tpu.memory_space<vmem>>, vector<1x16xf32>,
      %get3A_560 = arith.index_cast %scan3A_43 : i32 to index
      %get3A_561 = arith.constant 592 : index
      %get3A_562 = tpu.vector_load %arg7[%get3A_560, %get3A_561] {strides = array<i32>} : memref<32x1024xf32, #tpu.memory_space<vmem>>, vector<1x16xf32>,
      %get3A_563 = vector.shape_cast %get3A_562 : vector<1x16xf32> to vector<16xf32>
      %get3A_564 = arith.index_cast %scan3A_43 : i32 to index
      %get3A_565 = arith.constant 592 : index
      %get3A_566 = tpu.vector_load %arg8[%get3A_564, %get3A_565] {strides = array<i32>} : memref<32x1024xf32, #tpu.memory_space<vmem>>, vector<1x16xf32>,
      %get3A_567 = vector.shape_cast %get3A_566 : vector<1x16xf32> to vector<16xf32>
      %add3A_568 = arith.addf %get3A_563, %get3A_567 : vector<16xf32>
      %swap3A_569 = arith.index_cast %scan3A_43 : i32 to index
      %swap3A_570 = arith.constant 592 : index
      %swap3A_571 = tpu.vector_load %arg7[%swap3A_569, %swap3A_570] {strides = array<i32>} : memref<32x1024xf32, #tpu.memory_space<vmem>>, vector<1x16xf32>,
      %swap3A_572 = vector.shape_cast %swap3A_571 : vector<1x16xf32> to vector<16xf32>
      %swap3A_573 = vector.shape_cast %add3A_568 : vector<16xf32> to vector<1x16xf32>
      tpu.vector_store %arg7[%swap3A_569, %swap3A_570], %swap3A_573 {strides = array<i32>} : memref<32x1024xf32, #tpu.memory_space<vmem>>, vector<1x16xf32>,
      %get3A_574 = arith.index_cast %scan3A_43 : i32 to index
      %get3A_575 = arith.constant 608 : index
      %get3A_576 = tpu.vector_load %arg7[%get3A_574, %get3A_575] {strides = array<i32>} : memref<32x1024xf32, #tpu.memory_space<vmem>>, vector<1x16xf32>,
      %get3A_577 = vector.shape_cast %get3A_576 : vector<1x16xf32> to vector<16xf32>
      %get3A_578 = arith.index_cast %scan3A_43 : i32 to index
      %get3A_579 = arith.constant 608 : index
      %get3A_580 = tpu.vector_load %arg8[%get3A_578, %get3A_579] {strides = array<i32>} : memref<32x1024xf32, #tpu.memory_space<vmem>>, vector<1x16xf32>,
      %get3A_581 = vector.shape_cast %get3A_580 : vector<1x16xf32> to vector<16xf32>
      %add3A_582 = arith.addf %get3A_577, %get3A_581 : vector<16xf32>
      %swap3A_583 = arith.index_cast %scan3A_43 : i32 to index
      %swap3A_584 = arith.constant 608 : index
      %swap3A_585 = tpu.vector_load %arg7[%swap3A_583, %swap3A_584] {strides = array<i32>} : memref<32x1024xf32, #tpu.memory_space<vmem>>, vector<1x16xf32>,
      %swap3A_586 = vector.shape_cast %swap3A_585 : vector<1x16xf32> to vector<16xf32>
      %swap3A_587 = vector.shape_cast %add3A_582 : vector<16xf32> to vector<1x16xf32>
      tpu.vector_store %arg7[%swap3A_583, %swap3A_584], %swap3A_587 {strides = array<i32>} : memref<32x1024xf32, #tpu.memory_space<vmem>>, vector<1x16xf32>,
      %get3A_588 = arith.index_cast %scan3A_43 : i32 to index
      %get3A_589 = arith.constant 624 : index
      %get3A_590 = tpu.vector_load %arg7[%get3A_588, %get3A_589] {strides = array<i32>} : memref<32x1024xf32, #tpu.memory_space<vmem>>, vector<1x16xf32>,
      %get3A_591 = vector.shape_cast %get3A_590 : vector<1x16xf32> to vector<16xf32>
      %get3A_592 = arith.index_cast %scan3A_43 : i32 to index
      %get3A_593 = arith.constant 624 : index
      %get3A_594 = tpu.vector_load %arg8[%get3A_592, %get3A_593] {strides = array<i32>} : memref<32x1024xf32, #tpu.memory_space<vmem>>, vector<1x16xf32>,
      %get3A_595 = vector.shape_cast %get3A_594 : vector<1x16xf32> to vector<16xf32>
      %add3A_596 = arith.addf %get3A_591, %get3A_595 : vector<16xf32>
      %swap3A_597 = arith.index_cast %scan3A_43 : i32 to index
      %swap3A_598 = arith.constant 624 : index
      %swap3A_599 = tpu.vector_load %arg7[%swap3A_597, %swap3A_598] {strides = array<i32>} : memref<32x1024xf32, #tpu.memory_space<vmem>>, vector<1x16xf32>,
      %swap3A_600 = vector.shape_cast %swap3A_599 : vector<1x16xf32> to vector<16xf32>
      %swap3A_601 = vector.shape_cast %add3A_596 : vector<16xf32> to vector<1x16xf32>
      tpu.vector_store %arg7[%swap3A_597, %swap3A_598], %swap3A_601 {strides = array<i32>} : memref<32x1024xf32, #tpu.memory_space<vmem>>, vector<1x16xf32>,
      %get3A_602 = arith.index_cast %scan3A_43 : i32 to index
      %get3A_603 = arith.constant 640 : index
      %get3A_604 = tpu.vector_load %arg7[%get3A_602, %get3A_603] {strides = array<i32>} : memref<32x1024xf32, #tpu.memory_space<vmem>>, vector<1x16xf32>,
      %get3A_605 = vector.shape_cast %get3A_604 : vector<1x16xf32> to vector<16xf32>
      %get3A_606 = arith.index_cast %scan3A_43 : i32 to index
      %get3A_607 = arith.constant 640 : index
      %get3A_608 = tpu.vector_load %arg8[%get3A_606, %get3A_607] {strides = array<i32>} : memref<32x1024xf32, #tpu.memory_space<vmem>>, vector<1x16xf32>,
      %get3A_609 = vector.shape_cast %get3A_608 : vector<1x16xf32> to vector<16xf32>
      %add3A_610 = arith.addf %get3A_605, %get3A_609 : vector<16xf32>
      %swap3A_611 = arith.index_cast %scan3A_43 : i32 to index
      %swap3A_612 = arith.constant 640 : index
      %swap3A_613 = tpu.vector_load %arg7[%swap3A_611, %swap3A_612] {strides = array<i32>} : memref<32x1024xf32, #tpu.memory_space<vmem>>, vector<1x16xf32>,
      %swap3A_614 = vector.shape_cast %swap3A_613 : vector<1x16xf32> to vector<16xf32>
      %swap3A_615 = vector.shape_cast %add3A_610 : vector<16xf32> to vector<1x16xf32>
      tpu.vector_store %arg7[%swap3A_611, %swap3A_612], %swap3A_615 {strides = array<i32>} : memref<32x1024xf32, #tpu.memory_space<vmem>>, vector<1x16xf32>,
      %get3A_616 = arith.index_cast %scan3A_43 : i32 to index
      %get3A_617 = arith.constant 656 : index
      %get3A_618 = tpu.vector_load %arg7[%get3A_616, %get3A_617] {strides = array<i32>} : memref<32x1024xf32, #tpu.memory_space<vmem>>, vector<1x16xf32>,
      %get3A_619 = vector.shape_cast %get3A_618 : vector<1x16xf32> to vector<16xf32>
      %get3A_620 = arith.index_cast %scan3A_43 : i32 to index
      %get3A_621 = arith.constant 656 : index
      %get3A_622 = tpu.vector_load %arg8[%get3A_620, %get3A_621] {strides = array<i32>} : memref<32x1024xf32, #tpu.memory_space<vmem>>, vector<1x16xf32>,
      %get3A_623 = vector.shape_cast %get3A_622 : vector<1x16xf32> to vector<16xf32>
      %add3A_624 = arith.addf %get3A_619, %get3A_623 : vector<16xf32>
      %swap3A_625 = arith.index_cast %scan3A_43 : i32 to index
      %swap3A_626 = arith.constant 656 : index
      %swap3A_627 = tpu.vector_load %arg7[%swap3A_625, %swap3A_626] {strides = array<i32>} : memref<32x1024xf32, #tpu.memory_space<vmem>>, vector<1x16xf32>,
      %swap3A_628 = vector.shape_cast %swap3A_627 : vector<1x16xf32> to vector<16xf32>
      %swap3A_629 = vector.shape_cast %add3A_624 : vector<16xf32> to vector<1x16xf32>
      tpu.vector_store %arg7[%swap3A_625, %swap3A_626], %swap3A_629 {strides = array<i32>} : memref<32x1024xf32, #tpu.memory_space<vmem>>, vector<1x16xf32>,
      %get3A_630 = arith.index_cast %scan3A_43 : i32 to index
      %get3A_631 = arith.constant 672 : index
      %get3A_632 = tpu.vector_load %arg7[%get3A_630, %get3A_631] {strides = array<i32>} : memref<32x1024xf32, #tpu.memory_space<vmem>>, vector<1x16xf32>,
      %get3A_633 = vector.shape_cast %get3A_632 : vector<1x16xf32> to vector<16xf32>
      %get3A_634 = arith.index_cast %scan3A_43 : i32 to index
      %get3A_635 = arith.constant 672 : index
      %get3A_636 = tpu.vector_load %arg8[%get3A_634, %get3A_635] {strides = array<i32>} : memref<32x1024xf32, #tpu.memory_space<vmem>>, vector<1x16xf32>,
      %get3A_637 = vector.shape_cast %get3A_636 : vector<1x16xf32> to vector<16xf32>
      %add3A_638 = arith.addf %get3A_633, %get3A_637 : vector<16xf32>
      %swap3A_639 = arith.index_cast %scan3A_43 : i32 to index
      %swap3A_640 = arith.constant 672 : index
      %swap3A_641 = tpu.vector_load %arg7[%swap3A_639, %swap3A_640] {strides = array<i32>} : memref<32x1024xf32, #tpu.memory_space<vmem>>, vector<1x16xf32>,
      %swap3A_642 = vector.shape_cast %swap3A_641 : vector<1x16xf32> to vector<16xf32>
      %swap3A_643 = vector.shape_cast %add3A_638 : vector<16xf32> to vector<1x16xf32>
      tpu.vector_store %arg7[%swap3A_639, %swap3A_640], %swap3A_643 {strides = array<i32>} : memref<32x1024xf32, #tpu.memory_space<vmem>>, vector<1x16xf32>,
      %get3A_644 = arith.index_cast %scan3A_43 : i32 to index
      %get3A_645 = arith.constant 688 : index
      %get3A_646 = tpu.vector_load %arg7[%get3A_644, %get3A_645] {strides = array<i32>} : memref<32x1024xf32, #tpu.memory_space<vmem>>, vector<1x16xf32>,
      %get3A_647 = vector.shape_cast %get3A_646 : vector<1x16xf32> to vector<16xf32>
      %get3A_648 = arith.index_cast %scan3A_43 : i32 to index
      %get3A_649 = arith.constant 688 : index
      %get3A_650 = tpu.vector_load %arg8[%get3A_648, %get3A_649] {strides = array<i32>} : memref<32x1024xf32, #tpu.memory_space<vmem>>, vector<1x16xf32>,
      %get3A_651 = vector.shape_cast %get3A_650 : vector<1x16xf32> to vector<16xf32>
      %add3A_652 = arith.addf %get3A_647, %get3A_651 : vector<16xf32>
      %swap3A_653 = arith.index_cast %scan3A_43 : i32 to index
      %swap3A_654 = arith.constant 688 : index
      %swap3A_655 = tpu.vector_load %arg7[%swap3A_653, %swap3A_654] {strides = array<i32>} : memref<32x1024xf32, #tpu.memory_space<vmem>>, vector<1x16xf32>,
      %swap3A_656 = vector.shape_cast %swap3A_655 : vector<1x16xf32> to vector<16xf32>
      %swap3A_657 = vector.shape_cast %add3A_652 : vector<16xf32> to vector<1x16xf32>
      tpu.vector_store %arg7[%swap3A_653, %swap3A_654], %swap3A_657 {strides = array<i32>} : memref<32x1024xf32, #tpu.memory_space<vmem>>, vector<1x16xf32>,
      %get3A_658 = arith.index_cast %scan3A_43 : i32 to index
      %get3A_659 = arith.constant 704 : index
      %get3A_660 = tpu.vector_load %arg7[%get3A_658, %get3A_659] {strides = array<i32>} : memref<32x1024xf32, #tpu.memory_space<vmem>>, vector<1x16xf32>,
      %get3A_661 = vector.shape_cast %get3A_660 : vector<1x16xf32> to vector<16xf32>
      %get3A_662 = arith.index_cast %scan3A_43 : i32 to index
      %get3A_663 = arith.constant 704 : index
      %get3A_664 = tpu.vector_load %arg8[%get3A_662, %get3A_663] {strides = array<i32>} : memref<32x1024xf32, #tpu.memory_space<vmem>>, vector<1x16xf32>,
      %get3A_665 = vector.shape_cast %get3A_664 : vector<1x16xf32> to vector<16xf32>
      %add3A_666 = arith.addf %get3A_661, %get3A_665 : vector<16xf32>
      %swap3A_667 = arith.index_cast %scan3A_43 : i32 to index
      %swap3A_668 = arith.constant 704 : index
      %swap3A_669 = tpu.vector_load %arg7[%swap3A_667, %swap3A_668] {strides = array<i32>} : memref<32x1024xf32, #tpu.memory_space<vmem>>, vector<1x16xf32>,
      %swap3A_670 = vector.shape_cast %swap3A_669 : vector<1x16xf32> to vector<16xf32>
      %swap3A_671 = vector.shape_cast %add3A_666 : vector<16xf32> to vector<1x16xf32>
      tpu.vector_store %arg7[%swap3A_667, %swap3A_668], %swap3A_671 {strides = array<i32>} : memref<32x1024xf32, #tpu.memory_space<vmem>>, vector<1x16xf32>,
      %get3A_672 = arith.index_cast %scan3A_43 : i32 to index
      %get3A_673 = arith.constant 720 : index
      %get3A_674 = tpu.vector_load %arg7[%get3A_672, %get3A_673] {strides = array<i32>} : memref<32x1024xf32, #tpu.memory_space<vmem>>, vector<1x16xf32>,
      %get3A_675 = vector.shape_cast %get3A_674 : vector<1x16xf32> to vector<16xf32>
      %get3A_676 = arith.index_cast %scan3A_43 : i32 to index
      %get3A_677 = arith.constant 720 : index
      %get3A_678 = tpu.vector_load %arg8[%get3A_676, %get3A_677] {strides = array<i32>} : memref<32x1024xf32, #tpu.memory_space<vmem>>, vector<1x16xf32>,
      %get3A_679 = vector.shape_cast %get3A_678 : vector<1x16xf32> to vector<16xf32>
      %add3A_680 = arith.addf %get3A_675, %get3A_679 : vector<16xf32>
      %swap3A_681 = arith.index_cast %scan3A_43 : i32 to index
      %swap3A_682 = arith.constant 720 : index
      %swap3A_683 = tpu.vector_load %arg7[%swap3A_681, %swap3A_682] {strides = array<i32>} : memref<32x1024xf32, #tpu.memory_space<vmem>>, vector<1x16xf32>,
      %swap3A_684 = vector.shape_cast %swap3A_683 : vector<1x16xf32> to vector<16xf32>
      %swap3A_685 = vector.shape_cast %add3A_680 : vector<16xf32> to vector<1x16xf32>
      tpu.vector_store %arg7[%swap3A_681, %swap3A_682], %swap3A_685 {strides = array<i32>} : memref<32x1024xf32, #tpu.memory_space<vmem>>, vector<1x16xf32>,
      %get3A_686 = arith.index_cast %scan3A_43 : i32 to index
      %get3A_687 = arith.constant 736 : index
      %get3A_688 = tpu.vector_load %arg7[%get3A_686, %get3A_687] {strides = array<i32>} : memref<32x1024xf32, #tpu.memory_space<vmem>>, vector<1x16xf32>,
      %get3A_689 = vector.shape_cast %get3A_688 : vector<1x16xf32> to vector<16xf32>
      %get3A_690 = arith.index_cast %scan3A_43 : i32 to index
      %get3A_691 = arith.constant 736 : index
      %get3A_692 = tpu.vector_load %arg8[%get3A_690, %get3A_691] {strides = array<i32>} : memref<32x1024xf32, #tpu.memory_space<vmem>>, vector<1x16xf32>,
      %get3A_693 = vector.shape_cast %get3A_692 : vector<1x16xf32> to vector<16xf32>
      %add3A_694 = arith.addf %get3A_689, %get3A_693 : vector<16xf32>
      %swap3A_695 = arith.index_cast %scan3A_43 : i32 to index
      %swap3A_696 = arith.constant 736 : index
      %swap3A_697 = tpu.vector_load %arg7[%swap3A_695, %swap3A_696] {strides = array<i32>} : memref<32x1024xf32, #tpu.memory_space<vmem>>, vector<1x16xf32>,
      %swap3A_698 = vector.shape_cast %swap3A_697 : vector<1x16xf32> to vector<16xf32>
      %swap3A_699 = vector.shape_cast %add3A_694 : vector<16xf32> to vector<1x16xf32>
      tpu.vector_store %arg7[%swap3A_695, %swap3A_696], %swap3A_699 {strides = array<i32>} : memref<32x1024xf32, #tpu.memory_space<vmem>>, vector<1x16xf32>,
      %get3A_700 = arith.index_cast %scan3A_43 : i32 to index
      %get3A_701 = arith.constant 752 : index
      %get3A_702 = tpu.vector_load %arg7[%get3A_700, %get3A_701] {strides = array<i32>} : memref<32x1024xf32, #tpu.memory_space<vmem>>, vector<1x16xf32>,
      %get3A_703 = vector.shape_cast %get3A_702 : vector<1x16xf32> to vector<16xf32>
      %get3A_704 = arith.index_cast %scan3A_43 : i32 to index
      %get3A_705 = arith.constant 752 : index
      %get3A_706 = tpu.vector_load %arg8[%get3A_704, %get3A_705] {strides = array<i32>} : memref<32x1024xf32, #tpu.memory_space<vmem>>, vector<1x16xf32>,
      %get3A_707 = vector.shape_cast %get3A_706 : vector<1x16xf32> to vector<16xf32>
      %add3A_708 = arith.addf %get3A_703, %get3A_707 : vector<16xf32>
      %swap3A_709 = arith.index_cast %scan3A_43 : i32 to index
      %swap3A_710 = arith.constant 752 : index
      %swap3A_711 = tpu.vector_load %arg7[%swap3A_709, %swap3A_710] {strides = array<i32>} : memref<32x1024xf32, #tpu.memory_space<vmem>>, vector<1x16xf32>,
      %swap3A_712 = vector.shape_cast %swap3A_711 : vector<1x16xf32> to vector<16xf32>
      %swap3A_713 = vector.shape_cast %add3A_708 : vector<16xf32> to vector<1x16xf32>
      tpu.vector_store %arg7[%swap3A_709, %swap3A_710], %swap3A_713 {strides = array<i32>} : memref<32x1024xf32, #tpu.memory_space<vmem>>, vector<1x16xf32>,
      %get3A_714 = arith.index_cast %scan3A_43 : i32 to index
      %get3A_715 = arith.constant 768 : index
      %get3A_716 = tpu.vector_load %arg7[%get3A_714, %get3A_715] {strides = array<i32>} : memref<32x1024xf32, #tpu.memory_space<vmem>>, vector<1x16xf32>,
      %get3A_717 = vector.shape_cast %get3A_716 : vector<1x16xf32> to vector<16xf32>
      %get3A_718 = arith.index_cast %scan3A_43 : i32 to index
      %get3A_719 = arith.constant 768 : index
      %get3A_720 = tpu.vector_load %arg8[%get3A_718, %get3A_719] {strides = array<i32>} : memref<32x1024xf32, #tpu.memory_space<vmem>>, vector<1x16xf32>,
      %get3A_721 = vector.shape_cast %get3A_720 : vector<1x16xf32> to vector<16xf32>
      %add3A_722 = arith.addf %get3A_717, %get3A_721 : vector<16xf32>
      %swap3A_723 = arith.index_cast %scan3A_43 : i32 to index
      %swap3A_724 = arith.constant 768 : index
      %swap3A_725 = tpu.vector_load %arg7[%swap3A_723, %swap3A_724] {strides = array<i32>} : memref<32x1024xf32, #tpu.memory_space<vmem>>, vector<1x16xf32>,
      %swap3A_726 = vector.shape_cast %swap3A_725 : vector<1x16xf32> to vector<16xf32>
      %swap3A_727 = vector.shape_cast %add3A_722 : vector<16xf32> to vector<1x16xf32>
      tpu.vector_store %arg7[%swap3A_723, %swap3A_724], %swap3A_727 {strides = array<i32>} : memref<32x1024xf32, #tpu.memory_space<vmem>>, vector<1x16xf32>,
      %get3A_728 = arith.index_cast %scan3A_43 : i32 to index
      %get3A_729 = arith.constant 784 : index
      %get3A_730 = tpu.vector_load %arg7[%get3A_728, %get3A_729] {strides = array<i32>} : memref<32x1024xf32, #tpu.memory_space<vmem>>, vector<1x16xf32>,
      %get3A_731 = vector.shape_cast %get3A_730 : vector<1x16xf32> to vector<16xf32>
      %get3A_732 = arith.index_cast %scan3A_43 : i32 to index
      %get3A_733 = arith.constant 784 : index
      %get3A_734 = tpu.vector_load %arg8[%get3A_732, %get3A_733] {strides = array<i32>} : memref<32x1024xf32, #tpu.memory_space<vmem>>, vector<1x16xf32>,
      %get3A_735 = vector.shape_cast %get3A_734 : vector<1x16xf32> to vector<16xf32>
      %add3A_736 = arith.addf %get3A_731, %get3A_735 : vector<16xf32>
      %swap3A_737 = arith.index_cast %scan3A_43 : i32 to index
      %swap3A_738 = arith.constant 784 : index
      %swap3A_739 = tpu.vector_load %arg7[%swap3A_737, %swap3A_738] {strides = array<i32>} : memref<32x1024xf32, #tpu.memory_space<vmem>>, vector<1x16xf32>,
      %swap3A_740 = vector.shape_cast %swap3A_739 : vector<1x16xf32> to vector<16xf32>
      %swap3A_741 = vector.shape_cast %add3A_736 : vector<16xf32> to vector<1x16xf32>
      tpu.vector_store %arg7[%swap3A_737, %swap3A_738], %swap3A_741 {strides = array<i32>} : memref<32x1024xf32, #tpu.memory_space<vmem>>, vector<1x16xf32>,
      %get3A_742 = arith.index_cast %scan3A_43 : i32 to index
      %get3A_743 = arith.constant 800 : index
      %get3A_744 = tpu.vector_load %arg7[%get3A_742, %get3A_743] {strides = array<i32>} : memref<32x1024xf32, #tpu.memory_space<vmem>>, vector<1x16xf32>,
      %get3A_745 = vector.shape_cast %get3A_744 : vector<1x16xf32> to vector<16xf32>
      %get3A_746 = arith.index_cast %scan3A_43 : i32 to index
      %get3A_747 = arith.constant 800 : index
      %get3A_748 = tpu.vector_load %arg8[%get3A_746, %get3A_747] {strides = array<i32>} : memref<32x1024xf32, #tpu.memory_space<vmem>>, vector<1x16xf32>,
      %get3A_749 = vector.shape_cast %get3A_748 : vector<1x16xf32> to vector<16xf32>
      %add3A_750 = arith.addf %get3A_745, %get3A_749 : vector<16xf32>
      %swap3A_751 = arith.index_cast %scan3A_43 : i32 to index
      %swap3A_752 = arith.constant 800 : index
      %swap3A_753 = tpu.vector_load %arg7[%swap3A_751, %swap3A_752] {strides = array<i32>} : memref<32x1024xf32, #tpu.memory_space<vmem>>, vector<1x16xf32>,
      %swap3A_754 = vector.shape_cast %swap3A_753 : vector<1x16xf32> to vector<16xf32>
      %swap3A_755 = vector.shape_cast %add3A_750 : vector<16xf32> to vector<1x16xf32>
      tpu.vector_store %arg7[%swap3A_751, %swap3A_752], %swap3A_755 {strides = array<i32>} : memref<32x1024xf32, #tpu.memory_space<vmem>>, vector<1x16xf32>,
      %get3A_756 = arith.index_cast %scan3A_43 : i32 to index
      %get3A_757 = arith.constant 816 : index
      %get3A_758 = tpu.vector_load %arg7[%get3A_756, %get3A_757] {strides = array<i32>} : memref<32x1024xf32, #tpu.memory_space<vmem>>, vector<1x16xf32>,
      %get3A_759 = vector.shape_cast %get3A_758 : vector<1x16xf32> to vector<16xf32>
      %get3A_760 = arith.index_cast %scan3A_43 : i32 to index
      %get3A_761 = arith.constant 816 : index
      %get3A_762 = tpu.vector_load %arg8[%get3A_760, %get3A_761] {strides = array<i32>} : memref<32x1024xf32, #tpu.memory_space<vmem>>, vector<1x16xf32>,
      %get3A_763 = vector.shape_cast %get3A_762 : vector<1x16xf32> to vector<16xf32>
      %add3A_764 = arith.addf %get3A_759, %get3A_763 : vector<16xf32>
      %swap3A_765 = arith.index_cast %scan3A_43 : i32 to index
      %swap3A_766 = arith.constant 816 : index
      %swap3A_767 = tpu.vector_load %arg7[%swap3A_765, %swap3A_766] {strides = array<i32>} : memref<32x1024xf32, #tpu.memory_space<vmem>>, vector<1x16xf32>,
      %swap3A_768 = vector.shape_cast %swap3A_767 : vector<1x16xf32> to vector<16xf32>
      %swap3A_769 = vector.shape_cast %add3A_764 : vector<16xf32> to vector<1x16xf32>
      tpu.vector_store %arg7[%swap3A_765, %swap3A_766], %swap3A_769 {strides = array<i32>} : memref<32x1024xf32, #tpu.memory_space<vmem>>, vector<1x16xf32>,
      %get3A_770 = arith.index_cast %scan3A_43 : i32 to index
      %get3A_771 = arith.constant 832 : index
      %get3A_772 = tpu.vector_load %arg7[%get3A_770, %get3A_771] {strides = array<i32>} : memref<32x1024xf32, #tpu.memory_space<vmem>>, vector<1x16xf32>,
      %get3A_773 = vector.shape_cast %get3A_772 : vector<1x16xf32> to vector<16xf32>
      %get3A_774 = arith.index_cast %scan3A_43 : i32 to index
      %get3A_775 = arith.constant 832 : index
      %get3A_776 = tpu.vector_load %arg8[%get3A_774, %get3A_775] {strides = array<i32>} : memref<32x1024xf32, #tpu.memory_space<vmem>>, vector<1x16xf32>,
      %get3A_777 = vector.shape_cast %get3A_776 : vector<1x16xf32> to vector<16xf32>
      %add3A_778 = arith.addf %get3A_773, %get3A_777 : vector<16xf32>
      %swap3A_779 = arith.index_cast %scan3A_43 : i32 to index
      %swap3A_780 = arith.constant 832 : index
      %swap3A_781 = tpu.vector_load %arg7[%swap3A_779, %swap3A_780] {strides = array<i32>} : memref<32x1024xf32, #tpu.memory_space<vmem>>, vector<1x16xf32>,
      %swap3A_782 = vector.shape_cast %swap3A_781 : vector<1x16xf32> to vector<16xf32>
      %swap3A_783 = vector.shape_cast %add3A_778 : vector<16xf32> to vector<1x16xf32>
      tpu.vector_store %arg7[%swap3A_779, %swap3A_780], %swap3A_783 {strides = array<i32>} : memref<32x1024xf32, #tpu.memory_space<vmem>>, vector<1x16xf32>,
      %get3A_784 = arith.index_cast %scan3A_43 : i32 to index
      %get3A_785 = arith.constant 848 : index
      %get3A_786 = tpu.vector_load %arg7[%get3A_784, %get3A_785] {strides = array<i32>} : memref<32x1024xf32, #tpu.memory_space<vmem>>, vector<1x16xf32>,
      %get3A_787 = vector.shape_cast %get3A_786 : vector<1x16xf32> to vector<16xf32>
      %get3A_788 = arith.index_cast %scan3A_43 : i32 to index
      %get3A_789 = arith.constant 848 : index
      %get3A_790 = tpu.vector_load %arg8[%get3A_788, %get3A_789] {strides = array<i32>} : memref<32x1024xf32, #tpu.memory_space<vmem>>, vector<1x16xf32>,
      %get3A_791 = vector.shape_cast %get3A_790 : vector<1x16xf32> to vector<16xf32>
      %add3A_792 = arith.addf %get3A_787, %get3A_791 : vector<16xf32>
      %swap3A_793 = arith.index_cast %scan3A_43 : i32 to index
      %swap3A_794 = arith.constant 848 : index
      %swap3A_795 = tpu.vector_load %arg7[%swap3A_793, %swap3A_794] {strides = array<i32>} : memref<32x1024xf32, #tpu.memory_space<vmem>>, vector<1x16xf32>,
      %swap3A_796 = vector.shape_cast %swap3A_795 : vector<1x16xf32> to vector<16xf32>
      %swap3A_797 = vector.shape_cast %add3A_792 : vector<16xf32> to vector<1x16xf32>
      tpu.vector_store %arg7[%swap3A_793, %swap3A_794], %swap3A_797 {strides = array<i32>} : memref<32x1024xf32, #tpu.memory_space<vmem>>, vector<1x16xf32>,
      %get3A_798 = arith.index_cast %scan3A_43 : i32 to index
      %get3A_799 = arith.constant 864 : index
      %get3A_800 = tpu.vector_load %arg7[%get3A_798, %get3A_799] {strides = array<i32>} : memref<32x1024xf32, #tpu.memory_space<vmem>>, vector<1x16xf32>,
      %get3A_801 = vector.shape_cast %get3A_800 : vector<1x16xf32> to vector<16xf32>
      %get3A_802 = arith.index_cast %scan3A_43 : i32 to index
      %get3A_803 = arith.constant 864 : index
      %get3A_804 = tpu.vector_load %arg8[%get3A_802, %get3A_803] {strides = array<i32>} : memref<32x1024xf32, #tpu.memory_space<vmem>>, vector<1x16xf32>,
      %get3A_805 = vector.shape_cast %get3A_804 : vector<1x16xf32> to vector<16xf32>
      %add3A_806 = arith.addf %get3A_801, %get3A_805 : vector<16xf32>
      %swap3A_807 = arith.index_cast %scan3A_43 : i32 to index
      %swap3A_808 = arith.constant 864 : index
      %swap3A_809 = tpu.vector_load %arg7[%swap3A_807, %swap3A_808] {strides = array<i32>} : memref<32x1024xf32, #tpu.memory_space<vmem>>, vector<1x16xf32>,
      %swap3A_810 = vector.shape_cast %swap3A_809 : vector<1x16xf32> to vector<16xf32>
      %swap3A_811 = vector.shape_cast %add3A_806 : vector<16xf32> to vector<1x16xf32>
      tpu.vector_store %arg7[%swap3A_807, %swap3A_808], %swap3A_811 {strides = array<i32>} : memref<32x1024xf32, #tpu.memory_space<vmem>>, vector<1x16xf32>,
      %get3A_812 = arith.index_cast %scan3A_43 : i32 to index
      %get3A_813 = arith.constant 880 : index
      %get3A_814 = tpu.vector_load %arg7[%get3A_812, %get3A_813] {strides = array<i32>} : memref<32x1024xf32, #tpu.memory_space<vmem>>, vector<1x16xf32>,
      %get3A_815 = vector.shape_cast %get3A_814 : vector<1x16xf32> to vector<16xf32>
      %get3A_816 = arith.index_cast %scan3A_43 : i32 to index
      %get3A_817 = arith.constant 880 : index
      %get3A_818 = tpu.vector_load %arg8[%get3A_816, %get3A_817] {strides = array<i32>} : memref<32x1024xf32, #tpu.memory_space<vmem>>, vector<1x16xf32>,
      %get3A_819 = vector.shape_cast %get3A_818 : vector<1x16xf32> to vector<16xf32>
      %add3A_820 = arith.addf %get3A_815, %get3A_819 : vector<16xf32>
      %swap3A_821 = arith.index_cast %scan3A_43 : i32 to index
      %swap3A_822 = arith.constant 880 : index
      %swap3A_823 = tpu.vector_load %arg7[%swap3A_821, %swap3A_822] {strides = array<i32>} : memref<32x1024xf32, #tpu.memory_space<vmem>>, vector<1x16xf32>,
      %swap3A_824 = vector.shape_cast %swap3A_823 : vector<1x16xf32> to vector<16xf32>
      %swap3A_825 = vector.shape_cast %add3A_820 : vector<16xf32> to vector<1x16xf32>
      tpu.vector_store %arg7[%swap3A_821, %swap3A_822], %swap3A_825 {strides = array<i32>} : memref<32x1024xf32, #tpu.memory_space<vmem>>, vector<1x16xf32>,
      %get3A_826 = arith.index_cast %scan3A_43 : i32 to index
      %get3A_827 = arith.constant 896 : index
      %get3A_828 = tpu.vector_load %arg7[%get3A_826, %get3A_827] {strides = array<i32>} : memref<32x1024xf32, #tpu.memory_space<vmem>>, vector<1x16xf32>,
      %get3A_829 = vector.shape_cast %get3A_828 : vector<1x16xf32> to vector<16xf32>
      %get3A_830 = arith.index_cast %scan3A_43 : i32 to index
      %get3A_831 = arith.constant 896 : index
      %get3A_832 = tpu.vector_load %arg8[%get3A_830, %get3A_831] {strides = array<i32>} : memref<32x1024xf32, #tpu.memory_space<vmem>>, vector<1x16xf32>,
      %get3A_833 = vector.shape_cast %get3A_832 : vector<1x16xf32> to vector<16xf32>
      %add3A_834 = arith.addf %get3A_829, %get3A_833 : vector<16xf32>
      %swap3A_835 = arith.index_cast %scan3A_43 : i32 to index
      %swap3A_836 = arith.constant 896 : index
      %swap3A_837 = tpu.vector_load %arg7[%swap3A_835, %swap3A_836] {strides = array<i32>} : memref<32x1024xf32, #tpu.memory_space<vmem>>, vector<1x16xf32>,
      %swap3A_838 = vector.shape_cast %swap3A_837 : vector<1x16xf32> to vector<16xf32>
      %swap3A_839 = vector.shape_cast %add3A_834 : vector<16xf32> to vector<1x16xf32>
      tpu.vector_store %arg7[%swap3A_835, %swap3A_836], %swap3A_839 {strides = array<i32>} : memref<32x1024xf32, #tpu.memory_space<vmem>>, vector<1x16xf32>,
      %get3A_840 = arith.index_cast %scan3A_43 : i32 to index
      %get3A_841 = arith.constant 912 : index
      %get3A_842 = tpu.vector_load %arg7[%get3A_840, %get3A_841] {strides = array<i32>} : memref<32x1024xf32, #tpu.memory_space<vmem>>, vector<1x16xf32>,
      %get3A_843 = vector.shape_cast %get3A_842 : vector<1x16xf32> to vector<16xf32>
      %get3A_844 = arith.index_cast %scan3A_43 : i32 to index
      %get3A_845 = arith.constant 912 : index
      %get3A_846 = tpu.vector_load %arg8[%get3A_844, %get3A_845] {strides = array<i32>} : memref<32x1024xf32, #tpu.memory_space<vmem>>, vector<1x16xf32>,
      %get3A_847 = vector.shape_cast %get3A_846 : vector<1x16xf32> to vector<16xf32>
      %add3A_848 = arith.addf %get3A_843, %get3A_847 : vector<16xf32>
      %swap3A_849 = arith.index_cast %scan3A_43 : i32 to index
      %swap3A_850 = arith.constant 912 : index
      %swap3A_851 = tpu.vector_load %arg7[%swap3A_849, %swap3A_850] {strides = array<i32>} : memref<32x1024xf32, #tpu.memory_space<vmem>>, vector<1x16xf32>,
      %swap3A_852 = vector.shape_cast %swap3A_851 : vector<1x16xf32> to vector<16xf32>
      %swap3A_853 = vector.shape_cast %add3A_848 : vector<16xf32> to vector<1x16xf32>
      tpu.vector_store %arg7[%swap3A_849, %swap3A_850], %swap3A_853 {strides = array<i32>} : memref<32x1024xf32, #tpu.memory_space<vmem>>, vector<1x16xf32>,
      %get3A_854 = arith.index_cast %scan3A_43 : i32 to index
      %get3A_855 = arith.constant 928 : index
      %get3A_856 = tpu.vector_load %arg7[%get3A_854, %get3A_855] {strides = array<i32>} : memref<32x1024xf32, #tpu.memory_space<vmem>>, vector<1x16xf32>,
      %get3A_857 = vector.shape_cast %get3A_856 : vector<1x16xf32> to vector<16xf32>
      %get3A_858 = arith.index_cast %scan3A_43 : i32 to index
      %get3A_859 = arith.constant 928 : index
      %get3A_860 = tpu.vector_load %arg8[%get3A_858, %get3A_859] {strides = array<i32>} : memref<32x1024xf32, #tpu.memory_space<vmem>>, vector<1x16xf32>,
      %get3A_861 = vector.shape_cast %get3A_860 : vector<1x16xf32> to vector<16xf32>
      %add3A_862 = arith.addf %get3A_857, %get3A_861 : vector<16xf32>
      %swap3A_863 = arith.index_cast %scan3A_43 : i32 to index
      %swap3A_864 = arith.constant 928 : index
      %swap3A_865 = tpu.vector_load %arg7[%swap3A_863, %swap3A_864] {strides = array<i32>} : memref<32x1024xf32, #tpu.memory_space<vmem>>, vector<1x16xf32>,
      %swap3A_866 = vector.shape_cast %swap3A_865 : vector<1x16xf32> to vector<16xf32>
      %swap3A_867 = vector.shape_cast %add3A_862 : vector<16xf32> to vector<1x16xf32>
      tpu.vector_store %arg7[%swap3A_863, %swap3A_864], %swap3A_867 {strides = array<i32>} : memref<32x1024xf32, #tpu.memory_space<vmem>>, vector<1x16xf32>,
      %get3A_868 = arith.index_cast %scan3A_43 : i32 to index
      %get3A_869 = arith.constant 944 : index
      %get3A_870 = tpu.vector_load %arg7[%get3A_868, %get3A_869] {strides = array<i32>} : memref<32x1024xf32, #tpu.memory_space<vmem>>, vector<1x16xf32>,
      %get3A_871 = vector.shape_cast %get3A_870 : vector<1x16xf32> to vector<16xf32>
      %get3A_872 = arith.index_cast %scan3A_43 : i32 to index
      %get3A_873 = arith.constant 944 : index
      %get3A_874 = tpu.vector_load %arg8[%get3A_872, %get3A_873] {strides = array<i32>} : memref<32x1024xf32, #tpu.memory_space<vmem>>, vector<1x16xf32>,
      %get3A_875 = vector.shape_cast %get3A_874 : vector<1x16xf32> to vector<16xf32>
      %add3A_876 = arith.addf %get3A_871, %get3A_875 : vector<16xf32>
      %swap3A_877 = arith.index_cast %scan3A_43 : i32 to index
      %swap3A_878 = arith.constant 944 : index
      %swap3A_879 = tpu.vector_load %arg7[%swap3A_877, %swap3A_878] {strides = array<i32>} : memref<32x1024xf32, #tpu.memory_space<vmem>>, vector<1x16xf32>,
      %swap3A_880 = vector.shape_cast %swap3A_879 : vector<1x16xf32> to vector<16xf32>
      %swap3A_881 = vector.shape_cast %add3A_876 : vector<16xf32> to vector<1x16xf32>
      tpu.vector_store %arg7[%swap3A_877, %swap3A_878], %swap3A_881 {strides = array<i32>} : memref<32x1024xf32, #tpu.memory_space<vmem>>, vector<1x16xf32>,
      %get3A_882 = arith.index_cast %scan3A_43 : i32 to index
      %get3A_883 = arith.constant 960 : index
      %get3A_884 = tpu.vector_load %arg7[%get3A_882, %get3A_883] {strides = array<i32>} : memref<32x1024xf32, #tpu.memory_space<vmem>>, vector<1x16xf32>,
      %get3A_885 = vector.shape_cast %get3A_884 : vector<1x16xf32> to vector<16xf32>
      %get3A_886 = arith.index_cast %scan3A_43 : i32 to index
      %get3A_887 = arith.constant 960 : index
      %get3A_888 = tpu.vector_load %arg8[%get3A_886, %get3A_887] {strides = array<i32>} : memref<32x1024xf32, #tpu.memory_space<vmem>>, vector<1x16xf32>,
      %get3A_889 = vector.shape_cast %get3A_888 : vector<1x16xf32> to vector<16xf32>
      %add3A_890 = arith.addf %get3A_885, %get3A_889 : vector<16xf32>
      %swap3A_891 = arith.index_cast %scan3A_43 : i32 to index
      %swap3A_892 = arith.constant 960 : index
      %swap3A_893 = tpu.vector_load %arg7[%swap3A_891, %swap3A_892] {strides = array<i32>} : memref<32x1024xf32, #tpu.memory_space<vmem>>, vector<1x16xf32>,
      %swap3A_894 = vector.shape_cast %swap3A_893 : vector<1x16xf32> to vector<16xf32>
      %swap3A_895 = vector.shape_cast %add3A_890 : vector<16xf32> to vector<1x16xf32>
      tpu.vector_store %arg7[%swap3A_891, %swap3A_892], %swap3A_895 {strides = array<i32>} : memref<32x1024xf32, #tpu.memory_space<vmem>>, vector<1x16xf32>,
      %get3A_896 = arith.index_cast %scan3A_43 : i32 to index
      %get3A_897 = arith.constant 976 : index
      %get3A_898 = tpu.vector_load %arg7[%get3A_896, %get3A_897] {strides = array<i32>} : memref<32x1024xf32, #tpu.memory_space<vmem>>, vector<1x16xf32>,
      %get3A_899 = vector.shape_cast %get3A_898 : vector<1x16xf32> to vector<16xf32>
      %get3A_900 = arith.index_cast %scan3A_43 : i32 to index
      %get3A_901 = arith.constant 976 : index
      %get3A_902 = tpu.vector_load %arg8[%get3A_900, %get3A_901] {strides = array<i32>} : memref<32x1024xf32, #tpu.memory_space<vmem>>, vector<1x16xf32>,
      %get3A_903 = vector.shape_cast %get3A_902 : vector<1x16xf32> to vector<16xf32>
      %add3A_904 = arith.addf %get3A_899, %get3A_903 : vector<16xf32>
      %swap3A_905 = arith.index_cast %scan3A_43 : i32 to index
      %swap3A_906 = arith.constant 976 : index
      %swap3A_907 = tpu.vector_load %arg7[%swap3A_905, %swap3A_906] {strides = array<i32>} : memref<32x1024xf32, #tpu.memory_space<vmem>>, vector<1x16xf32>,
      %swap3A_908 = vector.shape_cast %swap3A_907 : vector<1x16xf32> to vector<16xf32>
      %swap3A_909 = vector.shape_cast %add3A_904 : vector<16xf32> to vector<1x16xf32>
      tpu.vector_store %arg7[%swap3A_905, %swap3A_906], %swap3A_909 {strides = array<i32>} : memref<32x1024xf32, #tpu.memory_space<vmem>>, vector<1x16xf32>,
      %get3A_910 = arith.index_cast %scan3A_43 : i32 to index
      %get3A_911 = arith.constant 992 : index
      %get3A_912 = tpu.vector_load %arg7[%get3A_910, %get3A_911] {strides = array<i32>} : memref<32x1024xf32, #tpu.memory_space<vmem>>, vector<1x16xf32>,
      %get3A_913 = vector.shape_cast %get3A_912 : vector<1x16xf32> to vector<16xf32>
      %get3A_914 = arith.index_cast %scan3A_43 : i32 to index
      %get3A_915 = arith.constant 992 : index
      %get3A_916 = tpu.vector_load %arg8[%get3A_914, %get3A_915] {strides = array<i32>} : memref<32x1024xf32, #tpu.memory_space<vmem>>, vector<1x16xf32>,
      %get3A_917 = vector.shape_cast %get3A_916 : vector<1x16xf32> to vector<16xf32>
      %add3A_918 = arith.addf %get3A_913, %get3A_917 : vector<16xf32>
      %swap3A_919 = arith.index_cast %scan3A_43 : i32 to index
      %swap3A_920 = arith.constant 992 : index
      %swap3A_921 = tpu.vector_load %arg7[%swap3A_919, %swap3A_920] {strides = array<i32>} : memref<32x1024xf32, #tpu.memory_space<vmem>>, vector<1x16xf32>,
      %swap3A_922 = vector.shape_cast %swap3A_921 : vector<1x16xf32> to vector<16xf32>
      %swap3A_923 = vector.shape_cast %add3A_918 : vector<16xf32> to vector<1x16xf32>
      tpu.vector_store %arg7[%swap3A_919, %swap3A_920], %swap3A_923 {strides = array<i32>} : memref<32x1024xf32, #tpu.memory_space<vmem>>, vector<1x16xf32>,
      %get3A_924 = arith.index_cast %scan3A_43 : i32 to index
      %get3A_925 = arith.constant 1008 : index
      %get3A_926 = tpu.vector_load %arg7[%get3A_924, %get3A_925] {strides = array<i32>} : memref<32x1024xf32, #tpu.memory_space<vmem>>, vector<1x16xf32>,
      %get3A_927 = vector.shape_cast %get3A_926 : vector<1x16xf32> to vector<16xf32>
      %get3A_928 = arith.index_cast %scan3A_43 : i32 to index
      %get3A_929 = arith.constant 1008 : index
      %get3A_930 = tpu.vector_load %arg8[%get3A_928, %get3A_929] {strides = array<i32>} : memref<32x1024xf32, #tpu.memory_space<vmem>>, vector<1x16xf32>,
      %get3A_931 = vector.shape_cast %get3A_930 : vector<1x16xf32> to vector<16xf32>
      %add3A_932 = arith.addf %get3A_927, %get3A_931 : vector<16xf32>
      %swap3A_933 = arith.index_cast %scan3A_43 : i32 to index
      %swap3A_934 = arith.constant 1008 : index
      %swap3A_935 = tpu.vector_load %arg7[%swap3A_933, %swap3A_934] {strides = array<i32>} : memref<32x1024xf32, #tpu.memory_space<vmem>>, vector<1x16xf32>,
      %swap3A_936 = vector.shape_cast %swap3A_935 : vector<1x16xf32> to vector<16xf32>
      %swap3A_937 = vector.shape_cast %add3A_932 : vector<16xf32> to vector<1x16xf32>
      tpu.vector_store %arg7[%swap3A_933, %swap3A_934], %swap3A_937 {strides = array<i32>} : memref<32x1024xf32, #tpu.memory_space<vmem>>, vector<1x16xf32>,
    }
    %scan3A_42 = arith.constant 32 : i32
    "tpu.region"() ({
      %run_scoped3A = tpu.sem_alloc : memref<!tpu.dma_semaphore, #tpu.memory_space<semaphore_mem>>
      %dma_start3A_43 = arith.constant 0 : i32
      %dma_start3A_44 = tpu.memref_slice %arg5[%add3A_25, %dma_start3A_43] : memref<2048x1024xf32, #tpu.memory_space<hbm>> -> memref<32x1024xf32, #tpu.memory_space<hbm>>
      %dma_start3A_45 = arith.constant 0 : i32
      %dma_start3A_46 = tpu.memref_slice %arg5[%add3A_25, %dma_start3A_45] : memref<2048x1024xf32, #tpu.memory_space<hbm>> -> memref<32x1024xf32, #tpu.memory_space<hbm>>
      tpu.enqueue_dma source(%arg7 : memref<32x1024xf32, #tpu.memory_space<vmem>>) target(%dma_start3A_46 : memref<32x1024xf32, #tpu.memory_space<hbm>>) target_semaphore(%run_scoped3A : memref<!tpu.dma_semaphore, #tpu.memory_space<semaphore_mem>>)
      %dma_wait3A_47 = arith.constant 0 : i32
      %dma_wait3A_48 = tpu.memref_slice %arg5[%add3A_25, %dma_wait3A_47] : memref<2048x1024xf32, #tpu.memory_space<hbm>> -> memref<32x1024xf32, #tpu.memory_space<hbm>>
      %dma_wait3A_49 = arith.constant 0 : i32
      %dma_wait3A_50 = tpu.memref_slice %arg5[%add3A_25, %dma_wait3A_49] : memref<2048x1024xf32, #tpu.memory_space<hbm>> -> memref<32x1024xf32, #tpu.memory_space<hbm>>
      tpu.wait_dma2 semaphore(%run_scoped3A : memref<!tpu.dma_semaphore, #tpu.memory_space<semaphore_mem>>) src(%arg7 : memref<32x1024xf32, #tpu.memory_space<vmem>>) dst(%dma_wait3A_50 : memref<32x1024xf32, #tpu.memory_space<hbm>>)
      tpu.yield
    }) : () -> ()
    return
  }
}

#map = affine_map<(d0, d1) -> (0, 0)>
#map1 = affine_map<(d0, d1) -> (0)>
module attributes {stable_mosaic.version = 14 : i64} {
  func.func @dispatch_kernel(%arg0: i32, %arg1: i32, %arg2: memref<2048x1024xf32, #tpu.memory_space<hbm>>, %arg3: memref<2048xi32, #tpu.memory_space<hbm>>, %arg4: memref<2048xi32, #tpu.memory_space<hbm>>, %arg5: memref<2048x128xf32, #tpu.memory_space<hbm>>, %arg6: memref<2048x128xf32, #tpu.memory_space<hbm>>, %arg7: memref<8192x1024xf32, #tpu.memory_space<hbm>>, %arg8: memref<8192x128xf32, #tpu.memory_space<hbm>>, %arg9: memref<64xi32, #tpu.memory_space<vmem>>, %arg10: memref<64xi32, #tpu.memory_space<vmem>>, %arg11: memref<64x128xf32, #tpu.memory_space<vmem>>, %arg12: memref<64x128xf32, #tpu.memory_space<vmem>>, %arg13: memref<64x1024xf32, #tpu.memory_space<vmem>>, %arg14: memref<!tpu.dma_semaphore, #tpu.memory_space<semaphore_mem>>) attributes {dimension_semantics = [#tpu.dimension_semantics<core_parallel>, #tpu.dimension_semantics<subcore_parallel>], iteration_bounds = array<i64: 2, 16>, scalar_prefetch = 0 : i64, scratch_operands = 6 : i64, tpu.core_type = #tpu.core_type<sc_vector_subcore>, window_params = [{transform_indices = #map}, {transform_indices = #map1}, {transform_indices = #map1}, {transform_indices = #map}, {transform_indices = #map}, {transform_indices = #map}, {transform_indices = #map}]} {
    %mul3A = arith.constant 2 : i32
    %mul3A_0 = arith.muli %arg1, %mul3A : i32
    %add3A = arith.addi %mul3A_0, %arg0 : i32
    %mul3A_1 = arith.constant 64 : i32
    %mul3A_2 = arith.muli %add3A, %mul3A_1 : i32
    "tpu.region"() ({
      %run_scoped3A = tpu.sem_alloc : memref<!tpu.dma_semaphore, #tpu.memory_space<semaphore_mem>>
      %dma_start3A_25 = arith.constant 0 : i32
      %dma_start3A_26 = tpu.memref_slice %arg2[%mul3A_2, %dma_start3A_25] : memref<2048x1024xf32, #tpu.memory_space<hbm>> -> memref<64x1024xf32, #tpu.memory_space<hbm>>
      %dma_start3A_27 = arith.constant 0 : i32
      %dma_start3A_28 = tpu.memref_slice %arg2[%mul3A_2, %dma_start3A_27] : memref<2048x1024xf32, #tpu.memory_space<hbm>> -> memref<64x1024xf32, #tpu.memory_space<hbm>>
      tpu.enqueue_dma source(%dma_start3A_28 : memref<64x1024xf32, #tpu.memory_space<hbm>>) target(%arg13 : memref<64x1024xf32, #tpu.memory_space<vmem>>) target_semaphore(%run_scoped3A : memref<!tpu.dma_semaphore, #tpu.memory_space<semaphore_mem>>)
      %dma_wait3A_29 = arith.constant 0 : i32
      %dma_wait3A_30 = tpu.memref_slice %arg2[%mul3A_2, %dma_wait3A_29] : memref<2048x1024xf32, #tpu.memory_space<hbm>> -> memref<64x1024xf32, #tpu.memory_space<hbm>>
      %dma_wait3A_31 = arith.constant 0 : i32
      %dma_wait3A_32 = tpu.memref_slice %arg2[%mul3A_2, %dma_wait3A_31] : memref<2048x1024xf32, #tpu.memory_space<hbm>> -> memref<64x1024xf32, #tpu.memory_space<hbm>>
      tpu.wait_dma2 semaphore(%run_scoped3A : memref<!tpu.dma_semaphore, #tpu.memory_space<semaphore_mem>>) src(%dma_wait3A_32 : memref<64x1024xf32, #tpu.memory_space<hbm>>) dst(%arg13 : memref<64x1024xf32, #tpu.memory_space<vmem>>)
      tpu.yield
    }) : () -> ()
    "tpu.region"() ({
      %run_scoped3A = tpu.sem_alloc : memref<!tpu.dma_semaphore, #tpu.memory_space<semaphore_mem>>
      %dma_start3A_25 = tpu.memref_slice %arg3[%mul3A_2] : memref<2048xi32, #tpu.memory_space<hbm>> -> memref<64xi32, #tpu.memory_space<hbm>>
      %dma_start3A_26 = tpu.memref_slice %arg3[%mul3A_2] : memref<2048xi32, #tpu.memory_space<hbm>> -> memref<64xi32, #tpu.memory_space<hbm>>
      tpu.enqueue_dma source(%dma_start3A_26 : memref<64xi32, #tpu.memory_space<hbm>>) target(%arg9 : memref<64xi32, #tpu.memory_space<vmem>>) target_semaphore(%run_scoped3A : memref<!tpu.dma_semaphore, #tpu.memory_space<semaphore_mem>>)
      %dma_wait3A_27 = tpu.memref_slice %arg3[%mul3A_2] : memref<2048xi32, #tpu.memory_space<hbm>> -> memref<64xi32, #tpu.memory_space<hbm>>
      %dma_wait3A_28 = tpu.memref_slice %arg3[%mul3A_2] : memref<2048xi32, #tpu.memory_space<hbm>> -> memref<64xi32, #tpu.memory_space<hbm>>
      tpu.wait_dma2 semaphore(%run_scoped3A : memref<!tpu.dma_semaphore, #tpu.memory_space<semaphore_mem>>) src(%dma_wait3A_28 : memref<64xi32, #tpu.memory_space<hbm>>) dst(%arg9 : memref<64xi32, #tpu.memory_space<vmem>>)
      tpu.yield
    }) : () -> ()
    "tpu.region"() ({
      %run_scoped3A = tpu.sem_alloc : memref<!tpu.dma_semaphore, #tpu.memory_space<semaphore_mem>>
      %dma_start3A_25 = tpu.memref_slice %arg4[%mul3A_2] : memref<2048xi32, #tpu.memory_space<hbm>> -> memref<64xi32, #tpu.memory_space<hbm>>
      %dma_start3A_26 = tpu.memref_slice %arg4[%mul3A_2] : memref<2048xi32, #tpu.memory_space<hbm>> -> memref<64xi32, #tpu.memory_space<hbm>>
      tpu.enqueue_dma source(%dma_start3A_26 : memref<64xi32, #tpu.memory_space<hbm>>) target(%arg10 : memref<64xi32, #tpu.memory_space<vmem>>) target_semaphore(%run_scoped3A : memref<!tpu.dma_semaphore, #tpu.memory_space<semaphore_mem>>)
      %dma_wait3A_27 = tpu.memref_slice %arg4[%mul3A_2] : memref<2048xi32, #tpu.memory_space<hbm>> -> memref<64xi32, #tpu.memory_space<hbm>>
      %dma_wait3A_28 = tpu.memref_slice %arg4[%mul3A_2] : memref<2048xi32, #tpu.memory_space<hbm>> -> memref<64xi32, #tpu.memory_space<hbm>>
      tpu.wait_dma2 semaphore(%run_scoped3A : memref<!tpu.dma_semaphore, #tpu.memory_space<semaphore_mem>>) src(%dma_wait3A_28 : memref<64xi32, #tpu.memory_space<hbm>>) dst(%arg10 : memref<64xi32, #tpu.memory_space<vmem>>)
      tpu.yield
    }) : () -> ()
    "tpu.region"() ({
      %run_scoped3A = tpu.sem_alloc : memref<!tpu.dma_semaphore, #tpu.memory_space<semaphore_mem>>
      %dma_start3A_25 = arith.constant 0 : i32
      %dma_start3A_26 = tpu.memref_slice %arg5[%mul3A_2, %dma_start3A_25] : memref<2048x128xf32, #tpu.memory_space<hbm>> -> memref<64x128xf32, #tpu.memory_space<hbm>>
      %dma_start3A_27 = arith.constant 0 : i32
      %dma_start3A_28 = tpu.memref_slice %arg5[%mul3A_2, %dma_start3A_27] : memref<2048x128xf32, #tpu.memory_space<hbm>> -> memref<64x128xf32, #tpu.memory_space<hbm>>
      tpu.enqueue_dma source(%dma_start3A_28 : memref<64x128xf32, #tpu.memory_space<hbm>>) target(%arg11 : memref<64x128xf32, #tpu.memory_space<vmem>>) target_semaphore(%run_scoped3A : memref<!tpu.dma_semaphore, #tpu.memory_space<semaphore_mem>>)
      %dma_wait3A_29 = arith.constant 0 : i32
      %dma_wait3A_30 = tpu.memref_slice %arg5[%mul3A_2, %dma_wait3A_29] : memref<2048x128xf32, #tpu.memory_space<hbm>> -> memref<64x128xf32, #tpu.memory_space<hbm>>
      %dma_wait3A_31 = arith.constant 0 : i32
      %dma_wait3A_32 = tpu.memref_slice %arg5[%mul3A_2, %dma_wait3A_31] : memref<2048x128xf32, #tpu.memory_space<hbm>> -> memref<64x128xf32, #tpu.memory_space<hbm>>
      tpu.wait_dma2 semaphore(%run_scoped3A : memref<!tpu.dma_semaphore, #tpu.memory_space<semaphore_mem>>) src(%dma_wait3A_32 : memref<64x128xf32, #tpu.memory_space<hbm>>) dst(%arg11 : memref<64x128xf32, #tpu.memory_space<vmem>>)
      tpu.yield
    }) : () -> ()
    "tpu.region"() ({
      %run_scoped3A = tpu.sem_alloc : memref<!tpu.dma_semaphore, #tpu.memory_space<semaphore_mem>>
      %dma_start3A_25 = arith.constant 0 : i32
      %dma_start3A_26 = tpu.memref_slice %arg6[%mul3A_2, %dma_start3A_25] : memref<2048x128xf32, #tpu.memory_space<hbm>> -> memref<64x128xf32, #tpu.memory_space<hbm>>
      %dma_start3A_27 = arith.constant 0 : i32
      %dma_start3A_28 = tpu.memref_slice %arg6[%mul3A_2, %dma_start3A_27] : memref<2048x128xf32, #tpu.memory_space<hbm>> -> memref<64x128xf32, #tpu.memory_space<hbm>>
      tpu.enqueue_dma source(%dma_start3A_28 : memref<64x128xf32, #tpu.memory_space<hbm>>) target(%arg12 : memref<64x128xf32, #tpu.memory_space<vmem>>) target_semaphore(%run_scoped3A : memref<!tpu.dma_semaphore, #tpu.memory_space<semaphore_mem>>)
      %dma_wait3A_29 = arith.constant 0 : i32
      %dma_wait3A_30 = tpu.memref_slice %arg6[%mul3A_2, %dma_wait3A_29] : memref<2048x128xf32, #tpu.memory_space<hbm>> -> memref<64x128xf32, #tpu.memory_space<hbm>>
      %dma_wait3A_31 = arith.constant 0 : i32
      %dma_wait3A_32 = tpu.memref_slice %arg6[%mul3A_2, %dma_wait3A_31] : memref<2048x128xf32, #tpu.memory_space<hbm>> -> memref<64x128xf32, #tpu.memory_space<hbm>>
      tpu.wait_dma2 semaphore(%run_scoped3A : memref<!tpu.dma_semaphore, #tpu.memory_space<semaphore_mem>>) src(%dma_wait3A_32 : memref<64x128xf32, #tpu.memory_space<hbm>>) dst(%arg12 : memref<64x128xf32, #tpu.memory_space<vmem>>)
      tpu.yield
    }) : () -> ()
    %dma_start3A = arith.constant 0 : i32
    %dma_start3A_3 = arith.constant 0 : i32
    %dma_start3A_4 = tpu.memref_slice %arg7[%dma_start3A, %dma_start3A_3] : memref<8192x1024xf32, #tpu.memory_space<hbm>> -> memref<8192x1024xf32, #tpu.memory_space<hbm>>
    tpu.enqueue_indirect_dma source(%arg13 : memref<64x1024xf32, #tpu.memory_space<vmem>>) target(%dma_start3A_4 : memref<8192x1024xf32, #tpu.memory_space<hbm>>) offsets(%arg9 : memref<64xi32, #tpu.memory_space<vmem>>) semaphore(%arg14 : memref<!tpu.dma_semaphore, #tpu.memory_space<semaphore_mem>>)
    %dma_wait3A = arith.constant 0 : i32
    %dma_wait3A_5 = arith.constant 0 : i32
    %dma_wait3A_6 = tpu.memref_slice %arg7[%dma_wait3A, %dma_wait3A_5] : memref<8192x1024xf32, #tpu.memory_space<hbm>> -> memref<8192x1024xf32, #tpu.memory_space<hbm>>
    tpu.wait_indirect_dma semaphore(%arg14 : memref<!tpu.dma_semaphore, #tpu.memory_space<semaphore_mem>>) src(%arg13 : memref<64x1024xf32, #tpu.memory_space<vmem>>) dst(%dma_wait3A_6 : memref<8192x1024xf32, #tpu.memory_space<hbm>>)
    %dma_start3A_7 = arith.constant 0 : i32
    %dma_start3A_8 = arith.constant 0 : i32
    %dma_start3A_9 = tpu.memref_slice %arg7[%dma_start3A_7, %dma_start3A_8] : memref<8192x1024xf32, #tpu.memory_space<hbm>> -> memref<8192x1024xf32, #tpu.memory_space<hbm>>
    tpu.enqueue_indirect_dma source(%arg13 : memref<64x1024xf32, #tpu.memory_space<vmem>>) target(%dma_start3A_9 : memref<8192x1024xf32, #tpu.memory_space<hbm>>) offsets(%arg10 : memref<64xi32, #tpu.memory_space<vmem>>) semaphore(%arg14 : memref<!tpu.dma_semaphore, #tpu.memory_space<semaphore_mem>>)
    %dma_wait3A_10 = arith.constant 0 : i32
    %dma_wait3A_11 = arith.constant 0 : i32
    %dma_wait3A_12 = tpu.memref_slice %arg7[%dma_wait3A_10, %dma_wait3A_11] : memref<8192x1024xf32, #tpu.memory_space<hbm>> -> memref<8192x1024xf32, #tpu.memory_space<hbm>>
    tpu.wait_indirect_dma semaphore(%arg14 : memref<!tpu.dma_semaphore, #tpu.memory_space<semaphore_mem>>) src(%arg13 : memref<64x1024xf32, #tpu.memory_space<vmem>>) dst(%dma_wait3A_12 : memref<8192x1024xf32, #tpu.memory_space<hbm>>)
    %dma_start3A_13 = arith.constant 0 : i32
    %dma_start3A_14 = arith.constant 0 : i32
    %dma_start3A_15 = tpu.memref_slice %arg8[%dma_start3A_13, %dma_start3A_14] : memref<8192x128xf32, #tpu.memory_space<hbm>> -> memref<8192x128xf32, #tpu.memory_space<hbm>>
    tpu.enqueue_indirect_dma source(%arg11 : memref<64x128xf32, #tpu.memory_space<vmem>>) target(%dma_start3A_15 : memref<8192x128xf32, #tpu.memory_space<hbm>>) offsets(%arg9 : memref<64xi32, #tpu.memory_space<vmem>>) semaphore(%arg14 : memref<!tpu.dma_semaphore, #tpu.memory_space<semaphore_mem>>)
    %dma_wait3A_16 = arith.constant 0 : i32
    %dma_wait3A_17 = arith.constant 0 : i32
    %dma_wait3A_18 = tpu.memref_slice %arg8[%dma_wait3A_16, %dma_wait3A_17] : memref<8192x128xf32, #tpu.memory_space<hbm>> -> memref<8192x128xf32, #tpu.memory_space<hbm>>
    tpu.wait_indirect_dma semaphore(%arg14 : memref<!tpu.dma_semaphore, #tpu.memory_space<semaphore_mem>>) src(%arg11 : memref<64x128xf32, #tpu.memory_space<vmem>>) dst(%dma_wait3A_18 : memref<8192x128xf32, #tpu.memory_space<hbm>>)
    %dma_start3A_19 = arith.constant 0 : i32
    %dma_start3A_20 = arith.constant 0 : i32
    %dma_start3A_21 = tpu.memref_slice %arg8[%dma_start3A_19, %dma_start3A_20] : memref<8192x128xf32, #tpu.memory_space<hbm>> -> memref<8192x128xf32, #tpu.memory_space<hbm>>
    tpu.enqueue_indirect_dma source(%arg12 : memref<64x128xf32, #tpu.memory_space<vmem>>) target(%dma_start3A_21 : memref<8192x128xf32, #tpu.memory_space<hbm>>) offsets(%arg10 : memref<64xi32, #tpu.memory_space<vmem>>) semaphore(%arg14 : memref<!tpu.dma_semaphore, #tpu.memory_space<semaphore_mem>>)
    %dma_wait3A_22 = arith.constant 0 : i32
    %dma_wait3A_23 = arith.constant 0 : i32
    %dma_wait3A_24 = tpu.memref_slice %arg8[%dma_wait3A_22, %dma_wait3A_23] : memref<8192x128xf32, #tpu.memory_space<hbm>> -> memref<8192x128xf32, #tpu.memory_space<hbm>>
    tpu.wait_indirect_dma semaphore(%arg14 : memref<!tpu.dma_semaphore, #tpu.memory_space<semaphore_mem>>) src(%arg12 : memref<64x128xf32, #tpu.memory_space<vmem>>) dst(%dma_wait3A_24 : memref<8192x128xf32, #tpu.memory_space<hbm>>)
    return
  }
}

module attributes {stable_mosaic.version = 14 : i64} {
  func.func @_router_body(%arg0: memref<2048x1024xf32, #tpu.memory_space<vmem>>, %arg1: memref<16x1024xf32, #tpu.memory_space<vmem>>, %arg2: memref<2048x2xi32, #tpu.memory_space<vmem>>, %arg3: memref<2048x2xf32, #tpu.memory_space<vmem>>, %arg4: memref<32x1xi32, #tpu.memory_space<vmem>>, %arg5: memref<1x1xi32, #tpu.memory_space<vmem>>) attributes {dimension_semantics = [], scalar_prefetch = 0 : i64, scratch_operands = 0 : i64, tpu.core_type = #tpu.core_type<tc>} {
    %get3A = arith.constant 0 : index
    %get3A_0 = arith.constant 0 : index
    %get3A_1 = vector.load %arg0[%get3A, %get3A_0] : memref<2048x1024xf32, #tpu.memory_space<vmem>>, vector<2048x1024xf32>
    %get3A_2 = arith.constant 0 : index
    %get3A_3 = arith.constant 0 : index
    %get3A_4 = vector.load %arg1[%get3A_2, %get3A_3] : memref<16x1024xf32, #tpu.memory_space<vmem>>, vector<16x1024xf32>
    %dot_general3A = arith.constant dense<0.000000e+00> : vector<2048x16xf32>
    %dot_general3A_5 = tpu.matmul %get3A_1, %get3A_4, %dot_general3A {dimension_numbers = #tpu.dot_dimension_numbers<[1], [1], [0], [0], [0, 0, 1, 0], [], []>, transpose_lhs_hint = false} : vector<2048x1024xf32>, vector<16x1024xf32>, vector<2048x16xf32> -> vector<2048x16xf32>
    %reduce_max3A = arith.constant dense<0xFF800000> : vector<2048xf32>
    %reduce_max3A_6 = vector.multi_reduction <maximumf>, %dot_general3A_5, %reduce_max3A [1] : vector<2048x16xf32> to vector<2048xf32>
    %broadcast_in_dim3A = vector.shape_cast %reduce_max3A_6 : vector<2048xf32> to vector<2048x1xf32>
    %sub3A = vector.broadcast %broadcast_in_dim3A : vector<2048x1xf32> to vector<2048x16xf32>
    %sub3A_7 = arith.subf %dot_general3A_5, %sub3A : vector<2048x16xf32>
    %exp3A = math.exp %sub3A_7 : vector<2048x16xf32>
    %reduce_sum3A = arith.constant dense<0.000000e+00> : vector<2048xf32>
    %reduce_sum3A_8 = vector.multi_reduction <add>, %exp3A, %reduce_sum3A [1] : vector<2048x16xf32> to vector<2048xf32>
    %broadcast_in_dim3A_9 = vector.shape_cast %reduce_sum3A_8 : vector<2048xf32> to vector<2048x1xf32>
    %div3A = vector.broadcast %broadcast_in_dim3A_9 : vector<2048x1xf32> to vector<2048x16xf32>
    %div3A_10 = arith.divf %exp3A, %div3A : vector<2048x16xf32>
    %iota3A = tpu.iota {dimensions = array<i32: 1>} : vector<2048x16xi32>
    %reduce_max3A_11 = arith.constant dense<0xFF800000> : vector<2048xf32>
    %reduce_max3A_12 = vector.multi_reduction <maximumf>, %div3A_10, %reduce_max3A_11 [1] : vector<2048x16xf32> to vector<2048xf32>
    %broadcast_in_dim3A_13 = vector.shape_cast %reduce_max3A_12 : vector<2048xf32> to vector<2048x1xf32>
    %ge3A = vector.broadcast %broadcast_in_dim3A_13 : vector<2048x1xf32> to vector<2048x16xf32>
    %ge3A_14 = arith.cmpf oge, %div3A_10, %ge3A : vector<2048x16xf32>
    %jit3A = arith.constant 16 : i32
    %broadcast_in_dim3A_15 = vector.broadcast %jit3A : i32 to vector<2048x16xi32>
    %select_n3A = arith.select %ge3A_14, %iota3A, %broadcast_in_dim3A_15 : vector<2048x16xi1>, vector<2048x16xi32>
    %reduce_min3A = arith.constant dense<2147483647> : vector<2048xi32>
    %reduce_min3A_16 = vector.multi_reduction <minsi>, %select_n3A, %reduce_min3A [1] : vector<2048x16xi32> to vector<2048xi32>
    %broadcast_in_dim3A_17 = vector.shape_cast %reduce_min3A_16 : vector<2048xi32> to vector<2048x1xi32>
    %eq3A = vector.broadcast %broadcast_in_dim3A_17 : vector<2048x1xi32> to vector<2048x16xi32>
    %eq3A_18 = arith.cmpi eq, %iota3A, %eq3A : vector<2048x16xi32>
    %jit3A_19 = arith.constant 0xFF800000 : f32
    %broadcast_in_dim3A_20 = vector.broadcast %jit3A_19 : f32 to vector<2048x16xf32>
    %select_n3A_21 = arith.select %eq3A_18, %broadcast_in_dim3A_20, %div3A_10 : vector<2048x16xi1>, vector<2048x16xf32>
    %reduce_max3A_22 = arith.constant dense<0xFF800000> : vector<2048xf32>
    %reduce_max3A_23 = vector.multi_reduction <maximumf>, %select_n3A_21, %reduce_max3A_22 [1] : vector<2048x16xf32> to vector<2048xf32>
    %broadcast_in_dim3A_24 = vector.shape_cast %reduce_max3A_23 : vector<2048xf32> to vector<2048x1xf32>
    %ge3A_25 = vector.broadcast %broadcast_in_dim3A_24 : vector<2048x1xf32> to vector<2048x16xf32>
    %ge3A_26 = arith.cmpf oge, %select_n3A_21, %ge3A_25 : vector<2048x16xf32>
    %jit3A_27 = arith.constant 16 : i32
    %broadcast_in_dim3A_28 = vector.broadcast %jit3A_27 : i32 to vector<2048x16xi32>
    %select_n3A_29 = arith.select %ge3A_26, %iota3A, %broadcast_in_dim3A_28 : vector<2048x16xi1>, vector<2048x16xi32>
    %reduce_min3A_30 = arith.constant dense<2147483647> : vector<2048xi32>
    %reduce_min3A_31 = vector.multi_reduction <minsi>, %select_n3A_29, %reduce_min3A_30 [1] : vector<2048x16xi32> to vector<2048xi32>
    %broadcast_in_dim3A_32 = vector.shape_cast %reduce_min3A_31 : vector<2048xi32> to vector<2048x1xi32>
    %add3A = arith.addf %broadcast_in_dim3A_13, %broadcast_in_dim3A_24 : vector<2048x1xf32>
    %eq3A_33 = vector.broadcast %broadcast_in_dim3A_17 : vector<2048x1xi32> to vector<2048x16xi32>
    %eq3A_34 = arith.cmpi eq, %iota3A, %eq3A_33 : vector<2048x16xi32>
    %convert_element_type3A = arith.extui %eq3A_34 : vector<2048x16xi1> to vector<2048x16xi32>
    %convert_element_type3A_35 = arith.sitofp %convert_element_type3A : vector<2048x16xi32> to vector<2048x16xf32>
    %eq3A_36 = vector.broadcast %broadcast_in_dim3A_32 : vector<2048x1xi32> to vector<2048x16xi32>
    %eq3A_37 = arith.cmpi eq, %iota3A, %eq3A_36 : vector<2048x16xi32>
    %convert_element_type3A_38 = arith.extui %eq3A_37 : vector<2048x16xi1> to vector<2048x16xi32>
    %convert_element_type3A_39 = arith.sitofp %convert_element_type3A_38 : vector<2048x16xi32> to vector<2048x16xf32>
    %add3A_40 = arith.addf %convert_element_type3A_35, %convert_element_type3A_39 : vector<2048x16xf32>
    %broadcast_in_dim3A_41 = arith.constant 0.000000e+00 : f32
    %broadcast_in_dim3A_42 = vector.broadcast %broadcast_in_dim3A_41 : f32 to vector<1x16xf32>
    %iota3A_43 = tpu.iota {dimensions = array<i32: 0>} : vector<256x256xi32>
    %iota3A_44 = tpu.iota {dimensions = array<i32: 1>} : vector<256x256xi32>
    %lt3A = arith.cmpi slt, %iota3A_44, %iota3A_43 : vector<256x256xi32>
    %convert_element_type3A_45 = arith.extui %lt3A : vector<256x256xi1> to vector<256x256xi32>
    %convert_element_type3A_46 = arith.sitofp %convert_element_type3A_45 : vector<256x256xi32> to vector<256x256xf32>
    %slice3A = vector.extract_strided_slice %add3A_40 {offsets = [0, 0], sizes = [256, 16], strides = [1, 1]} : vector<2048x16xf32> to vector<256x16xf32>
    %dot_general3A_47 = arith.constant dense<0.000000e+00> : vector<256x16xf32>
    %dot_general3A_48 = tpu.matmul %convert_element_type3A_46, %slice3A, %dot_general3A_47 {dimension_numbers = #tpu.dot_dimension_numbers<[1], [0], [0], [1], [0, 0, 1, 1], [], []>, transpose_lhs_hint = false} : vector<256x256xf32>, vector<256x16xf32>, vector<256x16xf32> -> vector<256x16xf32>
    %add3A_49 = vector.broadcast %broadcast_in_dim3A_42 : vector<1x16xf32> to vector<256x16xf32>
    %add3A_50 = arith.addf %dot_general3A_48, %add3A_49 : vector<256x16xf32>
    %reduce_sum3A_51 = arith.constant dense<0.000000e+00> : vector<16xf32>
    %reduce_sum3A_52 = vector.multi_reduction <add>, %slice3A, %reduce_sum3A_51 [0] : vector<256x16xf32> to vector<16xf32>
    %broadcast_in_dim3A_53 = vector.shape_cast %reduce_sum3A_52 : vector<16xf32> to vector<1x16xf32>
    %add3A_54 = arith.addf %broadcast_in_dim3A_42, %broadcast_in_dim3A_53 : vector<1x16xf32>
    %slice3A_55 = vector.extract_strided_slice %add3A_40 {offsets = [256, 0], sizes = [256, 16], strides = [1, 1]} : vector<2048x16xf32> to vector<256x16xf32>
    %dot_general3A_56 = arith.constant dense<0.000000e+00> : vector<256x16xf32>
    %dot_general3A_57 = tpu.matmul %convert_element_type3A_46, %slice3A_55, %dot_general3A_56 {dimension_numbers = #tpu.dot_dimension_numbers<[1], [0], [0], [1], [0, 0, 1, 1], [], []>, transpose_lhs_hint = false} : vector<256x256xf32>, vector<256x16xf32>, vector<256x16xf32> -> vector<256x16xf32>
    %add3A_58 = vector.broadcast %add3A_54 : vector<1x16xf32> to vector<256x16xf32>
    %add3A_59 = arith.addf %dot_general3A_57, %add3A_58 : vector<256x16xf32>
    %reduce_sum3A_60 = arith.constant dense<0.000000e+00> : vector<16xf32>
    %reduce_sum3A_61 = vector.multi_reduction <add>, %slice3A_55, %reduce_sum3A_60 [0] : vector<256x16xf32> to vector<16xf32>
    %broadcast_in_dim3A_62 = vector.shape_cast %reduce_sum3A_61 : vector<16xf32> to vector<1x16xf32>
    %add3A_63 = arith.addf %add3A_54, %broadcast_in_dim3A_62 : vector<1x16xf32>
    %slice3A_64 = vector.extract_strided_slice %add3A_40 {offsets = [512, 0], sizes = [256, 16], strides = [1, 1]} : vector<2048x16xf32> to vector<256x16xf32>
    %dot_general3A_65 = arith.constant dense<0.000000e+00> : vector<256x16xf32>
    %dot_general3A_66 = tpu.matmul %convert_element_type3A_46, %slice3A_64, %dot_general3A_65 {dimension_numbers = #tpu.dot_dimension_numbers<[1], [0], [0], [1], [0, 0, 1, 1], [], []>, transpose_lhs_hint = false} : vector<256x256xf32>, vector<256x16xf32>, vector<256x16xf32> -> vector<256x16xf32>
    %add3A_67 = vector.broadcast %add3A_63 : vector<1x16xf32> to vector<256x16xf32>
    %add3A_68 = arith.addf %dot_general3A_66, %add3A_67 : vector<256x16xf32>
    %reduce_sum3A_69 = arith.constant dense<0.000000e+00> : vector<16xf32>
    %reduce_sum3A_70 = vector.multi_reduction <add>, %slice3A_64, %reduce_sum3A_69 [0] : vector<256x16xf32> to vector<16xf32>
    %broadcast_in_dim3A_71 = vector.shape_cast %reduce_sum3A_70 : vector<16xf32> to vector<1x16xf32>
    %add3A_72 = arith.addf %add3A_63, %broadcast_in_dim3A_71 : vector<1x16xf32>
    %slice3A_73 = vector.extract_strided_slice %add3A_40 {offsets = [768, 0], sizes = [256, 16], strides = [1, 1]} : vector<2048x16xf32> to vector<256x16xf32>
    %dot_general3A_74 = arith.constant dense<0.000000e+00> : vector<256x16xf32>
    %dot_general3A_75 = tpu.matmul %convert_element_type3A_46, %slice3A_73, %dot_general3A_74 {dimension_numbers = #tpu.dot_dimension_numbers<[1], [0], [0], [1], [0, 0, 1, 1], [], []>, transpose_lhs_hint = false} : vector<256x256xf32>, vector<256x16xf32>, vector<256x16xf32> -> vector<256x16xf32>
    %add3A_76 = vector.broadcast %add3A_72 : vector<1x16xf32> to vector<256x16xf32>
    %add3A_77 = arith.addf %dot_general3A_75, %add3A_76 : vector<256x16xf32>
    %reduce_sum3A_78 = arith.constant dense<0.000000e+00> : vector<16xf32>
    %reduce_sum3A_79 = vector.multi_reduction <add>, %slice3A_73, %reduce_sum3A_78 [0] : vector<256x16xf32> to vector<16xf32>
    %broadcast_in_dim3A_80 = vector.shape_cast %reduce_sum3A_79 : vector<16xf32> to vector<1x16xf32>
    %add3A_81 = arith.addf %add3A_72, %broadcast_in_dim3A_80 : vector<1x16xf32>
    %slice3A_82 = vector.extract_strided_slice %add3A_40 {offsets = [1024, 0], sizes = [256, 16], strides = [1, 1]} : vector<2048x16xf32> to vector<256x16xf32>
    %dot_general3A_83 = arith.constant dense<0.000000e+00> : vector<256x16xf32>
    %dot_general3A_84 = tpu.matmul %convert_element_type3A_46, %slice3A_82, %dot_general3A_83 {dimension_numbers = #tpu.dot_dimension_numbers<[1], [0], [0], [1], [0, 0, 1, 1], [], []>, transpose_lhs_hint = false} : vector<256x256xf32>, vector<256x16xf32>, vector<256x16xf32> -> vector<256x16xf32>
    %add3A_85 = vector.broadcast %add3A_81 : vector<1x16xf32> to vector<256x16xf32>
    %add3A_86 = arith.addf %dot_general3A_84, %add3A_85 : vector<256x16xf32>
    %reduce_sum3A_87 = arith.constant dense<0.000000e+00> : vector<16xf32>
    %reduce_sum3A_88 = vector.multi_reduction <add>, %slice3A_82, %reduce_sum3A_87 [0] : vector<256x16xf32> to vector<16xf32>
    %broadcast_in_dim3A_89 = vector.shape_cast %reduce_sum3A_88 : vector<16xf32> to vector<1x16xf32>
    %add3A_90 = arith.addf %add3A_81, %broadcast_in_dim3A_89 : vector<1x16xf32>
    %slice3A_91 = vector.extract_strided_slice %add3A_40 {offsets = [1280, 0], sizes = [256, 16], strides = [1, 1]} : vector<2048x16xf32> to vector<256x16xf32>
    %dot_general3A_92 = arith.constant dense<0.000000e+00> : vector<256x16xf32>
    %dot_general3A_93 = tpu.matmul %convert_element_type3A_46, %slice3A_91, %dot_general3A_92 {dimension_numbers = #tpu.dot_dimension_numbers<[1], [0], [0], [1], [0, 0, 1, 1], [], []>, transpose_lhs_hint = false} : vector<256x256xf32>, vector<256x16xf32>, vector<256x16xf32> -> vector<256x16xf32>
    %add3A_94 = vector.broadcast %add3A_90 : vector<1x16xf32> to vector<256x16xf32>
    %add3A_95 = arith.addf %dot_general3A_93, %add3A_94 : vector<256x16xf32>
    %reduce_sum3A_96 = arith.constant dense<0.000000e+00> : vector<16xf32>
    %reduce_sum3A_97 = vector.multi_reduction <add>, %slice3A_91, %reduce_sum3A_96 [0] : vector<256x16xf32> to vector<16xf32>
    %broadcast_in_dim3A_98 = vector.shape_cast %reduce_sum3A_97 : vector<16xf32> to vector<1x16xf32>
    %add3A_99 = arith.addf %add3A_90, %broadcast_in_dim3A_98 : vector<1x16xf32>
    %slice3A_100 = vector.extract_strided_slice %add3A_40 {offsets = [1536, 0], sizes = [256, 16], strides = [1, 1]} : vector<2048x16xf32> to vector<256x16xf32>
    %dot_general3A_101 = arith.constant dense<0.000000e+00> : vector<256x16xf32>
    %dot_general3A_102 = tpu.matmul %convert_element_type3A_46, %slice3A_100, %dot_general3A_101 {dimension_numbers = #tpu.dot_dimension_numbers<[1], [0], [0], [1], [0, 0, 1, 1], [], []>, transpose_lhs_hint = false} : vector<256x256xf32>, vector<256x16xf32>, vector<256x16xf32> -> vector<256x16xf32>
    %add3A_103 = vector.broadcast %add3A_99 : vector<1x16xf32> to vector<256x16xf32>
    %add3A_104 = arith.addf %dot_general3A_102, %add3A_103 : vector<256x16xf32>
    %reduce_sum3A_105 = arith.constant dense<0.000000e+00> : vector<16xf32>
    %reduce_sum3A_106 = vector.multi_reduction <add>, %slice3A_100, %reduce_sum3A_105 [0] : vector<256x16xf32> to vector<16xf32>
    %broadcast_in_dim3A_107 = vector.shape_cast %reduce_sum3A_106 : vector<16xf32> to vector<1x16xf32>
    %add3A_108 = arith.addf %add3A_99, %broadcast_in_dim3A_107 : vector<1x16xf32>
    %slice3A_109 = vector.extract_strided_slice %add3A_40 {offsets = [1792, 0], sizes = [256, 16], strides = [1, 1]} : vector<2048x16xf32> to vector<256x16xf32>
    %dot_general3A_110 = arith.constant dense<0.000000e+00> : vector<256x16xf32>
    %dot_general3A_111 = tpu.matmul %convert_element_type3A_46, %slice3A_109, %dot_general3A_110 {dimension_numbers = #tpu.dot_dimension_numbers<[1], [0], [0], [1], [0, 0, 1, 1], [], []>, transpose_lhs_hint = false} : vector<256x256xf32>, vector<256x16xf32>, vector<256x16xf32> -> vector<256x16xf32>
    %add3A_112 = vector.broadcast %add3A_108 : vector<1x16xf32> to vector<256x16xf32>
    %add3A_113 = arith.addf %dot_general3A_111, %add3A_112 : vector<256x16xf32>
    %reduce_sum3A_114 = arith.constant dense<0.000000e+00> : vector<16xf32>
    %reduce_sum3A_115 = vector.multi_reduction <add>, %slice3A_109, %reduce_sum3A_114 [0] : vector<256x16xf32> to vector<16xf32>
    %broadcast_in_dim3A_116 = vector.shape_cast %reduce_sum3A_115 : vector<16xf32> to vector<1x16xf32>
    %add3A_117 = arith.addf %add3A_108, %broadcast_in_dim3A_116 : vector<1x16xf32>
    %concatenate3A = tpu.concatenate %add3A_50, %add3A_59, %add3A_68, %add3A_77, %add3A_86, %add3A_95, %add3A_104, %add3A_113 in 0 : vector<256x16xf32>, vector<256x16xf32>, vector<256x16xf32>, vector<256x16xf32>, vector<256x16xf32>, vector<256x16xf32>, vector<256x16xf32>, vector<256x16xf32> -> vector<2048x16xf32>
    %convert_element_type3A_118 = arith.fptosi %add3A_117 : vector<1x16xf32> to vector<1x16xi32>
    %add3A_119 = arith.constant 255 : i32
    %add3A_120 = vector.broadcast %add3A_119 : i32 to vector<1x16xi32>
    %add3A_121 = arith.addi %convert_element_type3A_118, %add3A_120 : vector<1x16xi32>
    %jit3A_122 = arith.constant 256 : i32
    %div3A_123 = vector.broadcast %jit3A_122 : i32 to vector<1x16xi32>
    %div3A_124 = arith.divsi %add3A_121, %div3A_123 : vector<1x16xi32>
    %sign3A = arith.constant 0 : i32
    %sign3A_125 = vector.broadcast %sign3A : i32 to vector<1x16xi32>
    %sign3A_126 = arith.cmpi sgt, %add3A_121, %sign3A_125 : vector<1x16xi32>
    %sign3A_127 = arith.extui %sign3A_126 : vector<1x16xi1> to vector<1x16xi32>
    %sign3A_128 = arith.constant 0 : i32
    %sign3A_129 = vector.broadcast %sign3A_128 : i32 to vector<1x16xi32>
    %sign3A_130 = arith.cmpi slt, %add3A_121, %sign3A_129 : vector<1x16xi32>
    %sign3A_131 = arith.extui %sign3A_130 : vector<1x16xi1> to vector<1x16xi32>
    %sign3A_132 = arith.subi %sign3A_127, %sign3A_131 : vector<1x16xi32>
    %sign3A_133 = arith.constant 0 : i32
    %sign3A_134 = arith.cmpi sgt, %jit3A_122, %sign3A_133 : i32
    %sign3A_135 = arith.extui %sign3A_134 : i1 to i32
    %sign3A_136 = arith.constant 0 : i32
    %sign3A_137 = arith.cmpi slt, %jit3A_122, %sign3A_136 : i32
    %sign3A_138 = arith.extui %sign3A_137 : i1 to i32
    %sign3A_139 = arith.subi %sign3A_135, %sign3A_138 : i32
    %ne3A = vector.broadcast %sign3A_139 : i32 to vector<1x16xi32>
    %ne3A_140 = arith.cmpi ne, %sign3A_132, %ne3A : vector<1x16xi32>
    %rem3A = vector.broadcast %jit3A_122 : i32 to vector<1x16xi32>
    %rem3A_141 = arith.remsi %add3A_121, %rem3A : vector<1x16xi32>
    %ne3A_142 = arith.constant 0 : i32
    %ne3A_143 = vector.broadcast %ne3A_142 : i32 to vector<1x16xi32>
    %ne3A_144 = arith.cmpi ne, %rem3A_141, %ne3A_143 : vector<1x16xi32>
    %and3A = arith.andi %ne3A_140, %ne3A_144 : vector<1x16xi1>
    %sub3A_145 = arith.constant 1 : i32
    %sub3A_146 = vector.broadcast %sub3A_145 : i32 to vector<1x16xi32>
    %sub3A_147 = arith.subi %div3A_124, %sub3A_146 : vector<1x16xi32>
    %select_n3A_148 = arith.select %and3A, %sub3A_147, %div3A_124 : vector<1x16xi1>, vector<1x16xi32>
    %mul3A = arith.constant 256 : i32
    %mul3A_149 = vector.broadcast %mul3A : i32 to vector<1x16xi32>
    %mul3A_150 = arith.muli %select_n3A_148, %mul3A_149 : vector<1x16xi32>
    %convert_element_type3A_151 = arith.sitofp %mul3A_150 : vector<1x16xi32> to vector<1x16xf32>
    %iota3A_152 = tpu.iota {dimensions = array<i32: 0>} : vector<16x16xi32>
    %iota3A_153 = tpu.iota {dimensions = array<i32: 1>} : vector<16x16xi32>
    %lt3A_154 = arith.cmpi slt, %iota3A_152, %iota3A_153 : vector<16x16xi32>
    %convert_element_type3A_155 = arith.extui %lt3A_154 : vector<16x16xi1> to vector<16x16xi32>
    %convert_element_type3A_156 = arith.sitofp %convert_element_type3A_155 : vector<16x16xi32> to vector<16x16xf32>
    %dot_general3A_157 = arith.constant dense<0.000000e+00> : vector<1x16xf32>
    %dot_general3A_158 = tpu.matmul %convert_element_type3A_151, %convert_element_type3A_156, %dot_general3A_157 {dimension_numbers = #tpu.dot_dimension_numbers<[1], [0], [0], [1], [0, 0, 1, 1], [], []>, transpose_lhs_hint = false} : vector<1x16xf32>, vector<16x16xf32>, vector<1x16xf32> -> vector<1x16xf32>
    %add3A_159 = arith.addf %dot_general3A_158, %convert_element_type3A_151 : vector<1x16xf32>
    %add3A_160 = vector.broadcast %dot_general3A_158 : vector<1x16xf32> to vector<2048x16xf32>
    %add3A_161 = arith.addf %concatenate3A, %add3A_160 : vector<2048x16xf32>
    %mul3A_162 = arith.mulf %convert_element_type3A_35, %add3A_161 : vector<2048x16xf32>
    %reduce_sum3A_163 = arith.constant dense<0.000000e+00> : vector<2048xf32>
    %reduce_sum3A_164 = vector.multi_reduction <add>, %mul3A_162, %reduce_sum3A_163 [1] : vector<2048x16xf32> to vector<2048xf32>
    %broadcast_in_dim3A_165 = vector.shape_cast %reduce_sum3A_164 : vector<2048xf32> to vector<2048x1xf32>
    %mul3A_166 = arith.mulf %convert_element_type3A_39, %add3A_161 : vector<2048x16xf32>
    %reduce_sum3A_167 = arith.constant dense<0.000000e+00> : vector<2048xf32>
    %reduce_sum3A_168 = vector.multi_reduction <add>, %mul3A_166, %reduce_sum3A_167 [1] : vector<2048x16xf32> to vector<2048xf32>
    %broadcast_in_dim3A_169 = vector.shape_cast %reduce_sum3A_168 : vector<2048xf32> to vector<2048x1xf32>
    %concatenate3A_170 = tpu.concatenate %broadcast_in_dim3A_165, %broadcast_in_dim3A_169 in 1 : vector<2048x1xf32>, vector<2048x1xf32> -> vector<2048x2xf32>
    %convert_element_type3A_171 = arith.fptosi %concatenate3A_170 : vector<2048x2xf32> to vector<2048x2xi32>
    %swap3A = arith.constant 0 : index
    %swap3A_172 = arith.constant 0 : index
    %swap3A_173 = vector.load %arg2[%swap3A, %swap3A_172] : memref<2048x2xi32, #tpu.memory_space<vmem>>, vector<2048x2xi32>
    tpu.vector_store %arg2[%swap3A, %swap3A_172], %convert_element_type3A_171 {strides = array<i32>} : memref<2048x2xi32, #tpu.memory_space<vmem>>, vector<2048x2xi32>,
    %div3A_174 = arith.divf %broadcast_in_dim3A_13, %add3A : vector<2048x1xf32>
    %div3A_175 = arith.divf %broadcast_in_dim3A_24, %add3A : vector<2048x1xf32>
    %concatenate3A_176 = tpu.concatenate %div3A_174, %div3A_175 in 1 : vector<2048x1xf32>, vector<2048x1xf32> -> vector<2048x2xf32>
    %swap3A_177 = arith.constant 0 : index
    %swap3A_178 = arith.constant 0 : index
    %swap3A_179 = vector.load %arg3[%swap3A_177, %swap3A_178] : memref<2048x2xf32, #tpu.memory_space<vmem>>, vector<2048x2xf32>
    tpu.vector_store %arg3[%swap3A_177, %swap3A_178], %concatenate3A_176 {strides = array<i32>} : memref<2048x2xf32, #tpu.memory_space<vmem>>, vector<2048x2xf32>,
    %reduce_max3A_180 = arith.constant dense<0xFF800000> : vector<1xf32>
    %reduce_max3A_181 = vector.multi_reduction <maximumf>, %add3A_159, %reduce_max3A_180 [1] : vector<1x16xf32> to vector<1xf32>
    %broadcast_in_dim3A_182 = vector.shape_cast %reduce_max3A_181 : vector<1xf32> to vector<1x1xf32>
    %div3A_183 = arith.constant 2.560000e+02 : f32
    %div3A_184 = vector.broadcast %div3A_183 : f32 to vector<1x1xf32>
    %div3A_185 = arith.divf %broadcast_in_dim3A_182, %div3A_184 : vector<1x1xf32>
    %convert_element_type3A_186 = arith.fptosi %div3A_185 : vector<1x1xf32> to vector<1x1xi32>
    %swap3A_187 = arith.constant 0 : index
    %swap3A_188 = arith.constant 0 : index
    %swap3A_189 = vector.load %arg5[%swap3A_187, %swap3A_188] : memref<1x1xi32, #tpu.memory_space<vmem>>, vector<1x1xi32>
    tpu.vector_store %arg5[%swap3A_187, %swap3A_188], %convert_element_type3A_186 {strides = array<i32>} : memref<1x1xi32, #tpu.memory_space<vmem>>, vector<1x1xi32>,
    %iota3A_190 = tpu.iota {dimensions = array<i32: 0>} : vector<32x16xi32>
    %mul3A_191 = arith.constant 256 : i32
    %mul3A_192 = vector.broadcast %mul3A_191 : i32 to vector<32x16xi32>
    %mul3A_193 = arith.muli %iota3A_190, %mul3A_192 : vector<32x16xi32>
    %convert_element_type3A_194 = arith.sitofp %mul3A_193 : vector<32x16xi32> to vector<32x16xf32>
    %ge3A_195 = vector.broadcast %add3A_159 : vector<1x16xf32> to vector<32x16xf32>
    %ge3A_196 = arith.cmpf oge, %convert_element_type3A_194, %ge3A_195 : vector<32x16xf32>
    %convert_element_type3A_197 = arith.extui %ge3A_196 : vector<32x16xi1> to vector<32x16xi32>
    %convert_element_type3A_198 = arith.sitofp %convert_element_type3A_197 : vector<32x16xi32> to vector<32x16xf32>
    %reduce_sum3A_199 = arith.constant dense<0.000000e+00> : vector<32xf32>
    %reduce_sum3A_200 = vector.multi_reduction <add>, %convert_element_type3A_198, %reduce_sum3A_199 [1] : vector<32x16xf32> to vector<32xf32>
    %broadcast_in_dim3A_201 = vector.shape_cast %reduce_sum3A_200 : vector<32xf32> to vector<32x1xf32>
    %convert_element_type3A_202 = arith.fptosi %broadcast_in_dim3A_201 : vector<32x1xf32> to vector<32x1xi32>
    %sub3A_203 = arith.constant 2.560000e+02 : f32
    %sub3A_204 = vector.broadcast %sub3A_203 : f32 to vector<1x1xf32>
    %sub3A_205 = arith.subf %broadcast_in_dim3A_182, %sub3A_204 : vector<1x1xf32>
    %ge3A_206 = vector.broadcast %sub3A_205 : vector<1x1xf32> to vector<1x16xf32>
    %ge3A_207 = arith.cmpf oge, %ge3A_206, %add3A_159 : vector<1x16xf32>
    %convert_element_type3A_208 = arith.extui %ge3A_207 : vector<1x16xi1> to vector<1x16xi32>
    %convert_element_type3A_209 = arith.sitofp %convert_element_type3A_208 : vector<1x16xi32> to vector<1x16xf32>
    %reduce_sum3A_210 = arith.constant dense<0.000000e+00> : vector<1xf32>
    %reduce_sum3A_211 = vector.multi_reduction <add>, %convert_element_type3A_209, %reduce_sum3A_210 [1] : vector<1x16xf32> to vector<1xf32>
    %broadcast_in_dim3A_212 = vector.shape_cast %reduce_sum3A_211 : vector<1xf32> to vector<1x1xf32>
    %convert_element_type3A_213 = arith.fptosi %broadcast_in_dim3A_212 : vector<1x1xf32> to vector<1x1xi32>
    %min3A = vector.broadcast %convert_element_type3A_213 : vector<1x1xi32> to vector<32x1xi32>
    %min3A_214 = arith.minsi %convert_element_type3A_202, %min3A : vector<32x1xi32>
    %swap3A_215 = arith.constant 0 : index
    %swap3A_216 = arith.constant 0 : index
    %swap3A_217 = vector.load %arg4[%swap3A_215, %swap3A_216] : memref<32x1xi32, #tpu.memory_space<vmem>>, vector<32x1xi32>
    tpu.vector_store %arg4[%swap3A_215, %swap3A_216], %min3A_214 {strides = array<i32>} : memref<32x1xi32, #tpu.memory_space<vmem>>, vector<32x1xi32>,
    return
  }
}

module attributes {stable_mosaic.version = 14 : i64} {
  func.func @_gmm_body(%arg0: i32, %arg1: memref<32xi32, #tpu.memory_space<smem>>, %arg2: memref<1xi32, #tpu.memory_space<smem>>, %arg3: memref<256x1024xf32, #tpu.memory_space<vmem>>, %arg4: memref<1x256x128xf32, #tpu.memory_space<vmem>>, %arg5: memref<1x768x1024xbf16, #tpu.memory_space<vmem>>, %arg6: memref<1x768x1024xbf16, #tpu.memory_space<vmem>>, %arg7: memref<1x1024x768xbf16, #tpu.memory_space<vmem>>, %arg8: memref<256x1024xf32, #tpu.memory_space<vmem>>) attributes {dimension_semantics = [#tpu.dimension_semantics<arbitrary>], iteration_bounds = array<i64: 32>, scalar_prefetch = 2 : i64, scratch_operands = 0 : i64, tpu.core_type = #tpu.core_type<tc>, window_params = [{transform_indices = @transform_0, window_bounds = array<i64: 256, 1024>}, {transform_indices = @transform_1, window_bounds = array<i64: 1, 256, 128>}, {transform_indices = @transform_2, window_bounds = array<i64: 1, 768, 1024>}, {transform_indices = @transform_3, window_bounds = array<i64: 1, 768, 1024>}, {transform_indices = @transform_4, window_bounds = array<i64: 1, 1024, 768>}, {transform_indices = @transform_5, window_bounds = array<i64: 256, 1024>}]} {
    %get3A = arith.constant 0 : index
    %get3A_0 = memref.load %arg2[%get3A] : memref<1xi32, #tpu.memory_space<smem>>
    %lt3A = arith.cmpi slt, %arg0, %get3A_0 : i32
    %convert_element_type3A = arith.extui %lt3A : i1 to i32
    %cond3A = arith.constant 0 : i32
    %cond3A_1 = arith.cmpi ne, %convert_element_type3A, %cond3A : i32
    scf.if %cond3A_1 {
      %get3A_2 = arith.constant 0 : index
      %get3A_3 = arith.constant 0 : index
      %get3A_4 = vector.load %arg3[%get3A_2, %get3A_3] : memref<256x1024xf32, #tpu.memory_space<vmem>>, vector<256x1024xf32>
      %convert_element_type3A_5 = arith.truncf %get3A_4 : vector<256x1024xf32> to vector<256x1024xbf16>
      %get3A_6 = arith.constant 0 : index
      %get3A_7 = arith.constant 0 : index
      %get3A_8 = arith.constant 0 : index
      %get3A_9 = vector.load %arg5[%get3A_6, %get3A_7, %get3A_8] : memref<1x768x1024xbf16, #tpu.memory_space<vmem>>, vector<1x768x1024xbf16>
      %get3A_10 = vector.shape_cast %get3A_9 : vector<1x768x1024xbf16> to vector<768x1024xbf16>
      %get3A_11 = arith.constant 0 : index
      %get3A_12 = arith.constant 0 : index
      %get3A_13 = arith.constant 0 : index
      %get3A_14 = vector.load %arg6[%get3A_11, %get3A_12, %get3A_13] : memref<1x768x1024xbf16, #tpu.memory_space<vmem>>, vector<1x768x1024xbf16>
      %get3A_15 = vector.shape_cast %get3A_14 : vector<1x768x1024xbf16> to vector<768x1024xbf16>
      %get3A_16 = arith.constant 0 : index
      %get3A_17 = arith.constant 0 : index
      %get3A_18 = arith.constant 0 : index
      %get3A_19 = vector.load %arg7[%get3A_16, %get3A_17, %get3A_18] : memref<1x1024x768xbf16, #tpu.memory_space<vmem>>, vector<1x1024x768xbf16>
      %get3A_20 = vector.shape_cast %get3A_19 : vector<1x1024x768xbf16> to vector<1024x768xbf16>
      %dot_general3A = arith.constant dense<0.000000e+00> : vector<256x768xf32>
      %dot_general3A_21 = tpu.matmul %convert_element_type3A_5, %get3A_10, %dot_general3A {dimension_numbers = #tpu.dot_dimension_numbers<[1], [1], [0], [0], [0, 0, 1, 0], [], []>, transpose_lhs_hint = false} : vector<256x1024xbf16>, vector<768x1024xbf16>, vector<256x768xf32> -> vector<256x768xf32>
      %dot_general3A_22 = arith.constant dense<0.000000e+00> : vector<256x768xf32>
      %dot_general3A_23 = tpu.matmul %convert_element_type3A_5, %get3A_15, %dot_general3A_22 {dimension_numbers = #tpu.dot_dimension_numbers<[1], [1], [0], [0], [0, 0, 1, 0], [], []>, transpose_lhs_hint = false} : vector<256x1024xbf16>, vector<768x1024xbf16>, vector<256x768xf32> -> vector<256x768xf32>
      %neg3A = arith.constant 0.000000e+00 : f32
      %neg3A_24 = vector.broadcast %neg3A : f32 to vector<256x768xf32>
      %neg3A_25 = arith.subf %neg3A_24, %dot_general3A_21 : vector<256x768xf32>
      %exp3A = math.exp %neg3A_25 : vector<256x768xf32>
      %add3A = arith.constant 1.000000e+00 : f32
      %add3A_26 = vector.broadcast %add3A : f32 to vector<256x768xf32>
      %add3A_27 = arith.addf %add3A_26, %exp3A : vector<256x768xf32>
      %div3A = arith.divf %dot_general3A_21, %add3A_27 : vector<256x768xf32>
      %mul3A = arith.mulf %div3A, %dot_general3A_23 : vector<256x768xf32>
      %convert_element_type3A_28 = arith.truncf %mul3A : vector<256x768xf32> to vector<256x768xbf16>
      %dot_general3A_29 = arith.constant dense<0.000000e+00> : vector<256x1024xf32>
      %dot_general3A_30 = tpu.matmul %convert_element_type3A_28, %get3A_20, %dot_general3A_29 {dimension_numbers = #tpu.dot_dimension_numbers<[1], [1], [0], [0], [0, 0, 1, 0], [], []>, transpose_lhs_hint = false} : vector<256x768xbf16>, vector<1024x768xbf16>, vector<256x1024xf32> -> vector<256x1024xf32>
      %get3A_31 = arith.constant 0 : index
      %get3A_32 = arith.constant 0 : index
      %get3A_33 = arith.constant 0 : index
      %get3A_34 = vector.load %arg4[%get3A_31, %get3A_32, %get3A_33] : memref<1x256x128xf32, #tpu.memory_space<vmem>>, vector<1x256x128xf32>
      %get3A_35 = vector.shape_cast %get3A_34 : vector<1x256x128xf32> to vector<256x128xf32>
      %slice3A = vector.extract_strided_slice %get3A_35 {offsets = [0, 0], sizes = [256, 1], strides = [1, 1]} : vector<256x128xf32> to vector<256x1xf32>
      %mul3A_36 = vector.broadcast %slice3A : vector<256x1xf32> to vector<256x1024xf32>
      %mul3A_37 = arith.mulf %dot_general3A_30, %mul3A_36 : vector<256x1024xf32>
      %swap3A = arith.constant 0 : index
      %swap3A_38 = arith.constant 0 : index
      %swap3A_39 = vector.load %arg8[%swap3A, %swap3A_38] : memref<256x1024xf32, #tpu.memory_space<vmem>>, vector<256x1024xf32>
      tpu.vector_store %arg8[%swap3A, %swap3A_38], %mul3A_37 {strides = array<i32>} : memref<256x1024xf32, #tpu.memory_space<vmem>>, vector<256x1024xf32>,
    } else {
    }
    return
  }
  func.func @transform_0(%arg0: i32, %arg1: memref<32xi32, #tpu.memory_space<smem>>, %arg2: memref<1xi32, #tpu.memory_space<smem>>) -> (i32, i32) {
    %get3A = arith.constant 0 : index
    %get3A_0 = memref.load %arg2[%get3A] : memref<1xi32, #tpu.memory_space<smem>>
    %sub3A = arith.constant 1 : i32
    %sub3A_1 = arith.subi %get3A_0, %sub3A : i32
    %min3A = arith.minsi %arg0, %sub3A_1 : i32
    %c0_i32 = arith.constant 0 : i32
    %c0_i32_2 = arith.constant 0 : i32
    return %min3A, %c0_i32 : i32, i32
  }
  func.func @transform_1(%arg0: i32, %arg1: memref<32xi32, #tpu.memory_space<smem>>, %arg2: memref<1xi32, #tpu.memory_space<smem>>) -> (i32, i32, i32) {
    %get3A = arith.constant 0 : index
    %get3A_0 = memref.load %arg2[%get3A] : memref<1xi32, #tpu.memory_space<smem>>
    %sub3A = arith.constant 1 : i32
    %sub3A_1 = arith.subi %get3A_0, %sub3A : i32
    %min3A = arith.minsi %arg0, %sub3A_1 : i32
    %c0_i32 = arith.constant 0 : i32
    %c0_i32_2 = arith.constant 0 : i32
    %c0_i32_3 = arith.constant 0 : i32
    return %min3A, %c0_i32, %c0_i32_2 : i32, i32, i32
  }
  func.func @transform_2(%arg0: i32, %arg1: memref<32xi32, #tpu.memory_space<smem>>, %arg2: memref<1xi32, #tpu.memory_space<smem>>) -> (i32, i32, i32) {
    %get3A = arith.index_cast %arg0 : i32 to index
    %get3A_0 = memref.load %arg1[%get3A] : memref<32xi32, #tpu.memory_space<smem>>
    %c0_i32 = arith.constant 0 : i32
    %c0_i32_1 = arith.constant 0 : i32
    %c0_i32_2 = arith.constant 0 : i32
    return %get3A_0, %c0_i32, %c0_i32_1 : i32, i32, i32
  }
  func.func @transform_3(%arg0: i32, %arg1: memref<32xi32, #tpu.memory_space<smem>>, %arg2: memref<1xi32, #tpu.memory_space<smem>>) -> (i32, i32, i32) {
    %get3A = arith.index_cast %arg0 : i32 to index
    %get3A_0 = memref.load %arg1[%get3A] : memref<32xi32, #tpu.memory_space<smem>>
    %c0_i32 = arith.constant 0 : i32
    %c0_i32_1 = arith.constant 0 : i32
    %c0_i32_2 = arith.constant 0 : i32
    return %get3A_0, %c0_i32, %c0_i32_1 : i32, i32, i32
  }
  func.func @transform_4(%arg0: i32, %arg1: memref<32xi32, #tpu.memory_space<smem>>, %arg2: memref<1xi32, #tpu.memory_space<smem>>) -> (i32, i32, i32) {
    %get3A = arith.index_cast %arg0 : i32 to index
    %get3A_0 = memref.load %arg1[%get3A] : memref<32xi32, #tpu.memory_space<smem>>
    %c0_i32 = arith.constant 0 : i32
    %c0_i32_1 = arith.constant 0 : i32
    %c0_i32_2 = arith.constant 0 : i32
    return %get3A_0, %c0_i32, %c0_i32_1 : i32, i32, i32
  }
  func.func @transform_5(%arg0: i32, %arg1: memref<32xi32, #tpu.memory_space<smem>>, %arg2: memref<1xi32, #tpu.memory_space<smem>>) -> (i32, i32) {
    %c0_i32 = arith.constant 0 : i32
    %c0_i32_0 = arith.constant 0 : i32
    return %arg0, %c0_i32 : i32, i32
  }
}

</mosaic_0001>

<sc_bundles>
// kernel: kernel.6.cloned.1.call-start
scs
__scs_entry_jumppad:
0x0: {  	(pc) =	sbr.rel $0x88, $3  }
0x1: {  	(tag) =	ssettag $0x0;
	lr =	simm.s32 $0x1  }
0x2: {  	[smem:$0x3F9C] =	sst lr;
	_ =	strace $0xD0000000  }
0x3: {  	_ = 	snop  }
0x4: {  	_ = 	snop  }
0x5: {  	_ = 	snop  }
0x6: {  	_ = 	snop  }
0x7: {  	_ = 	snop  }
__scs_overlays_trampoline_lowered:
0x8: {  	[smem:$0x3FAB] =	sst s0  }
0x9: {  	[smem:$0x3FAC] =	sst s1  }
0xa: {  	[smem:$0x3FAD] =	sst s2  }
0xb: {  	[smem:$0x3FAE] =	sst s3  }
0xc: {  	[smem:$0x3FAF] =	sst s4  }
0xd: {  	[smem:$0x3FB0] =	sst s5  }
0xe: {  	[smem:$0x3FB1] =	sst s6  }
0xf: {  	[smem:$0x3FB2] =	sst s7  }
0x10: {  	[smem:$0x3FB3] =	sst s8  }
0x11: {  	[smem:$0x3FB4] =	sst s9;
	s0 =	simm.s32 @!p0 $0x0  }
0x12: {  	s1 =	sld [smem:$0x3F9A];
	s0 =	simm.s32 @p0 $0x1  }
0x13: {  	[smem:$0x3FB5] =	sst s0;
	s0 =	simm.s32 @!p1 $0x0  }
0x14: {  	s2 =	sld [smem:$0x3F99];
	s0 =	simm.s32 @p1 $0x1  }
0x15: {  	[smem:$0x3FB6] =	sst s0;
	s0 =	simm.s32 @!p2 $0x0  }
0x16: {  	s3 =	sld [smem:$0x3FDB];
	s0 =	simm.s32 @p2 $0x1  }
0x17: {  	s4 =	simm.s32 $0x1BF5;
	[smem:$0x3FB8] =	sst s0  }
0x18: {  	s0 =	sld [smem:$0x3F9B];
	_ =	swait.ge [sflag:s4], $0x0  }
0x19: {  	s7 =	sld [smem:$0x3F9C]  }
0x1a: {  	s8 =	sadd.s32 $0xFFFFE003, lr  }
0x1b: {  	s9 =	sadd.s32 $0xFFFFFEF7, lr;
	s5 =	simm.s32 $0xFFFFFFFF;
	p2 =	slt.u32 s8, $0xFFFFF086  }
0x1c: {  	p1 =	slt.u32 s9, $0xF7A;
	s5 =	simm.s32 @!p2 $0x0  }
0x1d: {  	s5 =	simm.s32 @p1 $0x1;
	p0 =	seq.s32 s7, s2  }
0x1e: {  	s7 =	smul.u32 @!p0 $0xF7A, s2;
	p2 =	seq.s32 @!p0 s5, $0x0  }
0x1f: {  	s9 =	smul.u32 $0xF7A, s1;
	s8 =	simm.s32 @!p0 $0x1BF5;
	p2 =	por !p2, p0  }
0x20: {  	[sflag:s8] =	ssyncset.s32 @!p0 $0xFFFFF086;
	s6 =	sadd.s32 @!p0 s3, s7;
	s7 =	simm.s32 @!p0 $0x108  }
0x21: {  	s3 =	sadd.s32 s3, s9;
	s6 =	sadd.s32 @!p0 $0x88, s6;
	s7 =	simm.s32 @p2 $0x1082  }
0x22: {  	[simem:s7], [sflag:s8] =	dma.local @!p0 [hbm:s6], $0xF7A  }
0x23: {  	s9 =	sor.u32 $0xD0000000, s2;
	s6 =	simm.s32 $0x108;
	_ =	swait.ge @!p0 [sflag:s8], $0x0  }
0x24: {  	s3 =	sadd.s32 $0x88, s3;
	s6 =	simm.s32 @!p1 $0x1082;
	[sflag:s4] =	ssyncset.s32 $0xFFFFF086  }
0x25: {  	[simem:s6], [sflag:s4] =	dma.local [hbm:s3], $0xF7A  }
0x26: {  	[smem:$0x3F9C] =	sst s1;
	(tag) =	ssettag s2;
	_ =	strace s9  }
0x27: {  	s1 =	sld [smem:$0x3FAC]  }
0x28: {  	s2 =	sld [smem:$0x3FAD]  }
0x29: {  	s4 =	sld [smem:$0x3FAF]  }
0x2a: {  	p0 =	seq.s32 s5, $0x0;
	s5 =	sld [smem:$0x3FB0]  }
0x2b: {  	s6 =	sld [smem:$0x3FB1]  }
0x2c: {  	s7 =	sld [smem:$0x3FB2]  }
0x2d: {  	s3 =	simm.s32 $0x108;
	s8 =	sld [smem:$0x3FB3]  }
0x2e: {  	s3 =	simm.s32 @!p0 $0x1082;
	s9 =	sld [smem:$0x3FB4]  }
0x2f: {  	lr =	sadd.s32 s0, s3;
	s0 =	sld [smem:$0x3FAB]  }
0x30: {  	s3 =	sld [smem:$0x3FAE]  }
0x31: {  	[smem:$0x3FB7] =	sst s10  }
0x32: {  	s10 =	sld [smem:$0x3FB5];
	_ =	sdelay $0x3  }
0x33: {  	p0 =	seq.s32 s10, $0x1;
	s10 =	sld [smem:$0x3FB7];
	_ =	sdelay $0x3  }
0x34: {  	[smem:$0x3FB7] =	sst s10  }
0x35: {  	s10 =	sld [smem:$0x3FB6];
	_ =	sdelay $0x3  }
0x36: {  	p1 =	seq.s32 s10, $0x1;
	s10 =	sld [smem:$0x3FB7];
	_ =	sdelay $0x3  }
0x37: {  	[smem:$0x3FB7] =	sst s10  }
0x38: {  	s10 =	sld [smem:$0x3FB8]  }
0x39: {  	_ = 	snop;
	(pc) =	sbr.ind lr, $3  }
0x3a: {  	_ = 	snop  }
0x3b: {  	_ = 	snop  }
0x3c: {  	p2 =	seq.s32 s10, $0x1;
	s10 =	sld [smem:$0x3FB7]  }
0x3d: {  	_ =	shalt  }
0x3e: {  	_ =	shalt  }
0x3f: {  	_ =	shalt  }
0x40: {  	_ =	shalt  }
0x41: {  	_ =	shalt  }
0x42: {  	_ =	shalt  }
0x43: {  	_ =	shalt  }
0x44: {  	_ =	shalt  }
0x45: {  	_ =	shalt  }
0x46: {  	_ =	shalt  }
0x47: {  	_ =	shalt  }
0x48: {  	_ =	shalt  }
0x49: {  	_ =	shalt  }
0x4a: {  	_ =	shalt  }
0x4b: {  	_ =	shalt  }
0x4c: {  	_ =	shalt  }
0x4d: {  	_ =	shalt  }
0x4e: {  	_ =	shalt  }
0x4f: {  	_ =	shalt  }
0x50: {  	_ =	shalt  }
0x51: {  	_ =	shalt  }
0x52: {  	_ =	shalt  }
0x53: {  	_ =	shalt  }
0x54: {  	_ =	shalt  }
0x55: {  	_ =	shalt  }
0x56: {  	_ =	shalt  }
0x57: {  	_ =	shalt  }
0x58: {  	_ =	shalt  }
0x59: {  	_ =	shalt  }
0x5a: {  	_ =	shalt  }
0x5b: {  	_ =	shalt  }
0x5c: {  	_ =	shalt  }
0x5d: {  	_ =	shalt  }
0x5e: {  	_ =	shalt  }
0x5f: {  	_ =	shalt  }
0x60: {  	_ =	shalt  }
0x61: {  	_ =	shalt  }
0x62: {  	_ =	shalt  }
0x63: {  	_ =	shalt  }
0x64: {  	_ =	shalt  }
0x65: {  	_ =	shalt  }
0x66: {  	_ =	shalt  }
0x67: {  	_ =	shalt  }
0x68: {  	_ =	shalt  }
0x69: {  	_ =	shalt  }
0x6a: {  	_ =	shalt  }
0x6b: {  	_ =	shalt  }
0x6c: {  	_ =	shalt  }
0x6d: {  	_ =	shalt  }
0x6e: {  	_ =	shalt  }
0x6f: {  	_ =	shalt  }
0x70: {  	_ =	shalt  }
0x71: {  	_ =	shalt  }
0x72: {  	_ =	shalt  }
0x73: {  	_ =	shalt  }
0x74: {  	_ =	shalt  }
0x75: {  	_ =	shalt  }
0x76: {  	_ =	shalt  }
0x77: {  	_ =	shalt  }
0x78: {  	_ =	shalt  }
0x79: {  	_ =	shalt  }
0x7a: {  	_ =	shalt  }
0x7b: {  	_ =	shalt  }
0x7c: {  	_ =	shalt  }
0x7d: {  	_ =	shalt  }
0x7e: {  	_ =	shalt  }
0x7f: {  	_ =	shalt  }
0x80: {  	_ =	shalt  }
0x81: {  	_ =	shalt  }
0x82: {  	_ =	shalt  }
0x83: {  	_ =	shalt  }
0x84: {  	_ =	shalt  }
0x85: {  	_ =	shalt  }
0x86: {  	_ =	shalt  }
0x87: {  	_ =	shalt  }
.Lfunc_end0:
.L_simem_size_0:
called_computation_lowered:
.L_overlay_start_0:
0x88: {  	s2 =	sld [smem:$0x3FD9]  }
0x89: {  	s3 =	sld [smem:$0x3FFE];
	_ =	sdelay $0x1  }
0x8a: {  	s1 =	srdreg.scid  }
0x8b: {  	s0 =	sand.u32 $0x1, s1  }
0x8c: {  	s17 =	sshll.u32 s0, $0xA;
	s2 =	sadd.s32 s3, s2  }
0x8d: {  	s2 =	sadd.s32 s2, s17  }
0x8e: {  	[smem:$0x3FC3] =	sst s2  }
0x8f: {  	_ = 	snop  }
0x90: {  	s2 =	sld [smem:$0x3FC9]  }
0x91: {  	s18 =	sld [smem:$0x3FD0];
	(tm) =	ssettm $0x1  }
0x92: {  	s4 =	sld [smem:$0x3FFB];
	_ =	sdelay $0x3  }
0x93: {  	_ =	strace s4  }
0x94: {  	s4 =	sld [smem:$0x3FFC];
	_ =	sdelay $0x3  }
0x95: {  	_ =	strace s4  }
0x96: {  	s4 =	sld [smem:$0x3FFD];
	_ =	sdelay $0x3  }
0x97: {  	_ =	strace s4  }
0x98: {  	_ =	strace $0x8FFFFFFF  }
0x99: {  	s19 =	sld [smem:$0x3FDB];
	_ =	sdelay $0x1  }
0x9a: {  	s5 =	simm.s32 $_scs_section_size  }
0x9b: {  	s6 =	simm.s32 $_size__tile_overlayer_lowered;
	s7 =	simm.s32 $_tile_overlayer_lowered  }
0x9c: {  	s22 =	simm.s32 $0x1BFF;
	s21 =	sshll.u32 s7, $0x1;
	s4 =	sadd.s32 s5, s19  }
0x9d: {  	s8 =	simm.s32 $0x0;
	s20 =	sshll.u32 s6, $0x1;
	s6 =	sadd.s32 s21, s4  }
0x9e: {  	[timem:s8], [sflag:s22] =	dma.local [hbm:s6], s20  }
0x9f: {  	_ =	swait.ge [sflag:s22], s20  }
0xa0: {  	s5 =	ssub.s32 $0x0, s20;
	[sflag:s22] =	ssyncset.done $0x0  }
0xa1: {  	[sflag:s22] =	ssyncadd.s32 s5;
	_ =	sdelay $0x1  }
0xa2: {  	s23 =	simm.s32 $0x1B8B  }
0xa3: {  	_ =	swait.ge [sflag:s23], $0x1  }
0xa4: {  	[sflag:s23] =	ssyncset.done $0x0  }
0xa5: {  	s25 =	simm.s32 $0x1B8E;
	s24 =	sld [smem:$0x3FFE];
	[sflag:s23] =	ssyncadd.s32 $0xFFFFFFFF  }
0xa6: {  	s26 =	simm.s32 $execute0_lowered;
	[smem:$0x3FD2] =	sst s25  }
0xa7: {  	s6 =	sshll.u32 s26, $0x1;
	_ =	strace $0x80000046;
	[dreg:$0x1] =	wrdreg $0xFFFFFFFF  }
0xa8: {  	s28 =	simm.s32 $_size_execute0_lowered;
	s4 =	sadd.s32 s4, s6;
	[dreg:$0x0] =	wrdreg $0x0  }
0xa9: {  	s6 =	sshll.u32 s28, $0x1;
	[dreg:$0x2] =	wrdreg s4  }
0xaa: {  	[dreg:$0x3] =	wrdreg s6  }
0xab: {  	[dreg:$0x4] =	wrdreg $0xC0  }
0xac: {  	_ =	task [dreg:s8], $0x5FFFF  }
0xad: {  	[dreg:$0x1] =	wrdreg $0xFFFFFFFF  }
0xae: {  	[dreg:$0x0] =	wrdreg $0x60  }
0xaf: {  	[dreg:$0x2] =	wrdreg s2  }
0xb0: {  	[dreg:$0x3] =	wrdreg s24  }
0xb1: {  	[dreg:$0x4] =	wrdreg s18  }
0xb2: {  	[dreg:$0x5] =	wrdreg $0x9  }
0xb3: {  	_ =	task.clear_ibuf [dreg:s8], $0x6FFFF;
	_ =	strace $0x90000046  }
0xb4: {  	s29 =	simm.s32 $0x9;
	_ =	strace $0x80000048  }
0xb5: {  	_ =	swait.ge [sflag:s29], $0x1  }
0xb6: {  	[sflag:s29] =	ssyncadd.s32 $0xFFFFFFFF  }
0xb7: {  	_ =	strace $0x90000048  }
0xb8: {  	_ =	sfence  }
0xb9: {  	s30 =	sld [smem:$0x0];
	_ =	sdelay $0x2  }
0xba: {  	s31 =	sshll.u32 s1, $0xD;
	s1 =	sshrl.u32 s1, $0x2  }
0xbb: {  	s3 =	sand.u32 $0x4000, s31;
	s1 =	sadd.s32 s1, s30  }
0xbc: {  	s0 =	sor.u32 s3, s0;
	s1 =	sshll.u32 s1, $0x11  }
0xbd: {  	s0 =	sor.u32 s1, s0  }
0xbe: {  	s0 =	sadd.s32 $0x8F2B, s0  }
0xbf: {  	[sflag:s0] =	ssyncadd.remote.s32 $0x1  }
0xc0: {  	_ =	sfence.sel $0xFFFF  }
0xc1: {  	[dreg:$0x0] =	wrdreg $0xFFFFFFFF;
	(pc) =	sbr.abs _section_cstart, $3  }
0xc2: {  	[dreg:$0x1] =	wrdreg $0xFFFFFFFF  }
0xc3: {  	_ =	task.clear_ibuf [dreg:s8], $0x2FFFF;
	_ =	strace $0x9FFFFFFF  }
0xc4: {  	(tm) =	ssettm $0x7FFFFFFF  }
0xc5: {  	_ =	shalt  }
tec
execute0_lowered:
.L_overlay_start_1:
0x0: {  	(tag) =	ssettag $0x1  }
0x1: {  	s0 =	rddreg [dreg:$0x0];
	s1 =	srdreg.scid  }
0x2: {  	s2 =	rddreg [dreg:$0x1];
	s3 =	stileid.u32  }
0x3: {  	s10 =	simm.s32 $0x2;
	s29 =	simm.s32 $0x5100;
	s30 =	simm.s32 $0x5900  }
0x4: {  	s31 =	simm.s32 $0x6100;
	s11 =	simm.s32 $0x8100;
	s12 =	simm.s32 $0x8900  }
0x5: {  	s13 =	simm.s32 $0x9100;
	s14 =	simm.s32 $0x9900;
	s15 =	simm.s32 $0xA100  }
0x6: {  	s16 =	simm.s32 $0xA900;
	s17 =	simm.s32 $0xB100;
	s18 =	simm.s32 $0xB900  }
0x7: {  	s19 =	simm.s32 $0xC100;
	s20 =	simm.s32 $0xC900;
	s21 =	simm.s32 $0xD100  }
0x8: {  	s9 =	simm.s32 $0xE100;
	s28 =	simm.s32 $0xF100;
	s1 =	sand.u32 $0x1, s1  }
0x9: {  	s4 =	sshll.u32 s3, $0x7;
	s3 =	simm.s32 $0x0;
	s7 =	sadd.s32 $0x10900, s2  }
0xa: {  	s5 =	sshll.u32 s1, $0x6;
	[smem:$0x7FF] =	sst s3;
	s1 =	ssub.s32 $0x2, s1  }
0xb: {  	s4 =	sor.u32 s5, s4;
	_ =	strace $0x80000047;
	s25 =	sshrl.u32 s1, $0x1  }
0xc: {  	s5 =	sshrl.u32 s4, $0x3;
	s6 =	sshll.u32 s4, $0x7;
	s4 =	sshll.u32 s4, $0x4  }
0xd: {  	s1 =	ssub.s32 s1, s25;
	s5 =	sadd.s32 s5, s2;
	s0 =	sadd.s32 s0, s6  }
0xe: {  	s25 =	simm.s32 $0x7100;
	[dreg:$0x4] =	wrdreg s0;
	s22 =	sadd.s32 $0x400, s5  }
0xf: {  	s4 =	sadd.s32 s4, s2;
	s23 =	sadd.s32 $0x200, s5;
	[dreg:$0x5] =	wrdreg s22  }
0x10: {  	s6 =	sadd.s32 $0x10800, s2;
	s24 =	sadd.s32 $0x8600, s4;
	[dreg:$0x6] =	wrdreg s23  }
0x11: {  	v2 =	vlaneseq.u32;
	s8 =	smax.u32 s1, $0x1;
	s26 =	sadd.s32 $0x600, s4;
	[dreg:$0x7] =	wrdreg s24  }
0x12: {  	vm0 =	vmmov $0xffff;
	v1 =	vshrl.u32 v2, $0x3;
	s4 =	sadd.s32 $0x10600, s2;
	s5 =	sadd.s32 $0x10700, s2;
	[dreg:$0x8] =	wrdreg s26  }
0x13: {  	v0 =	vand.u32 $0x7, v2;
	v2 =	vor.u32 $0x8, v2;
	v1 =	vmul.u32 $0x8, v1;
	s22 =	simm.s32 $0x1;
	s23 =	simm.s32 $0xD900;
	s26 =	simm.s32 $0xE900  }
.LBB2_1:
0x14: {  	s24 =	rddreg [dreg:$0x4];
	s0 =	simm.s32 $0x4100  }
0x15: {  	[tilespmem:s0], [sflag:$0x2] =	stream.linear.gather [hbm4b:s24+s3], $0x10000, $0x38;
	[tilespmem:$0x14100] =	vst v63  }
0x16: {  	_ =	swait.ge [sflag:s10], $0x10000  }
0x17: {  	[sflag:s10] =	ssyncset.done $0x0  }
0x18: {  	s1 =	rddreg [dreg:$0x5];
	[sflag:s10] =	ssyncadd.s32 $0xFFFF0000  }
0x19: {  	[tilespmem:s3], [sflag:$0x2] =	stream.linear.gather [hbm4b:s1+s3], $0x40, $0x38;
	[tilespmem:$0x14100] =	vst v63  }
0x1a: {  	_ =	swait.ge [sflag:s10], $0x40  }
0x1b: {  	[sflag:s10] =	ssyncset.done $0x0  }
0x1c: {  	s1 =	simm.s32 $0x80;
	s2 =	rddreg [dreg:$0x6];
	[sflag:s10] =	ssyncadd.s32 $0xFFFFFFC0  }
0x1d: {  	[tilespmem:s1], [sflag:$0x2] =	stream.linear.gather [hbm4b:s2+s3], $0x40, $0x38;
	[tilespmem:$0x14100] =	vst v63  }
0x1e: {  	_ =	swait.ge [sflag:s10], $0x40  }
0x1f: {  	[sflag:s10] =	ssyncset.done $0x0  }
0x20: {  	s2 =	simm.s32 $0x100;
	s1 =	rddreg [dreg:$0x7];
	[sflag:s10] =	ssyncadd.s32 $0xFFFFFFC0  }
0x21: {  	[tilespmem:s2], [sflag:$0x2] =	stream.linear.gather [hbm4b:s1+s3], $0x2000, $0x38;
	[tilespmem:$0x14100] =	vst v63  }
0x22: {  	_ =	swait.ge [sflag:s10], $0x2000  }
0x23: {  	[sflag:s10] =	ssyncset.done $0x0  }
0x24: {  	s2 =	simm.s32 $0x2100;
	s1 =	rddreg [dreg:$0x8];
	[sflag:s10] =	ssyncadd.s32 $0xFFFFE000  }
0x25: {  	[tilespmem:s2], [sflag:$0x2] =	stream.linear.gather [hbm4b:s1+s3], $0x2000, $0x38;
	[tilespmem:$0x14100] =	vst v63  }
0x26: {  	_ =	swait.ge [sflag:s10], $0x2000  }
0x27: {  	[sflag:s10] =	ssyncset.done $0x0  }
0x28: {  	[sflag:s10] =	ssyncadd.s32 $0xFFFFE000  }
0x29: {  	v3 =	vld [tilespmem:$0x0];
	_ =	sdelay $0x4  }
0x2a: {  	v4 =	vshll.u32 v3, $0x3  }
0x2b: {  	v3 =	vand.u32 $0x7, v3;
	v4 =	vand.u32 $0xFFFFFFC0, v4  }
0x2c: {  	v3 =	vor.u32 v3, v4  }
0x2d: {  	v4 =	vperm.xlane v3, v0;
	_ =	sdelay $0x1  }
0x2e: {  	v4 =	vadd.s32 v1, v4;
	_ =	sdelay $0x4  }
0x2f: {  	[hbm4b:s4+s3] =	stream.indirect_vreg.scatter [tilespmem:s0], [sflag:$0x1], $0x80, v4, vm0, $0xb8;
	[tilespmem:$0x14100] =	vst v63  }
0x30: {  	s24 =	simm.s32 $0x4900;
	v3 =	vperm.xlane v3, v2  }
0x31: {  	[hbm4b:s5+s3] =	stream.indirect_vreg.scatter [tilespmem:s24], [sflag:$0x1], $0x80, v4, vm0, $0xb8;
	[tilespmem:$0x14100] =	vst v63  }
0x32: {  	v3 =	vadd.s32 v1, v3  }
0x33: {  	[hbm4b:s6+s3] =	stream.indirect_vreg.scatter [tilespmem:s29], [sflag:$0x1], $0x80, v4, vm0, $0xb8;
	[tilespmem:$0x14100] =	vst v63  }
0x34: {  	_ = 	snop  }
0x35: {  	[hbm4b:s7+s3] =	stream.indirect_vreg.scatter [tilespmem:s30], [sflag:$0x1], $0x80, v4, vm0, $0xb8;
	[tilespmem:$0x14100] =	vst v63  }
0x36: {  	_ = 	snop  }
0x37: {  	[hbm4b:s4+s3] =	stream.indirect_vreg.scatter [tilespmem:s31], [sflag:$0x1], $0x80, v3, vm0, $0xb8;
	[tilespmem:$0x14100] =	vst v63  }
0x38: {  	s2 =	simm.s32 $0x6900  }
0x39: {  	[hbm4b:s5+s3] =	stream.indirect_vreg.scatter [tilespmem:s2], [sflag:$0x1], $0x80, v3, vm0, $0xb8;
	[tilespmem:$0x14100] =	vst v63  }
0x3a: {  	_ = 	snop  }
0x3b: {  	[hbm4b:s6+s3] =	stream.indirect_vreg.scatter [tilespmem:s25], [sflag:$0x1], $0x80, v3, vm0, $0xb8;
	[tilespmem:$0x14100] =	vst v63  }
0x3c: {  	s2 =	simm.s32 $0x7900  }
0x3d: {  	[hbm4b:s7+s3] =	stream.indirect_vreg.scatter [tilespmem:s2], [sflag:$0x1], $0x80, v3, vm0, $0xb8;
	[tilespmem:$0x14100] =	vst v63  }
0x3e: {  	v3 =	vld [tilespmem:$0x10];
	_ =	sdelay $0x4  }
0x3f: {  	v57 =	vshll.u32 v3, $0x3  }
0x40: {  	v3 =	vand.u32 $0x7, v3;
	v4 =	vand.u32 $0xFFFFFFC0, v57  }
0x41: {  	v3 =	vor.u32 v3, v4  }
0x42: {  	v4 =	vperm.xlane v3, v0;
	_ =	sdelay $0x1  }
0x43: {  	v4 =	vadd.s32 v1, v4;
	_ =	sdelay $0x4  }
0x44: {  	[hbm4b:s4+s3] =	stream.indirect_vreg.scatter [tilespmem:s11], [sflag:$0x1], $0x80, v4, vm0, $0xb8;
	[tilespmem:$0x14100] =	vst v63  }
0x45: {  	v3 =	vperm.xlane v3, v2  }
0x46: {  	[hbm4b:s5+s3] =	stream.indirect_vreg.scatter [tilespmem:s12], [sflag:$0x1], $0x80, v4, vm0, $0xb8;
	[tilespmem:$0x14100] =	vst v63  }
0x47: {  	v3 =	vadd.s32 v1, v3  }
0x48: {  	[hbm4b:s6+s3] =	stream.indirect_vreg.scatter [tilespmem:s13], [sflag:$0x1], $0x80, v4, vm0, $0xb8;
	[tilespmem:$0x14100] =	vst v63  }
0x49: {  	_ = 	snop  }
0x4a: {  	[hbm4b:s7+s3] =	stream.indirect_vreg.scatter [tilespmem:s14], [sflag:$0x1], $0x80, v4, vm0, $0xb8;
	[tilespmem:$0x14100] =	vst v63  }
0x4b: {  	_ = 	snop  }
0x4c: {  	[hbm4b:s4+s3] =	stream.indirect_vreg.scatter [tilespmem:s15], [sflag:$0x1], $0x80, v3, vm0, $0xb8;
	[tilespmem:$0x14100] =	vst v63  }
0x4d: {  	_ = 	snop  }
0x4e: {  	[hbm4b:s5+s3] =	stream.indirect_vreg.scatter [tilespmem:s16], [sflag:$0x1], $0x80, v3, vm0, $0xb8;
	[tilespmem:$0x14100] =	vst v63  }
0x4f: {  	_ = 	snop  }
0x50: {  	[hbm4b:s6+s3] =	stream.indirect_vreg.scatter [tilespmem:s17], [sflag:$0x1], $0x80, v3, vm0, $0xb8;
	[tilespmem:$0x14100] =	vst v63  }
0x51: {  	_ = 	snop  }
0x52: {  	[hbm4b:s7+s3] =	stream.indirect_vreg.scatter [tilespmem:s18], [sflag:$0x1], $0x80, v3, vm0, $0xb8;
	[tilespmem:$0x14100] =	vst v63  }
0x53: {  	v3 =	vld [tilespmem:$0x20];
	_ =	sdelay $0x4  }
0x54: {  	v58 =	vshll.u32 v3, $0x3  }
0x55: {  	v3 =	vand.u32 $0x7, v3;
	v4 =	vand.u32 $0xFFFFFFC0, v58  }
0x56: {  	v3 =	vor.u32 v3, v4  }
0x57: {  	v4 =	vperm.xlane v3, v0;
	_ =	sdelay $0x1  }
0x58: {  	v4 =	vadd.s32 v1, v4;
	_ =	sdelay $0x4  }
0x59: {  	[hbm4b:s4+s3] =	stream.indirect_vreg.scatter [tilespmem:s19], [sflag:$0x1], $0x80, v4, vm0, $0xb8;
	[tilespmem:$0x14100] =	vst v63  }
0x5a: {  	v3 =	vperm.xlane v3, v2  }
0x5b: {  	[hbm4b:s5+s3] =	stream.indirect_vreg.scatter [tilespmem:s20], [sflag:$0x1], $0x80, v4, vm0, $0xb8;
	[tilespmem:$0x14100] =	vst v63  }
0x5c: {  	v3 =	vadd.s32 v1, v3  }
0x5d: {  	[hbm4b:s6+s3] =	stream.indirect_vreg.scatter [tilespmem:s21], [sflag:$0x1], $0x80, v4, vm0, $0xb8;
	[tilespmem:$0x14100] =	vst v63  }
0x5e: {  	_ = 	snop  }
0x5f: {  	[hbm4b:s7+s3] =	stream.indirect_vreg.scatter [tilespmem:s23], [sflag:$0x1], $0x80, v4, vm0, $0xb8;
	[tilespmem:$0x14100] =	vst v63  }
0x60: {  	_ = 	snop  }
0x61: {  	[hbm4b:s4+s3] =	stream.indirect_vreg.scatter [tilespmem:s9], [sflag:$0x1], $0x80, v3, vm0, $0xb8;
	[tilespmem:$0x14100] =	vst v63  }
0x62: {  	_ = 	snop  }
0x63: {  	[hbm4b:s5+s3] =	stream.indirect_vreg.scatter [tilespmem:s26], [sflag:$0x1], $0x80, v3, vm0, $0xb8;
	[tilespmem:$0x14100] =	vst v63  }
0x64: {  	_ = 	snop  }
0x65: {  	[hbm4b:s6+s3] =	stream.indirect_vreg.scatter [tilespmem:s28], [sflag:$0x1], $0x80, v3, vm0, $0xb8;
	[tilespmem:$0x14100] =	vst v63  }
0x66: {  	s1 =	simm.s32 $0xF900  }
0x67: {  	[hbm4b:s7+s3] =	stream.indirect_vreg.scatter [tilespmem:s1], [sflag:$0x1], $0x80, v3, vm0, $0xb8;
	[tilespmem:$0x14100] =	vst v63  }
0x68: {  	v3 =	vld [tilespmem:$0x30];
	_ =	sdelay $0x4  }
0x69: {  	v59 =	vshll.u32 v3, $0x3  }
0x6a: {  	v3 =	vand.u32 $0x7, v3;
	v4 =	vand.u32 $0xFFFFFFC0, v59  }
0x6b: {  	v3 =	vor.u32 v3, v4  }
0x6c: {  	v4 =	vperm.xlane v3, v0;
	_ =	sdelay $0x1  }
0x6d: {  	v4 =	vadd.s32 v1, v4;
	_ =	sdelay $0x3  }
0x6e: {  	s1 =	simm.s32 $0x10100  }
0x6f: {  	[hbm4b:s4+s3] =	stream.indirect_vreg.scatter [tilespmem:s1], [sflag:$0x1], $0x80, v4, vm0, $0xb8;
	[tilespmem:$0x14100] =	vst v63  }
0x70: {  	v3 =	vperm.xlane v3, v2;
	s1 =	simm.s32 $0x10900  }
0x71: {  	[hbm4b:s5+s3] =	stream.indirect_vreg.scatter [tilespmem:s1], [sflag:$0x1], $0x80, v4, vm0, $0xb8;
	[tilespmem:$0x14100] =	vst v63  }
0x72: {  	v3 =	vadd.s32 v1, v3;
	s1 =	simm.s32 $0x11100  }
0x73: {  	[hbm4b:s6+s3] =	stream.indirect_vreg.scatter [tilespmem:s1], [sflag:$0x1], $0x80, v4, vm0, $0xb8;
	[tilespmem:$0x14100] =	vst v63  }
0x74: {  	s1 =	simm.s32 $0x11900  }
0x75: {  	[hbm4b:s7+s3] =	stream.indirect_vreg.scatter [tilespmem:s1], [sflag:$0x1], $0x80, v4, vm0, $0xb8;
	[tilespmem:$0x14100] =	vst v63  }
0x76: {  	s1 =	simm.s32 $0x12100  }
0x77: {  	[hbm4b:s4+s3] =	stream.indirect_vreg.scatter [tilespmem:s1], [sflag:$0x1], $0x80, v3, vm0, $0xb8;
	[tilespmem:$0x14100] =	vst v63  }
0x78: {  	s1 =	simm.s32 $0x12900  }
0x79: {  	[hbm4b:s5+s3] =	stream.indirect_vreg.scatter [tilespmem:s1], [sflag:$0x1], $0x80, v3, vm0, $0xb8;
	[tilespmem:$0x14100] =	vst v63  }
0x7a: {  	s1 =	simm.s32 $0x13100  }
0x7b: {  	[hbm4b:s6+s3] =	stream.indirect_vreg.scatter [tilespmem:s1], [sflag:$0x1], $0x80, v3, vm0, $0xb8;
	[tilespmem:$0x14100] =	vst v63  }
0x7c: {  	s1 =	simm.s32 $0x13900  }
0x7d: {  	[hbm4b:s7+s3] =	stream.indirect_vreg.scatter [tilespmem:s1], [sflag:$0x1], $0x80, v3, vm0, $0xb8;
	[tilespmem:$0x14100] =	vst v63  }
0x7e: {  	_ =	swait.ge [sflag:s22], $0x10000  }
0x7f: {  	[sflag:s22] =	ssyncset.done $0x0  }
0x80: {  	[sflag:s22] =	ssyncadd.s32 $0xFFFF0000  }
0x81: {  	v3 =	vld [tilespmem:$0x80];
	_ =	sdelay $0x4  }
0x82: {  	v60 =	vshll.u32 v3, $0x3  }
0x83: {  	v3 =	vand.u32 $0x7, v3;
	v4 =	vand.u32 $0xFFFFFFC0, v60  }
0x84: {  	v3 =	vor.u32 v3, v4  }
0x85: {  	v4 =	vperm.xlane v3, v0;
	_ =	sdelay $0x1  }
0x86: {  	v4 =	vadd.s32 v1, v4;
	_ =	sdelay $0x4  }
0x87: {  	[hbm4b:s4+s3] =	stream.indirect_vreg.scatter [tilespmem:s0], [sflag:$0x1], $0x80, v4, vm0, $0xb8;
	[tilespmem:$0x14100] =	vst v63  }
0x88: {  	v3 =	vperm.xlane v3, v2  }
0x89: {  	[hbm4b:s5+s3] =	stream.indirect_vreg.scatter [tilespmem:s24], [sflag:$0x1], $0x80, v4, vm0, $0xb8;
	[tilespmem:$0x14100] =	vst v63  }
0x8a: {  	v3 =	vadd.s32 v1, v3  }
0x8b: {  	[hbm4b:s6+s3] =	stream.indirect_vreg.scatter [tilespmem:s29], [sflag:$0x1], $0x80, v4, vm0, $0xb8;
	[tilespmem:$0x14100] =	vst v63  }
0x8c: {  	_ = 	snop  }
0x8d: {  	[hbm4b:s7+s3] =	stream.indirect_vreg.scatter [tilespmem:s30], [sflag:$0x1], $0x80, v4, vm0, $0xb8;
	[tilespmem:$0x14100] =	vst v63  }
0x8e: {  	_ = 	snop  }
0x8f: {  	[hbm4b:s4+s3] =	stream.indirect_vreg.scatter [tilespmem:s31], [sflag:$0x1], $0x80, v3, vm0, $0xb8;
	[tilespmem:$0x14100] =	vst v63  }
0x90: {  	s24 =	simm.s32 $0x6900  }
0x91: {  	[hbm4b:s5+s3] =	stream.indirect_vreg.scatter [tilespmem:s24], [sflag:$0x1], $0x80, v3, vm0, $0xb8;
	[tilespmem:$0x14100] =	vst v63  }
0x92: {  	_ = 	snop  }
0x93: {  	[hbm4b:s6+s3] =	stream.indirect_vreg.scatter [tilespmem:s25], [sflag:$0x1], $0x80, v3, vm0, $0xb8;
	[tilespmem:$0x14100] =	vst v63  }
0x94: {  	_ = 	snop  }
0x95: {  	[hbm4b:s7+s3] =	stream.indirect_vreg.scatter [tilespmem:s2], [sflag:$0x1], $0x80, v3, vm0, $0xb8;
	[tilespmem:$0x14100] =	vst v63  }
0x96: {  	v3 =	vld [tilespmem:$0x90];
	_ =	sdelay $0x4  }
0x97: {  	v61 =	vshll.u32 v3, $0x3  }
0x98: {  	v3 =	vand.u32 $0x7, v3;
	v4 =	vand.u32 $0xFFFFFFC0, v61  }
0x99: {  	v3 =	vor.u32 v3, v4  }
0x9a: {  	v4 =	vperm.xlane v3, v0;
	_ =	sdelay $0x1  }
0x9b: {  	v4 =	vadd.s32 v1, v4;
	_ =	sdelay $0x4  }
0x9c: {  	[hbm4b:s4+s3] =	stream.indirect_vreg.scatter [tilespmem:s11], [sflag:$0x1], $0x80, v4, vm0, $0xb8;
	[tilespmem:$0x14100] =	vst v63  }
0x9d: {  	v3 =	vperm.xlane v3, v2  }
0x9e: {  	[hbm4b:s5+s3] =	stream.indirect_vreg.scatter [tilespmem:s12], [sflag:$0x1], $0x80, v4, vm0, $0xb8;
	[tilespmem:$0x14100] =	vst v63  }
0x9f: {  	v3 =	vadd.s32 v1, v3  }
0xa0: {  	[hbm4b:s6+s3] =	stream.indirect_vreg.scatter [tilespmem:s13], [sflag:$0x1], $0x80, v4, vm0, $0xb8;
	[tilespmem:$0x14100] =	vst v63  }
0xa1: {  	_ = 	snop  }
0xa2: {  	[hbm4b:s7+s3] =	stream.indirect_vreg.scatter [tilespmem:s14], [sflag:$0x1], $0x80, v4, vm0, $0xb8;
	[tilespmem:$0x14100] =	vst v63  }
0xa3: {  	_ = 	snop  }
0xa4: {  	[hbm4b:s4+s3] =	stream.indirect_vreg.scatter [tilespmem:s15], [sflag:$0x1], $0x80, v3, vm0, $0xb8;
	[tilespmem:$0x14100] =	vst v63  }
0xa5: {  	_ = 	snop  }
0xa6: {  	[hbm4b:s5+s3] =	stream.indirect_vreg.scatter [tilespmem:s16], [sflag:$0x1], $0x80, v3, vm0, $0xb8;
	[tilespmem:$0x14100] =	vst v63  }
0xa7: {  	_ = 	snop  }
0xa8: {  	[hbm4b:s6+s3] =	stream.indirect_vreg.scatter [tilespmem:s17], [sflag:$0x1], $0x80, v3, vm0, $0xb8;
	[tilespmem:$0x14100] =	vst v63  }
0xa9: {  	_ = 	snop  }
0xaa: {  	[hbm4b:s7+s3] =	stream.indirect_vreg.scatter [tilespmem:s18], [sflag:$0x1], $0x80, v3, vm0, $0xb8;
	[tilespmem:$0x14100] =	vst v63  }
0xab: {  	v3 =	vld [tilespmem:$0xA0];
	_ =	sdelay $0x4  }
0xac: {  	v62 =	vshll.u32 v3, $0x3  }
0xad: {  	v3 =	vand.u32 $0x7, v3;
	v4 =	vand.u32 $0xFFFFFFC0, v62  }
0xae: {  	v3 =	vor.u32 v3, v4  }
0xaf: {  	v4 =	vperm.xlane v3, v0;
	_ =	sdelay $0x1  }
0xb0: {  	v4 =	vadd.s32 v1, v4;
	_ =	sdelay $0x4  }
0xb1: {  	[hbm4b:s4+s3] =	stream.indirect_vreg.scatter [tilespmem:s19], [sflag:$0x1], $0x80, v4, vm0, $0xb8;
	[tilespmem:$0x14100] =	vst v63  }
0xb2: {  	v3 =	vperm.xlane v3, v2  }
0xb3: {  	[hbm4b:s5+s3] =	stream.indirect_vreg.scatter [tilespmem:s20], [sflag:$0x1], $0x80, v4, vm0, $0xb8;
	[tilespmem:$0x14100] =	vst v63  }
0xb4: {  	v3 =	vadd.s32 v1, v3  }
0xb5: {  	[hbm4b:s6+s3] =	stream.indirect_vreg.scatter [tilespmem:s21], [sflag:$0x1], $0x80, v4, vm0, $0xb8;
	[tilespmem:$0x14100] =	vst v63  }
0xb6: {  	_ = 	snop  }
0xb7: {  	[hbm4b:s7+s3] =	stream.indirect_vreg.scatter [tilespmem:s23], [sflag:$0x1], $0x80, v4, vm0, $0xb8;
	[tilespmem:$0x14100] =	vst v63  }
0xb8: {  	_ = 	snop  }
0xb9: {  	[hbm4b:s4+s3] =	stream.indirect_vreg.scatter [tilespmem:s9], [sflag:$0x1], $0x80, v3, vm0, $0xb8;
	[tilespmem:$0x14100] =	vst v63  }
0xba: {  	_ = 	snop  }
0xbb: {  	[hbm4b:s5+s3] =	stream.indirect_vreg.scatter [tilespmem:s26], [sflag:$0x1], $0x80, v3, vm0, $0xb8;
	[tilespmem:$0x14100] =	vst v63  }
0xbc: {  	_ = 	snop  }
0xbd: {  	[hbm4b:s6+s3] =	stream.indirect_vreg.scatter [tilespmem:s28], [sflag:$0x1], $0x80, v3, vm0, $0xb8;
	[tilespmem:$0x14100] =	vst v63  }
0xbe: {  	s2 =	simm.s32 $0xF900  }
0xbf: {  	[hbm4b:s7+s3] =	stream.indirect_vreg.scatter [tilespmem:s2], [sflag:$0x1], $0x80, v3, vm0, $0xb8;
	[tilespmem:$0x14100] =	vst v63  }
0xc0: {  	v3 =	vld [tilespmem:$0xB0];
	_ =	sdelay $0x4  }
0xc1: {  	v63 =	vshll.u32 v3, $0x3  }
0xc2: {  	v3 =	vand.u32 $0x7, v3;
	v4 =	vand.u32 $0xFFFFFFC0, v63  }
0xc3: {  	v3 =	vor.u32 v3, v4  }
0xc4: {  	v4 =	vperm.xlane v3, v0;
	_ =	sdelay $0x1  }
0xc5: {  	v4 =	vadd.s32 v1, v4;
	_ =	sdelay $0x3  }
0xc6: {  	s24 =	simm.s32 $0x10100  }
0xc7: {  	[hbm4b:s4+s3] =	stream.indirect_vreg.scatter [tilespmem:s24], [sflag:$0x1], $0x80, v4, vm0, $0xb8;
	[tilespmem:$0x14100] =	vst v63  }
0xc8: {  	s2 =	simm.s32 $0x10900;
	v3 =	vperm.xlane v3, v2  }
0xc9: {  	[hbm4b:s5+s3] =	stream.indirect_vreg.scatter [tilespmem:s2], [sflag:$0x1], $0x80, v4, vm0, $0xb8;
	[tilespmem:$0x14100] =	vst v63  }
0xca: {  	v3 =	vadd.s32 v1, v3;
	s24 =	simm.s32 $0x11100  }
0xcb: {  	[hbm4b:s6+s3] =	stream.indirect_vreg.scatter [tilespmem:s24], [sflag:$0x1], $0x80, v4, vm0, $0xb8;
	[tilespmem:$0x14100] =	vst v63  }
0xcc: {  	s2 =	simm.s32 $0x11900  }
0xcd: {  	[hbm4b:s7+s3] =	stream.indirect_vreg.scatter [tilespmem:s2], [sflag:$0x1], $0x80, v4, vm0, $0xb8;
	[tilespmem:$0x14100] =	vst v63  }
0xce: {  	s24 =	simm.s32 $0x12100  }
0xcf: {  	[hbm4b:s4+s3] =	stream.indirect_vreg.scatter [tilespmem:s24], [sflag:$0x1], $0x80, v3, vm0, $0xb8;
	[tilespmem:$0x14100] =	vst v63  }
0xd0: {  	s2 =	simm.s32 $0x12900  }
0xd1: {  	[hbm4b:s5+s3] =	stream.indirect_vreg.scatter [tilespmem:s2], [sflag:$0x1], $0x80, v3, vm0, $0xb8;
	[tilespmem:$0x14100] =	vst v63  }
0xd2: {  	s24 =	simm.s32 $0x13100  }
0xd3: {  	[hbm4b:s6+s3] =	stream.indirect_vreg.scatter [tilespmem:s24], [sflag:$0x1], $0x80, v3, vm0, $0xb8;
	[tilespmem:$0x14100] =	vst v63  }
0xd4: {  	s1 =	simm.s32 $0x13900  }
0xd5: {  	[hbm4b:s7+s3] =	stream.indirect_vreg.scatter [tilespmem:s1], [sflag:$0x1], $0x80, v3, vm0, $0xb8;
	[tilespmem:$0x14100] =	vst v63  }
0xd6: {  	_ =	swait.ge [sflag:s22], $0x10000  }
0xd7: {  	[sflag:s22] =	ssyncset.done $0x0  }
0xd8: {  	[sflag:s22] =	ssyncadd.s32 $0xFFFF0000  }
0xd9: {  	s0 =	simm.s32 $0x40;
	s2 =	simm.s32 $0x100;
	s24 =	rddreg [dreg:$0x2]  }
0xda: {  	[hbm4b:s24+s0] =	stream.indirect.scatter [tilespmem:s2], [sflag:$0x1], $0x80, s3, s0, $0xb8;
	[tilespmem:$0x14100] =	vst v63  }
0xdb: {  	_ =	swait.ge [sflag:s22], $0x2000  }
0xdc: {  	p0 =	sne.s32 s8, $0x1;
	s1 =	simm.s32 $0x80;
	[sflag:s22] =	ssyncset.done $0x0  }
.Ltmp0:
0xdd: {  	s2 =	simm.s32 $0x2100;
	[sflag:s22] =	ssyncadd.s32 $0xFFFFE000;
	(pc) =	sbr.rel @p0 .LBB2_1-.Ltmp0, $4  }
0xde: {  	[hbm4b:s24+s0] =	stream.indirect.scatter [tilespmem:s2], [sflag:$0x1], $0x80, s1, s0, $0xb8;
	[tilespmem:$0x14100] =	vst v63  }
0xdf: {  	_ =	swait.ge [sflag:s22], $0x2000  }
0xe0: {  	[sflag:s22] =	ssyncset.done $0x0  }
0xe1: {  	s8 =	sadd.s32 $0xFFFFFFFF, s8;
	[sflag:s22] =	ssyncadd.s32 $0xFFFFE000  }
0xe2: {  	_ =	sfence.sel $0x180000  }
0xe3: {  	[bflag:$0x0] =	sbarrier.arrive $0xFFFF  }
0xe4: {  	_ =	strace $0x90000047  }
0xe5: {  	s0 =	stileid.u32;
	[bflag:$0x2] =	sbarrier.arrive $0xFFFF  }
0xe6: {  	p0 =	sne.s32 s0, $0x0;
	s0 =	rddreg [dreg:$0x3]  }
0xe7: {  	s0 =	sadd.s32 @!p0 $0x100000, s0  }
0xe8: {  	[sflag:s0] =	ssyncadd.tile.s32 @!p0 $0x1;
	_ =	shalt  }
.Lfunc_end2:
_tile_overlayer_lowered:
.L_overlay_start_2:
0xe9: {  	(tag) =	ssettag $0x2  }
0xea: {  	s0 =	rddreg [dreg:$0x0];
	s2 =	stileid.u32  }
0xeb: {  	s1 =	rddreg [dreg:$0x1];
	p0 =	sne.s32 s2, $0x0  }
0xec: {  	s3 =	rddreg [dreg:$0x2];
	[bflag:$0x3] =	sbarrier.arrive $0xFFFF;
	s2 =	simm.s32 @!p0 $0x1C02  }
0xed: {  	[timem:s3], [sflag:s2] =	dma.local @!p0 [hbm:s0], s1  }
0xee: {  	s0 =	simm.s32 @!p0 $0x2  }
0xef: {  	_ =	swait.ge @!p0 [sflag:s0], s1  }
0xf0: {  	s1 =	ssub.s32 @!p0 $0x0, s1;
	[sflag:s0] =	ssyncset.done @!p0 $0x0  }
0xf1: {  	[sflag:s0] =	ssyncadd.s32 @!p0 s1  }
0xf2: {  	[bflag:$0x3] =	sbarrier.arrive $0xFFFF  }
0xf3: {  	_ =	shalt  }

// kernel: kernel.9.cloned.1.call-start
scs
__scs_entry_jumppad:
0x0: {  	(pc) =	sbr.rel $0x88, $3  }
0x1: {  	(tag) =	ssettag $0x0;
	lr =	simm.s32 $0x1  }
0x2: {  	[smem:$0x3F9C] =	sst lr;
	_ =	strace $0xD0000000  }
0x3: {  	_ = 	snop  }
0x4: {  	_ = 	snop  }
0x5: {  	_ = 	snop  }
0x6: {  	_ = 	snop  }
0x7: {  	_ = 	snop  }
__scs_overlays_trampoline_lowered:
0x8: {  	[smem:$0x3FAB] =	sst s0  }
0x9: {  	[smem:$0x3FAC] =	sst s1  }
0xa: {  	[smem:$0x3FAD] =	sst s2  }
0xb: {  	[smem:$0x3FAE] =	sst s3  }
0xc: {  	[smem:$0x3FAF] =	sst s4  }
0xd: {  	[smem:$0x3FB0] =	sst s5  }
0xe: {  	[smem:$0x3FB1] =	sst s6  }
0xf: {  	[smem:$0x3FB2] =	sst s7  }
0x10: {  	[smem:$0x3FB3] =	sst s8  }
0x11: {  	[smem:$0x3FB4] =	sst s9;
	s0 =	simm.s32 @!p0 $0x0  }
0x12: {  	s1 =	sld [smem:$0x3F9A];
	s0 =	simm.s32 @p0 $0x1  }
0x13: {  	[smem:$0x3FB5] =	sst s0;
	s0 =	simm.s32 @!p1 $0x0  }
0x14: {  	s2 =	sld [smem:$0x3F99];
	s0 =	simm.s32 @p1 $0x1  }
0x15: {  	[smem:$0x3FB6] =	sst s0;
	s0 =	simm.s32 @!p2 $0x0  }
0x16: {  	s3 =	sld [smem:$0x3FDB];
	s0 =	simm.s32 @p2 $0x1  }
0x17: {  	s4 =	simm.s32 $0x1BF5;
	[smem:$0x3FB8] =	sst s0  }
0x18: {  	s0 =	sld [smem:$0x3F9B];
	_ =	swait.ge [sflag:s4], $0x0  }
0x19: {  	s7 =	sld [smem:$0x3F9C]  }
0x1a: {  	s8 =	sadd.s32 $0xFFFFE003, lr  }
0x1b: {  	s9 =	sadd.s32 $0xFFFFFEF7, lr;
	s5 =	simm.s32 $0xFFFFFFFF;
	p2 =	slt.u32 s8, $0xFFFFF086  }
0x1c: {  	p1 =	slt.u32 s9, $0xF7A;
	s5 =	simm.s32 @!p2 $0x0  }
0x1d: {  	s5 =	simm.s32 @p1 $0x1;
	p0 =	seq.s32 s7, s2  }
0x1e: {  	s7 =	smul.u32 @!p0 $0xF7A, s2;
	p2 =	seq.s32 @!p0 s5, $0x0  }
0x1f: {  	s9 =	smul.u32 $0xF7A, s1;
	s8 =	simm.s32 @!p0 $0x1BF5;
	p2 =	por !p2, p0  }
0x20: {  	[sflag:s8] =	ssyncset.s32 @!p0 $0xFFFFF086;
	s6 =	sadd.s32 @!p0 s3, s7;
	s7 =	simm.s32 @!p0 $0x108  }
0x21: {  	s3 =	sadd.s32 s3, s9;
	s6 =	sadd.s32 @!p0 $0x88, s6;
	s7 =	simm.s32 @p2 $0x1082  }
0x22: {  	[simem:s7], [sflag:s8] =	dma.local @!p0 [hbm:s6], $0xF7A  }
0x23: {  	s9 =	sor.u32 $0xD0000000, s2;
	s6 =	simm.s32 $0x108;
	_ =	swait.ge @!p0 [sflag:s8], $0x0  }
0x24: {  	s3 =	sadd.s32 $0x88, s3;
	s6 =	simm.s32 @!p1 $0x1082;
	[sflag:s4] =	ssyncset.s32 $0xFFFFF086  }
0x25: {  	[simem:s6], [sflag:s4] =	dma.local [hbm:s3], $0xF7A  }
0x26: {  	[smem:$0x3F9C] =	sst s1;
	(tag) =	ssettag s2;
	_ =	strace s9  }
0x27: {  	s1 =	sld [smem:$0x3FAC]  }
0x28: {  	s2 =	sld [smem:$0x3FAD]  }
0x29: {  	s4 =	sld [smem:$0x3FAF]  }
0x2a: {  	p0 =	seq.s32 s5, $0x0;
	s5 =	sld [smem:$0x3FB0]  }
0x2b: {  	s6 =	sld [smem:$0x3FB1]  }
0x2c: {  	s7 =	sld [smem:$0x3FB2]  }
0x2d: {  	s3 =	simm.s32 $0x108;
	s8 =	sld [smem:$0x3FB3]  }
0x2e: {  	s3 =	simm.s32 @!p0 $0x1082;
	s9 =	sld [smem:$0x3FB4]  }
0x2f: {  	lr =	sadd.s32 s0, s3;
	s0 =	sld [smem:$0x3FAB]  }
0x30: {  	s3 =	sld [smem:$0x3FAE]  }
0x31: {  	[smem:$0x3FB7] =	sst s10  }
0x32: {  	s10 =	sld [smem:$0x3FB5];
	_ =	sdelay $0x3  }
0x33: {  	p0 =	seq.s32 s10, $0x1;
	s10 =	sld [smem:$0x3FB7];
	_ =	sdelay $0x3  }
0x34: {  	[smem:$0x3FB7] =	sst s10  }
0x35: {  	s10 =	sld [smem:$0x3FB6];
	_ =	sdelay $0x3  }
0x36: {  	p1 =	seq.s32 s10, $0x1;
	s10 =	sld [smem:$0x3FB7];
	_ =	sdelay $0x3  }
0x37: {  	[smem:$0x3FB7] =	sst s10  }
0x38: {  	s10 =	sld [smem:$0x3FB8]  }
0x39: {  	_ = 	snop;
	(pc) =	sbr.ind lr, $3  }
0x3a: {  	_ = 	snop  }
0x3b: {  	_ = 	snop  }
0x3c: {  	p2 =	seq.s32 s10, $0x1;
	s10 =	sld [smem:$0x3FB7]  }
0x3d: {  	_ =	shalt  }
0x3e: {  	_ =	shalt  }
0x3f: {  	_ =	shalt  }
0x40: {  	_ =	shalt  }
0x41: {  	_ =	shalt  }
0x42: {  	_ =	shalt  }
0x43: {  	_ =	shalt  }
0x44: {  	_ =	shalt  }
0x45: {  	_ =	shalt  }
0x46: {  	_ =	shalt  }
0x47: {  	_ =	shalt  }
0x48: {  	_ =	shalt  }
0x49: {  	_ =	shalt  }
0x4a: {  	_ =	shalt  }
0x4b: {  	_ =	shalt  }
0x4c: {  	_ =	shalt  }
0x4d: {  	_ =	shalt  }
0x4e: {  	_ =	shalt  }
0x4f: {  	_ =	shalt  }
0x50: {  	_ =	shalt  }
0x51: {  	_ =	shalt  }
0x52: {  	_ =	shalt  }
0x53: {  	_ =	shalt  }
0x54: {  	_ =	shalt  }
0x55: {  	_ =	shalt  }
0x56: {  	_ =	shalt  }
0x57: {  	_ =	shalt  }
0x58: {  	_ =	shalt  }
0x59: {  	_ =	shalt  }
0x5a: {  	_ =	shalt  }
0x5b: {  	_ =	shalt  }
0x5c: {  	_ =	shalt  }
0x5d: {  	_ =	shalt  }
0x5e: {  	_ =	shalt  }
0x5f: {  	_ =	shalt  }
0x60: {  	_ =	shalt  }
0x61: {  	_ =	shalt  }
0x62: {  	_ =	shalt  }
0x63: {  	_ =	shalt  }
0x64: {  	_ =	shalt  }
0x65: {  	_ =	shalt  }
0x66: {  	_ =	shalt  }
0x67: {  	_ =	shalt  }
0x68: {  	_ =	shalt  }
0x69: {  	_ =	shalt  }
0x6a: {  	_ =	shalt  }
0x6b: {  	_ =	shalt  }
0x6c: {  	_ =	shalt  }
0x6d: {  	_ =	shalt  }
0x6e: {  	_ =	shalt  }
0x6f: {  	_ =	shalt  }
0x70: {  	_ =	shalt  }
0x71: {  	_ =	shalt  }
0x72: {  	_ =	shalt  }
0x73: {  	_ =	shalt  }
0x74: {  	_ =	shalt  }
0x75: {  	_ =	shalt  }
0x76: {  	_ =	shalt  }
0x77: {  	_ =	shalt  }
0x78: {  	_ =	shalt  }
0x79: {  	_ =	shalt  }
0x7a: {  	_ =	shalt  }
0x7b: {  	_ =	shalt  }
0x7c: {  	_ =	shalt  }
0x7d: {  	_ =	shalt  }
0x7e: {  	_ =	shalt  }
0x7f: {  	_ =	shalt  }
0x80: {  	_ =	shalt  }
0x81: {  	_ =	shalt  }
0x82: {  	_ =	shalt  }
0x83: {  	_ =	shalt  }
0x84: {  	_ =	shalt  }
0x85: {  	_ =	shalt  }
0x86: {  	_ =	shalt  }
0x87: {  	_ =	shalt  }
.Lfunc_end0:
.L_simem_size_0:
called_computation.1_lowered:
.L_overlay_start_0:
0x88: {  	s2 =	sld [smem:$0x3FD9]  }
0x89: {  	s3 =	sld [smem:$0x3FFE];
	_ =	sdelay $0x1  }
0x8a: {  	s1 =	srdreg.scid  }
0x8b: {  	s0 =	sand.u32 $0x1, s1  }
0x8c: {  	s17 =	sshll.u32 s0, $0xA;
	s2 =	sadd.s32 s3, s2  }
0x8d: {  	s2 =	sadd.s32 s2, s17  }
0x8e: {  	[smem:$0x3FC3] =	sst s2  }
0x8f: {  	_ = 	snop  }
0x90: {  	s2 =	sld [smem:$0x3FD0];
	(tm) =	ssettm $0x1  }
0x91: {  	s18 =	sld [smem:$0x3FFB];
	_ =	sdelay $0x3  }
0x92: {  	_ =	strace s18  }
0x93: {  	s3 =	sld [smem:$0x3FFC];
	_ =	sdelay $0x3  }
0x94: {  	_ =	strace s3  }
0x95: {  	s3 =	sld [smem:$0x3FFD];
	_ =	sdelay $0x3  }
0x96: {  	_ =	strace s3  }
0x97: {  	_ =	strace $0x8FFFFFFF  }
0x98: {  	s19 =	sld [smem:$0x3FDB];
	_ =	sdelay $0x1  }
0x99: {  	s4 =	simm.s32 $_scs_section_size  }
0x9a: {  	s5 =	simm.s32 $_size__tile_overlayer_lowered;
	s6 =	simm.s32 $_tile_overlayer_lowered  }
0x9b: {  	s22 =	simm.s32 $0x1BFF;
	s21 =	sshll.u32 s6, $0x1;
	s3 =	sadd.s32 s4, s19  }
0x9c: {  	s7 =	simm.s32 $0x0;
	s20 =	sshll.u32 s5, $0x1;
	s5 =	sadd.s32 s21, s3  }
0x9d: {  	[timem:s7], [sflag:s22] =	dma.local [hbm:s5], s20  }
0x9e: {  	_ =	swait.ge [sflag:s22], s20  }
0x9f: {  	s4 =	ssub.s32 $0x0, s20;
	[sflag:s22] =	ssyncset.done $0x0  }
0xa0: {  	[sflag:s22] =	ssyncadd.s32 s4;
	_ =	sdelay $0x1  }
0xa1: {  	s23 =	simm.s32 $0x1B8B  }
0xa2: {  	_ =	swait.ge [sflag:s23], $0x1  }
0xa3: {  	[sflag:s23] =	ssyncset.done $0x0  }
0xa4: {  	s25 =	simm.s32 $0x1B8E;
	s24 =	sld [smem:$0x3FFE];
	[sflag:s23] =	ssyncadd.s32 $0xFFFFFFFF  }
0xa5: {  	s26 =	simm.s32 $execute0_lowered;
	[smem:$0x3FD2] =	sst s25  }
0xa6: {  	s5 =	sshll.u32 s26, $0x1;
	_ =	strace $0x80000049;
	[dreg:$0x1] =	wrdreg $0xFFFFFFFF  }
0xa7: {  	s28 =	simm.s32 $_size_execute0_lowered;
	s3 =	sadd.s32 s3, s5;
	[dreg:$0x0] =	wrdreg $0x0  }
0xa8: {  	s5 =	sshll.u32 s28, $0x1;
	[dreg:$0x2] =	wrdreg s3  }
0xa9: {  	[dreg:$0x3] =	wrdreg s5  }
0xaa: {  	[dreg:$0x4] =	wrdreg $0xC0  }
0xab: {  	_ =	task [dreg:s7], $0x5FFFF  }
0xac: {  	[dreg:$0x1] =	wrdreg $0xFFFFFFFF  }
0xad: {  	[dreg:$0x0] =	wrdreg $0x60  }
0xae: {  	[dreg:$0x2] =	wrdreg s24  }
0xaf: {  	[dreg:$0x3] =	wrdreg s2  }
0xb0: {  	[dreg:$0x4] =	wrdreg $0x9  }
0xb1: {  	_ =	task.clear_ibuf [dreg:s7], $0x5FFFF;
	_ =	strace $0x90000049  }
0xb2: {  	s29 =	simm.s32 $0x9;
	_ =	strace $0x8000004B  }
0xb3: {  	_ =	swait.ge [sflag:s29], $0x1  }
0xb4: {  	[sflag:s29] =	ssyncadd.s32 $0xFFFFFFFF  }
0xb5: {  	_ =	strace $0x9000004B  }
0xb6: {  	_ =	sfence  }
0xb7: {  	s30 =	sld [smem:$0x0];
	_ =	sdelay $0x2  }
0xb8: {  	s31 =	sshll.u32 s1, $0xD;
	s1 =	sshrl.u32 s1, $0x2  }
0xb9: {  	s3 =	sand.u32 $0x4000, s31;
	s1 =	sadd.s32 s1, s30  }
0xba: {  	s0 =	sor.u32 s3, s0;
	s1 =	sshll.u32 s1, $0x11  }
0xbb: {  	s0 =	sor.u32 s1, s0  }
0xbc: {  	s0 =	sadd.s32 $0x8F2B, s0  }
0xbd: {  	[sflag:s0] =	ssyncadd.remote.s32 $0x1  }
0xbe: {  	_ =	sfence.sel $0xFFFF  }
0xbf: {  	[dreg:$0x0] =	wrdreg $0xFFFFFFFF;
	(pc) =	sbr.abs _section_cstart, $3  }
0xc0: {  	[dreg:$0x1] =	wrdreg $0xFFFFFFFF  }
0xc1: {  	_ =	task.clear_ibuf [dreg:s7], $0x2FFFF;
	_ =	strace $0x9FFFFFFF  }
0xc2: {  	(tm) =	ssettm $0x7FFFFFFF  }
0xc3: {  	_ =	shalt  }
tec
execute0_lowered:
.L_overlay_start_1:
0x0: {  	(tag) =	ssettag $0x1  }
0x1: {  	s0 =	rddreg [dreg:$0x0]  }
0x2: {  	s2 =	rddreg [dreg:$0x1];
	s1 =	simm.s32 $0x0;
	s4 =	srdreg.scid  }
0x3: {  	s7 =	stileid.u32;
	s14 =	simm.s32 $0x2;
	s15 =	simm.s32 $0x80  }
0x4: {  	s16 =	simm.s32 $0x9080;
	s17 =	simm.s32 $0xA080;
	s18 =	simm.s32 $0xA880  }
0x5: {  	s19 =	simm.s32 $0xB080;
	s20 =	simm.s32 $0xC080;
	s21 =	simm.s32 $0xC880  }
0x6: {  	s22 =	simm.s32 $0xD080;
	s23 =	simm.s32 $0xE080;
	s24 =	simm.s32 $0xF080  }
0x7: {  	s12 =	simm.s32 $0xF880;
	[smem:$0x7FF] =	sst s1;
	s3 =	sadd.s32 $0x350600, s0  }
0x8: {  	s5 =	sadd.s32 $0x400, s0;
	s4 =	sand.u32 $0x1, s4;
	s7 =	sshll.u32 s7, $0x6  }
0x9: {  	s8 =	sadd.s32 $0x200, s0;
	s6 =	ssub.s32 $0x2, s4;
	s4 =	sshll.u32 s4, $0xA  }
0xa: {  	_ =	strace $0x8000004A;
	s9 =	sshrl.u32 s6, $0x1;
	s10 =	sor.u32 s7, s4  }
0xb: {  	s4 =	sadd.s32 $0x350700, s0;
	s7 =	sadd.s32 $0x350900, s0;
	s9 =	ssub.s32 s6, s9  }
0xc: {  	s11 =	sshrl.u32 s10, $0x3;
	s6 =	sadd.s32 $0x350800, s0;
	s28 =	sshll.u32 s10, $0x7  }
0xd: {  	s10 =	sor.u32 $0x20, s10;
	s25 =	sadd.s32 s5, s11;
	s26 =	sadd.s32 s8, s11  }
0xe: {  	s0 =	sadd.s32 s2, s28;
	s29 =	sshrl.u32 s10, $0x3;
	[dreg:$0x3] =	wrdreg s25  }
0xf: {  	s10 =	sshll.u32 s10, $0x7;
	s31 =	smax.u32 s9, $0x1;
	[dreg:$0x4] =	wrdreg s26  }
0x10: {  	s9 =	simm.s32 $0xB880;
	s11 =	simm.s32 $0xE880;
	[dreg:$0x5] =	wrdreg s0  }
0x11: {  	s5 =	sadd.s32 s5, s29;
	s0 =	sadd.s32 s8, s29;
	[dreg:$0x9] =	wrdreg s31  }
0x12: {  	v2 =	vlaneseq.u32;
	s30 =	sadd.s32 s2, s10;
	s8 =	simm.s32 $0x9880;
	[dreg:$0x6] =	wrdreg s5  }
0x13: {  	vm0 =	vmmov $0xffff;
	v1 =	vshrl.u32 v2, $0x3;
	s10 =	simm.s32 $0xD880;
	s25 =	simm.s32 $0x0;
	[dreg:$0x7] =	wrdreg s0  }
0x14: {  	v0 =	vand.u32 $0x7, v2;
	v2 =	vor.u32 $0x8, v2;
	v1 =	vmul.u32 $0x8, v1;
	[dreg:$0x8] =	wrdreg s30;
	s0 =	simm.s32 $0x1;
	s5 =	simm.s32 $0x8880  }
.LBB2_1:
0x15: {  	s2 =	rddreg [dreg:$0x3]  }
0x16: {  	[tilespmem:s1], [sflag:$0x2] =	stream.linear.gather [hbm4b:s2+s1], $0x20, $0x38;
	[tilespmem:$0x10080] =	vst v63  }
0x17: {  	_ =	swait.ge [sflag:s14], $0x20  }
0x18: {  	[sflag:s14] =	ssyncset.done $0x0  }
0x19: {  	[sflag:s14] =	ssyncadd.s32 $0xFFFFFFE0  }
0x1a: {  	v3 =	vld [tilespmem:$0x0];
	_ =	sdelay $0x4  }
0x1b: {  	v4 =	vshll.u32 v3, $0x3  }
0x1c: {  	v3 =	vand.u32 $0x7, v3;
	v4 =	vand.u32 $0xFFFFFFC0, v4  }
0x1d: {  	v3 =	vor.u32 v3, v4  }
0x1e: {  	v4 =	vperm.xlane v3, v0;
	_ =	sdelay $0x1  }
0x1f: {  	v4 =	vadd.s32 v1, v4;
	_ =	sdelay $0x4  }
0x20: {  	[tilespmem:s15], [sflag:$0x1] =	stream.indirect_vreg.gather [hbm4b:s3+s1], $0x80, v4, vm0, $0xb8;
	[tilespmem:$0x10080] =	vst v63  }
0x21: {  	s31 =	simm.s32 $0x880;
	v3 =	vperm.xlane v3, v2  }
0x22: {  	[tilespmem:s31], [sflag:$0x1] =	stream.indirect_vreg.gather [hbm4b:s4+s1], $0x80, v4, vm0, $0xb8;
	[tilespmem:$0x10080] =	vst v63  }
0x23: {  	s13 =	simm.s32 $0x1080;
	v3 =	vadd.s32 v1, v3  }
0x24: {  	[tilespmem:s13], [sflag:$0x1] =	stream.indirect_vreg.gather [hbm4b:s6+s1], $0x80, v4, vm0, $0xb8;
	[tilespmem:$0x10080] =	vst v63  }
0x25: {  	s26 =	simm.s32 $0x1880  }
0x26: {  	[tilespmem:s26], [sflag:$0x1] =	stream.indirect_vreg.gather [hbm4b:s7+s1], $0x80, v4, vm0, $0xb8;
	[tilespmem:$0x10080] =	vst v63  }
0x27: {  	s30 =	simm.s32 $0x2080  }
0x28: {  	[tilespmem:s30], [sflag:$0x1] =	stream.indirect_vreg.gather [hbm4b:s3+s1], $0x80, v3, vm0, $0xb8;
	[tilespmem:$0x10080] =	vst v63  }
0x29: {  	s31 =	simm.s32 $0x2880  }
0x2a: {  	[tilespmem:s31], [sflag:$0x1] =	stream.indirect_vreg.gather [hbm4b:s4+s1], $0x80, v3, vm0, $0xb8;
	[tilespmem:$0x10080] =	vst v63  }
0x2b: {  	s13 =	simm.s32 $0x3080  }
0x2c: {  	[tilespmem:s13], [sflag:$0x1] =	stream.indirect_vreg.gather [hbm4b:s6+s1], $0x80, v3, vm0, $0xb8;
	[tilespmem:$0x10080] =	vst v63  }
0x2d: {  	s26 =	simm.s32 $0x3880  }
0x2e: {  	[tilespmem:s26], [sflag:$0x1] =	stream.indirect_vreg.gather [hbm4b:s7+s1], $0x80, v3, vm0, $0xb8;
	[tilespmem:$0x10080] =	vst v63  }
0x2f: {  	v3 =	vld [tilespmem:$0x10];
	_ =	sdelay $0x4  }
0x30: {  	v61 =	vshll.u32 v3, $0x3  }
0x31: {  	v3 =	vand.u32 $0x7, v3;
	v4 =	vand.u32 $0xFFFFFFC0, v61  }
0x32: {  	v3 =	vor.u32 v3, v4  }
0x33: {  	v4 =	vperm.xlane v3, v0;
	_ =	sdelay $0x1  }
0x34: {  	v4 =	vadd.s32 v1, v4;
	_ =	sdelay $0x3  }
0x35: {  	s30 =	simm.s32 $0x4080  }
0x36: {  	[tilespmem:s30], [sflag:$0x1] =	stream.indirect_vreg.gather [hbm4b:s3+s1], $0x80, v4, vm0, $0xb8;
	[tilespmem:$0x10080] =	vst v63  }
0x37: {  	s31 =	simm.s32 $0x4880;
	v3 =	vperm.xlane v3, v2  }
0x38: {  	[tilespmem:s31], [sflag:$0x1] =	stream.indirect_vreg.gather [hbm4b:s4+s1], $0x80, v4, vm0, $0xb8;
	[tilespmem:$0x10080] =	vst v63  }
0x39: {  	s13 =	simm.s32 $0x5080;
	v3 =	vadd.s32 v1, v3  }
0x3a: {  	[tilespmem:s13], [sflag:$0x1] =	stream.indirect_vreg.gather [hbm4b:s6+s1], $0x80, v4, vm0, $0xb8;
	[tilespmem:$0x10080] =	vst v63  }
0x3b: {  	s26 =	simm.s32 $0x5880  }
0x3c: {  	[tilespmem:s26], [sflag:$0x1] =	stream.indirect_vreg.gather [hbm4b:s7+s1], $0x80, v4, vm0, $0xb8;
	[tilespmem:$0x10080] =	vst v63  }
0x3d: {  	s30 =	simm.s32 $0x6080  }
0x3e: {  	[tilespmem:s30], [sflag:$0x1] =	stream.indirect_vreg.gather [hbm4b:s3+s1], $0x80, v3, vm0, $0xb8;
	[tilespmem:$0x10080] =	vst v63  }
0x3f: {  	s31 =	simm.s32 $0x6880  }
0x40: {  	[tilespmem:s31], [sflag:$0x1] =	stream.indirect_vreg.gather [hbm4b:s4+s1], $0x80, v3, vm0, $0xb8;
	[tilespmem:$0x10080] =	vst v63  }
0x41: {  	s13 =	simm.s32 $0x7080  }
0x42: {  	[tilespmem:s13], [sflag:$0x1] =	stream.indirect_vreg.gather [hbm4b:s6+s1], $0x80, v3, vm0, $0xb8;
	[tilespmem:$0x10080] =	vst v63  }
0x43: {  	s26 =	simm.s32 $0x7880  }
0x44: {  	[tilespmem:s26], [sflag:$0x1] =	stream.indirect_vreg.gather [hbm4b:s7+s1], $0x80, v3, vm0, $0xb8;
	[tilespmem:$0x10080] =	vst v63  }
0x45: {  	_ =	swait.ge [sflag:s0], $0x8000  }
0x46: {  	[sflag:s0] =	ssyncset.done $0x0  }
0x47: {  	s30 =	rddreg [dreg:$0x4];
	[sflag:s0] =	ssyncadd.s32 $0xFFFF8000  }
0x48: {  	[tilespmem:s1], [sflag:$0x2] =	stream.linear.gather [hbm4b:s30+s1], $0x20, $0x38;
	[tilespmem:$0x10080] =	vst v63  }
0x49: {  	_ =	swait.ge [sflag:s14], $0x20  }
0x4a: {  	[sflag:s14] =	ssyncset.done $0x0  }
0x4b: {  	[sflag:s14] =	ssyncadd.s32 $0xFFFFFFE0  }
0x4c: {  	v3 =	vld [tilespmem:$0x0];
	_ =	sdelay $0x4  }
0x4d: {  	v62 =	vshll.u32 v3, $0x3  }
0x4e: {  	v3 =	vand.u32 $0x7, v3;
	v4 =	vand.u32 $0xFFFFFFC0, v62  }
0x4f: {  	v3 =	vor.u32 v3, v4  }
0x50: {  	v4 =	vperm.xlane v3, v0;
	_ =	sdelay $0x1  }
0x51: {  	v4 =	vadd.s32 v1, v4;
	_ =	sdelay $0x3  }
0x52: {  	s31 =	simm.s32 $0x8080  }
0x53: {  	[tilespmem:s31], [sflag:$0x1] =	stream.indirect_vreg.gather [hbm4b:s3+s1], $0x80, v4, vm0, $0xb8;
	[tilespmem:$0x10080] =	vst v63  }
0x54: {  	v3 =	vperm.xlane v3, v2  }
0x55: {  	[tilespmem:s5], [sflag:$0x1] =	stream.indirect_vreg.gather [hbm4b:s4+s1], $0x80, v4, vm0, $0xb8;
	[tilespmem:$0x10080] =	vst v63  }
0x56: {  	v3 =	vadd.s32 v1, v3  }
0x57: {  	[tilespmem:s16], [sflag:$0x1] =	stream.indirect_vreg.gather [hbm4b:s6+s1], $0x80, v4, vm0, $0xb8;
	[tilespmem:$0x10080] =	vst v63  }
0x58: {  	_ = 	snop  }
0x59: {  	[tilespmem:s8], [sflag:$0x1] =	stream.indirect_vreg.gather [hbm4b:s7+s1], $0x80, v4, vm0, $0xb8;
	[tilespmem:$0x10080] =	vst v63  }
0x5a: {  	_ = 	snop  }
0x5b: {  	[tilespmem:s17], [sflag:$0x1] =	stream.indirect_vreg.gather [hbm4b:s3+s1], $0x80, v3, vm0, $0xb8;
	[tilespmem:$0x10080] =	vst v63  }
0x5c: {  	_ = 	snop  }
0x5d: {  	[tilespmem:s18], [sflag:$0x1] =	stream.indirect_vreg.gather [hbm4b:s4+s1], $0x80, v3, vm0, $0xb8;
	[tilespmem:$0x10080] =	vst v63  }
0x5e: {  	_ = 	snop  }
0x5f: {  	[tilespmem:s19], [sflag:$0x1] =	stream.indirect_vreg.gather [hbm4b:s6+s1], $0x80, v3, vm0, $0xb8;
	[tilespmem:$0x10080] =	vst v63  }
0x60: {  	_ = 	snop  }
0x61: {  	[tilespmem:s9], [sflag:$0x1] =	stream.indirect_vreg.gather [hbm4b:s7+s1], $0x80, v3, vm0, $0xb8;
	[tilespmem:$0x10080] =	vst v63  }
0x62: {  	v3 =	vld [tilespmem:$0x10];
	_ =	sdelay $0x4  }
0x63: {  	v63 =	vshll.u32 v3, $0x3  }
0x64: {  	v3 =	vand.u32 $0x7, v3;
	v4 =	vand.u32 $0xFFFFFFC0, v63  }
0x65: {  	v3 =	vor.u32 v3, v4  }
0x66: {  	v4 =	vperm.xlane v3, v0;
	_ =	sdelay $0x1  }
0x67: {  	v4 =	vadd.s32 v1, v4;
	_ =	sdelay $0x4  }
0x68: {  	[tilespmem:s20], [sflag:$0x1] =	stream.indirect_vreg.gather [hbm4b:s3+s1], $0x80, v4, vm0, $0xb8;
	[tilespmem:$0x10080] =	vst v63  }
0x69: {  	v3 =	vperm.xlane v3, v2  }
0x6a: {  	[tilespmem:s21], [sflag:$0x1] =	stream.indirect_vreg.gather [hbm4b:s4+s1], $0x80, v4, vm0, $0xb8;
	[tilespmem:$0x10080] =	vst v63  }
0x6b: {  	v3 =	vadd.s32 v1, v3  }
0x6c: {  	[tilespmem:s22], [sflag:$0x1] =	stream.indirect_vreg.gather [hbm4b:s6+s1], $0x80, v4, vm0, $0xb8;
	[tilespmem:$0x10080] =	vst v63  }
0x6d: {  	_ = 	snop  }
0x6e: {  	[tilespmem:s10], [sflag:$0x1] =	stream.indirect_vreg.gather [hbm4b:s7+s1], $0x80, v4, vm0, $0xb8;
	[tilespmem:$0x10080] =	vst v63  }
0x6f: {  	_ = 	snop  }
0x70: {  	[tilespmem:s23], [sflag:$0x1] =	stream.indirect_vreg.gather [hbm4b:s3+s1], $0x80, v3, vm0, $0xb8;
	[tilespmem:$0x10080] =	vst v63  }
0x71: {  	_ = 	snop  }
0x72: {  	[tilespmem:s11], [sflag:$0x1] =	stream.indirect_vreg.gather [hbm4b:s4+s1], $0x80, v3, vm0, $0xb8;
	[tilespmem:$0x10080] =	vst v63  }
0x73: {  	_ = 	snop  }
0x74: {  	[tilespmem:s24], [sflag:$0x1] =	stream.indirect_vreg.gather [hbm4b:s6+s1], $0x80, v3, vm0, $0xb8;
	[tilespmem:$0x10080] =	vst v63  }
0x75: {  	_ = 	snop  }
0x76: {  	[tilespmem:s12], [sflag:$0x1] =	stream.indirect_vreg.gather [hbm4b:s7+s1], $0x80, v3, vm0, $0xb8;
	[tilespmem:$0x10080] =	vst v63  }
0x77: {  	_ =	swait.ge [sflag:s0], $0x8000  }
0x78: {  	s28 =	simm.s32 $0x0;
	s29 =	simm.s32 $0x0;
	[sflag:s0] =	ssyncset.done $0x0  }
0x79: {  	s13 =	simm.s32 $0xFFFF8000;
	s26 =	simm.s32 $0x0;
	[sflag:s0] =	ssyncadd.s32 $0xFFFF8000  }
.LBB2_2:
0x7a: {  	s30 =	sadd.s32 $0x8000, s13  }
0x7b: {  	s31 =	sand.u32 $0x380, s29;
	s30 =	sand.u32 $0x6000, s30  }
0x7c: {  	s30 =	sor.u32 s31, s30  }
0x7d: {  	v3 =	vld [tilespmem:s30+$0x80]  }
0x7e: {  	v4 =	vld [tilespmem:s30+$0x8080]  }
0x7f: {  	v5 =	vld [tilespmem:s30+$0x90]  }
0x80: {  	v6 =	vld [tilespmem:s30+$0x8090]  }
0x81: {  	v7 =	vld [tilespmem:s30+$0xA0]  }
0x82: {  	v8 =	vld [tilespmem:s30+$0x80A0]  }
0x83: {  	v9 =	vld [tilespmem:s30+$0xB0]  }
0x84: {  	v10 =	vld [tilespmem:s30+$0x80B0]  }
0x85: {  	v11 =	vld [tilespmem:s30+$0xC0]  }
0x86: {  	v12 =	vld [tilespmem:s30+$0x80C0]  }
0x87: {  	v13 =	vld [tilespmem:s30+$0xD0]  }
0x88: {  	v14 =	vld [tilespmem:s30+$0x80D0]  }
0x89: {  	v15 =	vld [tilespmem:s30+$0xE0]  }
0x8a: {  	v16 =	vld [tilespmem:s30+$0x80E0]  }
0x8b: {  	v17 =	vld [tilespmem:s30+$0xF0]  }
0x8c: {  	v18 =	vld [tilespmem:s30+$0x80F0]  }
0x8d: {  	v19 =	vld [tilespmem:s30+$0x480]  }
0x8e: {  	v20 =	vld [tilespmem:s30+$0x8480]  }
0x8f: {  	v21 =	vld [tilespmem:s30+$0x490]  }
0x90: {  	v22 =	vld [tilespmem:s30+$0x8490]  }
0x91: {  	v23 =	vld [tilespmem:s30+$0x4A0]  }
0x92: {  	v24 =	vld [tilespmem:s30+$0x84A0]  }
0x93: {  	v25 =	vld [tilespmem:s30+$0x4B0]  }
0x94: {  	v26 =	vld [tilespmem:s30+$0x84B0]  }
0x95: {  	v27 =	vld [tilespmem:s30+$0x4C0]  }
0x96: {  	v28 =	vld [tilespmem:s30+$0x84C0]  }
0x97: {  	v29 =	vld [tilespmem:s30+$0x4D0]  }
0x98: {  	v30 =	vld [tilespmem:s30+$0x84D0]  }
0x99: {  	v31 =	vld [tilespmem:s30+$0x4E0]  }
0x9a: {  	v32 =	vld [tilespmem:s30+$0x84E0]  }
0x9b: {  	v33 =	vld [tilespmem:s30+$0x4F0]  }
0x9c: {  	v34 =	vld [tilespmem:s30+$0x84F0]  }
0x9d: {  	v35 =	vld [tilespmem:s30+$0x880]  }
0x9e: {  	v36 =	vld [tilespmem:s30+$0x8880]  }
0x9f: {  	v37 =	vld [tilespmem:s30+$0x890]  }
0xa0: {  	v38 =	vld [tilespmem:s30+$0x8890]  }
0xa1: {  	v39 =	vld [tilespmem:s30+$0x8A0]  }
0xa2: {  	v40 =	vld [tilespmem:s30+$0x88A0]  }
0xa3: {  	v41 =	vld [tilespmem:s30+$0x8B0]  }
0xa4: {  	v42 =	vld [tilespmem:s30+$0x88B0]  }
0xa5: {  	v43 =	vld [tilespmem:s30+$0x8C0]  }
0xa6: {  	v44 =	vld [tilespmem:s30+$0x88C0]  }
0xa7: {  	v45 =	vld [tilespmem:s30+$0x8D0]  }
0xa8: {  	v46 =	vld [tilespmem:s30+$0x88D0]  }
0xa9: {  	v47 =	vld [tilespmem:s30+$0x8E0]  }
0xaa: {  	v48 =	vld [tilespmem:s30+$0x88E0]  }
0xab: {  	v49 =	vld [tilespmem:s30+$0x8F0]  }
0xac: {  	v50 =	vld [tilespmem:s30+$0x88F0]  }
0xad: {  	v51 =	vld [tilespmem:s30+$0xC80]  }
0xae: {  	v52 =	vld [tilespmem:s30+$0x8C80]  }
0xaf: {  	v53 =	vld [tilespmem:s30+$0xC90]  }
0xb0: {  	v54 =	vld [tilespmem:s30+$0x8C90]  }
0xb1: {  	v55 =	vld [tilespmem:s30+$0xCA0]  }
0xb2: {  	v56 =	vld [tilespmem:s30+$0x8CA0]  }
0xb3: {  	v57 =	vld [tilespmem:s30+$0xCB0]  }
0xb4: {  	v58 =	vld [tilespmem:s30+$0x8CB0]  }
0xb5: {  	v59 =	vld [tilespmem:s30+$0xCC0]  }
0xb6: {  	v60 =	vld [tilespmem:s30+$0x8CC0]  }
0xb7: {  	v61 =	vld [tilespmem:s30+$0xCD0]  }
0xb8: {  	v62 =	vld [tilespmem:s30+$0x8CD0]  }
0xb9: {  	v63 =	vld [tilespmem:s30+$0xCE0]  }
0xba: {  	v3 =	vadd.f32 v4, v3;
	v4 =	vld [tilespmem:s30+$0x8CE0]  }
0xbb: {  	v5 =	vadd.f32 v6, v5;
	v6 =	vld [tilespmem:s30+$0xCF0]  }
0xbc: {  	v14 =	vadd.f32 v14, v13;
	v13 =	vld [tilespmem:s30+$0x90A0];
	[tilespmem:s30+$0x80] =	vst v3;
	v3 =	vadd.f32 v8, v7  }
0xbd: {  	v18 =	vadd.f32 v18, v17;
	v17 =	vld [tilespmem:s30+$0x90C0];
	[tilespmem:s30+$0x90] =	vst v5  }
0xbe: {  	v22 =	vadd.f32 v22, v21;
	v21 =	vld [tilespmem:s30+$0x90E0];
	[tilespmem:s30+$0xA0] =	vst v3;
	v3 =	vadd.f32 v12, v11  }
0xbf: {  	v7 =	vld [tilespmem:s30+$0x8CF0];
	[tilespmem:s30+$0xD0] =	vst v14  }
0xc0: {  	v8 =	vld [tilespmem:s30+$0x1080];
	[tilespmem:s30+$0xC0] =	vst v3;
	v3 =	vadd.f32 v16, v15  }
0xc1: {  	v5 =	vadd.f32 v10, v9;
	v9 =	vld [tilespmem:s30+$0x9080];
	[tilespmem:s30+$0xF0] =	vst v18  }
0xc2: {  	v10 =	vld [tilespmem:s30+$0x1090];
	[tilespmem:s30+$0xE0] =	vst v3;
	v3 =	vadd.f32 v20, v19  }
0xc3: {  	v26 =	vadd.f32 v26, v25;
	v14 =	vld [tilespmem:s30+$0x10B0];
	[tilespmem:s30+$0x490] =	vst v22  }
0xc4: {  	v18 =	vld [tilespmem:s30+$0x10D0];
	[tilespmem:s30+$0x480] =	vst v3;
	v3 =	vadd.f32 v24, v23  }
0xc5: {  	v30 =	vadd.f32 v30, v29;
	[tilespmem:s30+$0x4B0] =	vst v26;
	v22 =	vld [tilespmem:s30+$0x10F0]  }
0xc6: {  	v19 =	vld [tilespmem:s30+$0x90D0];
	[tilespmem:s30+$0x4A0] =	vst v3;
	v3 =	vadd.f32 v28, v27  }
0xc7: {  	v34 =	vadd.f32 v34, v33;
	[tilespmem:s30+$0x4D0] =	vst v30;
	v11 =	vld [tilespmem:s30+$0x9090]  }
0xc8: {  	v12 =	vld [tilespmem:s30+$0x10A0];
	[tilespmem:s30+$0x4C0] =	vst v3;
	v3 =	vadd.f32 v32, v31  }
0xc9: {  	[tilespmem:s30+$0x4F0] =	vst v34;
	v15 =	vld [tilespmem:s30+$0x90B0]  }
0xca: {  	v16 =	vld [tilespmem:s30+$0x10C0];
	[tilespmem:s30+$0x4E0] =	vst v3;
	v3 =	vadd.f32 v36, v35  }
0xcb: {  	[tilespmem:s30+$0xB0] =	vst v5;
	v20 =	vld [tilespmem:s30+$0x10E0];
	v19 =	vadd.f32 v19, v18  }
0xcc: {  	v24 =	vld [tilespmem:s30+$0x1480];
	[tilespmem:s30+$0x880] =	vst v3;
	v3 =	vadd.f32 v40, v39  }
0xcd: {  	[tilespmem:s30+$0x10D0] =	vst v19;
	v36 =	vadd.f32 v38, v37;
	v37 =	vld [tilespmem:s30+$0x90F0]  }
0xce: {  	v38 =	vadd.f32 v42, v41;
	v41 =	vld [tilespmem:s30+$0x1490];
	[tilespmem:s30+$0x8A0] =	vst v3;
	v3 =	vadd.f32 v44, v43  }
0xcf: {  	v42 =	vld [tilespmem:s30+$0x9490];
	[tilespmem:s30+$0x890] =	vst v36  }
0xd0: {  	v35 =	vld [tilespmem:s30+$0x1890];
	[tilespmem:s30+$0x8C0] =	vst v3;
	v3 =	vadd.f32 v48, v47  }
0xd1: {  	v39 =	vld [tilespmem:s30+$0x9480];
	[tilespmem:s30+$0x8B0] =	vst v38;
	v40 =	vadd.f32 v46, v45  }
0xd2: {  	v45 =	vld [tilespmem:s30+$0x94A0];
	[tilespmem:s30+$0x8E0] =	vst v3;
	v3 =	vadd.f32 v52, v51  }
0xd3: {  	v46 =	vadd.f32 v54, v53;
	v53 =	vld [tilespmem:s30+$0x14D0];
	[tilespmem:s30+$0x8D0] =	vst v40  }
0xd4: {  	v54 =	vld [tilespmem:s30+$0x94D0];
	[tilespmem:s30+$0xC80] =	vst v3;
	v3 =	vadd.f32 v56, v55  }
0xd5: {  	v36 =	vld [tilespmem:s30+$0x9890];
	v43 =	vadd.f32 v50, v49;
	[tilespmem:s30+$0xC90] =	vst v46  }
0xd6: {  	v38 =	vld [tilespmem:s30+$0x18A0];
	[tilespmem:s30+$0xCA0] =	vst v3;
	v3 =	vadd.f32 v60, v59  }
0xd7: {  	v44 =	vld [tilespmem:s30+$0x14A0];
	v49 =	vadd.f32 v58, v57;
	[tilespmem:s30+$0x8F0] =	vst v43  }
0xd8: {  	v50 =	vld [tilespmem:s30+$0x14C0];
	[tilespmem:s30+$0xCC0] =	vst v3;
	v3 =	vadd.f32 v4, v63  }
0xd9: {  	v57 =	vld [tilespmem:s30+$0x94E0];
	v58 =	vadd.f32 v11, v10;
	[tilespmem:s30+$0xCB0] =	vst v49  }
0xda: {  	v46 =	vld [tilespmem:s30+$0x98D0];
	[tilespmem:s30+$0xCE0] =	vst v3;
	v3 =	vadd.f32 v9, v8  }
0xdb: {  	v37 =	vadd.f32 v37, v22;
	v40 =	vadd.f32 v42, v41;
	v41 =	vld [tilespmem:s30+$0x18B0];
	[tilespmem:s30+$0x1090] =	vst v58  }
0xdc: {  	v42 =	vld [tilespmem:s30+$0x98B0];
	[tilespmem:s30+$0x1080] =	vst v3;
	v3 =	vadd.f32 v13, v12  }
0xdd: {  	v47 =	vld [tilespmem:s30+$0x14B0];
	[tilespmem:s30+$0x10F0] =	vst v37  }
0xde: {  	v48 =	vld [tilespmem:s30+$0x94B0];
	[tilespmem:s30+$0x10A0] =	vst v3;
	v3 =	vadd.f32 v17, v16  }
0xdf: {  	v49 =	vld [tilespmem:s30+$0x98E0];
	[tilespmem:s30+$0x1490] =	vst v40;
	v52 =	vadd.f32 v62, v61  }
0xe0: {  	v51 =	vld [tilespmem:s30+$0x94C0];
	[tilespmem:s30+$0x10C0] =	vst v3;
	v3 =	vadd.f32 v21, v20  }
0xe1: {  	v61 =	vadd.f32 v15, v14;
	v62 =	vld [tilespmem:s30+$0x1880];
	[tilespmem:s30+$0xCD0] =	vst v52  }
0xe2: {  	v56 =	vld [tilespmem:s30+$0x14E0];
	[tilespmem:s30+$0x10E0] =	vst v3;
	v3 =	vadd.f32 v39, v24  }
0xe3: {  	v55 =	vadd.f32 v7, v6;
	[tilespmem:s30+$0x10B0] =	vst v61;
	v52 =	vld [tilespmem:s30+$0x98F0]  }
0xe4: {  	v43 =	vadd.f32 v48, v47;
	v47 =	vld [tilespmem:s30+$0x18E0];
	[tilespmem:s30+$0x1480] =	vst v3;
	v3 =	vadd.f32 v45, v44  }
0xe5: {  	[tilespmem:s30+$0xCF0] =	vst v55;
	v63 =	vld [tilespmem:s30+$0x9880]  }
0xe6: {  	v59 =	vld [tilespmem:s30+$0x14F0];
	[tilespmem:s30+$0x14A0] =	vst v3;
	v3 =	vadd.f32 v51, v50  }
0xe7: {  	[tilespmem:s30+$0x14B0] =	vst v43;
	v4 =	vadd.f32 v54, v53;
	v39 =	vld [tilespmem:s30+$0x98A0]  }
0xe8: {  	v60 =	vld [tilespmem:s30+$0x94F0];
	[tilespmem:s30+$0x14C0] =	vst v3;
	v3 =	vadd.f32 v57, v56  }
0xe9: {  	v54 =	vadd.f32 v42, v41;
	[tilespmem:s30+$0x14D0] =	vst v4;
	v45 =	vld [tilespmem:s30+$0x18D0]  }
0xea: {  	v53 =	vld [tilespmem:s30+$0x98C0];
	[tilespmem:s30+$0x14E0] =	vst v3;
	v3 =	vadd.f32 v63, v62  }
0xeb: {  	[tilespmem:s30+$0x18B0] =	vst v54;
	v55 =	vadd.f32 v49, v47;
	v50 =	vld [tilespmem:s30+$0x18F0]  }
0xec: {  	v44 =	vld [tilespmem:s30+$0x18C0];
	[tilespmem:s30+$0x1880] =	vst v3;
	v3 =	vadd.f32 v39, v38  }
0xed: {  	v48 =	vadd.f32 v60, v59;
	[tilespmem:s30+$0x18E0] =	vst v55  }
0xee: {  	[tilespmem:s30+$0x18A0] =	vst v3;
	v3 =	vadd.f32 v46, v45  }
0xef: {  	s2 =	sand.u32 $0x7, s26;
	[tilespmem:s30+$0x14F0] =	vst v48;
	v51 =	vadd.f32 v36, v35  }
0xf0: {  	s31 =	sshll.u32 s2, $0x7;
	[tilespmem:s30+$0x18D0] =	vst v3;
	v3 =	vadd.f32 v52, v50  }
0xf1: {  	s31 =	sadd.s32 s31, s28;
	[tilespmem:s30+$0x1890] =	vst v51;
	v56 =	vadd.f32 v53, v44  }
0xf2: {  	s2 =	sor.u32 $0x1C00, s31;
	[tilespmem:s30+$0x18F0] =	vst v3  }
0xf3: {  	[tilespmem:s30+$0x18C0] =	vst v56;
	v3 =	vld [tilespmem:s2+$0x80]  }
0xf4: {  	v4 =	vld [tilespmem:s2+$0x8080];
	_ =	sdelay $0x4  }
0xf5: {  	v3 =	vadd.f32 v4, v3;
	_ =	sdelay $0x1  }
0xf6: {  	s30 =	sor.u32 $0x1C10, s31;
	[tilespmem:s2+$0x80] =	vst v3  }
0xf7: {  	v3 =	vld [tilespmem:s30+$0x80]  }
0xf8: {  	v57 =	vld [tilespmem:s30+$0x8080];
	_ =	sdelay $0x4  }
0xf9: {  	v3 =	vadd.f32 v57, v3;
	_ =	sdelay $0x1  }
0xfa: {  	[tilespmem:s30+$0x80] =	vst v3;
	s30 =	sor.u32 $0x1C20, s31  }
0xfb: {  	v3 =	vld [tilespmem:s30+$0x80]  }
0xfc: {  	v58 =	vld [tilespmem:s30+$0x8080];
	_ =	sdelay $0x4  }
0xfd: {  	v3 =	vadd.f32 v58, v3;
	_ =	sdelay $0x1  }
0xfe: {  	[tilespmem:s30+$0x80] =	vst v3;
	s30 =	sor.u32 $0x1C30, s31  }
0xff: {  	v3 =	vld [tilespmem:s30+$0x80]  }
0x100: {  	v59 =	vld [tilespmem:s30+$0x8080];
	_ =	sdelay $0x4  }
0x101: {  	v3 =	vadd.f32 v59, v3;
	_ =	sdelay $0x1  }
0x102: {  	[tilespmem:s30+$0x80] =	vst v3;
	s30 =	sor.u32 $0x1C40, s31  }
0x103: {  	v3 =	vld [tilespmem:s30+$0x80]  }
0x104: {  	v60 =	vld [tilespmem:s30+$0x8080];
	_ =	sdelay $0x4  }
0x105: {  	v3 =	vadd.f32 v60, v3;
	_ =	sdelay $0x1  }
0x106: {  	[tilespmem:s30+$0x80] =	vst v3;
	s30 =	sor.u32 $0x1C50, s31  }
0x107: {  	v3 =	vld [tilespmem:s30+$0x80]  }
0x108: {  	v61 =	vld [tilespmem:s30+$0x8080];
	_ =	sdelay $0x4  }
0x109: {  	v3 =	vadd.f32 v61, v3;
	_ =	sdelay $0x1  }
0x10a: {  	[tilespmem:s30+$0x80] =	vst v3;
	s30 =	sor.u32 $0x1C60, s31  }
0x10b: {  	v3 =	vld [tilespmem:s30+$0x80]  }
0x10c: {  	v62 =	vld [tilespmem:s30+$0x8080];
	_ =	sdelay $0x4  }
0x10d: {  	v3 =	vadd.f32 v62, v3;
	_ =	sdelay $0x1  }
0x10e: {  	s31 =	sor.u32 $0x1C70, s31;
	[tilespmem:s30+$0x80] =	vst v3  }
0x10f: {  	v3 =	vld [tilespmem:s31+$0x80]  }
0x110: {  	v63 =	vld [tilespmem:s31+$0x8080];
	_ =	sdelay $0x1  }
0x111: {  	p0 =	sne.s32 s29, $0xF80  }
.Ltmp0:
0x112: {  	_ = 	snop;
	(pc) =	sbr.rel @p0 .LBB2_2-.Ltmp0, $4  }
0x113: {  	_ = 	snop  }
0x114: {  	v3 =	vadd.f32 v63, v3  }
0x115: {  	s26 =	sadd.s32 $0x1, s26  }
0x116: {  	s13 =	sadd.s32 $0x400, s13;
	s29 =	sadd.s32 $0x80, s29;
	s28 =	sadd.s32 $0x400, s28;
	[tilespmem:s31+$0x80] =	vst v3  }
0x117: {  	s13 =	simm.s32 $0x0;
	s2 =	rddreg [dreg:$0x5]  }
0x118: {  	[hbm4b:s2+s13] =	stream.linear.scatter [tilespmem:s15], [sflag:$0x2], $0x8000, $0x38;
	[tilespmem:$0x10080] =	vst v63  }
0x119: {  	_ =	swait.ge [sflag:s14], $0x8000  }
0x11a: {  	[sflag:s14] =	ssyncset.done $0x0  }
0x11b: {  	s26 =	rddreg [dreg:$0x6];
	[sflag:s14] =	ssyncadd.s32 $0xFFFF8000  }
0x11c: {  	[tilespmem:s13], [sflag:$0x2] =	stream.linear.gather [hbm4b:s26+s13], $0x20, $0x38;
	[tilespmem:$0x10080] =	vst v63  }
0x11d: {  	_ =	swait.ge [sflag:s14], $0x20  }
0x11e: {  	[sflag:s14] =	ssyncset.done $0x0  }
0x11f: {  	[sflag:s14] =	ssyncadd.s32 $0xFFFFFFE0  }
0x120: {  	v3 =	vld [tilespmem:$0x0];
	_ =	sdelay $0x4  }
0x121: {  	v4 =	vshll.u32 v3, $0x3  }
0x122: {  	v3 =	vand.u32 $0x7, v3;
	v4 =	vand.u32 $0xFFFFFFC0, v4  }
0x123: {  	v3 =	vor.u32 v3, v4  }
0x124: {  	v4 =	vperm.xlane v3, v0;
	_ =	sdelay $0x1  }
0x125: {  	v4 =	vadd.s32 v1, v4;
	_ =	sdelay $0x4  }
0x126: {  	[tilespmem:s15], [sflag:$0x1] =	stream.indirect_vreg.gather [hbm4b:s3+s13], $0x80, v4, vm0, $0xb8;
	[tilespmem:$0x10080] =	vst v63  }
0x127: {  	s30 =	simm.s32 $0x880;
	v3 =	vperm.xlane v3, v2  }
0x128: {  	[tilespmem:s30], [sflag:$0x1] =	stream.indirect_vreg.gather [hbm4b:s4+s13], $0x80, v4, vm0, $0xb8;
	[tilespmem:$0x10080] =	vst v63  }
0x129: {  	s31 =	simm.s32 $0x1080;
	v3 =	vadd.s32 v1, v3  }
0x12a: {  	[tilespmem:s31], [sflag:$0x1] =	stream.indirect_vreg.gather [hbm4b:s6+s13], $0x80, v4, vm0, $0xb8;
	[tilespmem:$0x10080] =	vst v63  }
0x12b: {  	s26 =	simm.s32 $0x1880  }
0x12c: {  	[tilespmem:s26], [sflag:$0x1] =	stream.indirect_vreg.gather [hbm4b:s7+s13], $0x80, v4, vm0, $0xb8;
	[tilespmem:$0x10080] =	vst v63  }
0x12d: {  	s30 =	simm.s32 $0x2080  }
0x12e: {  	[tilespmem:s30], [sflag:$0x1] =	stream.indirect_vreg.gather [hbm4b:s3+s13], $0x80, v3, vm0, $0xb8;
	[tilespmem:$0x10080] =	vst v63  }
0x12f: {  	s31 =	simm.s32 $0x2880  }
0x130: {  	[tilespmem:s31], [sflag:$0x1] =	stream.indirect_vreg.gather [hbm4b:s4+s13], $0x80, v3, vm0, $0xb8;
	[tilespmem:$0x10080] =	vst v63  }
0x131: {  	s26 =	simm.s32 $0x3080  }
0x132: {  	[tilespmem:s26], [sflag:$0x1] =	stream.indirect_vreg.gather [hbm4b:s6+s13], $0x80, v3, vm0, $0xb8;
	[tilespmem:$0x10080] =	vst v63  }
0x133: {  	s30 =	simm.s32 $0x3880  }
0x134: {  	[tilespmem:s30], [sflag:$0x1] =	stream.indirect_vreg.gather [hbm4b:s7+s13], $0x80, v3, vm0, $0xb8;
	[tilespmem:$0x10080] =	vst v63  }
0x135: {  	v3 =	vld [tilespmem:$0x10];
	_ =	sdelay $0x4  }
0x136: {  	v61 =	vshll.u32 v3, $0x3  }
0x137: {  	v3 =	vand.u32 $0x7, v3;
	v4 =	vand.u32 $0xFFFFFFC0, v61  }
0x138: {  	v3 =	vor.u32 v3, v4  }
0x139: {  	v4 =	vperm.xlane v3, v0;
	_ =	sdelay $0x1  }
0x13a: {  	v4 =	vadd.s32 v1, v4;
	_ =	sdelay $0x3  }
0x13b: {  	s31 =	simm.s32 $0x4080  }
0x13c: {  	[tilespmem:s31], [sflag:$0x1] =	stream.indirect_vreg.gather [hbm4b:s3+s13], $0x80, v4, vm0, $0xb8;
	[tilespmem:$0x10080] =	vst v63  }
0x13d: {  	s26 =	simm.s32 $0x4880;
	v3 =	vperm.xlane v3, v2  }
0x13e: {  	[tilespmem:s26], [sflag:$0x1] =	stream.indirect_vreg.gather [hbm4b:s4+s13], $0x80, v4, vm0, $0xb8;
	[tilespmem:$0x10080] =	vst v63  }
0x13f: {  	s30 =	simm.s32 $0x5080;
	v3 =	vadd.s32 v1, v3  }
0x140: {  	[tilespmem:s30], [sflag:$0x1] =	stream.indirect_vreg.gather [hbm4b:s6+s13], $0x80, v4, vm0, $0xb8;
	[tilespmem:$0x10080] =	vst v63  }
0x141: {  	s31 =	simm.s32 $0x5880  }
0x142: {  	[tilespmem:s31], [sflag:$0x1] =	stream.indirect_vreg.gather [hbm4b:s7+s13], $0x80, v4, vm0, $0xb8;
	[tilespmem:$0x10080] =	vst v63  }
0x143: {  	s26 =	simm.s32 $0x6080  }
0x144: {  	[tilespmem:s26], [sflag:$0x1] =	stream.indirect_vreg.gather [hbm4b:s3+s13], $0x80, v3, vm0, $0xb8;
	[tilespmem:$0x10080] =	vst v63  }
0x145: {  	s30 =	simm.s32 $0x6880  }
0x146: {  	[tilespmem:s30], [sflag:$0x1] =	stream.indirect_vreg.gather [hbm4b:s4+s13], $0x80, v3, vm0, $0xb8;
	[tilespmem:$0x10080] =	vst v63  }
0x147: {  	s31 =	simm.s32 $0x7080  }
0x148: {  	[tilespmem:s31], [sflag:$0x1] =	stream.indirect_vreg.gather [hbm4b:s6+s13], $0x80, v3, vm0, $0xb8;
	[tilespmem:$0x10080] =	vst v63  }
0x149: {  	s26 =	simm.s32 $0x7880  }
0x14a: {  	[tilespmem:s26], [sflag:$0x1] =	stream.indirect_vreg.gather [hbm4b:s7+s13], $0x80, v3, vm0, $0xb8;
	[tilespmem:$0x10080] =	vst v63  }
0x14b: {  	_ =	swait.ge [sflag:s0], $0x8000  }
0x14c: {  	[sflag:s0] =	ssyncset.done $0x0  }
0x14d: {  	s30 =	rddreg [dreg:$0x7];
	[sflag:s0] =	ssyncadd.s32 $0xFFFF8000  }
0x14e: {  	[tilespmem:s13], [sflag:$0x2] =	stream.linear.gather [hbm4b:s30+s13], $0x20, $0x38;
	[tilespmem:$0x10080] =	vst v63  }
0x14f: {  	_ =	swait.ge [sflag:s14], $0x20  }
0x150: {  	[sflag:s14] =	ssyncset.done $0x0  }
0x151: {  	[sflag:s14] =	ssyncadd.s32 $0xFFFFFFE0  }
0x152: {  	v3 =	vld [tilespmem:$0x0];
	_ =	sdelay $0x4  }
0x153: {  	v62 =	vshll.u32 v3, $0x3  }
0x154: {  	v3 =	vand.u32 $0x7, v3;
	v4 =	vand.u32 $0xFFFFFFC0, v62  }
0x155: {  	v3 =	vor.u32 v3, v4  }
0x156: {  	v4 =	vperm.xlane v3, v0;
	_ =	sdelay $0x1  }
0x157: {  	v4 =	vadd.s32 v1, v4;
	_ =	sdelay $0x3  }
0x158: {  	s31 =	simm.s32 $0x8080  }
0x159: {  	[tilespmem:s31], [sflag:$0x1] =	stream.indirect_vreg.gather [hbm4b:s3+s13], $0x80, v4, vm0, $0xb8;
	[tilespmem:$0x10080] =	vst v63  }
0x15a: {  	v3 =	vperm.xlane v3, v2  }
0x15b: {  	[tilespmem:s5], [sflag:$0x1] =	stream.indirect_vreg.gather [hbm4b:s4+s13], $0x80, v4, vm0, $0xb8;
	[tilespmem:$0x10080] =	vst v63  }
0x15c: {  	v3 =	vadd.s32 v1, v3  }
0x15d: {  	[tilespmem:s16], [sflag:$0x1] =	stream.indirect_vreg.gather [hbm4b:s6+s13], $0x80, v4, vm0, $0xb8;
	[tilespmem:$0x10080] =	vst v63  }
0x15e: {  	_ = 	snop  }
0x15f: {  	[tilespmem:s8], [sflag:$0x1] =	stream.indirect_vreg.gather [hbm4b:s7+s13], $0x80, v4, vm0, $0xb8;
	[tilespmem:$0x10080] =	vst v63  }
0x160: {  	_ = 	snop  }
0x161: {  	[tilespmem:s17], [sflag:$0x1] =	stream.indirect_vreg.gather [hbm4b:s3+s13], $0x80, v3, vm0, $0xb8;
	[tilespmem:$0x10080] =	vst v63  }
0x162: {  	_ = 	snop  }
0x163: {  	[tilespmem:s18], [sflag:$0x1] =	stream.indirect_vreg.gather [hbm4b:s4+s13], $0x80, v3, vm0, $0xb8;
	[tilespmem:$0x10080] =	vst v63  }
0x164: {  	_ = 	snop  }
0x165: {  	[tilespmem:s19], [sflag:$0x1] =	stream.indirect_vreg.gather [hbm4b:s6+s13], $0x80, v3, vm0, $0xb8;
	[tilespmem:$0x10080] =	vst v63  }
0x166: {  	_ = 	snop  }
0x167: {  	[tilespmem:s9], [sflag:$0x1] =	stream.indirect_vreg.gather [hbm4b:s7+s13], $0x80, v3, vm0, $0xb8;
	[tilespmem:$0x10080] =	vst v63  }
0x168: {  	v3 =	vld [tilespmem:$0x10];
	_ =	sdelay $0x4  }
0x169: {  	v63 =	vshll.u32 v3, $0x3  }
0x16a: {  	v3 =	vand.u32 $0x7, v3;
	v4 =	vand.u32 $0xFFFFFFC0, v63  }
0x16b: {  	v3 =	vor.u32 v3, v4  }
0x16c: {  	v4 =	vperm.xlane v3, v0;
	_ =	sdelay $0x1  }
0x16d: {  	v4 =	vadd.s32 v1, v4;
	_ =	sdelay $0x4  }
0x16e: {  	[tilespmem:s20], [sflag:$0x1] =	stream.indirect_vreg.gather [hbm4b:s3+s13], $0x80, v4, vm0, $0xb8;
	[tilespmem:$0x10080] =	vst v63  }
0x16f: {  	v3 =	vperm.xlane v3, v2  }
0x170: {  	[tilespmem:s21], [sflag:$0x1] =	stream.indirect_vreg.gather [hbm4b:s4+s13], $0x80, v4, vm0, $0xb8;
	[tilespmem:$0x10080] =	vst v63  }
0x171: {  	v3 =	vadd.s32 v1, v3  }
0x172: {  	[tilespmem:s22], [sflag:$0x1] =	stream.indirect_vreg.gather [hbm4b:s6+s13], $0x80, v4, vm0, $0xb8;
	[tilespmem:$0x10080] =	vst v63  }
0x173: {  	_ = 	snop  }
0x174: {  	[tilespmem:s10], [sflag:$0x1] =	stream.indirect_vreg.gather [hbm4b:s7+s13], $0x80, v4, vm0, $0xb8;
	[tilespmem:$0x10080] =	vst v63  }
0x175: {  	_ = 	snop  }
0x176: {  	[tilespmem:s23], [sflag:$0x1] =	stream.indirect_vreg.gather [hbm4b:s3+s13], $0x80, v3, vm0, $0xb8;
	[tilespmem:$0x10080] =	vst v63  }
0x177: {  	_ = 	snop  }
0x178: {  	[tilespmem:s11], [sflag:$0x1] =	stream.indirect_vreg.gather [hbm4b:s4+s13], $0x80, v3, vm0, $0xb8;
	[tilespmem:$0x10080] =	vst v63  }
0x179: {  	_ = 	snop  }
0x17a: {  	[tilespmem:s24], [sflag:$0x1] =	stream.indirect_vreg.gather [hbm4b:s6+s13], $0x80, v3, vm0, $0xb8;
	[tilespmem:$0x10080] =	vst v63  }
0x17b: {  	_ = 	snop  }
0x17c: {  	[tilespmem:s12], [sflag:$0x1] =	stream.indirect_vreg.gather [hbm4b:s7+s13], $0x80, v3, vm0, $0xb8;
	[tilespmem:$0x10080] =	vst v63  }
0x17d: {  	_ =	swait.ge [sflag:s0], $0x8000  }
0x17e: {  	s28 =	simm.s32 $0x0;
	[sflag:s0] =	ssyncset.done $0x0  }
0x17f: {  	s29 =	simm.s32 $0x0;
	s26 =	simm.s32 $0xFFFF8000;
	[sflag:s0] =	ssyncadd.s32 $0xFFFF8000  }
.LBB2_4:
0x180: {  	s2 =	sadd.s32 $0x8000, s26  }
0x181: {  	s30 =	sand.u32 $0x380, s29;
	s2 =	sand.u32 $0x6000, s2  }
0x182: {  	s30 =	sor.u32 s30, s2  }
0x183: {  	v3 =	vld [tilespmem:s30+$0x80]  }
0x184: {  	v4 =	vld [tilespmem:s30+$0x8080]  }
0x185: {  	v5 =	vld [tilespmem:s30+$0x90]  }
0x186: {  	v6 =	vld [tilespmem:s30+$0x8090]  }
0x187: {  	v7 =	vld [tilespmem:s30+$0xA0]  }
0x188: {  	v8 =	vld [tilespmem:s30+$0x80A0]  }
0x189: {  	v9 =	vld [tilespmem:s30+$0xB0]  }
0x18a: {  	v10 =	vld [tilespmem:s30+$0x80B0]  }
0x18b: {  	v11 =	vld [tilespmem:s30+$0xC0]  }
0x18c: {  	v12 =	vld [tilespmem:s30+$0x80C0]  }
0x18d: {  	v13 =	vld [tilespmem:s30+$0xD0]  }
0x18e: {  	v14 =	vld [tilespmem:s30+$0x80D0]  }
0x18f: {  	v15 =	vld [tilespmem:s30+$0xE0]  }
0x190: {  	v16 =	vld [tilespmem:s30+$0x80E0]  }
0x191: {  	v17 =	vld [tilespmem:s30+$0xF0]  }
0x192: {  	v18 =	vld [tilespmem:s30+$0x80F0]  }
0x193: {  	v19 =	vld [tilespmem:s30+$0x480]  }
0x194: {  	v20 =	vld [tilespmem:s30+$0x8480]  }
0x195: {  	v21 =	vld [tilespmem:s30+$0x490]  }
0x196: {  	v22 =	vld [tilespmem:s30+$0x8490]  }
0x197: {  	v23 =	vld [tilespmem:s30+$0x4A0]  }
0x198: {  	v24 =	vld [tilespmem:s30+$0x84A0]  }
0x199: {  	v25 =	vld [tilespmem:s30+$0x4B0]  }
0x19a: {  	v26 =	vld [tilespmem:s30+$0x84B0]  }
0x19b: {  	v27 =	vld [tilespmem:s30+$0x4C0]  }
0x19c: {  	v28 =	vld [tilespmem:s30+$0x84C0]  }
0x19d: {  	v29 =	vld [tilespmem:s30+$0x4D0]  }
0x19e: {  	v30 =	vld [tilespmem:s30+$0x84D0]  }
0x19f: {  	v31 =	vld [tilespmem:s30+$0x4E0]  }
0x1a0: {  	v32 =	vld [tilespmem:s30+$0x84E0]  }
0x1a1: {  	v33 =	vld [tilespmem:s30+$0x4F0]  }
0x1a2: {  	v34 =	vld [tilespmem:s30+$0x84F0]  }
0x1a3: {  	v35 =	vld [tilespmem:s30+$0x880]  }
0x1a4: {  	v36 =	vld [tilespmem:s30+$0x8880]  }
0x1a5: {  	v37 =	vld [tilespmem:s30+$0x890]  }
0x1a6: {  	v38 =	vld [tilespmem:s30+$0x8890]  }
0x1a7: {  	v39 =	vld [tilespmem:s30+$0x8A0]  }
0x1a8: {  	v40 =	vld [tilespmem:s30+$0x88A0]  }
0x1a9: {  	v41 =	vld [tilespmem:s30+$0x8B0]  }
0x1aa: {  	v42 =	vld [tilespmem:s30+$0x88B0]  }
0x1ab: {  	v43 =	vld [tilespmem:s30+$0x8C0]  }
0x1ac: {  	v44 =	vld [tilespmem:s30+$0x88C0]  }
0x1ad: {  	v45 =	vld [tilespmem:s30+$0x8D0]  }
0x1ae: {  	v46 =	vld [tilespmem:s30+$0x88D0]  }
0x1af: {  	v47 =	vld [tilespmem:s30+$0x8E0]  }
0x1b0: {  	v48 =	vld [tilespmem:s30+$0x88E0]  }
0x1b1: {  	v49 =	vld [tilespmem:s30+$0x8F0]  }
0x1b2: {  	v50 =	vld [tilespmem:s30+$0x88F0]  }
0x1b3: {  	v51 =	vld [tilespmem:s30+$0xC80]  }
0x1b4: {  	v52 =	vld [tilespmem:s30+$0x8C80]  }
0x1b5: {  	v53 =	vld [tilespmem:s30+$0xC90]  }
0x1b6: {  	v54 =	vld [tilespmem:s30+$0x8C90]  }
0x1b7: {  	v55 =	vld [tilespmem:s30+$0xCA0]  }
0x1b8: {  	v56 =	vld [tilespmem:s30+$0x8CA0]  }
0x1b9: {  	v57 =	vld [tilespmem:s30+$0xCB0]  }
0x1ba: {  	v58 =	vld [tilespmem:s30+$0x8CB0]  }
0x1bb: {  	v59 =	vld [tilespmem:s30+$0xCC0]  }
0x1bc: {  	v60 =	vld [tilespmem:s30+$0x8CC0]  }
0x1bd: {  	v61 =	vld [tilespmem:s30+$0xCD0]  }
0x1be: {  	v62 =	vld [tilespmem:s30+$0x8CD0]  }
0x1bf: {  	v63 =	vld [tilespmem:s30+$0xCE0]  }
0x1c0: {  	v3 =	vadd.f32 v4, v3;
	v4 =	vld [tilespmem:s30+$0x8CE0]  }
0x1c1: {  	v5 =	vadd.f32 v6, v5;
	v6 =	vld [tilespmem:s30+$0xCF0]  }
0x1c2: {  	v14 =	vadd.f32 v14, v13;
	v13 =	vld [tilespmem:s30+$0x90A0];
	[tilespmem:s30+$0x80] =	vst v3;
	v3 =	vadd.f32 v8, v7  }
0x1c3: {  	v18 =	vadd.f32 v18, v17;
	v17 =	vld [tilespmem:s30+$0x90C0];
	[tilespmem:s30+$0x90] =	vst v5  }
0x1c4: {  	v22 =	vadd.f32 v22, v21;
	v21 =	vld [tilespmem:s30+$0x90E0];
	[tilespmem:s30+$0xA0] =	vst v3;
	v3 =	vadd.f32 v12, v11  }
0x1c5: {  	v7 =	vld [tilespmem:s30+$0x8CF0];
	[tilespmem:s30+$0xD0] =	vst v14  }
0x1c6: {  	v8 =	vld [tilespmem:s30+$0x1080];
	[tilespmem:s30+$0xC0] =	vst v3;
	v3 =	vadd.f32 v16, v15  }
0x1c7: {  	v5 =	vadd.f32 v10, v9;
	v9 =	vld [tilespmem:s30+$0x9080];
	[tilespmem:s30+$0xF0] =	vst v18  }
0x1c8: {  	v10 =	vld [tilespmem:s30+$0x1090];
	[tilespmem:s30+$0xE0] =	vst v3;
	v3 =	vadd.f32 v20, v19  }
0x1c9: {  	v26 =	vadd.f32 v26, v25;
	v14 =	vld [tilespmem:s30+$0x10B0];
	[tilespmem:s30+$0x490] =	vst v22  }
0x1ca: {  	v18 =	vld [tilespmem:s30+$0x10D0];
	[tilespmem:s30+$0x480] =	vst v3;
	v3 =	vadd.f32 v24, v23  }
0x1cb: {  	v30 =	vadd.f32 v30, v29;
	[tilespmem:s30+$0x4B0] =	vst v26;
	v22 =	vld [tilespmem:s30+$0x10F0]  }
0x1cc: {  	v19 =	vld [tilespmem:s30+$0x90D0];
	[tilespmem:s30+$0x4A0] =	vst v3;
	v3 =	vadd.f32 v28, v27  }
0x1cd: {  	v34 =	vadd.f32 v34, v33;
	[tilespmem:s30+$0x4D0] =	vst v30;
	v11 =	vld [tilespmem:s30+$0x9090]  }
0x1ce: {  	v12 =	vld [tilespmem:s30+$0x10A0];
	[tilespmem:s30+$0x4C0] =	vst v3;
	v3 =	vadd.f32 v32, v31  }
0x1cf: {  	[tilespmem:s30+$0x4F0] =	vst v34;
	v15 =	vld [tilespmem:s30+$0x90B0]  }
0x1d0: {  	v16 =	vld [tilespmem:s30+$0x10C0];
	[tilespmem:s30+$0x4E0] =	vst v3;
	v3 =	vadd.f32 v36, v35  }
0x1d1: {  	[tilespmem:s30+$0xB0] =	vst v5;
	v20 =	vld [tilespmem:s30+$0x10E0];
	v19 =	vadd.f32 v19, v18  }
0x1d2: {  	v24 =	vld [tilespmem:s30+$0x1480];
	[tilespmem:s30+$0x880] =	vst v3;
	v3 =	vadd.f32 v40, v39  }
0x1d3: {  	[tilespmem:s30+$0x10D0] =	vst v19;
	v36 =	vadd.f32 v38, v37;
	v37 =	vld [tilespmem:s30+$0x90F0]  }
0x1d4: {  	v38 =	vadd.f32 v42, v41;
	v41 =	vld [tilespmem:s30+$0x1490];
	[tilespmem:s30+$0x8A0] =	vst v3;
	v3 =	vadd.f32 v44, v43  }
0x1d5: {  	v42 =	vld [tilespmem:s30+$0x9490];
	[tilespmem:s30+$0x890] =	vst v36  }
0x1d6: {  	v35 =	vld [tilespmem:s30+$0x1890];
	[tilespmem:s30+$0x8C0] =	vst v3;
	v3 =	vadd.f32 v48, v47  }
0x1d7: {  	v39 =	vld [tilespmem:s30+$0x9480];
	[tilespmem:s30+$0x8B0] =	vst v38;
	v40 =	vadd.f32 v46, v45  }
0x1d8: {  	v45 =	vld [tilespmem:s30+$0x94A0];
	[tilespmem:s30+$0x8E0] =	vst v3;
	v3 =	vadd.f32 v52, v51  }
0x1d9: {  	v46 =	vadd.f32 v54, v53;
	v53 =	vld [tilespmem:s30+$0x14D0];
	[tilespmem:s30+$0x8D0] =	vst v40  }
0x1da: {  	v54 =	vld [tilespmem:s30+$0x94D0];
	[tilespmem:s30+$0xC80] =	vst v3;
	v3 =	vadd.f32 v56, v55  }
0x1db: {  	v36 =	vld [tilespmem:s30+$0x9890];
	v43 =	vadd.f32 v50, v49;
	[tilespmem:s30+$0xC90] =	vst v46  }
0x1dc: {  	v38 =	vld [tilespmem:s30+$0x18A0];
	[tilespmem:s30+$0xCA0] =	vst v3;
	v3 =	vadd.f32 v60, v59  }
0x1dd: {  	v44 =	vld [tilespmem:s30+$0x14A0];
	v49 =	vadd.f32 v58, v57;
	[tilespmem:s30+$0x8F0] =	vst v43  }
0x1de: {  	v50 =	vld [tilespmem:s30+$0x14C0];
	[tilespmem:s30+$0xCC0] =	vst v3;
	v3 =	vadd.f32 v4, v63  }
0x1df: {  	v57 =	vld [tilespmem:s30+$0x94E0];
	v58 =	vadd.f32 v11, v10;
	[tilespmem:s30+$0xCB0] =	vst v49  }
0x1e0: {  	v46 =	vld [tilespmem:s30+$0x98D0];
	[tilespmem:s30+$0xCE0] =	vst v3;
	v3 =	vadd.f32 v9, v8  }
0x1e1: {  	v37 =	vadd.f32 v37, v22;
	v40 =	vadd.f32 v42, v41;
	v41 =	vld [tilespmem:s30+$0x18B0];
	[tilespmem:s30+$0x1090] =	vst v58  }
0x1e2: {  	v42 =	vld [tilespmem:s30+$0x98B0];
	[tilespmem:s30+$0x1080] =	vst v3;
	v3 =	vadd.f32 v13, v12  }
0x1e3: {  	v47 =	vld [tilespmem:s30+$0x14B0];
	[tilespmem:s30+$0x10F0] =	vst v37  }
0x1e4: {  	v48 =	vld [tilespmem:s30+$0x94B0];
	[tilespmem:s30+$0x10A0] =	vst v3;
	v3 =	vadd.f32 v17, v16  }
0x1e5: {  	v49 =	vld [tilespmem:s30+$0x98E0];
	[tilespmem:s30+$0x1490] =	vst v40;
	v52 =	vadd.f32 v62, v61  }
0x1e6: {  	v51 =	vld [tilespmem:s30+$0x94C0];
	[tilespmem:s30+$0x10C0] =	vst v3;
	v3 =	vadd.f32 v21, v20  }
0x1e7: {  	v61 =	vadd.f32 v15, v14;
	v62 =	vld [tilespmem:s30+$0x1880];
	[tilespmem:s30+$0xCD0] =	vst v52  }
0x1e8: {  	v56 =	vld [tilespmem:s30+$0x14E0];
	[tilespmem:s30+$0x10E0] =	vst v3;
	v3 =	vadd.f32 v39, v24  }
0x1e9: {  	v55 =	vadd.f32 v7, v6;
	[tilespmem:s30+$0x10B0] =	vst v61;
	v52 =	vld [tilespmem:s30+$0x98F0]  }
0x1ea: {  	v43 =	vadd.f32 v48, v47;
	v47 =	vld [tilespmem:s30+$0x18E0];
	[tilespmem:s30+$0x1480] =	vst v3;
	v3 =	vadd.f32 v45, v44  }
0x1eb: {  	[tilespmem:s30+$0xCF0] =	vst v55;
	v63 =	vld [tilespmem:s30+$0x9880]  }
0x1ec: {  	v59 =	vld [tilespmem:s30+$0x14F0];
	[tilespmem:s30+$0x14A0] =	vst v3;
	v3 =	vadd.f32 v51, v50  }
0x1ed: {  	[tilespmem:s30+$0x14B0] =	vst v43;
	v4 =	vadd.f32 v54, v53;
	v39 =	vld [tilespmem:s30+$0x98A0]  }
0x1ee: {  	v60 =	vld [tilespmem:s30+$0x94F0];
	[tilespmem:s30+$0x14C0] =	vst v3;
	v3 =	vadd.f32 v57, v56  }
0x1ef: {  	v54 =	vadd.f32 v42, v41;
	[tilespmem:s30+$0x14D0] =	vst v4;
	v45 =	vld [tilespmem:s30+$0x18D0]  }
0x1f0: {  	v53 =	vld [tilespmem:s30+$0x98C0];
	[tilespmem:s30+$0x14E0] =	vst v3;
	v3 =	vadd.f32 v63, v62  }
0x1f1: {  	[tilespmem:s30+$0x18B0] =	vst v54;
	v55 =	vadd.f32 v49, v47;
	v50 =	vld [tilespmem:s30+$0x18F0]  }
0x1f2: {  	v44 =	vld [tilespmem:s30+$0x18C0];
	[tilespmem:s30+$0x1880] =	vst v3;
	v3 =	vadd.f32 v39, v38  }
0x1f3: {  	v48 =	vadd.f32 v60, v59;
	[tilespmem:s30+$0x18E0] =	vst v55  }
0x1f4: {  	[tilespmem:s30+$0x18A0] =	vst v3;
	v3 =	vadd.f32 v46, v45  }
0x1f5: {  	s31 =	sand.u32 $0x7, s13;
	[tilespmem:s30+$0x14F0] =	vst v48;
	v51 =	vadd.f32 v36, v35  }
0x1f6: {  	s2 =	sshll.u32 s31, $0x7;
	[tilespmem:s30+$0x18D0] =	vst v3;
	v3 =	vadd.f32 v52, v50  }
0x1f7: {  	s2 =	sadd.s32 s2, s28;
	[tilespmem:s30+$0x1890] =	vst v51;
	v56 =	vadd.f32 v53, v44  }
0x1f8: {  	s31 =	sor.u32 $0x1C00, s2;
	[tilespmem:s30+$0x18F0] =	vst v3  }
0x1f9: {  	[tilespmem:s30+$0x18C0] =	vst v56;
	v3 =	vld [tilespmem:s31+$0x80]  }
0x1fa: {  	v4 =	vld [tilespmem:s31+$0x8080];
	_ =	sdelay $0x4  }
0x1fb: {  	v3 =	vadd.f32 v4, v3;
	_ =	sdelay $0x1  }
0x1fc: {  	[tilespmem:s31+$0x80] =	vst v3;
	s31 =	sor.u32 $0x1C10, s2  }
0x1fd: {  	v3 =	vld [tilespmem:s31+$0x80]  }
0x1fe: {  	v57 =	vld [tilespmem:s31+$0x8080];
	_ =	sdelay $0x4  }
0x1ff: {  	v3 =	vadd.f32 v57, v3;
	_ =	sdelay $0x1  }
0x200: {  	[tilespmem:s31+$0x80] =	vst v3;
	s31 =	sor.u32 $0x1C20, s2  }
0x201: {  	v3 =	vld [tilespmem:s31+$0x80]  }
0x202: {  	v58 =	vld [tilespmem:s31+$0x8080];
	_ =	sdelay $0x4  }
0x203: {  	v3 =	vadd.f32 v58, v3;
	_ =	sdelay $0x1  }
0x204: {  	[tilespmem:s31+$0x80] =	vst v3;
	s31 =	sor.u32 $0x1C30, s2  }
0x205: {  	v3 =	vld [tilespmem:s31+$0x80]  }
0x206: {  	v59 =	vld [tilespmem:s31+$0x8080];
	_ =	sdelay $0x4  }
0x207: {  	v3 =	vadd.f32 v59, v3;
	_ =	sdelay $0x1  }
0x208: {  	[tilespmem:s31+$0x80] =	vst v3;
	s31 =	sor.u32 $0x1C40, s2  }
0x209: {  	v3 =	vld [tilespmem:s31+$0x80]  }
0x20a: {  	v60 =	vld [tilespmem:s31+$0x8080];
	_ =	sdelay $0x4  }
0x20b: {  	v3 =	vadd.f32 v60, v3;
	_ =	sdelay $0x1  }
0x20c: {  	[tilespmem:s31+$0x80] =	vst v3;
	s31 =	sor.u32 $0x1C50, s2  }
0x20d: {  	v3 =	vld [tilespmem:s31+$0x80]  }
0x20e: {  	v61 =	vld [tilespmem:s31+$0x8080];
	_ =	sdelay $0x4  }
0x20f: {  	v3 =	vadd.f32 v61, v3;
	_ =	sdelay $0x1  }
0x210: {  	[tilespmem:s31+$0x80] =	vst v3;
	s31 =	sor.u32 $0x1C60, s2  }
0x211: {  	v3 =	vld [tilespmem:s31+$0x80]  }
0x212: {  	v62 =	vld [tilespmem:s31+$0x8080];
	_ =	sdelay $0x4  }
0x213: {  	v3 =	vadd.f32 v62, v3;
	_ =	sdelay $0x1  }
0x214: {  	s2 =	sor.u32 $0x1C70, s2;
	[tilespmem:s31+$0x80] =	vst v3  }
0x215: {  	v3 =	vld [tilespmem:s2+$0x80]  }
0x216: {  	v63 =	vld [tilespmem:s2+$0x8080];
	_ =	sdelay $0x1  }
0x217: {  	p0 =	sne.s32 s29, $0xF80  }
.Ltmp1:
0x218: {  	_ = 	snop;
	(pc) =	sbr.rel @p0 .LBB2_4-.Ltmp1, $4  }
0x219: {  	_ = 	snop  }
0x21a: {  	v3 =	vadd.f32 v63, v3  }
0x21b: {  	s13 =	sadd.s32 $0x1, s13  }
0x21c: {  	s26 =	sadd.s32 $0x400, s26;
	s29 =	sadd.s32 $0x80, s29;
	s28 =	sadd.s32 $0x400, s28;
	[tilespmem:s2+$0x80] =	vst v3  }
0x21d: {  	s2 =	rddreg [dreg:$0x8]  }
0x21e: {  	[hbm4b:s2+s1] =	stream.linear.scatter [tilespmem:s15], [sflag:$0x2], $0x8000, $0x38;
	[tilespmem:$0x10080] =	vst v63  }
0x21f: {  	_ =	swait.ge [sflag:s14], $0x8000  }
0x220: {  	s25 =	sadd.s32 $0x1, s25;
	s31 =	rddreg [dreg:$0x9]  }
0x221: {  	p0 =	sne.s32 s25, s31  }
.Ltmp2:
0x222: {  	_ = 	snop;
	(pc) =	sbr.rel @p0 .LBB2_1-.Ltmp2, $3  }
0x223: {  	_ =	sdelay $0x1  }
0x224: {  	[sflag:s14] =	ssyncset.done $0x0  }
0x225: {  	[sflag:s14] =	ssyncadd.s32 $0xFFFF8000  }
0x226: {  	_ =	sfence.sel $0x180000  }
0x227: {  	[bflag:$0x0] =	sbarrier.arrive $0xFFFF  }
0x228: {  	_ =	strace $0x9000004A  }
0x229: {  	s0 =	stileid.u32;
	[bflag:$0x2] =	sbarrier.arrive $0xFFFF  }
0x22a: {  	p0 =	sne.s32 s0, $0x0;
	s0 =	rddreg [dreg:$0x2]  }
0x22b: {  	s0 =	sadd.s32 @!p0 $0x100000, s0  }
0x22c: {  	[sflag:s0] =	ssyncadd.tile.s32 @!p0 $0x1;
	_ =	shalt  }
.Lfunc_end2:
_tile_overlayer_lowered:
.L_overlay_start_2:
0x22d: {  	(tag) =	ssettag $0x2  }
0x22e: {  	s0 =	rddreg [dreg:$0x0];
	s2 =	stileid.u32  }
0x22f: {  	s1 =	rddreg [dreg:$0x1];
	p0 =	sne.s32 s2, $0x0  }
0x230: {  	s3 =	rddreg [dreg:$0x2];
	[bflag:$0x3] =	sbarrier.arrive $0xFFFF;
	s2 =	simm.s32 @!p0 $0x1C02  }
0x231: {  	[timem:s3], [sflag:s2] =	dma.local @!p0 [hbm:s0], s1  }
0x232: {  	s0 =	simm.s32 @!p0 $0x2  }
0x233: {  	_ =	swait.ge @!p0 [sflag:s0], s1  }
0x234: {  	s1 =	ssub.s32 @!p0 $0x0, s1;
	[sflag:s0] =	ssyncset.done @!p0 $0x0  }
0x235: {  	[sflag:s0] =	ssyncadd.s32 @!p0 s1  }
0x236: {  	[bflag:$0x3] =	sbarrier.arrive $0xFFFF  }
0x237: {  	_ =	shalt  }

</sc_bundles>
